<compile_context>
chip_gen: v7x
topology: tpu7x:2x2x1
jax: 0.10.2.dev20260603
libtpu: 0.0.44.dev20260713+nightly
codegen_flags: <defaults>
</compile_context>

<pallas_src>
import functools

import jax
import jax.numpy as jnp
from jax import lax
from jax.experimental import pallas as pl
from jax.experimental.pallas import tpu as pltpu
from jax.experimental.pallas import tpu_sc as plsc

CHUNK_LEN = 8192
HIDDEN = 128
N_VARS_STATIC = 10000

NC = 2
NS = 16
NW = NC * NS

SB = 128
N_SB = 80
PER_W = N_SB * SB
NP_PAD = NW * PER_W
NV_PAD = 10240
TILE_CHUNKS = NV_PAD // (NS * SB)


def _sc_partials(table, cidx, lpos, seg):
    mesh = plsc.VectorSubcoreMesh(core_axis_name="c", subcore_axis_name="s")

    @functools.partial(
        pl.kernel,
        mesh=mesh,
        out_type=(
            jax.ShapeDtypeStruct((NC, NV_PAD, HIDDEN), jnp.float32),
            jax.ShapeDtypeStruct((NC, NV_PAD, HIDDEN), jnp.float32),
        ),
        scratch_types=[
            pltpu.VMEM((SB,), jnp.int32),
            pltpu.VMEM((SB,), jnp.int32),
            pltpu.VMEM((SB,), jnp.int32),
            pltpu.VMEM((SB, HIDDEN), jnp.float32),
            pltpu.VMEM((SB,), jnp.int32),
            pltpu.VMEM((SB,), jnp.int32),
            pltpu.VMEM((SB,), jnp.int32),
            pltpu.VMEM((SB, HIDDEN), jnp.float32),
            pltpu.VMEM_SHARED((NV_PAD, HIDDEN), jnp.float32),
            pltpu.SemaphoreType.DMA,
        ],
    )
    def k(table_h, cidx_h, lpos_h, seg_h, out_s_h, out_c_h,
          fidx_v, lpos_v, seg_v, rows_v,
          fidx2_v, lpos2_v, seg2_v, rows2_v, acc_s, sem):
        c = lax.axis_index("c")
        s = lax.axis_index("s")
        wid = c * NS + s
        base = wid * N_SB
        iota16 = lax.iota(jnp.int32, 16)

        def fill_rows(val):
            vec = jnp.full((16,), val, jnp.float32)

            def fill(r, carry):
                for v in range(HIDDEN // 16):
                    rows_v[r, pl.ds(v * 16, 16)] = vec
                return carry

            lax.fori_loop(0, SB, fill, 0)

        def make_idx(t):
            base_r = s * (TILE_CHUNKS * SB) + t * SB
            for v in range(SB // 16):
                fidx_v[pl.ds(v * 16, 16)] = iota16 + (base_r + v * 16)

        def zero_acc():
            fill_rows(0.0)
            for t in range(TILE_CHUNKS):
                make_idx(t)
                pltpu.sync_copy(rows_v, acc_s.at[fidx_v])

        def writeout(dst_h):
            for t in range(TILE_CHUNKS):
                make_idx(t)
                osl = pl.ds(s * (TILE_CHUNKS * SB) + t * SB, SB)
                pltpu.sync_copy(acc_s.at[fidx_v], rows_v)
                pltpu.sync_copy(rows_v, dst_h.at[c, osl])

        zero_acc()
        plsc.subcore_barrier()

        bufs = ((fidx_v, lpos_v, seg_v, rows_v),
                (fidx2_v, lpos2_v, seg2_v, rows2_v))

        def load_and_fire(row, f_v, l_v, s_v, r_v):
            pltpu.sync_copy(cidx_h.at[row], f_v)
            pltpu.sync_copy(lpos_h.at[row], l_v)
            pltpu.sync_copy(seg_h.at[row], s_v)
            for v in range(SB // 16):
                vsl = pl.ds(v * 16, 16)
                f_v[vsl] = f_v[vsl] * CHUNK_LEN + l_v[vsl]
            pltpu.async_copy(table_h.at[f_v], r_v, sem)

        def drain(r_v):
            pltpu.make_async_copy(table_h.at[pl.ds(0, SB)], r_v, sem).wait()

        for b in range(2):
            load_and_fire(base + b, *bufs[b])

        @pl.loop(0, N_SB // 2)
        def body(gi):
            blk = 2 * gi
            for b in range(2):
                f_v, l_v, s_v, r_v = bufs[b]
                drain(r_v)
                pltpu.sync_copy(r_v, acc_s.at[s_v], add=True)
                load_and_fire(base + blk + b + 2, f_v, l_v, s_v, r_v)

        for b in range(2):
            drain(bufs[b][3])

        plsc.subcore_barrier()
        writeout(out_s_h)
        plsc.subcore_barrier()

        zero_acc()
        plsc.subcore_barrier()
        fill_rows(1.0)

        pltpu.sync_copy(seg_h.at[base], seg_v)
        pltpu.sync_copy(seg_h.at[base + 1], seg2_v)

        @pl.loop(0, N_SB // 2)
        def body2(gi):
            blk = 2 * gi
            pltpu.async_copy(rows_v, acc_s.at[seg_v], sem, add=True)
            pltpu.async_copy(rows_v, acc_s.at[seg2_v], sem, add=True)
            drain(rows2_v)
            drain(rows2_v)
            pltpu.sync_copy(seg_h.at[base + blk + 2], seg_v)
            pltpu.sync_copy(seg_h.at[base + blk + 3], seg2_v)

        plsc.subcore_barrier()
        writeout(out_c_h)

    return k(table, cidx, lpos, seg)


def _combine(sums, cnts):
    g = 16
    r = NV_PAD // g

    def body(s_ref, c_ref, o_ref):
        ssum = s_ref[0] + s_ref[1]
        csum = c_ref[0] + c_ref[1]
        o_ref[...] = ssum / jnp.maximum(csum, 1.0)

    return pl.pallas_call(
        body,
        grid=(g,),
        in_specs=[
            pl.BlockSpec((NC, r, HIDDEN), lambda i: (0, i, 0)),
            pl.BlockSpec((NC, r, HIDDEN), lambda i: (0, i, 0)),
        ],
        out_specs=pl.BlockSpec((r, HIDDEN), lambda i: (i, 0)),
        out_shape=jax.ShapeDtypeStruct((NV_PAD, HIDDEN), jnp.float32),
    )(sums, cnts)


def kernel(chunk_hiddens, chunk_idx, local_pos, segment_ids, n_vars):
    n_chunks, chunk_len, hidden = chunk_hiddens.shape
    table = chunk_hiddens.reshape(n_chunks * chunk_len, hidden)

    n_pos = chunk_idx.shape[0]
    pad = NP_PAD + 2 * SB - n_pos
    cidx = jnp.pad(chunk_idx.astype(jnp.int32), (0, pad)).reshape(-1, SB)
    lpos = jnp.pad(local_pos.astype(jnp.int32), (0, pad)).reshape(-1, SB)
    seg = jnp.pad(
        segment_ids.astype(jnp.int32), (0, pad),
        constant_values=N_VARS_STATIC,
    ).reshape(-1, SB)

    sums, cnts = _sc_partials(table, cidx, lpos, seg)
    out = _combine(sums, cnts)
    return out[:N_VARS_STATIC]

# --- scband reference (transcript-rebuilt; emitter-appended) ---
"""Pipeline reference for scband-chunked-text-encoder-66211215835232 (READ-ONLY COPY).

The authoritative reference and input builder live on the scoring server;
editing this copy changes nothing except your own understanding.
"""

import jax, jax.numpy as jnp
import numpy as np

CHUNK_LEN = 8192
HIDDEN = 128
N_POS = 320000
N_CHUNKS = 8
N_VARS = 10000


def setup_inputs(seed: int = 0) -> dict:
    key = jax.random.key(seed)
    k1, k2, k3, k4 = jax.random.split(key, 4)
    chunk_hiddens = jax.random.normal(k1, (N_CHUNKS, CHUNK_LEN, HIDDEN), dtype=jnp.float32)
    chunk_idx = jax.random.randint(k2, (N_POS,), 0, N_CHUNKS, dtype=jnp.int64 if jax.config.read('jax_enable_x64') else jnp.int32)
    local_pos = jax.random.randint(k3, (N_POS,), 0, CHUNK_LEN, dtype=jnp.int64 if jax.config.read('jax_enable_x64') else jnp.int32)
    segment_ids = jnp.sort(jax.random.randint(k4, (N_POS,), 0, N_VARS, dtype=jnp.int64 if jax.config.read('jax_enable_x64') else jnp.int32))
    return {
        'chunk_hiddens': chunk_hiddens,
        'chunk_idx': chunk_idx,
        'local_pos': local_pos,
        'segment_ids': segment_ids,
        'n_vars': N_VARS,
    }


def reference(chunk_hiddens, chunk_idx, local_pos, segment_ids, n_vars):
    # Faithful translation of ChunkedTextEncoder.aggregate_hidden_states
    # with aggregation='mean': for each variable (segment), gather the
    # hidden state at (chunk_idx, local_pos) and mean-reduce per variable.
    # Variables with no occurrences stay zero (matches torch.zeros init).
    n_chunks, chunk_len, hidden_dim = chunk_hiddens.shape
    flat_hiddens = chunk_hiddens.reshape(n_chunks * chunk_len, hidden_dim)
    flat_idx = chunk_idx * chunk_len + local_pos
    gathered = jnp.take(flat_hiddens, flat_idx, axis=0)  # (N_POS, hidden_dim)
    sums = jax.ops.segment_sum(gathered, segment_ids, num_segments=N_VARS)
    counts = jax.ops.segment_sum(
        jnp.ones((gathered.shape[0],), dtype=jnp.float32), segment_ids, num_segments=N_VARS
    )
    var_hiddens = sums / jnp.maximum(counts, 1.0)[:, None]
    nv = jnp.asarray(n_vars)
    var_hiddens = var_hiddens + (nv - nv).astype(var_hiddens.dtype)
    return var_hiddens


if False:  # reference __main__ guard neutralized (emitter)
    out = reference(**setup_inputs())
    print(out.shape, out.dtype)

if __name__ == "__main__":
    import jax
    _d = setup_inputs()
    print(jax.jit(kernel)(*tuple(_d.values())))

</pallas_src>

<mosaic_0001>
#map = affine_map<(d0, d1) -> (0, 0)>
#map1 = affine_map<(d0, d1) -> (0, 0, 0)>
module attributes {stable_mosaic.version = 14 : i64} {
  func.func @k(%arg0: i32, %arg1: i32, %arg2: memref<65536x128xf32, #tpu.memory_space<hbm>>, %arg3: memref<2562x128xi32, #tpu.memory_space<hbm>>, %arg4: memref<2562x128xi32, #tpu.memory_space<hbm>>, %arg5: memref<2562x128xi32, #tpu.memory_space<hbm>>, %arg6: memref<2x10240x128xf32, #tpu.memory_space<hbm>>, %arg7: memref<2x10240x128xf32, #tpu.memory_space<hbm>>, %arg8: memref<128xi32, #tpu.memory_space<vmem>>, %arg9: memref<128xi32, #tpu.memory_space<vmem>>, %arg10: memref<128xi32, #tpu.memory_space<vmem>>, %arg11: memref<128x128xf32, #tpu.memory_space<vmem>>, %arg12: memref<128xi32, #tpu.memory_space<vmem>>, %arg13: memref<128xi32, #tpu.memory_space<vmem>>, %arg14: memref<128xi32, #tpu.memory_space<vmem>>, %arg15: memref<128x128xf32, #tpu.memory_space<vmem>>, %arg16: memref<10240x128xf32, #tpu.memory_space<vmem_shared>>, %arg17: memref<!tpu.dma_semaphore, #tpu.memory_space<semaphore_mem>>) attributes {dimension_semantics = [#tpu.dimension_semantics<core_parallel>, #tpu.dimension_semantics<subcore_parallel>], iteration_bounds = array<i64: 2, 16>, scalar_prefetch = 0 : i64, scratch_operands = 10 : i64, tpu.core_type = #tpu.core_type<sc_vector_subcore>, window_params = [{transform_indices = #map}, {transform_indices = #map}, {transform_indices = #map}, {transform_indices = #map}, {transform_indices = #map1}, {transform_indices = #map1}]} {
    %mul3A = arith.constant 16 : i32
    %mul3A_0 = arith.muli %arg0, %mul3A : i32
    %add3A = arith.addi %mul3A_0, %arg1 : i32
    %mul3A_1 = arith.constant 80 : i32
    %mul3A_2 = arith.muli %add3A, %mul3A_1 : i32
    %iota3A = tpu.iota {dimensions = array<i32: 0>} : vector<16xi32>
    %broadcast_in_dim3A = arith.constant 0.000000e+00 : f32
    %broadcast_in_dim3A_3 = vector.broadcast %broadcast_in_dim3A : f32 to vector<16xf32>
    %scan3A = arith.constant 0 : i32
    %scan3A_4 = arith.constant 0 : i32
    %scan3A_5 = arith.constant 128 : i32
    %scan3A_6 = arith.addi %scan3A_4, %scan3A_5 : i32
    %scan3A_7 = arith.constant 1 : i32
    scf.for %scan3A_1683 = %scan3A_4 to %scan3A_6 step %scan3A_7  : i32 {
      %swap3A_1684 = arith.index_cast %scan3A_1683 : i32 to index
      %swap3A_1685 = arith.constant 0 : index
      %swap3A_1686 = tpu.vector_load %arg11[%swap3A_1684, %swap3A_1685] {strides = array<i32>} : memref<128x128xf32, #tpu.memory_space<vmem>>, vector<1x16xf32>,
      %swap3A_1687 = vector.shape_cast %swap3A_1686 : vector<1x16xf32> to vector<16xf32>
      %swap3A_1688 = vector.shape_cast %broadcast_in_dim3A_3 : vector<16xf32> to vector<1x16xf32>
      tpu.vector_store %arg11[%swap3A_1684, %swap3A_1685], %swap3A_1688 {strides = array<i32>} : memref<128x128xf32, #tpu.memory_space<vmem>>, vector<1x16xf32>,
      %swap3A_1689 = arith.index_cast %scan3A_1683 : i32 to index
      %swap3A_1690 = arith.constant 16 : index
      %swap3A_1691 = tpu.vector_load %arg11[%swap3A_1689, %swap3A_1690] {strides = array<i32>} : memref<128x128xf32, #tpu.memory_space<vmem>>, vector<1x16xf32>,
      %swap3A_1692 = vector.shape_cast %swap3A_1691 : vector<1x16xf32> to vector<16xf32>
      %swap3A_1693 = vector.shape_cast %broadcast_in_dim3A_3 : vector<16xf32> to vector<1x16xf32>
      tpu.vector_store %arg11[%swap3A_1689, %swap3A_1690], %swap3A_1693 {strides = array<i32>} : memref<128x128xf32, #tpu.memory_space<vmem>>, vector<1x16xf32>,
      %swap3A_1694 = arith.index_cast %scan3A_1683 : i32 to index
      %swap3A_1695 = arith.constant 32 : index
      %swap3A_1696 = tpu.vector_load %arg11[%swap3A_1694, %swap3A_1695] {strides = array<i32>} : memref<128x128xf32, #tpu.memory_space<vmem>>, vector<1x16xf32>,
      %swap3A_1697 = vector.shape_cast %swap3A_1696 : vector<1x16xf32> to vector<16xf32>
      %swap3A_1698 = vector.shape_cast %broadcast_in_dim3A_3 : vector<16xf32> to vector<1x16xf32>
      tpu.vector_store %arg11[%swap3A_1694, %swap3A_1695], %swap3A_1698 {strides = array<i32>} : memref<128x128xf32, #tpu.memory_space<vmem>>, vector<1x16xf32>,
      %swap3A_1699 = arith.index_cast %scan3A_1683 : i32 to index
      %swap3A_1700 = arith.constant 48 : index
      %swap3A_1701 = tpu.vector_load %arg11[%swap3A_1699, %swap3A_1700] {strides = array<i32>} : memref<128x128xf32, #tpu.memory_space<vmem>>, vector<1x16xf32>,
      %swap3A_1702 = vector.shape_cast %swap3A_1701 : vector<1x16xf32> to vector<16xf32>
      %swap3A_1703 = vector.shape_cast %broadcast_in_dim3A_3 : vector<16xf32> to vector<1x16xf32>
      tpu.vector_store %arg11[%swap3A_1699, %swap3A_1700], %swap3A_1703 {strides = array<i32>} : memref<128x128xf32, #tpu.memory_space<vmem>>, vector<1x16xf32>,
      %swap3A_1704 = arith.index_cast %scan3A_1683 : i32 to index
      %swap3A_1705 = arith.constant 64 : index
      %swap3A_1706 = tpu.vector_load %arg11[%swap3A_1704, %swap3A_1705] {strides = array<i32>} : memref<128x128xf32, #tpu.memory_space<vmem>>, vector<1x16xf32>,
      %swap3A_1707 = vector.shape_cast %swap3A_1706 : vector<1x16xf32> to vector<16xf32>
      %swap3A_1708 = vector.shape_cast %broadcast_in_dim3A_3 : vector<16xf32> to vector<1x16xf32>
      tpu.vector_store %arg11[%swap3A_1704, %swap3A_1705], %swap3A_1708 {strides = array<i32>} : memref<128x128xf32, #tpu.memory_space<vmem>>, vector<1x16xf32>,
      %swap3A_1709 = arith.index_cast %scan3A_1683 : i32 to index
      %swap3A_1710 = arith.constant 80 : index
      %swap3A_1711 = tpu.vector_load %arg11[%swap3A_1709, %swap3A_1710] {strides = array<i32>} : memref<128x128xf32, #tpu.memory_space<vmem>>, vector<1x16xf32>,
      %swap3A_1712 = vector.shape_cast %swap3A_1711 : vector<1x16xf32> to vector<16xf32>
      %swap3A_1713 = vector.shape_cast %broadcast_in_dim3A_3 : vector<16xf32> to vector<1x16xf32>
      tpu.vector_store %arg11[%swap3A_1709, %swap3A_1710], %swap3A_1713 {strides = array<i32>} : memref<128x128xf32, #tpu.memory_space<vmem>>, vector<1x16xf32>,
      %swap3A_1714 = arith.index_cast %scan3A_1683 : i32 to index
      %swap3A_1715 = arith.constant 96 : index
      %swap3A_1716 = tpu.vector_load %arg11[%swap3A_1714, %swap3A_1715] {strides = array<i32>} : memref<128x128xf32, #tpu.memory_space<vmem>>, vector<1x16xf32>,
      %swap3A_1717 = vector.shape_cast %swap3A_1716 : vector<1x16xf32> to vector<16xf32>
      %swap3A_1718 = vector.shape_cast %broadcast_in_dim3A_3 : vector<16xf32> to vector<1x16xf32>
      tpu.vector_store %arg11[%swap3A_1714, %swap3A_1715], %swap3A_1718 {strides = array<i32>} : memref<128x128xf32, #tpu.memory_space<vmem>>, vector<1x16xf32>,
      %swap3A_1719 = arith.index_cast %scan3A_1683 : i32 to index
      %swap3A_1720 = arith.constant 112 : index
      %swap3A_1721 = tpu.vector_load %arg11[%swap3A_1719, %swap3A_1720] {strides = array<i32>} : memref<128x128xf32, #tpu.memory_space<vmem>>, vector<1x16xf32>,
      %swap3A_1722 = vector.shape_cast %swap3A_1721 : vector<1x16xf32> to vector<16xf32>
      %swap3A_1723 = vector.shape_cast %broadcast_in_dim3A_3 : vector<16xf32> to vector<1x16xf32>
      tpu.vector_store %arg11[%swap3A_1719, %swap3A_1720], %swap3A_1723 {strides = array<i32>} : memref<128x128xf32, #tpu.memory_space<vmem>>, vector<1x16xf32>,
    }
    %scan3A_8 = arith.constant 128 : i32
    %mul3A_9 = arith.constant 640 : i32
    %mul3A_10 = arith.muli %arg1, %mul3A_9 : i32
    %add3A_11 = arith.constant 0 : i32
    %add3A_12 = arith.addi %mul3A_10, %add3A_11 : i32
    %add3A_13 = arith.constant 0 : i32
    %add3A_14 = arith.addi %add3A_12, %add3A_13 : i32
    %add3A_15 = vector.broadcast %add3A_14 : i32 to vector<16xi32>
    %add3A_16 = arith.addi %iota3A, %add3A_15 : vector<16xi32>
    %swap3A = arith.constant 0 : index
    %swap3A_17 = tpu.vector_load %arg8[%swap3A] {strides = array<i32>} : memref<128xi32, #tpu.memory_space<vmem>>, vector<16xi32>,
    %swap3A_18 = vector.shape_cast %swap3A_17 : vector<16xi32> to vector<16xi32>
    %swap3A_19 = vector.shape_cast %add3A_16 : vector<16xi32> to vector<16xi32>
    tpu.vector_store %arg8[%swap3A], %swap3A_19 {strides = array<i32>} : memref<128xi32, #tpu.memory_space<vmem>>, vector<16xi32>,
    %add3A_20 = arith.constant 16 : i32
    %add3A_21 = arith.addi %add3A_12, %add3A_20 : i32
    %add3A_22 = vector.broadcast %add3A_21 : i32 to vector<16xi32>
    %add3A_23 = arith.addi %iota3A, %add3A_22 : vector<16xi32>
    %swap3A_24 = arith.constant 16 : index
    %swap3A_25 = tpu.vector_load %arg8[%swap3A_24] {strides = array<i32>} : memref<128xi32, #tpu.memory_space<vmem>>, vector<16xi32>,
    %swap3A_26 = vector.shape_cast %swap3A_25 : vector<16xi32> to vector<16xi32>
    %swap3A_27 = vector.shape_cast %add3A_23 : vector<16xi32> to vector<16xi32>
    tpu.vector_store %arg8[%swap3A_24], %swap3A_27 {strides = array<i32>} : memref<128xi32, #tpu.memory_space<vmem>>, vector<16xi32>,
    %add3A_28 = arith.constant 32 : i32
    %add3A_29 = arith.addi %add3A_12, %add3A_28 : i32
    %add3A_30 = vector.broadcast %add3A_29 : i32 to vector<16xi32>
    %add3A_31 = arith.addi %iota3A, %add3A_30 : vector<16xi32>
    %swap3A_32 = arith.constant 32 : index
    %swap3A_33 = tpu.vector_load %arg8[%swap3A_32] {strides = array<i32>} : memref<128xi32, #tpu.memory_space<vmem>>, vector<16xi32>,
    %swap3A_34 = vector.shape_cast %swap3A_33 : vector<16xi32> to vector<16xi32>
    %swap3A_35 = vector.shape_cast %add3A_31 : vector<16xi32> to vector<16xi32>
    tpu.vector_store %arg8[%swap3A_32], %swap3A_35 {strides = array<i32>} : memref<128xi32, #tpu.memory_space<vmem>>, vector<16xi32>,
    %add3A_36 = arith.constant 48 : i32
    %add3A_37 = arith.addi %add3A_12, %add3A_36 : i32
    %add3A_38 = vector.broadcast %add3A_37 : i32 to vector<16xi32>
    %add3A_39 = arith.addi %iota3A, %add3A_38 : vector<16xi32>
    %swap3A_40 = arith.constant 48 : index
    %swap3A_41 = tpu.vector_load %arg8[%swap3A_40] {strides = array<i32>} : memref<128xi32, #tpu.memory_space<vmem>>, vector<16xi32>,
    %swap3A_42 = vector.shape_cast %swap3A_41 : vector<16xi32> to vector<16xi32>
    %swap3A_43 = vector.shape_cast %add3A_39 : vector<16xi32> to vector<16xi32>
    tpu.vector_store %arg8[%swap3A_40], %swap3A_43 {strides = array<i32>} : memref<128xi32, #tpu.memory_space<vmem>>, vector<16xi32>,
    %add3A_44 = arith.constant 64 : i32
    %add3A_45 = arith.addi %add3A_12, %add3A_44 : i32
    %add3A_46 = vector.broadcast %add3A_45 : i32 to vector<16xi32>
    %add3A_47 = arith.addi %iota3A, %add3A_46 : vector<16xi32>
    %swap3A_48 = arith.constant 64 : index
    %swap3A_49 = tpu.vector_load %arg8[%swap3A_48] {strides = array<i32>} : memref<128xi32, #tpu.memory_space<vmem>>, vector<16xi32>,
    %swap3A_50 = vector.shape_cast %swap3A_49 : vector<16xi32> to vector<16xi32>
    %swap3A_51 = vector.shape_cast %add3A_47 : vector<16xi32> to vector<16xi32>
    tpu.vector_store %arg8[%swap3A_48], %swap3A_51 {strides = array<i32>} : memref<128xi32, #tpu.memory_space<vmem>>, vector<16xi32>,
    %add3A_52 = arith.constant 80 : i32
    %add3A_53 = arith.addi %add3A_12, %add3A_52 : i32
    %add3A_54 = vector.broadcast %add3A_53 : i32 to vector<16xi32>
    %add3A_55 = arith.addi %iota3A, %add3A_54 : vector<16xi32>
    %swap3A_56 = arith.constant 80 : index
    %swap3A_57 = tpu.vector_load %arg8[%swap3A_56] {strides = array<i32>} : memref<128xi32, #tpu.memory_space<vmem>>, vector<16xi32>,
    %swap3A_58 = vector.shape_cast %swap3A_57 : vector<16xi32> to vector<16xi32>
    %swap3A_59 = vector.shape_cast %add3A_55 : vector<16xi32> to vector<16xi32>
    tpu.vector_store %arg8[%swap3A_56], %swap3A_59 {strides = array<i32>} : memref<128xi32, #tpu.memory_space<vmem>>, vector<16xi32>,
    %add3A_60 = arith.constant 96 : i32
    %add3A_61 = arith.addi %add3A_12, %add3A_60 : i32
    %add3A_62 = vector.broadcast %add3A_61 : i32 to vector<16xi32>
    %add3A_63 = arith.addi %iota3A, %add3A_62 : vector<16xi32>
    %swap3A_64 = arith.constant 96 : index
    %swap3A_65 = tpu.vector_load %arg8[%swap3A_64] {strides = array<i32>} : memref<128xi32, #tpu.memory_space<vmem>>, vector<16xi32>,
    %swap3A_66 = vector.shape_cast %swap3A_65 : vector<16xi32> to vector<16xi32>
    %swap3A_67 = vector.shape_cast %add3A_63 : vector<16xi32> to vector<16xi32>
    tpu.vector_store %arg8[%swap3A_64], %swap3A_67 {strides = array<i32>} : memref<128xi32, #tpu.memory_space<vmem>>, vector<16xi32>,
    %add3A_68 = arith.constant 112 : i32
    %add3A_69 = arith.addi %add3A_12, %add3A_68 : i32
    %add3A_70 = vector.broadcast %add3A_69 : i32 to vector<16xi32>
    %add3A_71 = arith.addi %iota3A, %add3A_70 : vector<16xi32>
    %swap3A_72 = arith.constant 112 : index
    %swap3A_73 = tpu.vector_load %arg8[%swap3A_72] {strides = array<i32>} : memref<128xi32, #tpu.memory_space<vmem>>, vector<16xi32>,
    %swap3A_74 = vector.shape_cast %swap3A_73 : vector<16xi32> to vector<16xi32>
    %swap3A_75 = vector.shape_cast %add3A_71 : vector<16xi32> to vector<16xi32>
    tpu.vector_store %arg8[%swap3A_72], %swap3A_75 {strides = array<i32>} : memref<128xi32, #tpu.memory_space<vmem>>, vector<16xi32>,
    "tpu.region"() ({
      %run_scoped3A = tpu.sem_alloc : memref<!tpu.dma_semaphore, #tpu.memory_space<semaphore_mem>>
      %dma_start3A_1683 = arith.constant 0 : i32
      %dma_start3A_1684 = arith.constant 0 : i32
      %dma_start3A_1685 = tpu.memref_slice %arg16[%dma_start3A_1683, %dma_start3A_1684] : memref<10240x128xf32, #tpu.memory_space<vmem_shared>> -> memref<10240x128xf32, #tpu.memory_space<vmem_shared>>
      tpu.enqueue_indirect_dma source(%arg11 : memref<128x128xf32, #tpu.memory_space<vmem>>) target(%dma_start3A_1685 : memref<10240x128xf32, #tpu.memory_space<vmem_shared>>) offsets(%arg8 : memref<128xi32, #tpu.memory_space<vmem>>) semaphore(%run_scoped3A : memref<!tpu.dma_semaphore, #tpu.memory_space<semaphore_mem>>)
      %dma_wait3A_1686 = arith.constant 0 : i32
      %dma_wait3A_1687 = arith.constant 0 : i32
      %dma_wait3A_1688 = tpu.memref_slice %arg16[%dma_wait3A_1686, %dma_wait3A_1687] : memref<10240x128xf32, #tpu.memory_space<vmem_shared>> -> memref<10240x128xf32, #tpu.memory_space<vmem_shared>>
      tpu.wait_indirect_dma semaphore(%run_scoped3A : memref<!tpu.dma_semaphore, #tpu.memory_space<semaphore_mem>>) src(%arg11 : memref<128x128xf32, #tpu.memory_space<vmem>>) dst(%dma_wait3A_1688 : memref<10240x128xf32, #tpu.memory_space<vmem_shared>>)
      tpu.yield
    }) : () -> ()
    %mul3A_76 = arith.constant 640 : i32
    %mul3A_77 = arith.muli %arg1, %mul3A_76 : i32
    %add3A_78 = arith.constant 128 : i32
    %add3A_79 = arith.addi %mul3A_77, %add3A_78 : i32
    %add3A_80 = arith.constant 0 : i32
    %add3A_81 = arith.addi %add3A_79, %add3A_80 : i32
    %add3A_82 = vector.broadcast %add3A_81 : i32 to vector<16xi32>
    %add3A_83 = arith.addi %iota3A, %add3A_82 : vector<16xi32>
    %swap3A_84 = arith.constant 0 : index
    %swap3A_85 = tpu.vector_load %arg8[%swap3A_84] {strides = array<i32>} : memref<128xi32, #tpu.memory_space<vmem>>, vector<16xi32>,
    %swap3A_86 = vector.shape_cast %swap3A_85 : vector<16xi32> to vector<16xi32>
    %swap3A_87 = vector.shape_cast %add3A_83 : vector<16xi32> to vector<16xi32>
    tpu.vector_store %arg8[%swap3A_84], %swap3A_87 {strides = array<i32>} : memref<128xi32, #tpu.memory_space<vmem>>, vector<16xi32>,
    %add3A_88 = arith.constant 16 : i32
    %add3A_89 = arith.addi %add3A_79, %add3A_88 : i32
    %add3A_90 = vector.broadcast %add3A_89 : i32 to vector<16xi32>
    %add3A_91 = arith.addi %iota3A, %add3A_90 : vector<16xi32>
    %swap3A_92 = arith.constant 16 : index
    %swap3A_93 = tpu.vector_load %arg8[%swap3A_92] {strides = array<i32>} : memref<128xi32, #tpu.memory_space<vmem>>, vector<16xi32>,
    %swap3A_94 = vector.shape_cast %swap3A_93 : vector<16xi32> to vector<16xi32>
    %swap3A_95 = vector.shape_cast %add3A_91 : vector<16xi32> to vector<16xi32>
    tpu.vector_store %arg8[%swap3A_92], %swap3A_95 {strides = array<i32>} : memref<128xi32, #tpu.memory_space<vmem>>, vector<16xi32>,
    %add3A_96 = arith.constant 32 : i32
    %add3A_97 = arith.addi %add3A_79, %add3A_96 : i32
    %add3A_98 = vector.broadcast %add3A_97 : i32 to vector<16xi32>
    %add3A_99 = arith.addi %iota3A, %add3A_98 : vector<16xi32>
    %swap3A_100 = arith.constant 32 : index
    %swap3A_101 = tpu.vector_load %arg8[%swap3A_100] {strides = array<i32>} : memref<128xi32, #tpu.memory_space<vmem>>, vector<16xi32>,
    %swap3A_102 = vector.shape_cast %swap3A_101 : vector<16xi32> to vector<16xi32>
    %swap3A_103 = vector.shape_cast %add3A_99 : vector<16xi32> to vector<16xi32>
    tpu.vector_store %arg8[%swap3A_100], %swap3A_103 {strides = array<i32>} : memref<128xi32, #tpu.memory_space<vmem>>, vector<16xi32>,
    %add3A_104 = arith.constant 48 : i32
    %add3A_105 = arith.addi %add3A_79, %add3A_104 : i32
    %add3A_106 = vector.broadcast %add3A_105 : i32 to vector<16xi32>
    %add3A_107 = arith.addi %iota3A, %add3A_106 : vector<16xi32>
    %swap3A_108 = arith.constant 48 : index
    %swap3A_109 = tpu.vector_load %arg8[%swap3A_108] {strides = array<i32>} : memref<128xi32, #tpu.memory_space<vmem>>, vector<16xi32>,
    %swap3A_110 = vector.shape_cast %swap3A_109 : vector<16xi32> to vector<16xi32>
    %swap3A_111 = vector.shape_cast %add3A_107 : vector<16xi32> to vector<16xi32>
    tpu.vector_store %arg8[%swap3A_108], %swap3A_111 {strides = array<i32>} : memref<128xi32, #tpu.memory_space<vmem>>, vector<16xi32>,
    %add3A_112 = arith.constant 64 : i32
    %add3A_113 = arith.addi %add3A_79, %add3A_112 : i32
    %add3A_114 = vector.broadcast %add3A_113 : i32 to vector<16xi32>
    %add3A_115 = arith.addi %iota3A, %add3A_114 : vector<16xi32>
    %swap3A_116 = arith.constant 64 : index
    %swap3A_117 = tpu.vector_load %arg8[%swap3A_116] {strides = array<i32>} : memref<128xi32, #tpu.memory_space<vmem>>, vector<16xi32>,
    %swap3A_118 = vector.shape_cast %swap3A_117 : vector<16xi32> to vector<16xi32>
    %swap3A_119 = vector.shape_cast %add3A_115 : vector<16xi32> to vector<16xi32>
    tpu.vector_store %arg8[%swap3A_116], %swap3A_119 {strides = array<i32>} : memref<128xi32, #tpu.memory_space<vmem>>, vector<16xi32>,
    %add3A_120 = arith.constant 80 : i32
    %add3A_121 = arith.addi %add3A_79, %add3A_120 : i32
    %add3A_122 = vector.broadcast %add3A_121 : i32 to vector<16xi32>
    %add3A_123 = arith.addi %iota3A, %add3A_122 : vector<16xi32>
    %swap3A_124 = arith.constant 80 : index
    %swap3A_125 = tpu.vector_load %arg8[%swap3A_124] {strides = array<i32>} : memref<128xi32, #tpu.memory_space<vmem>>, vector<16xi32>,
    %swap3A_126 = vector.shape_cast %swap3A_125 : vector<16xi32> to vector<16xi32>
    %swap3A_127 = vector.shape_cast %add3A_123 : vector<16xi32> to vector<16xi32>
    tpu.vector_store %arg8[%swap3A_124], %swap3A_127 {strides = array<i32>} : memref<128xi32, #tpu.memory_space<vmem>>, vector<16xi32>,
    %add3A_128 = arith.constant 96 : i32
    %add3A_129 = arith.addi %add3A_79, %add3A_128 : i32
    %add3A_130 = vector.broadcast %add3A_129 : i32 to vector<16xi32>
    %add3A_131 = arith.addi %iota3A, %add3A_130 : vector<16xi32>
    %swap3A_132 = arith.constant 96 : index
    %swap3A_133 = tpu.vector_load %arg8[%swap3A_132] {strides = array<i32>} : memref<128xi32, #tpu.memory_space<vmem>>, vector<16xi32>,
    %swap3A_134 = vector.shape_cast %swap3A_133 : vector<16xi32> to vector<16xi32>
    %swap3A_135 = vector.shape_cast %add3A_131 : vector<16xi32> to vector<16xi32>
    tpu.vector_store %arg8[%swap3A_132], %swap3A_135 {strides = array<i32>} : memref<128xi32, #tpu.memory_space<vmem>>, vector<16xi32>,
    %add3A_136 = arith.constant 112 : i32
    %add3A_137 = arith.addi %add3A_79, %add3A_136 : i32
    %add3A_138 = vector.broadcast %add3A_137 : i32 to vector<16xi32>
    %add3A_139 = arith.addi %iota3A, %add3A_138 : vector<16xi32>
    %swap3A_140 = arith.constant 112 : index
    %swap3A_141 = tpu.vector_load %arg8[%swap3A_140] {strides = array<i32>} : memref<128xi32, #tpu.memory_space<vmem>>, vector<16xi32>,
    %swap3A_142 = vector.shape_cast %swap3A_141 : vector<16xi32> to vector<16xi32>
    %swap3A_143 = vector.shape_cast %add3A_139 : vector<16xi32> to vector<16xi32>
    tpu.vector_store %arg8[%swap3A_140], %swap3A_143 {strides = array<i32>} : memref<128xi32, #tpu.memory_space<vmem>>, vector<16xi32>,
    "tpu.region"() ({
      %run_scoped3A = tpu.sem_alloc : memref<!tpu.dma_semaphore, #tpu.memory_space<semaphore_mem>>
      %dma_start3A_1683 = arith.constant 0 : i32
      %dma_start3A_1684 = arith.constant 0 : i32
      %dma_start3A_1685 = tpu.memref_slice %arg16[%dma_start3A_1683, %dma_start3A_1684] : memref<10240x128xf32, #tpu.memory_space<vmem_shared>> -> memref<10240x128xf32, #tpu.memory_space<vmem_shared>>
      tpu.enqueue_indirect_dma source(%arg11 : memref<128x128xf32, #tpu.memory_space<vmem>>) target(%dma_start3A_1685 : memref<10240x128xf32, #tpu.memory_space<vmem_shared>>) offsets(%arg8 : memref<128xi32, #tpu.memory_space<vmem>>) semaphore(%run_scoped3A : memref<!tpu.dma_semaphore, #tpu.memory_space<semaphore_mem>>)
      %dma_wait3A_1686 = arith.constant 0 : i32
      %dma_wait3A_1687 = arith.constant 0 : i32
      %dma_wait3A_1688 = tpu.memref_slice %arg16[%dma_wait3A_1686, %dma_wait3A_1687] : memref<10240x128xf32, #tpu.memory_space<vmem_shared>> -> memref<10240x128xf32, #tpu.memory_space<vmem_shared>>
      tpu.wait_indirect_dma semaphore(%run_scoped3A : memref<!tpu.dma_semaphore, #tpu.memory_space<semaphore_mem>>) src(%arg11 : memref<128x128xf32, #tpu.memory_space<vmem>>) dst(%dma_wait3A_1688 : memref<10240x128xf32, #tpu.memory_space<vmem_shared>>)
      tpu.yield
    }) : () -> ()
    %mul3A_144 = arith.constant 640 : i32
    %mul3A_145 = arith.muli %arg1, %mul3A_144 : i32
    %add3A_146 = arith.constant 256 : i32
    %add3A_147 = arith.addi %mul3A_145, %add3A_146 : i32
    %add3A_148 = arith.constant 0 : i32
    %add3A_149 = arith.addi %add3A_147, %add3A_148 : i32
    %add3A_150 = vector.broadcast %add3A_149 : i32 to vector<16xi32>
    %add3A_151 = arith.addi %iota3A, %add3A_150 : vector<16xi32>
    %swap3A_152 = arith.constant 0 : index
    %swap3A_153 = tpu.vector_load %arg8[%swap3A_152] {strides = array<i32>} : memref<128xi32, #tpu.memory_space<vmem>>, vector<16xi32>,
    %swap3A_154 = vector.shape_cast %swap3A_153 : vector<16xi32> to vector<16xi32>
    %swap3A_155 = vector.shape_cast %add3A_151 : vector<16xi32> to vector<16xi32>
    tpu.vector_store %arg8[%swap3A_152], %swap3A_155 {strides = array<i32>} : memref<128xi32, #tpu.memory_space<vmem>>, vector<16xi32>,
    %add3A_156 = arith.constant 16 : i32
    %add3A_157 = arith.addi %add3A_147, %add3A_156 : i32
    %add3A_158 = vector.broadcast %add3A_157 : i32 to vector<16xi32>
    %add3A_159 = arith.addi %iota3A, %add3A_158 : vector<16xi32>
    %swap3A_160 = arith.constant 16 : index
    %swap3A_161 = tpu.vector_load %arg8[%swap3A_160] {strides = array<i32>} : memref<128xi32, #tpu.memory_space<vmem>>, vector<16xi32>,
    %swap3A_162 = vector.shape_cast %swap3A_161 : vector<16xi32> to vector<16xi32>
    %swap3A_163 = vector.shape_cast %add3A_159 : vector<16xi32> to vector<16xi32>
    tpu.vector_store %arg8[%swap3A_160], %swap3A_163 {strides = array<i32>} : memref<128xi32, #tpu.memory_space<vmem>>, vector<16xi32>,
    %add3A_164 = arith.constant 32 : i32
    %add3A_165 = arith.addi %add3A_147, %add3A_164 : i32
    %add3A_166 = vector.broadcast %add3A_165 : i32 to vector<16xi32>
    %add3A_167 = arith.addi %iota3A, %add3A_166 : vector<16xi32>
    %swap3A_168 = arith.constant 32 : index
    %swap3A_169 = tpu.vector_load %arg8[%swap3A_168] {strides = array<i32>} : memref<128xi32, #tpu.memory_space<vmem>>, vector<16xi32>,
    %swap3A_170 = vector.shape_cast %swap3A_169 : vector<16xi32> to vector<16xi32>
    %swap3A_171 = vector.shape_cast %add3A_167 : vector<16xi32> to vector<16xi32>
    tpu.vector_store %arg8[%swap3A_168], %swap3A_171 {strides = array<i32>} : memref<128xi32, #tpu.memory_space<vmem>>, vector<16xi32>,
    %add3A_172 = arith.constant 48 : i32
    %add3A_173 = arith.addi %add3A_147, %add3A_172 : i32
    %add3A_174 = vector.broadcast %add3A_173 : i32 to vector<16xi32>
    %add3A_175 = arith.addi %iota3A, %add3A_174 : vector<16xi32>
    %swap3A_176 = arith.constant 48 : index
    %swap3A_177 = tpu.vector_load %arg8[%swap3A_176] {strides = array<i32>} : memref<128xi32, #tpu.memory_space<vmem>>, vector<16xi32>,
    %swap3A_178 = vector.shape_cast %swap3A_177 : vector<16xi32> to vector<16xi32>
    %swap3A_179 = vector.shape_cast %add3A_175 : vector<16xi32> to vector<16xi32>
    tpu.vector_store %arg8[%swap3A_176], %swap3A_179 {strides = array<i32>} : memref<128xi32, #tpu.memory_space<vmem>>, vector<16xi32>,
    %add3A_180 = arith.constant 64 : i32
    %add3A_181 = arith.addi %add3A_147, %add3A_180 : i32
    %add3A_182 = vector.broadcast %add3A_181 : i32 to vector<16xi32>
    %add3A_183 = arith.addi %iota3A, %add3A_182 : vector<16xi32>
    %swap3A_184 = arith.constant 64 : index
    %swap3A_185 = tpu.vector_load %arg8[%swap3A_184] {strides = array<i32>} : memref<128xi32, #tpu.memory_space<vmem>>, vector<16xi32>,
    %swap3A_186 = vector.shape_cast %swap3A_185 : vector<16xi32> to vector<16xi32>
    %swap3A_187 = vector.shape_cast %add3A_183 : vector<16xi32> to vector<16xi32>
    tpu.vector_store %arg8[%swap3A_184], %swap3A_187 {strides = array<i32>} : memref<128xi32, #tpu.memory_space<vmem>>, vector<16xi32>,
    %add3A_188 = arith.constant 80 : i32
    %add3A_189 = arith.addi %add3A_147, %add3A_188 : i32
    %add3A_190 = vector.broadcast %add3A_189 : i32 to vector<16xi32>
    %add3A_191 = arith.addi %iota3A, %add3A_190 : vector<16xi32>
    %swap3A_192 = arith.constant 80 : index
    %swap3A_193 = tpu.vector_load %arg8[%swap3A_192] {strides = array<i32>} : memref<128xi32, #tpu.memory_space<vmem>>, vector<16xi32>,
    %swap3A_194 = vector.shape_cast %swap3A_193 : vector<16xi32> to vector<16xi32>
    %swap3A_195 = vector.shape_cast %add3A_191 : vector<16xi32> to vector<16xi32>
    tpu.vector_store %arg8[%swap3A_192], %swap3A_195 {strides = array<i32>} : memref<128xi32, #tpu.memory_space<vmem>>, vector<16xi32>,
    %add3A_196 = arith.constant 96 : i32
    %add3A_197 = arith.addi %add3A_147, %add3A_196 : i32
    %add3A_198 = vector.broadcast %add3A_197 : i32 to vector<16xi32>
    %add3A_199 = arith.addi %iota3A, %add3A_198 : vector<16xi32>
    %swap3A_200 = arith.constant 96 : index
    %swap3A_201 = tpu.vector_load %arg8[%swap3A_200] {strides = array<i32>} : memref<128xi32, #tpu.memory_space<vmem>>, vector<16xi32>,
    %swap3A_202 = vector.shape_cast %swap3A_201 : vector<16xi32> to vector<16xi32>
    %swap3A_203 = vector.shape_cast %add3A_199 : vector<16xi32> to vector<16xi32>
    tpu.vector_store %arg8[%swap3A_200], %swap3A_203 {strides = array<i32>} : memref<128xi32, #tpu.memory_space<vmem>>, vector<16xi32>,
    %add3A_204 = arith.constant 112 : i32
    %add3A_205 = arith.addi %add3A_147, %add3A_204 : i32
    %add3A_206 = vector.broadcast %add3A_205 : i32 to vector<16xi32>
    %add3A_207 = arith.addi %iota3A, %add3A_206 : vector<16xi32>
    %swap3A_208 = arith.constant 112 : index
    %swap3A_209 = tpu.vector_load %arg8[%swap3A_208] {strides = array<i32>} : memref<128xi32, #tpu.memory_space<vmem>>, vector<16xi32>,
    %swap3A_210 = vector.shape_cast %swap3A_209 : vector<16xi32> to vector<16xi32>
    %swap3A_211 = vector.shape_cast %add3A_207 : vector<16xi32> to vector<16xi32>
    tpu.vector_store %arg8[%swap3A_208], %swap3A_211 {strides = array<i32>} : memref<128xi32, #tpu.memory_space<vmem>>, vector<16xi32>,
    "tpu.region"() ({
      %run_scoped3A = tpu.sem_alloc : memref<!tpu.dma_semaphore, #tpu.memory_space<semaphore_mem>>
      %dma_start3A_1683 = arith.constant 0 : i32
      %dma_start3A_1684 = arith.constant 0 : i32
      %dma_start3A_1685 = tpu.memref_slice %arg16[%dma_start3A_1683, %dma_start3A_1684] : memref<10240x128xf32, #tpu.memory_space<vmem_shared>> -> memref<10240x128xf32, #tpu.memory_space<vmem_shared>>
      tpu.enqueue_indirect_dma source(%arg11 : memref<128x128xf32, #tpu.memory_space<vmem>>) target(%dma_start3A_1685 : memref<10240x128xf32, #tpu.memory_space<vmem_shared>>) offsets(%arg8 : memref<128xi32, #tpu.memory_space<vmem>>) semaphore(%run_scoped3A : memref<!tpu.dma_semaphore, #tpu.memory_space<semaphore_mem>>)
      %dma_wait3A_1686 = arith.constant 0 : i32
      %dma_wait3A_1687 = arith.constant 0 : i32
      %dma_wait3A_1688 = tpu.memref_slice %arg16[%dma_wait3A_1686, %dma_wait3A_1687] : memref<10240x128xf32, #tpu.memory_space<vmem_shared>> -> memref<10240x128xf32, #tpu.memory_space<vmem_shared>>
      tpu.wait_indirect_dma semaphore(%run_scoped3A : memref<!tpu.dma_semaphore, #tpu.memory_space<semaphore_mem>>) src(%arg11 : memref<128x128xf32, #tpu.memory_space<vmem>>) dst(%dma_wait3A_1688 : memref<10240x128xf32, #tpu.memory_space<vmem_shared>>)
      tpu.yield
    }) : () -> ()
    %mul3A_212 = arith.constant 640 : i32
    %mul3A_213 = arith.muli %arg1, %mul3A_212 : i32
    %add3A_214 = arith.constant 384 : i32
    %add3A_215 = arith.addi %mul3A_213, %add3A_214 : i32
    %add3A_216 = arith.constant 0 : i32
    %add3A_217 = arith.addi %add3A_215, %add3A_216 : i32
    %add3A_218 = vector.broadcast %add3A_217 : i32 to vector<16xi32>
    %add3A_219 = arith.addi %iota3A, %add3A_218 : vector<16xi32>
    %swap3A_220 = arith.constant 0 : index
    %swap3A_221 = tpu.vector_load %arg8[%swap3A_220] {strides = array<i32>} : memref<128xi32, #tpu.memory_space<vmem>>, vector<16xi32>,
    %swap3A_222 = vector.shape_cast %swap3A_221 : vector<16xi32> to vector<16xi32>
    %swap3A_223 = vector.shape_cast %add3A_219 : vector<16xi32> to vector<16xi32>
    tpu.vector_store %arg8[%swap3A_220], %swap3A_223 {strides = array<i32>} : memref<128xi32, #tpu.memory_space<vmem>>, vector<16xi32>,
    %add3A_224 = arith.constant 16 : i32
    %add3A_225 = arith.addi %add3A_215, %add3A_224 : i32
    %add3A_226 = vector.broadcast %add3A_225 : i32 to vector<16xi32>
    %add3A_227 = arith.addi %iota3A, %add3A_226 : vector<16xi32>
    %swap3A_228 = arith.constant 16 : index
    %swap3A_229 = tpu.vector_load %arg8[%swap3A_228] {strides = array<i32>} : memref<128xi32, #tpu.memory_space<vmem>>, vector<16xi32>,
    %swap3A_230 = vector.shape_cast %swap3A_229 : vector<16xi32> to vector<16xi32>
    %swap3A_231 = vector.shape_cast %add3A_227 : vector<16xi32> to vector<16xi32>
    tpu.vector_store %arg8[%swap3A_228], %swap3A_231 {strides = array<i32>} : memref<128xi32, #tpu.memory_space<vmem>>, vector<16xi32>,
    %add3A_232 = arith.constant 32 : i32
    %add3A_233 = arith.addi %add3A_215, %add3A_232 : i32
    %add3A_234 = vector.broadcast %add3A_233 : i32 to vector<16xi32>
    %add3A_235 = arith.addi %iota3A, %add3A_234 : vector<16xi32>
    %swap3A_236 = arith.constant 32 : index
    %swap3A_237 = tpu.vector_load %arg8[%swap3A_236] {strides = array<i32>} : memref<128xi32, #tpu.memory_space<vmem>>, vector<16xi32>,
    %swap3A_238 = vector.shape_cast %swap3A_237 : vector<16xi32> to vector<16xi32>
    %swap3A_239 = vector.shape_cast %add3A_235 : vector<16xi32> to vector<16xi32>
    tpu.vector_store %arg8[%swap3A_236], %swap3A_239 {strides = array<i32>} : memref<128xi32, #tpu.memory_space<vmem>>, vector<16xi32>,
    %add3A_240 = arith.constant 48 : i32
    %add3A_241 = arith.addi %add3A_215, %add3A_240 : i32
    %add3A_242 = vector.broadcast %add3A_241 : i32 to vector<16xi32>
    %add3A_243 = arith.addi %iota3A, %add3A_242 : vector<16xi32>
    %swap3A_244 = arith.constant 48 : index
    %swap3A_245 = tpu.vector_load %arg8[%swap3A_244] {strides = array<i32>} : memref<128xi32, #tpu.memory_space<vmem>>, vector<16xi32>,
    %swap3A_246 = vector.shape_cast %swap3A_245 : vector<16xi32> to vector<16xi32>
    %swap3A_247 = vector.shape_cast %add3A_243 : vector<16xi32> to vector<16xi32>
    tpu.vector_store %arg8[%swap3A_244], %swap3A_247 {strides = array<i32>} : memref<128xi32, #tpu.memory_space<vmem>>, vector<16xi32>,
    %add3A_248 = arith.constant 64 : i32
    %add3A_249 = arith.addi %add3A_215, %add3A_248 : i32
    %add3A_250 = vector.broadcast %add3A_249 : i32 to vector<16xi32>
    %add3A_251 = arith.addi %iota3A, %add3A_250 : vector<16xi32>
    %swap3A_252 = arith.constant 64 : index
    %swap3A_253 = tpu.vector_load %arg8[%swap3A_252] {strides = array<i32>} : memref<128xi32, #tpu.memory_space<vmem>>, vector<16xi32>,
    %swap3A_254 = vector.shape_cast %swap3A_253 : vector<16xi32> to vector<16xi32>
    %swap3A_255 = vector.shape_cast %add3A_251 : vector<16xi32> to vector<16xi32>
    tpu.vector_store %arg8[%swap3A_252], %swap3A_255 {strides = array<i32>} : memref<128xi32, #tpu.memory_space<vmem>>, vector<16xi32>,
    %add3A_256 = arith.constant 80 : i32
    %add3A_257 = arith.addi %add3A_215, %add3A_256 : i32
    %add3A_258 = vector.broadcast %add3A_257 : i32 to vector<16xi32>
    %add3A_259 = arith.addi %iota3A, %add3A_258 : vector<16xi32>
    %swap3A_260 = arith.constant 80 : index
    %swap3A_261 = tpu.vector_load %arg8[%swap3A_260] {strides = array<i32>} : memref<128xi32, #tpu.memory_space<vmem>>, vector<16xi32>,
    %swap3A_262 = vector.shape_cast %swap3A_261 : vector<16xi32> to vector<16xi32>
    %swap3A_263 = vector.shape_cast %add3A_259 : vector<16xi32> to vector<16xi32>
    tpu.vector_store %arg8[%swap3A_260], %swap3A_263 {strides = array<i32>} : memref<128xi32, #tpu.memory_space<vmem>>, vector<16xi32>,
    %add3A_264 = arith.constant 96 : i32
    %add3A_265 = arith.addi %add3A_215, %add3A_264 : i32
    %add3A_266 = vector.broadcast %add3A_265 : i32 to vector<16xi32>
    %add3A_267 = arith.addi %iota3A, %add3A_266 : vector<16xi32>
    %swap3A_268 = arith.constant 96 : index
    %swap3A_269 = tpu.vector_load %arg8[%swap3A_268] {strides = array<i32>} : memref<128xi32, #tpu.memory_space<vmem>>, vector<16xi32>,
    %swap3A_270 = vector.shape_cast %swap3A_269 : vector<16xi32> to vector<16xi32>
    %swap3A_271 = vector.shape_cast %add3A_267 : vector<16xi32> to vector<16xi32>
    tpu.vector_store %arg8[%swap3A_268], %swap3A_271 {strides = array<i32>} : memref<128xi32, #tpu.memory_space<vmem>>, vector<16xi32>,
    %add3A_272 = arith.constant 112 : i32
    %add3A_273 = arith.addi %add3A_215, %add3A_272 : i32
    %add3A_274 = vector.broadcast %add3A_273 : i32 to vector<16xi32>
    %add3A_275 = arith.addi %iota3A, %add3A_274 : vector<16xi32>
    %swap3A_276 = arith.constant 112 : index
    %swap3A_277 = tpu.vector_load %arg8[%swap3A_276] {strides = array<i32>} : memref<128xi32, #tpu.memory_space<vmem>>, vector<16xi32>,
    %swap3A_278 = vector.shape_cast %swap3A_277 : vector<16xi32> to vector<16xi32>
    %swap3A_279 = vector.shape_cast %add3A_275 : vector<16xi32> to vector<16xi32>
    tpu.vector_store %arg8[%swap3A_276], %swap3A_279 {strides = array<i32>} : memref<128xi32, #tpu.memory_space<vmem>>, vector<16xi32>,
    "tpu.region"() ({
      %run_scoped3A = tpu.sem_alloc : memref<!tpu.dma_semaphore, #tpu.memory_space<semaphore_mem>>
      %dma_start3A_1683 = arith.constant 0 : i32
      %dma_start3A_1684 = arith.constant 0 : i32
      %dma_start3A_1685 = tpu.memref_slice %arg16[%dma_start3A_1683, %dma_start3A_1684] : memref<10240x128xf32, #tpu.memory_space<vmem_shared>> -> memref<10240x128xf32, #tpu.memory_space<vmem_shared>>
      tpu.enqueue_indirect_dma source(%arg11 : memref<128x128xf32, #tpu.memory_space<vmem>>) target(%dma_start3A_1685 : memref<10240x128xf32, #tpu.memory_space<vmem_shared>>) offsets(%arg8 : memref<128xi32, #tpu.memory_space<vmem>>) semaphore(%run_scoped3A : memref<!tpu.dma_semaphore, #tpu.memory_space<semaphore_mem>>)
      %dma_wait3A_1686 = arith.constant 0 : i32
      %dma_wait3A_1687 = arith.constant 0 : i32
      %dma_wait3A_1688 = tpu.memref_slice %arg16[%dma_wait3A_1686, %dma_wait3A_1687] : memref<10240x128xf32, #tpu.memory_space<vmem_shared>> -> memref<10240x128xf32, #tpu.memory_space<vmem_shared>>
      tpu.wait_indirect_dma semaphore(%run_scoped3A : memref<!tpu.dma_semaphore, #tpu.memory_space<semaphore_mem>>) src(%arg11 : memref<128x128xf32, #tpu.memory_space<vmem>>) dst(%dma_wait3A_1688 : memref<10240x128xf32, #tpu.memory_space<vmem_shared>>)
      tpu.yield
    }) : () -> ()
    %mul3A_280 = arith.constant 640 : i32
    %mul3A_281 = arith.muli %arg1, %mul3A_280 : i32
    %add3A_282 = arith.constant 512 : i32
    %add3A_283 = arith.addi %mul3A_281, %add3A_282 : i32
    %add3A_284 = arith.constant 0 : i32
    %add3A_285 = arith.addi %add3A_283, %add3A_284 : i32
    %add3A_286 = vector.broadcast %add3A_285 : i32 to vector<16xi32>
    %add3A_287 = arith.addi %iota3A, %add3A_286 : vector<16xi32>
    %swap3A_288 = arith.constant 0 : index
    %swap3A_289 = tpu.vector_load %arg8[%swap3A_288] {strides = array<i32>} : memref<128xi32, #tpu.memory_space<vmem>>, vector<16xi32>,
    %swap3A_290 = vector.shape_cast %swap3A_289 : vector<16xi32> to vector<16xi32>
    %swap3A_291 = vector.shape_cast %add3A_287 : vector<16xi32> to vector<16xi32>
    tpu.vector_store %arg8[%swap3A_288], %swap3A_291 {strides = array<i32>} : memref<128xi32, #tpu.memory_space<vmem>>, vector<16xi32>,
    %add3A_292 = arith.constant 16 : i32
    %add3A_293 = arith.addi %add3A_283, %add3A_292 : i32
    %add3A_294 = vector.broadcast %add3A_293 : i32 to vector<16xi32>
    %add3A_295 = arith.addi %iota3A, %add3A_294 : vector<16xi32>
    %swap3A_296 = arith.constant 16 : index
    %swap3A_297 = tpu.vector_load %arg8[%swap3A_296] {strides = array<i32>} : memref<128xi32, #tpu.memory_space<vmem>>, vector<16xi32>,
    %swap3A_298 = vector.shape_cast %swap3A_297 : vector<16xi32> to vector<16xi32>
    %swap3A_299 = vector.shape_cast %add3A_295 : vector<16xi32> to vector<16xi32>
    tpu.vector_store %arg8[%swap3A_296], %swap3A_299 {strides = array<i32>} : memref<128xi32, #tpu.memory_space<vmem>>, vector<16xi32>,
    %add3A_300 = arith.constant 32 : i32
    %add3A_301 = arith.addi %add3A_283, %add3A_300 : i32
    %add3A_302 = vector.broadcast %add3A_301 : i32 to vector<16xi32>
    %add3A_303 = arith.addi %iota3A, %add3A_302 : vector<16xi32>
    %swap3A_304 = arith.constant 32 : index
    %swap3A_305 = tpu.vector_load %arg8[%swap3A_304] {strides = array<i32>} : memref<128xi32, #tpu.memory_space<vmem>>, vector<16xi32>,
    %swap3A_306 = vector.shape_cast %swap3A_305 : vector<16xi32> to vector<16xi32>
    %swap3A_307 = vector.shape_cast %add3A_303 : vector<16xi32> to vector<16xi32>
    tpu.vector_store %arg8[%swap3A_304], %swap3A_307 {strides = array<i32>} : memref<128xi32, #tpu.memory_space<vmem>>, vector<16xi32>,
    %add3A_308 = arith.constant 48 : i32
    %add3A_309 = arith.addi %add3A_283, %add3A_308 : i32
    %add3A_310 = vector.broadcast %add3A_309 : i32 to vector<16xi32>
    %add3A_311 = arith.addi %iota3A, %add3A_310 : vector<16xi32>
    %swap3A_312 = arith.constant 48 : index
    %swap3A_313 = tpu.vector_load %arg8[%swap3A_312] {strides = array<i32>} : memref<128xi32, #tpu.memory_space<vmem>>, vector<16xi32>,
    %swap3A_314 = vector.shape_cast %swap3A_313 : vector<16xi32> to vector<16xi32>
    %swap3A_315 = vector.shape_cast %add3A_311 : vector<16xi32> to vector<16xi32>
    tpu.vector_store %arg8[%swap3A_312], %swap3A_315 {strides = array<i32>} : memref<128xi32, #tpu.memory_space<vmem>>, vector<16xi32>,
    %add3A_316 = arith.constant 64 : i32
    %add3A_317 = arith.addi %add3A_283, %add3A_316 : i32
    %add3A_318 = vector.broadcast %add3A_317 : i32 to vector<16xi32>
    %add3A_319 = arith.addi %iota3A, %add3A_318 : vector<16xi32>
    %swap3A_320 = arith.constant 64 : index
    %swap3A_321 = tpu.vector_load %arg8[%swap3A_320] {strides = array<i32>} : memref<128xi32, #tpu.memory_space<vmem>>, vector<16xi32>,
    %swap3A_322 = vector.shape_cast %swap3A_321 : vector<16xi32> to vector<16xi32>
    %swap3A_323 = vector.shape_cast %add3A_319 : vector<16xi32> to vector<16xi32>
    tpu.vector_store %arg8[%swap3A_320], %swap3A_323 {strides = array<i32>} : memref<128xi32, #tpu.memory_space<vmem>>, vector<16xi32>,
    %add3A_324 = arith.constant 80 : i32
    %add3A_325 = arith.addi %add3A_283, %add3A_324 : i32
    %add3A_326 = vector.broadcast %add3A_325 : i32 to vector<16xi32>
    %add3A_327 = arith.addi %iota3A, %add3A_326 : vector<16xi32>
    %swap3A_328 = arith.constant 80 : index
    %swap3A_329 = tpu.vector_load %arg8[%swap3A_328] {strides = array<i32>} : memref<128xi32, #tpu.memory_space<vmem>>, vector<16xi32>,
    %swap3A_330 = vector.shape_cast %swap3A_329 : vector<16xi32> to vector<16xi32>
    %swap3A_331 = vector.shape_cast %add3A_327 : vector<16xi32> to vector<16xi32>
    tpu.vector_store %arg8[%swap3A_328], %swap3A_331 {strides = array<i32>} : memref<128xi32, #tpu.memory_space<vmem>>, vector<16xi32>,
    %add3A_332 = arith.constant 96 : i32
    %add3A_333 = arith.addi %add3A_283, %add3A_332 : i32
    %add3A_334 = vector.broadcast %add3A_333 : i32 to vector<16xi32>
    %add3A_335 = arith.addi %iota3A, %add3A_334 : vector<16xi32>
    %swap3A_336 = arith.constant 96 : index
    %swap3A_337 = tpu.vector_load %arg8[%swap3A_336] {strides = array<i32>} : memref<128xi32, #tpu.memory_space<vmem>>, vector<16xi32>,
    %swap3A_338 = vector.shape_cast %swap3A_337 : vector<16xi32> to vector<16xi32>
    %swap3A_339 = vector.shape_cast %add3A_335 : vector<16xi32> to vector<16xi32>
    tpu.vector_store %arg8[%swap3A_336], %swap3A_339 {strides = array<i32>} : memref<128xi32, #tpu.memory_space<vmem>>, vector<16xi32>,
    %add3A_340 = arith.constant 112 : i32
    %add3A_341 = arith.addi %add3A_283, %add3A_340 : i32
    %add3A_342 = vector.broadcast %add3A_341 : i32 to vector<16xi32>
    %add3A_343 = arith.addi %iota3A, %add3A_342 : vector<16xi32>
    %swap3A_344 = arith.constant 112 : index
    %swap3A_345 = tpu.vector_load %arg8[%swap3A_344] {strides = array<i32>} : memref<128xi32, #tpu.memory_space<vmem>>, vector<16xi32>,
    %swap3A_346 = vector.shape_cast %swap3A_345 : vector<16xi32> to vector<16xi32>
    %swap3A_347 = vector.shape_cast %add3A_343 : vector<16xi32> to vector<16xi32>
    tpu.vector_store %arg8[%swap3A_344], %swap3A_347 {strides = array<i32>} : memref<128xi32, #tpu.memory_space<vmem>>, vector<16xi32>,
    "tpu.region"() ({
      %run_scoped3A = tpu.sem_alloc : memref<!tpu.dma_semaphore, #tpu.memory_space<semaphore_mem>>
      %dma_start3A_1683 = arith.constant 0 : i32
      %dma_start3A_1684 = arith.constant 0 : i32
      %dma_start3A_1685 = tpu.memref_slice %arg16[%dma_start3A_1683, %dma_start3A_1684] : memref<10240x128xf32, #tpu.memory_space<vmem_shared>> -> memref<10240x128xf32, #tpu.memory_space<vmem_shared>>
      tpu.enqueue_indirect_dma source(%arg11 : memref<128x128xf32, #tpu.memory_space<vmem>>) target(%dma_start3A_1685 : memref<10240x128xf32, #tpu.memory_space<vmem_shared>>) offsets(%arg8 : memref<128xi32, #tpu.memory_space<vmem>>) semaphore(%run_scoped3A : memref<!tpu.dma_semaphore, #tpu.memory_space<semaphore_mem>>)
      %dma_wait3A_1686 = arith.constant 0 : i32
      %dma_wait3A_1687 = arith.constant 0 : i32
      %dma_wait3A_1688 = tpu.memref_slice %arg16[%dma_wait3A_1686, %dma_wait3A_1687] : memref<10240x128xf32, #tpu.memory_space<vmem_shared>> -> memref<10240x128xf32, #tpu.memory_space<vmem_shared>>
      tpu.wait_indirect_dma semaphore(%run_scoped3A : memref<!tpu.dma_semaphore, #tpu.memory_space<semaphore_mem>>) src(%arg11 : memref<128x128xf32, #tpu.memory_space<vmem>>) dst(%dma_wait3A_1688 : memref<10240x128xf32, #tpu.memory_space<vmem_shared>>)
      tpu.yield
    }) : () -> ()
    %barrier3A = arith.constant 0 : index
    tpu.barrier barrier_id(%barrier3A)
    %add3A_348 = arith.constant 0 : i32
    %add3A_349 = arith.addi %mul3A_2, %add3A_348 : i32
    "tpu.region"() ({
      %run_scoped3A = tpu.sem_alloc : memref<!tpu.dma_semaphore, #tpu.memory_space<semaphore_mem>>
      %dma_start3A_1683 = arith.constant 0 : i32
      %dma_start3A_1684 = tpu.memref_slice %arg3[%add3A_349, %dma_start3A_1683] : memref<2562x128xi32, #tpu.memory_space<hbm>> -> memref<1x128xi32, #tpu.memory_space<hbm>>
      %dma_start3A_1685 = tpu.memref_squeeze %dma_start3A_1684 : memref<1x128xi32, #tpu.memory_space<hbm>> -> memref<128xi32, #tpu.memory_space<hbm>>
      %dma_start3A_1686 = arith.constant 0 : i32
      %dma_start3A_1687 = tpu.memref_slice %arg3[%add3A_349, %dma_start3A_1686] : memref<2562x128xi32, #tpu.memory_space<hbm>> -> memref<1x128xi32, #tpu.memory_space<hbm>>
      %dma_start3A_1688 = tpu.memref_squeeze %dma_start3A_1687 : memref<1x128xi32, #tpu.memory_space<hbm>> -> memref<128xi32, #tpu.memory_space<hbm>>
      tpu.enqueue_dma source(%dma_start3A_1688 : memref<128xi32, #tpu.memory_space<hbm>>) target(%arg8 : memref<128xi32, #tpu.memory_space<vmem>>) target_semaphore(%run_scoped3A : memref<!tpu.dma_semaphore, #tpu.memory_space<semaphore_mem>>)
      %dma_wait3A_1689 = arith.constant 0 : i32
      %dma_wait3A_1690 = tpu.memref_slice %arg3[%add3A_349, %dma_wait3A_1689] : memref<2562x128xi32, #tpu.memory_space<hbm>> -> memref<1x128xi32, #tpu.memory_space<hbm>>
      %dma_wait3A_1691 = tpu.memref_squeeze %dma_wait3A_1690 : memref<1x128xi32, #tpu.memory_space<hbm>> -> memref<128xi32, #tpu.memory_space<hbm>>
      %dma_wait3A_1692 = arith.constant 0 : i32
      %dma_wait3A_1693 = tpu.memref_slice %arg3[%add3A_349, %dma_wait3A_1692] : memref<2562x128xi32, #tpu.memory_space<hbm>> -> memref<1x128xi32, #tpu.memory_space<hbm>>
      %dma_wait3A_1694 = tpu.memref_squeeze %dma_wait3A_1693 : memref<1x128xi32, #tpu.memory_space<hbm>> -> memref<128xi32, #tpu.memory_space<hbm>>
      tpu.wait_dma2 semaphore(%run_scoped3A : memref<!tpu.dma_semaphore, #tpu.memory_space<semaphore_mem>>) src(%dma_wait3A_1694 : memref<128xi32, #tpu.memory_space<hbm>>) dst(%arg8 : memref<128xi32, #tpu.memory_space<vmem>>)
      tpu.yield
    }) : () -> ()
    "tpu.region"() ({
      %run_scoped3A = tpu.sem_alloc : memref<!tpu.dma_semaphore, #tpu.memory_space<semaphore_mem>>
      %dma_start3A_1683 = arith.constant 0 : i32
      %dma_start3A_1684 = tpu.memref_slice %arg4[%add3A_349, %dma_start3A_1683] : memref<2562x128xi32, #tpu.memory_space<hbm>> -> memref<1x128xi32, #tpu.memory_space<hbm>>
      %dma_start3A_1685 = tpu.memref_squeeze %dma_start3A_1684 : memref<1x128xi32, #tpu.memory_space<hbm>> -> memref<128xi32, #tpu.memory_space<hbm>>
      %dma_start3A_1686 = arith.constant 0 : i32
      %dma_start3A_1687 = tpu.memref_slice %arg4[%add3A_349, %dma_start3A_1686] : memref<2562x128xi32, #tpu.memory_space<hbm>> -> memref<1x128xi32, #tpu.memory_space<hbm>>
      %dma_start3A_1688 = tpu.memref_squeeze %dma_start3A_1687 : memref<1x128xi32, #tpu.memory_space<hbm>> -> memref<128xi32, #tpu.memory_space<hbm>>
      tpu.enqueue_dma source(%dma_start3A_1688 : memref<128xi32, #tpu.memory_space<hbm>>) target(%arg9 : memref<128xi32, #tpu.memory_space<vmem>>) target_semaphore(%run_scoped3A : memref<!tpu.dma_semaphore, #tpu.memory_space<semaphore_mem>>)
      %dma_wait3A_1689 = arith.constant 0 : i32
      %dma_wait3A_1690 = tpu.memref_slice %arg4[%add3A_349, %dma_wait3A_1689] : memref<2562x128xi32, #tpu.memory_space<hbm>> -> memref<1x128xi32, #tpu.memory_space<hbm>>
      %dma_wait3A_1691 = tpu.memref_squeeze %dma_wait3A_1690 : memref<1x128xi32, #tpu.memory_space<hbm>> -> memref<128xi32, #tpu.memory_space<hbm>>
      %dma_wait3A_1692 = arith.constant 0 : i32
      %dma_wait3A_1693 = tpu.memref_slice %arg4[%add3A_349, %dma_wait3A_1692] : memref<2562x128xi32, #tpu.memory_space<hbm>> -> memref<1x128xi32, #tpu.memory_space<hbm>>
      %dma_wait3A_1694 = tpu.memref_squeeze %dma_wait3A_1693 : memref<1x128xi32, #tpu.memory_space<hbm>> -> memref<128xi32, #tpu.memory_space<hbm>>
      tpu.wait_dma2 semaphore(%run_scoped3A : memref<!tpu.dma_semaphore, #tpu.memory_space<semaphore_mem>>) src(%dma_wait3A_1694 : memref<128xi32, #tpu.memory_space<hbm>>) dst(%arg9 : memref<128xi32, #tpu.memory_space<vmem>>)
      tpu.yield
    }) : () -> ()
    "tpu.region"() ({
      %run_scoped3A = tpu.sem_alloc : memref<!tpu.dma_semaphore, #tpu.memory_space<semaphore_mem>>
      %dma_start3A_1683 = arith.constant 0 : i32
      %dma_start3A_1684 = tpu.memref_slice %arg5[%add3A_349, %dma_start3A_1683] : memref<2562x128xi32, #tpu.memory_space<hbm>> -> memref<1x128xi32, #tpu.memory_space<hbm>>
      %dma_start3A_1685 = tpu.memref_squeeze %dma_start3A_1684 : memref<1x128xi32, #tpu.memory_space<hbm>> -> memref<128xi32, #tpu.memory_space<hbm>>
      %dma_start3A_1686 = arith.constant 0 : i32
      %dma_start3A_1687 = tpu.memref_slice %arg5[%add3A_349, %dma_start3A_1686] : memref<2562x128xi32, #tpu.memory_space<hbm>> -> memref<1x128xi32, #tpu.memory_space<hbm>>
      %dma_start3A_1688 = tpu.memref_squeeze %dma_start3A_1687 : memref<1x128xi32, #tpu.memory_space<hbm>> -> memref<128xi32, #tpu.memory_space<hbm>>
      tpu.enqueue_dma source(%dma_start3A_1688 : memref<128xi32, #tpu.memory_space<hbm>>) target(%arg10 : memref<128xi32, #tpu.memory_space<vmem>>) target_semaphore(%run_scoped3A : memref<!tpu.dma_semaphore, #tpu.memory_space<semaphore_mem>>)
      %dma_wait3A_1689 = arith.constant 0 : i32
      %dma_wait3A_1690 = tpu.memref_slice %arg5[%add3A_349, %dma_wait3A_1689] : memref<2562x128xi32, #tpu.memory_space<hbm>> -> memref<1x128xi32, #tpu.memory_space<hbm>>
      %dma_wait3A_1691 = tpu.memref_squeeze %dma_wait3A_1690 : memref<1x128xi32, #tpu.memory_space<hbm>> -> memref<128xi32, #tpu.memory_space<hbm>>
      %dma_wait3A_1692 = arith.constant 0 : i32
      %dma_wait3A_1693 = tpu.memref_slice %arg5[%add3A_349, %dma_wait3A_1692] : memref<2562x128xi32, #tpu.memory_space<hbm>> -> memref<1x128xi32, #tpu.memory_space<hbm>>
      %dma_wait3A_1694 = tpu.memref_squeeze %dma_wait3A_1693 : memref<1x128xi32, #tpu.memory_space<hbm>> -> memref<128xi32, #tpu.memory_space<hbm>>
      tpu.wait_dma2 semaphore(%run_scoped3A : memref<!tpu.dma_semaphore, #tpu.memory_space<semaphore_mem>>) src(%dma_wait3A_1694 : memref<128xi32, #tpu.memory_space<hbm>>) dst(%arg10 : memref<128xi32, #tpu.memory_space<vmem>>)
      tpu.yield
    }) : () -> ()
    %get3A = arith.constant 0 : index
    %get3A_350 = tpu.vector_load %arg8[%get3A] {strides = array<i32>} : memref<128xi32, #tpu.memory_space<vmem>>, vector<16xi32>,
    %get3A_351 = vector.shape_cast %get3A_350 : vector<16xi32> to vector<16xi32>
    %mul3A_352 = arith.constant 8192 : i32
    %mul3A_353 = vector.broadcast %mul3A_352 : i32 to vector<16xi32>
    %mul3A_354 = arith.muli %get3A_351, %mul3A_353 : vector<16xi32>
    %get3A_355 = arith.constant 0 : index
    %get3A_356 = tpu.vector_load %arg9[%get3A_355] {strides = array<i32>} : memref<128xi32, #tpu.memory_space<vmem>>, vector<16xi32>,
    %get3A_357 = vector.shape_cast %get3A_356 : vector<16xi32> to vector<16xi32>
    %add3A_358 = arith.addi %mul3A_354, %get3A_357 : vector<16xi32>
    %swap3A_359 = arith.constant 0 : index
    %swap3A_360 = tpu.vector_load %arg8[%swap3A_359] {strides = array<i32>} : memref<128xi32, #tpu.memory_space<vmem>>, vector<16xi32>,
    %swap3A_361 = vector.shape_cast %swap3A_360 : vector<16xi32> to vector<16xi32>
    %swap3A_362 = vector.shape_cast %add3A_358 : vector<16xi32> to vector<16xi32>
    tpu.vector_store %arg8[%swap3A_359], %swap3A_362 {strides = array<i32>} : memref<128xi32, #tpu.memory_space<vmem>>, vector<16xi32>,
    %get3A_363 = arith.constant 16 : index
    %get3A_364 = tpu.vector_load %arg8[%get3A_363] {strides = array<i32>} : memref<128xi32, #tpu.memory_space<vmem>>, vector<16xi32>,
    %get3A_365 = vector.shape_cast %get3A_364 : vector<16xi32> to vector<16xi32>
    %mul3A_366 = arith.constant 8192 : i32
    %mul3A_367 = vector.broadcast %mul3A_366 : i32 to vector<16xi32>
    %mul3A_368 = arith.muli %get3A_365, %mul3A_367 : vector<16xi32>
    %get3A_369 = arith.constant 16 : index
    %get3A_370 = tpu.vector_load %arg9[%get3A_369] {strides = array<i32>} : memref<128xi32, #tpu.memory_space<vmem>>, vector<16xi32>,
    %get3A_371 = vector.shape_cast %get3A_370 : vector<16xi32> to vector<16xi32>
    %add3A_372 = arith.addi %mul3A_368, %get3A_371 : vector<16xi32>
    %swap3A_373 = arith.constant 16 : index
    %swap3A_374 = tpu.vector_load %arg8[%swap3A_373] {strides = array<i32>} : memref<128xi32, #tpu.memory_space<vmem>>, vector<16xi32>,
    %swap3A_375 = vector.shape_cast %swap3A_374 : vector<16xi32> to vector<16xi32>
    %swap3A_376 = vector.shape_cast %add3A_372 : vector<16xi32> to vector<16xi32>
    tpu.vector_store %arg8[%swap3A_373], %swap3A_376 {strides = array<i32>} : memref<128xi32, #tpu.memory_space<vmem>>, vector<16xi32>,
    %get3A_377 = arith.constant 32 : index
    %get3A_378 = tpu.vector_load %arg8[%get3A_377] {strides = array<i32>} : memref<128xi32, #tpu.memory_space<vmem>>, vector<16xi32>,
    %get3A_379 = vector.shape_cast %get3A_378 : vector<16xi32> to vector<16xi32>
    %mul3A_380 = arith.constant 8192 : i32
    %mul3A_381 = vector.broadcast %mul3A_380 : i32 to vector<16xi32>
    %mul3A_382 = arith.muli %get3A_379, %mul3A_381 : vector<16xi32>
    %get3A_383 = arith.constant 32 : index
    %get3A_384 = tpu.vector_load %arg9[%get3A_383] {strides = array<i32>} : memref<128xi32, #tpu.memory_space<vmem>>, vector<16xi32>,
    %get3A_385 = vector.shape_cast %get3A_384 : vector<16xi32> to vector<16xi32>
    %add3A_386 = arith.addi %mul3A_382, %get3A_385 : vector<16xi32>
    %swap3A_387 = arith.constant 32 : index
    %swap3A_388 = tpu.vector_load %arg8[%swap3A_387] {strides = array<i32>} : memref<128xi32, #tpu.memory_space<vmem>>, vector<16xi32>,
    %swap3A_389 = vector.shape_cast %swap3A_388 : vector<16xi32> to vector<16xi32>
    %swap3A_390 = vector.shape_cast %add3A_386 : vector<16xi32> to vector<16xi32>
    tpu.vector_store %arg8[%swap3A_387], %swap3A_390 {strides = array<i32>} : memref<128xi32, #tpu.memory_space<vmem>>, vector<16xi32>,
    %get3A_391 = arith.constant 48 : index
    %get3A_392 = tpu.vector_load %arg8[%get3A_391] {strides = array<i32>} : memref<128xi32, #tpu.memory_space<vmem>>, vector<16xi32>,
    %get3A_393 = vector.shape_cast %get3A_392 : vector<16xi32> to vector<16xi32>
    %mul3A_394 = arith.constant 8192 : i32
    %mul3A_395 = vector.broadcast %mul3A_394 : i32 to vector<16xi32>
    %mul3A_396 = arith.muli %get3A_393, %mul3A_395 : vector<16xi32>
    %get3A_397 = arith.constant 48 : index
    %get3A_398 = tpu.vector_load %arg9[%get3A_397] {strides = array<i32>} : memref<128xi32, #tpu.memory_space<vmem>>, vector<16xi32>,
    %get3A_399 = vector.shape_cast %get3A_398 : vector<16xi32> to vector<16xi32>
    %add3A_400 = arith.addi %mul3A_396, %get3A_399 : vector<16xi32>
    %swap3A_401 = arith.constant 48 : index
    %swap3A_402 = tpu.vector_load %arg8[%swap3A_401] {strides = array<i32>} : memref<128xi32, #tpu.memory_space<vmem>>, vector<16xi32>,
    %swap3A_403 = vector.shape_cast %swap3A_402 : vector<16xi32> to vector<16xi32>
    %swap3A_404 = vector.shape_cast %add3A_400 : vector<16xi32> to vector<16xi32>
    tpu.vector_store %arg8[%swap3A_401], %swap3A_404 {strides = array<i32>} : memref<128xi32, #tpu.memory_space<vmem>>, vector<16xi32>,
    %get3A_405 = arith.constant 64 : index
    %get3A_406 = tpu.vector_load %arg8[%get3A_405] {strides = array<i32>} : memref<128xi32, #tpu.memory_space<vmem>>, vector<16xi32>,
    %get3A_407 = vector.shape_cast %get3A_406 : vector<16xi32> to vector<16xi32>
    %mul3A_408 = arith.constant 8192 : i32
    %mul3A_409 = vector.broadcast %mul3A_408 : i32 to vector<16xi32>
    %mul3A_410 = arith.muli %get3A_407, %mul3A_409 : vector<16xi32>
    %get3A_411 = arith.constant 64 : index
    %get3A_412 = tpu.vector_load %arg9[%get3A_411] {strides = array<i32>} : memref<128xi32, #tpu.memory_space<vmem>>, vector<16xi32>,
    %get3A_413 = vector.shape_cast %get3A_412 : vector<16xi32> to vector<16xi32>
    %add3A_414 = arith.addi %mul3A_410, %get3A_413 : vector<16xi32>
    %swap3A_415 = arith.constant 64 : index
    %swap3A_416 = tpu.vector_load %arg8[%swap3A_415] {strides = array<i32>} : memref<128xi32, #tpu.memory_space<vmem>>, vector<16xi32>,
    %swap3A_417 = vector.shape_cast %swap3A_416 : vector<16xi32> to vector<16xi32>
    %swap3A_418 = vector.shape_cast %add3A_414 : vector<16xi32> to vector<16xi32>
    tpu.vector_store %arg8[%swap3A_415], %swap3A_418 {strides = array<i32>} : memref<128xi32, #tpu.memory_space<vmem>>, vector<16xi32>,
    %get3A_419 = arith.constant 80 : index
    %get3A_420 = tpu.vector_load %arg8[%get3A_419] {strides = array<i32>} : memref<128xi32, #tpu.memory_space<vmem>>, vector<16xi32>,
    %get3A_421 = vector.shape_cast %get3A_420 : vector<16xi32> to vector<16xi32>
    %mul3A_422 = arith.constant 8192 : i32
    %mul3A_423 = vector.broadcast %mul3A_422 : i32 to vector<16xi32>
    %mul3A_424 = arith.muli %get3A_421, %mul3A_423 : vector<16xi32>
    %get3A_425 = arith.constant 80 : index
    %get3A_426 = tpu.vector_load %arg9[%get3A_425] {strides = array<i32>} : memref<128xi32, #tpu.memory_space<vmem>>, vector<16xi32>,
    %get3A_427 = vector.shape_cast %get3A_426 : vector<16xi32> to vector<16xi32>
    %add3A_428 = arith.addi %mul3A_424, %get3A_427 : vector<16xi32>
    %swap3A_429 = arith.constant 80 : index
    %swap3A_430 = tpu.vector_load %arg8[%swap3A_429] {strides = array<i32>} : memref<128xi32, #tpu.memory_space<vmem>>, vector<16xi32>,
    %swap3A_431 = vector.shape_cast %swap3A_430 : vector<16xi32> to vector<16xi32>
    %swap3A_432 = vector.shape_cast %add3A_428 : vector<16xi32> to vector<16xi32>
    tpu.vector_store %arg8[%swap3A_429], %swap3A_432 {strides = array<i32>} : memref<128xi32, #tpu.memory_space<vmem>>, vector<16xi32>,
    %get3A_433 = arith.constant 96 : index
    %get3A_434 = tpu.vector_load %arg8[%get3A_433] {strides = array<i32>} : memref<128xi32, #tpu.memory_space<vmem>>, vector<16xi32>,
    %get3A_435 = vector.shape_cast %get3A_434 : vector<16xi32> to vector<16xi32>
    %mul3A_436 = arith.constant 8192 : i32
    %mul3A_437 = vector.broadcast %mul3A_436 : i32 to vector<16xi32>
    %mul3A_438 = arith.muli %get3A_435, %mul3A_437 : vector<16xi32>
    %get3A_439 = arith.constant 96 : index
    %get3A_440 = tpu.vector_load %arg9[%get3A_439] {strides = array<i32>} : memref<128xi32, #tpu.memory_space<vmem>>, vector<16xi32>,
    %get3A_441 = vector.shape_cast %get3A_440 : vector<16xi32> to vector<16xi32>
    %add3A_442 = arith.addi %mul3A_438, %get3A_441 : vector<16xi32>
    %swap3A_443 = arith.constant 96 : index
    %swap3A_444 = tpu.vector_load %arg8[%swap3A_443] {strides = array<i32>} : memref<128xi32, #tpu.memory_space<vmem>>, vector<16xi32>,
    %swap3A_445 = vector.shape_cast %swap3A_444 : vector<16xi32> to vector<16xi32>
    %swap3A_446 = vector.shape_cast %add3A_442 : vector<16xi32> to vector<16xi32>
    tpu.vector_store %arg8[%swap3A_443], %swap3A_446 {strides = array<i32>} : memref<128xi32, #tpu.memory_space<vmem>>, vector<16xi32>,
    %get3A_447 = arith.constant 112 : index
    %get3A_448 = tpu.vector_load %arg8[%get3A_447] {strides = array<i32>} : memref<128xi32, #tpu.memory_space<vmem>>, vector<16xi32>,
    %get3A_449 = vector.shape_cast %get3A_448 : vector<16xi32> to vector<16xi32>
    %mul3A_450 = arith.constant 8192 : i32
    %mul3A_451 = vector.broadcast %mul3A_450 : i32 to vector<16xi32>
    %mul3A_452 = arith.muli %get3A_449, %mul3A_451 : vector<16xi32>
    %get3A_453 = arith.constant 112 : index
    %get3A_454 = tpu.vector_load %arg9[%get3A_453] {strides = array<i32>} : memref<128xi32, #tpu.memory_space<vmem>>, vector<16xi32>,
    %get3A_455 = vector.shape_cast %get3A_454 : vector<16xi32> to vector<16xi32>
    %add3A_456 = arith.addi %mul3A_452, %get3A_455 : vector<16xi32>
    %swap3A_457 = arith.constant 112 : index
    %swap3A_458 = tpu.vector_load %arg8[%swap3A_457] {strides = array<i32>} : memref<128xi32, #tpu.memory_space<vmem>>, vector<16xi32>,
    %swap3A_459 = vector.shape_cast %swap3A_458 : vector<16xi32> to vector<16xi32>
    %swap3A_460 = vector.shape_cast %add3A_456 : vector<16xi32> to vector<16xi32>
    tpu.vector_store %arg8[%swap3A_457], %swap3A_460 {strides = array<i32>} : memref<128xi32, #tpu.memory_space<vmem>>, vector<16xi32>,
    %dma_start3A = arith.constant 0 : i32
    %dma_start3A_461 = arith.constant 0 : i32
    %dma_start3A_462 = tpu.memref_slice %arg2[%dma_start3A, %dma_start3A_461] : memref<65536x128xf32, #tpu.memory_space<hbm>> -> memref<65536x128xf32, #tpu.memory_space<hbm>>
    tpu.enqueue_indirect_dma source(%dma_start3A_462 : memref<65536x128xf32, #tpu.memory_space<hbm>>) target(%arg11 : memref<128x128xf32, #tpu.memory_space<vmem>>) offsets(%arg8 : memref<128xi32, #tpu.memory_space<vmem>>) semaphore(%arg17 : memref<!tpu.dma_semaphore, #tpu.memory_space<semaphore_mem>>)
    %add3A_463 = arith.constant 1 : i32
    %add3A_464 = arith.addi %mul3A_2, %add3A_463 : i32
    "tpu.region"() ({
      %run_scoped3A = tpu.sem_alloc : memref<!tpu.dma_semaphore, #tpu.memory_space<semaphore_mem>>
      %dma_start3A_1683 = arith.constant 0 : i32
      %dma_start3A_1684 = tpu.memref_slice %arg3[%add3A_464, %dma_start3A_1683] : memref<2562x128xi32, #tpu.memory_space<hbm>> -> memref<1x128xi32, #tpu.memory_space<hbm>>
      %dma_start3A_1685 = tpu.memref_squeeze %dma_start3A_1684 : memref<1x128xi32, #tpu.memory_space<hbm>> -> memref<128xi32, #tpu.memory_space<hbm>>
      %dma_start3A_1686 = arith.constant 0 : i32
      %dma_start3A_1687 = tpu.memref_slice %arg3[%add3A_464, %dma_start3A_1686] : memref<2562x128xi32, #tpu.memory_space<hbm>> -> memref<1x128xi32, #tpu.memory_space<hbm>>
      %dma_start3A_1688 = tpu.memref_squeeze %dma_start3A_1687 : memref<1x128xi32, #tpu.memory_space<hbm>> -> memref<128xi32, #tpu.memory_space<hbm>>
      tpu.enqueue_dma source(%dma_start3A_1688 : memref<128xi32, #tpu.memory_space<hbm>>) target(%arg12 : memref<128xi32, #tpu.memory_space<vmem>>) target_semaphore(%run_scoped3A : memref<!tpu.dma_semaphore, #tpu.memory_space<semaphore_mem>>)
      %dma_wait3A_1689 = arith.constant 0 : i32
      %dma_wait3A_1690 = tpu.memref_slice %arg3[%add3A_464, %dma_wait3A_1689] : memref<2562x128xi32, #tpu.memory_space<hbm>> -> memref<1x128xi32, #tpu.memory_space<hbm>>
      %dma_wait3A_1691 = tpu.memref_squeeze %dma_wait3A_1690 : memref<1x128xi32, #tpu.memory_space<hbm>> -> memref<128xi32, #tpu.memory_space<hbm>>
      %dma_wait3A_1692 = arith.constant 0 : i32
      %dma_wait3A_1693 = tpu.memref_slice %arg3[%add3A_464, %dma_wait3A_1692] : memref<2562x128xi32, #tpu.memory_space<hbm>> -> memref<1x128xi32, #tpu.memory_space<hbm>>
      %dma_wait3A_1694 = tpu.memref_squeeze %dma_wait3A_1693 : memref<1x128xi32, #tpu.memory_space<hbm>> -> memref<128xi32, #tpu.memory_space<hbm>>
      tpu.wait_dma2 semaphore(%run_scoped3A : memref<!tpu.dma_semaphore, #tpu.memory_space<semaphore_mem>>) src(%dma_wait3A_1694 : memref<128xi32, #tpu.memory_space<hbm>>) dst(%arg12 : memref<128xi32, #tpu.memory_space<vmem>>)
      tpu.yield
    }) : () -> ()
    "tpu.region"() ({
      %run_scoped3A = tpu.sem_alloc : memref<!tpu.dma_semaphore, #tpu.memory_space<semaphore_mem>>
      %dma_start3A_1683 = arith.constant 0 : i32
      %dma_start3A_1684 = tpu.memref_slice %arg4[%add3A_464, %dma_start3A_1683] : memref<2562x128xi32, #tpu.memory_space<hbm>> -> memref<1x128xi32, #tpu.memory_space<hbm>>
      %dma_start3A_1685 = tpu.memref_squeeze %dma_start3A_1684 : memref<1x128xi32, #tpu.memory_space<hbm>> -> memref<128xi32, #tpu.memory_space<hbm>>
      %dma_start3A_1686 = arith.constant 0 : i32
      %dma_start3A_1687 = tpu.memref_slice %arg4[%add3A_464, %dma_start3A_1686] : memref<2562x128xi32, #tpu.memory_space<hbm>> -> memref<1x128xi32, #tpu.memory_space<hbm>>
      %dma_start3A_1688 = tpu.memref_squeeze %dma_start3A_1687 : memref<1x128xi32, #tpu.memory_space<hbm>> -> memref<128xi32, #tpu.memory_space<hbm>>
      tpu.enqueue_dma source(%dma_start3A_1688 : memref<128xi32, #tpu.memory_space<hbm>>) target(%arg13 : memref<128xi32, #tpu.memory_space<vmem>>) target_semaphore(%run_scoped3A : memref<!tpu.dma_semaphore, #tpu.memory_space<semaphore_mem>>)
      %dma_wait3A_1689 = arith.constant 0 : i32
      %dma_wait3A_1690 = tpu.memref_slice %arg4[%add3A_464, %dma_wait3A_1689] : memref<2562x128xi32, #tpu.memory_space<hbm>> -> memref<1x128xi32, #tpu.memory_space<hbm>>
      %dma_wait3A_1691 = tpu.memref_squeeze %dma_wait3A_1690 : memref<1x128xi32, #tpu.memory_space<hbm>> -> memref<128xi32, #tpu.memory_space<hbm>>
      %dma_wait3A_1692 = arith.constant 0 : i32
      %dma_wait3A_1693 = tpu.memref_slice %arg4[%add3A_464, %dma_wait3A_1692] : memref<2562x128xi32, #tpu.memory_space<hbm>> -> memref<1x128xi32, #tpu.memory_space<hbm>>
      %dma_wait3A_1694 = tpu.memref_squeeze %dma_wait3A_1693 : memref<1x128xi32, #tpu.memory_space<hbm>> -> memref<128xi32, #tpu.memory_space<hbm>>
      tpu.wait_dma2 semaphore(%run_scoped3A : memref<!tpu.dma_semaphore, #tpu.memory_space<semaphore_mem>>) src(%dma_wait3A_1694 : memref<128xi32, #tpu.memory_space<hbm>>) dst(%arg13 : memref<128xi32, #tpu.memory_space<vmem>>)
      tpu.yield
    }) : () -> ()
    "tpu.region"() ({
      %run_scoped3A = tpu.sem_alloc : memref<!tpu.dma_semaphore, #tpu.memory_space<semaphore_mem>>
      %dma_start3A_1683 = arith.constant 0 : i32
      %dma_start3A_1684 = tpu.memref_slice %arg5[%add3A_464, %dma_start3A_1683] : memref<2562x128xi32, #tpu.memory_space<hbm>> -> memref<1x128xi32, #tpu.memory_space<hbm>>
      %dma_start3A_1685 = tpu.memref_squeeze %dma_start3A_1684 : memref<1x128xi32, #tpu.memory_space<hbm>> -> memref<128xi32, #tpu.memory_space<hbm>>
      %dma_start3A_1686 = arith.constant 0 : i32
      %dma_start3A_1687 = tpu.memref_slice %arg5[%add3A_464, %dma_start3A_1686] : memref<2562x128xi32, #tpu.memory_space<hbm>> -> memref<1x128xi32, #tpu.memory_space<hbm>>
      %dma_start3A_1688 = tpu.memref_squeeze %dma_start3A_1687 : memref<1x128xi32, #tpu.memory_space<hbm>> -> memref<128xi32, #tpu.memory_space<hbm>>
      tpu.enqueue_dma source(%dma_start3A_1688 : memref<128xi32, #tpu.memory_space<hbm>>) target(%arg14 : memref<128xi32, #tpu.memory_space<vmem>>) target_semaphore(%run_scoped3A : memref<!tpu.dma_semaphore, #tpu.memory_space<semaphore_mem>>)
      %dma_wait3A_1689 = arith.constant 0 : i32
      %dma_wait3A_1690 = tpu.memref_slice %arg5[%add3A_464, %dma_wait3A_1689] : memref<2562x128xi32, #tpu.memory_space<hbm>> -> memref<1x128xi32, #tpu.memory_space<hbm>>
      %dma_wait3A_1691 = tpu.memref_squeeze %dma_wait3A_1690 : memref<1x128xi32, #tpu.memory_space<hbm>> -> memref<128xi32, #tpu.memory_space<hbm>>
      %dma_wait3A_1692 = arith.constant 0 : i32
      %dma_wait3A_1693 = tpu.memref_slice %arg5[%add3A_464, %dma_wait3A_1692] : memref<2562x128xi32, #tpu.memory_space<hbm>> -> memref<1x128xi32, #tpu.memory_space<hbm>>
      %dma_wait3A_1694 = tpu.memref_squeeze %dma_wait3A_1693 : memref<1x128xi32, #tpu.memory_space<hbm>> -> memref<128xi32, #tpu.memory_space<hbm>>
      tpu.wait_dma2 semaphore(%run_scoped3A : memref<!tpu.dma_semaphore, #tpu.memory_space<semaphore_mem>>) src(%dma_wait3A_1694 : memref<128xi32, #tpu.memory_space<hbm>>) dst(%arg14 : memref<128xi32, #tpu.memory_space<vmem>>)
      tpu.yield
    }) : () -> ()
    %get3A_465 = arith.constant 0 : index
    %get3A_466 = tpu.vector_load %arg12[%get3A_465] {strides = array<i32>} : memref<128xi32, #tpu.memory_space<vmem>>, vector<16xi32>,
    %get3A_467 = vector.shape_cast %get3A_466 : vector<16xi32> to vector<16xi32>
    %mul3A_468 = arith.constant 8192 : i32
    %mul3A_469 = vector.broadcast %mul3A_468 : i32 to vector<16xi32>
    %mul3A_470 = arith.muli %get3A_467, %mul3A_469 : vector<16xi32>
    %get3A_471 = arith.constant 0 : index
    %get3A_472 = tpu.vector_load %arg13[%get3A_471] {strides = array<i32>} : memref<128xi32, #tpu.memory_space<vmem>>, vector<16xi32>,
    %get3A_473 = vector.shape_cast %get3A_472 : vector<16xi32> to vector<16xi32>
    %add3A_474 = arith.addi %mul3A_470, %get3A_473 : vector<16xi32>
    %swap3A_475 = arith.constant 0 : index
    %swap3A_476 = tpu.vector_load %arg12[%swap3A_475] {strides = array<i32>} : memref<128xi32, #tpu.memory_space<vmem>>, vector<16xi32>,
    %swap3A_477 = vector.shape_cast %swap3A_476 : vector<16xi32> to vector<16xi32>
    %swap3A_478 = vector.shape_cast %add3A_474 : vector<16xi32> to vector<16xi32>
    tpu.vector_store %arg12[%swap3A_475], %swap3A_478 {strides = array<i32>} : memref<128xi32, #tpu.memory_space<vmem>>, vector<16xi32>,
    %get3A_479 = arith.constant 16 : index
    %get3A_480 = tpu.vector_load %arg12[%get3A_479] {strides = array<i32>} : memref<128xi32, #tpu.memory_space<vmem>>, vector<16xi32>,
    %get3A_481 = vector.shape_cast %get3A_480 : vector<16xi32> to vector<16xi32>
    %mul3A_482 = arith.constant 8192 : i32
    %mul3A_483 = vector.broadcast %mul3A_482 : i32 to vector<16xi32>
    %mul3A_484 = arith.muli %get3A_481, %mul3A_483 : vector<16xi32>
    %get3A_485 = arith.constant 16 : index
    %get3A_486 = tpu.vector_load %arg13[%get3A_485] {strides = array<i32>} : memref<128xi32, #tpu.memory_space<vmem>>, vector<16xi32>,
    %get3A_487 = vector.shape_cast %get3A_486 : vector<16xi32> to vector<16xi32>
    %add3A_488 = arith.addi %mul3A_484, %get3A_487 : vector<16xi32>
    %swap3A_489 = arith.constant 16 : index
    %swap3A_490 = tpu.vector_load %arg12[%swap3A_489] {strides = array<i32>} : memref<128xi32, #tpu.memory_space<vmem>>, vector<16xi32>,
    %swap3A_491 = vector.shape_cast %swap3A_490 : vector<16xi32> to vector<16xi32>
    %swap3A_492 = vector.shape_cast %add3A_488 : vector<16xi32> to vector<16xi32>
    tpu.vector_store %arg12[%swap3A_489], %swap3A_492 {strides = array<i32>} : memref<128xi32, #tpu.memory_space<vmem>>, vector<16xi32>,
    %get3A_493 = arith.constant 32 : index
    %get3A_494 = tpu.vector_load %arg12[%get3A_493] {strides = array<i32>} : memref<128xi32, #tpu.memory_space<vmem>>, vector<16xi32>,
    %get3A_495 = vector.shape_cast %get3A_494 : vector<16xi32> to vector<16xi32>
    %mul3A_496 = arith.constant 8192 : i32
    %mul3A_497 = vector.broadcast %mul3A_496 : i32 to vector<16xi32>
    %mul3A_498 = arith.muli %get3A_495, %mul3A_497 : vector<16xi32>
    %get3A_499 = arith.constant 32 : index
    %get3A_500 = tpu.vector_load %arg13[%get3A_499] {strides = array<i32>} : memref<128xi32, #tpu.memory_space<vmem>>, vector<16xi32>,
    %get3A_501 = vector.shape_cast %get3A_500 : vector<16xi32> to vector<16xi32>
    %add3A_502 = arith.addi %mul3A_498, %get3A_501 : vector<16xi32>
    %swap3A_503 = arith.constant 32 : index
    %swap3A_504 = tpu.vector_load %arg12[%swap3A_503] {strides = array<i32>} : memref<128xi32, #tpu.memory_space<vmem>>, vector<16xi32>,
    %swap3A_505 = vector.shape_cast %swap3A_504 : vector<16xi32> to vector<16xi32>
    %swap3A_506 = vector.shape_cast %add3A_502 : vector<16xi32> to vector<16xi32>
    tpu.vector_store %arg12[%swap3A_503], %swap3A_506 {strides = array<i32>} : memref<128xi32, #tpu.memory_space<vmem>>, vector<16xi32>,
    %get3A_507 = arith.constant 48 : index
    %get3A_508 = tpu.vector_load %arg12[%get3A_507] {strides = array<i32>} : memref<128xi32, #tpu.memory_space<vmem>>, vector<16xi32>,
    %get3A_509 = vector.shape_cast %get3A_508 : vector<16xi32> to vector<16xi32>
    %mul3A_510 = arith.constant 8192 : i32
    %mul3A_511 = vector.broadcast %mul3A_510 : i32 to vector<16xi32>
    %mul3A_512 = arith.muli %get3A_509, %mul3A_511 : vector<16xi32>
    %get3A_513 = arith.constant 48 : index
    %get3A_514 = tpu.vector_load %arg13[%get3A_513] {strides = array<i32>} : memref<128xi32, #tpu.memory_space<vmem>>, vector<16xi32>,
    %get3A_515 = vector.shape_cast %get3A_514 : vector<16xi32> to vector<16xi32>
    %add3A_516 = arith.addi %mul3A_512, %get3A_515 : vector<16xi32>
    %swap3A_517 = arith.constant 48 : index
    %swap3A_518 = tpu.vector_load %arg12[%swap3A_517] {strides = array<i32>} : memref<128xi32, #tpu.memory_space<vmem>>, vector<16xi32>,
    %swap3A_519 = vector.shape_cast %swap3A_518 : vector<16xi32> to vector<16xi32>
    %swap3A_520 = vector.shape_cast %add3A_516 : vector<16xi32> to vector<16xi32>
    tpu.vector_store %arg12[%swap3A_517], %swap3A_520 {strides = array<i32>} : memref<128xi32, #tpu.memory_space<vmem>>, vector<16xi32>,
    %get3A_521 = arith.constant 64 : index
    %get3A_522 = tpu.vector_load %arg12[%get3A_521] {strides = array<i32>} : memref<128xi32, #tpu.memory_space<vmem>>, vector<16xi32>,
    %get3A_523 = vector.shape_cast %get3A_522 : vector<16xi32> to vector<16xi32>
    %mul3A_524 = arith.constant 8192 : i32
    %mul3A_525 = vector.broadcast %mul3A_524 : i32 to vector<16xi32>
    %mul3A_526 = arith.muli %get3A_523, %mul3A_525 : vector<16xi32>
    %get3A_527 = arith.constant 64 : index
    %get3A_528 = tpu.vector_load %arg13[%get3A_527] {strides = array<i32>} : memref<128xi32, #tpu.memory_space<vmem>>, vector<16xi32>,
    %get3A_529 = vector.shape_cast %get3A_528 : vector<16xi32> to vector<16xi32>
    %add3A_530 = arith.addi %mul3A_526, %get3A_529 : vector<16xi32>
    %swap3A_531 = arith.constant 64 : index
    %swap3A_532 = tpu.vector_load %arg12[%swap3A_531] {strides = array<i32>} : memref<128xi32, #tpu.memory_space<vmem>>, vector<16xi32>,
    %swap3A_533 = vector.shape_cast %swap3A_532 : vector<16xi32> to vector<16xi32>
    %swap3A_534 = vector.shape_cast %add3A_530 : vector<16xi32> to vector<16xi32>
    tpu.vector_store %arg12[%swap3A_531], %swap3A_534 {strides = array<i32>} : memref<128xi32, #tpu.memory_space<vmem>>, vector<16xi32>,
    %get3A_535 = arith.constant 80 : index
    %get3A_536 = tpu.vector_load %arg12[%get3A_535] {strides = array<i32>} : memref<128xi32, #tpu.memory_space<vmem>>, vector<16xi32>,
    %get3A_537 = vector.shape_cast %get3A_536 : vector<16xi32> to vector<16xi32>
    %mul3A_538 = arith.constant 8192 : i32
    %mul3A_539 = vector.broadcast %mul3A_538 : i32 to vector<16xi32>
    %mul3A_540 = arith.muli %get3A_537, %mul3A_539 : vector<16xi32>
    %get3A_541 = arith.constant 80 : index
    %get3A_542 = tpu.vector_load %arg13[%get3A_541] {strides = array<i32>} : memref<128xi32, #tpu.memory_space<vmem>>, vector<16xi32>,
    %get3A_543 = vector.shape_cast %get3A_542 : vector<16xi32> to vector<16xi32>
    %add3A_544 = arith.addi %mul3A_540, %get3A_543 : vector<16xi32>
    %swap3A_545 = arith.constant 80 : index
    %swap3A_546 = tpu.vector_load %arg12[%swap3A_545] {strides = array<i32>} : memref<128xi32, #tpu.memory_space<vmem>>, vector<16xi32>,
    %swap3A_547 = vector.shape_cast %swap3A_546 : vector<16xi32> to vector<16xi32>
    %swap3A_548 = vector.shape_cast %add3A_544 : vector<16xi32> to vector<16xi32>
    tpu.vector_store %arg12[%swap3A_545], %swap3A_548 {strides = array<i32>} : memref<128xi32, #tpu.memory_space<vmem>>, vector<16xi32>,
    %get3A_549 = arith.constant 96 : index
    %get3A_550 = tpu.vector_load %arg12[%get3A_549] {strides = array<i32>} : memref<128xi32, #tpu.memory_space<vmem>>, vector<16xi32>,
    %get3A_551 = vector.shape_cast %get3A_550 : vector<16xi32> to vector<16xi32>
    %mul3A_552 = arith.constant 8192 : i32
    %mul3A_553 = vector.broadcast %mul3A_552 : i32 to vector<16xi32>
    %mul3A_554 = arith.muli %get3A_551, %mul3A_553 : vector<16xi32>
    %get3A_555 = arith.constant 96 : index
    %get3A_556 = tpu.vector_load %arg13[%get3A_555] {strides = array<i32>} : memref<128xi32, #tpu.memory_space<vmem>>, vector<16xi32>,
    %get3A_557 = vector.shape_cast %get3A_556 : vector<16xi32> to vector<16xi32>
    %add3A_558 = arith.addi %mul3A_554, %get3A_557 : vector<16xi32>
    %swap3A_559 = arith.constant 96 : index
    %swap3A_560 = tpu.vector_load %arg12[%swap3A_559] {strides = array<i32>} : memref<128xi32, #tpu.memory_space<vmem>>, vector<16xi32>,
    %swap3A_561 = vector.shape_cast %swap3A_560 : vector<16xi32> to vector<16xi32>
    %swap3A_562 = vector.shape_cast %add3A_558 : vector<16xi32> to vector<16xi32>
    tpu.vector_store %arg12[%swap3A_559], %swap3A_562 {strides = array<i32>} : memref<128xi32, #tpu.memory_space<vmem>>, vector<16xi32>,
    %get3A_563 = arith.constant 112 : index
    %get3A_564 = tpu.vector_load %arg12[%get3A_563] {strides = array<i32>} : memref<128xi32, #tpu.memory_space<vmem>>, vector<16xi32>,
    %get3A_565 = vector.shape_cast %get3A_564 : vector<16xi32> to vector<16xi32>
    %mul3A_566 = arith.constant 8192 : i32
    %mul3A_567 = vector.broadcast %mul3A_566 : i32 to vector<16xi32>
    %mul3A_568 = arith.muli %get3A_565, %mul3A_567 : vector<16xi32>
    %get3A_569 = arith.constant 112 : index
    %get3A_570 = tpu.vector_load %arg13[%get3A_569] {strides = array<i32>} : memref<128xi32, #tpu.memory_space<vmem>>, vector<16xi32>,
    %get3A_571 = vector.shape_cast %get3A_570 : vector<16xi32> to vector<16xi32>
    %add3A_572 = arith.addi %mul3A_568, %get3A_571 : vector<16xi32>
    %swap3A_573 = arith.constant 112 : index
    %swap3A_574 = tpu.vector_load %arg12[%swap3A_573] {strides = array<i32>} : memref<128xi32, #tpu.memory_space<vmem>>, vector<16xi32>,
    %swap3A_575 = vector.shape_cast %swap3A_574 : vector<16xi32> to vector<16xi32>
    %swap3A_576 = vector.shape_cast %add3A_572 : vector<16xi32> to vector<16xi32>
    tpu.vector_store %arg12[%swap3A_573], %swap3A_576 {strides = array<i32>} : memref<128xi32, #tpu.memory_space<vmem>>, vector<16xi32>,
    %dma_start3A_577 = arith.constant 0 : i32
    %dma_start3A_578 = arith.constant 0 : i32
    %dma_start3A_579 = tpu.memref_slice %arg2[%dma_start3A_577, %dma_start3A_578] : memref<65536x128xf32, #tpu.memory_space<hbm>> -> memref<65536x128xf32, #tpu.memory_space<hbm>>
    tpu.enqueue_indirect_dma source(%dma_start3A_579 : memref<65536x128xf32, #tpu.memory_space<hbm>>) target(%arg15 : memref<128x128xf32, #tpu.memory_space<vmem>>) offsets(%arg12 : memref<128xi32, #tpu.memory_space<vmem>>) semaphore(%arg17 : memref<!tpu.dma_semaphore, #tpu.memory_space<semaphore_mem>>)
    %scan3A_580 = arith.constant 0 : i32
    %scan3A_581 = arith.constant 40 : i32
    %scan3A_582 = arith.addi %scan3A_580, %scan3A_581 : i32
    %scan3A_583 = arith.constant 1 : i32
    scf.for %scan3A_1683 = %scan3A_580 to %scan3A_582 step %scan3A_583  : i32 {
      %mul3A_1684 = arith.constant 1 : i32
      %mul3A_1685 = arith.muli %scan3A_1683, %mul3A_1684 : i32
      %add3A_1686 = arith.constant 0 : i32
      %add3A_1687 = arith.addi %add3A_1686, %mul3A_1685 : i32
      %mul3A_1688 = arith.constant 2 : i32
      %mul3A_1689 = arith.muli %mul3A_1688, %add3A_1687 : i32
      %dma_wait3A_1690 = arith.constant 0 : i32
      %dma_wait3A_1691 = arith.constant 0 : i32
      %dma_wait3A_1692 = tpu.memref_slice %arg2[%dma_wait3A_1690, %dma_wait3A_1691] : memref<65536x128xf32, #tpu.memory_space<hbm>> -> memref<128x128xf32, #tpu.memory_space<hbm>>
      %dma_wait3A_1693 = arith.constant 0 : i32
      %dma_wait3A_1694 = arith.constant 0 : i32
      %dma_wait3A_1695 = tpu.memref_slice %arg2[%dma_wait3A_1693, %dma_wait3A_1694] : memref<65536x128xf32, #tpu.memory_space<hbm>> -> memref<128x128xf32, #tpu.memory_space<hbm>>
      tpu.wait_dma2 semaphore(%arg17 : memref<!tpu.dma_semaphore, #tpu.memory_space<semaphore_mem>>) src(%dma_wait3A_1695 : memref<128x128xf32, #tpu.memory_space<hbm>>) dst(%arg11 : memref<128x128xf32, #tpu.memory_space<vmem>>)
      "tpu.region"() ({
        %run_scoped3A = tpu.sem_alloc : memref<!tpu.dma_semaphore, #tpu.memory_space<semaphore_mem>>
        %dma_start3A_1942 = arith.constant 0 : i32
        %dma_start3A_1943 = arith.constant 0 : i32
        %dma_start3A_1944 = tpu.memref_slice %arg16[%dma_start3A_1942, %dma_start3A_1943] : memref<10240x128xf32, #tpu.memory_space<vmem_shared>> -> memref<10240x128xf32, #tpu.memory_space<vmem_shared>>
        tpu.enqueue_indirect_dma source(%arg11 : memref<128x128xf32, #tpu.memory_space<vmem>>) target(%dma_start3A_1944 : memref<10240x128xf32, #tpu.memory_space<vmem_shared>>) offsets(%arg10 : memref<128xi32, #tpu.memory_space<vmem>>) semaphore(%run_scoped3A : memref<!tpu.dma_semaphore, #tpu.memory_space<semaphore_mem>>) {add = true}
        %dma_wait3A_1945 = arith.constant 0 : i32
        %dma_wait3A_1946 = arith.constant 0 : i32
        %dma_wait3A_1947 = tpu.memref_slice %arg16[%dma_wait3A_1945, %dma_wait3A_1946] : memref<10240x128xf32, #tpu.memory_space<vmem_shared>> -> memref<10240x128xf32, #tpu.memory_space<vmem_shared>>
        tpu.wait_indirect_dma semaphore(%run_scoped3A : memref<!tpu.dma_semaphore, #tpu.memory_space<semaphore_mem>>) src(%arg11 : memref<128x128xf32, #tpu.memory_space<vmem>>) dst(%dma_wait3A_1947 : memref<10240x128xf32, #tpu.memory_space<vmem_shared>>)
        tpu.yield
      }) : () -> ()
      %add3A_1696 = arith.addi %mul3A_2, %mul3A_1689 : i32
      %add3A_1697 = arith.constant 0 : i32
      %add3A_1698 = arith.addi %add3A_1696, %add3A_1697 : i32
      %add3A_1699 = arith.constant 2 : i32
      %add3A_1700 = arith.addi %add3A_1698, %add3A_1699 : i32
      "tpu.region"() ({
        %run_scoped3A = tpu.sem_alloc : memref<!tpu.dma_semaphore, #tpu.memory_space<semaphore_mem>>
        %dma_start3A_1942 = arith.constant 0 : i32
        %dma_start3A_1943 = tpu.memref_slice %arg3[%add3A_1700, %dma_start3A_1942] : memref<2562x128xi32, #tpu.memory_space<hbm>> -> memref<1x128xi32, #tpu.memory_space<hbm>>
        %dma_start3A_1944 = tpu.memref_squeeze %dma_start3A_1943 : memref<1x128xi32, #tpu.memory_space<hbm>> -> memref<128xi32, #tpu.memory_space<hbm>>
        %dma_start3A_1945 = arith.constant 0 : i32
        %dma_start3A_1946 = tpu.memref_slice %arg3[%add3A_1700, %dma_start3A_1945] : memref<2562x128xi32, #tpu.memory_space<hbm>> -> memref<1x128xi32, #tpu.memory_space<hbm>>
        %dma_start3A_1947 = tpu.memref_squeeze %dma_start3A_1946 : memref<1x128xi32, #tpu.memory_space<hbm>> -> memref<128xi32, #tpu.memory_space<hbm>>
        tpu.enqueue_dma source(%dma_start3A_1947 : memref<128xi32, #tpu.memory_space<hbm>>) target(%arg8 : memref<128xi32, #tpu.memory_space<vmem>>) target_semaphore(%run_scoped3A : memref<!tpu.dma_semaphore, #tpu.memory_space<semaphore_mem>>)
        %dma_wait3A_1948 = arith.constant 0 : i32
        %dma_wait3A_1949 = tpu.memref_slice %arg3[%add3A_1700, %dma_wait3A_1948] : memref<2562x128xi32, #tpu.memory_space<hbm>> -> memref<1x128xi32, #tpu.memory_space<hbm>>
        %dma_wait3A_1950 = tpu.memref_squeeze %dma_wait3A_1949 : memref<1x128xi32, #tpu.memory_space<hbm>> -> memref<128xi32, #tpu.memory_space<hbm>>
        %dma_wait3A_1951 = arith.constant 0 : i32
        %dma_wait3A_1952 = tpu.memref_slice %arg3[%add3A_1700, %dma_wait3A_1951] : memref<2562x128xi32, #tpu.memory_space<hbm>> -> memref<1x128xi32, #tpu.memory_space<hbm>>
        %dma_wait3A_1953 = tpu.memref_squeeze %dma_wait3A_1952 : memref<1x128xi32, #tpu.memory_space<hbm>> -> memref<128xi32, #tpu.memory_space<hbm>>
        tpu.wait_dma2 semaphore(%run_scoped3A : memref<!tpu.dma_semaphore, #tpu.memory_space<semaphore_mem>>) src(%dma_wait3A_1953 : memref<128xi32, #tpu.memory_space<hbm>>) dst(%arg8 : memref<128xi32, #tpu.memory_space<vmem>>)
        tpu.yield
      }) : () -> ()
      "tpu.region"() ({
        %run_scoped3A = tpu.sem_alloc : memref<!tpu.dma_semaphore, #tpu.memory_space<semaphore_mem>>
        %dma_start3A_1942 = arith.constant 0 : i32
        %dma_start3A_1943 = tpu.memref_slice %arg4[%add3A_1700, %dma_start3A_1942] : memref<2562x128xi32, #tpu.memory_space<hbm>> -> memref<1x128xi32, #tpu.memory_space<hbm>>
        %dma_start3A_1944 = tpu.memref_squeeze %dma_start3A_1943 : memref<1x128xi32, #tpu.memory_space<hbm>> -> memref<128xi32, #tpu.memory_space<hbm>>
        %dma_start3A_1945 = arith.constant 0 : i32
        %dma_start3A_1946 = tpu.memref_slice %arg4[%add3A_1700, %dma_start3A_1945] : memref<2562x128xi32, #tpu.memory_space<hbm>> -> memref<1x128xi32, #tpu.memory_space<hbm>>
        %dma_start3A_1947 = tpu.memref_squeeze %dma_start3A_1946 : memref<1x128xi32, #tpu.memory_space<hbm>> -> memref<128xi32, #tpu.memory_space<hbm>>
        tpu.enqueue_dma source(%dma_start3A_1947 : memref<128xi32, #tpu.memory_space<hbm>>) target(%arg9 : memref<128xi32, #tpu.memory_space<vmem>>) target_semaphore(%run_scoped3A : memref<!tpu.dma_semaphore, #tpu.memory_space<semaphore_mem>>)
        %dma_wait3A_1948 = arith.constant 0 : i32
        %dma_wait3A_1949 = tpu.memref_slice %arg4[%add3A_1700, %dma_wait3A_1948] : memref<2562x128xi32, #tpu.memory_space<hbm>> -> memref<1x128xi32, #tpu.memory_space<hbm>>
        %dma_wait3A_1950 = tpu.memref_squeeze %dma_wait3A_1949 : memref<1x128xi32, #tpu.memory_space<hbm>> -> memref<128xi32, #tpu.memory_space<hbm>>
        %dma_wait3A_1951 = arith.constant 0 : i32
        %dma_wait3A_1952 = tpu.memref_slice %arg4[%add3A_1700, %dma_wait3A_1951] : memref<2562x128xi32, #tpu.memory_space<hbm>> -> memref<1x128xi32, #tpu.memory_space<hbm>>
        %dma_wait3A_1953 = tpu.memref_squeeze %dma_wait3A_1952 : memref<1x128xi32, #tpu.memory_space<hbm>> -> memref<128xi32, #tpu.memory_space<hbm>>
        tpu.wait_dma2 semaphore(%run_scoped3A : memref<!tpu.dma_semaphore, #tpu.memory_space<semaphore_mem>>) src(%dma_wait3A_1953 : memref<128xi32, #tpu.memory_space<hbm>>) dst(%arg9 : memref<128xi32, #tpu.memory_space<vmem>>)
        tpu.yield
      }) : () -> ()
      "tpu.region"() ({
        %run_scoped3A = tpu.sem_alloc : memref<!tpu.dma_semaphore, #tpu.memory_space<semaphore_mem>>
        %dma_start3A_1942 = arith.constant 0 : i32
        %dma_start3A_1943 = tpu.memref_slice %arg5[%add3A_1700, %dma_start3A_1942] : memref<2562x128xi32, #tpu.memory_space<hbm>> -> memref<1x128xi32, #tpu.memory_space<hbm>>
        %dma_start3A_1944 = tpu.memref_squeeze %dma_start3A_1943 : memref<1x128xi32, #tpu.memory_space<hbm>> -> memref<128xi32, #tpu.memory_space<hbm>>
        %dma_start3A_1945 = arith.constant 0 : i32
        %dma_start3A_1946 = tpu.memref_slice %arg5[%add3A_1700, %dma_start3A_1945] : memref<2562x128xi32, #tpu.memory_space<hbm>> -> memref<1x128xi32, #tpu.memory_space<hbm>>
        %dma_start3A_1947 = tpu.memref_squeeze %dma_start3A_1946 : memref<1x128xi32, #tpu.memory_space<hbm>> -> memref<128xi32, #tpu.memory_space<hbm>>
        tpu.enqueue_dma source(%dma_start3A_1947 : memref<128xi32, #tpu.memory_space<hbm>>) target(%arg10 : memref<128xi32, #tpu.memory_space<vmem>>) target_semaphore(%run_scoped3A : memref<!tpu.dma_semaphore, #tpu.memory_space<semaphore_mem>>)
        %dma_wait3A_1948 = arith.constant 0 : i32
        %dma_wait3A_1949 = tpu.memref_slice %arg5[%add3A_1700, %dma_wait3A_1948] : memref<2562x128xi32, #tpu.memory_space<hbm>> -> memref<1x128xi32, #tpu.memory_space<hbm>>
        %dma_wait3A_1950 = tpu.memref_squeeze %dma_wait3A_1949 : memref<1x128xi32, #tpu.memory_space<hbm>> -> memref<128xi32, #tpu.memory_space<hbm>>
        %dma_wait3A_1951 = arith.constant 0 : i32
        %dma_wait3A_1952 = tpu.memref_slice %arg5[%add3A_1700, %dma_wait3A_1951] : memref<2562x128xi32, #tpu.memory_space<hbm>> -> memref<1x128xi32, #tpu.memory_space<hbm>>
        %dma_wait3A_1953 = tpu.memref_squeeze %dma_wait3A_1952 : memref<1x128xi32, #tpu.memory_space<hbm>> -> memref<128xi32, #tpu.memory_space<hbm>>
        tpu.wait_dma2 semaphore(%run_scoped3A : memref<!tpu.dma_semaphore, #tpu.memory_space<semaphore_mem>>) src(%dma_wait3A_1953 : memref<128xi32, #tpu.memory_space<hbm>>) dst(%arg10 : memref<128xi32, #tpu.memory_space<vmem>>)
        tpu.yield
      }) : () -> ()
      %get3A_1701 = arith.constant 0 : index
      %get3A_1702 = tpu.vector_load %arg8[%get3A_1701] {strides = array<i32>} : memref<128xi32, #tpu.memory_space<vmem>>, vector<16xi32>,
      %get3A_1703 = vector.shape_cast %get3A_1702 : vector<16xi32> to vector<16xi32>
      %mul3A_1704 = arith.constant 8192 : i32
      %mul3A_1705 = vector.broadcast %mul3A_1704 : i32 to vector<16xi32>
      %mul3A_1706 = arith.muli %get3A_1703, %mul3A_1705 : vector<16xi32>
      %get3A_1707 = arith.constant 0 : index
      %get3A_1708 = tpu.vector_load %arg9[%get3A_1707] {strides = array<i32>} : memref<128xi32, #tpu.memory_space<vmem>>, vector<16xi32>,
      %get3A_1709 = vector.shape_cast %get3A_1708 : vector<16xi32> to vector<16xi32>
      %add3A_1710 = arith.addi %mul3A_1706, %get3A_1709 : vector<16xi32>
      %swap3A_1711 = arith.constant 0 : index
      %swap3A_1712 = tpu.vector_load %arg8[%swap3A_1711] {strides = array<i32>} : memref<128xi32, #tpu.memory_space<vmem>>, vector<16xi32>,
      %swap3A_1713 = vector.shape_cast %swap3A_1712 : vector<16xi32> to vector<16xi32>
      %swap3A_1714 = vector.shape_cast %add3A_1710 : vector<16xi32> to vector<16xi32>
      tpu.vector_store %arg8[%swap3A_1711], %swap3A_1714 {strides = array<i32>} : memref<128xi32, #tpu.memory_space<vmem>>, vector<16xi32>,
      %get3A_1715 = arith.constant 16 : index
      %get3A_1716 = tpu.vector_load %arg8[%get3A_1715] {strides = array<i32>} : memref<128xi32, #tpu.memory_space<vmem>>, vector<16xi32>,
      %get3A_1717 = vector.shape_cast %get3A_1716 : vector<16xi32> to vector<16xi32>
      %mul3A_1718 = arith.constant 8192 : i32
      %mul3A_1719 = vector.broadcast %mul3A_1718 : i32 to vector<16xi32>
      %mul3A_1720 = arith.muli %get3A_1717, %mul3A_1719 : vector<16xi32>
      %get3A_1721 = arith.constant 16 : index
      %get3A_1722 = tpu.vector_load %arg9[%get3A_1721] {strides = array<i32>} : memref<128xi32, #tpu.memory_space<vmem>>, vector<16xi32>,
      %get3A_1723 = vector.shape_cast %get3A_1722 : vector<16xi32> to vector<16xi32>
      %add3A_1724 = arith.addi %mul3A_1720, %get3A_1723 : vector<16xi32>
      %swap3A_1725 = arith.constant 16 : index
      %swap3A_1726 = tpu.vector_load %arg8[%swap3A_1725] {strides = array<i32>} : memref<128xi32, #tpu.memory_space<vmem>>, vector<16xi32>,
      %swap3A_1727 = vector.shape_cast %swap3A_1726 : vector<16xi32> to vector<16xi32>
      %swap3A_1728 = vector.shape_cast %add3A_1724 : vector<16xi32> to vector<16xi32>
      tpu.vector_store %arg8[%swap3A_1725], %swap3A_1728 {strides = array<i32>} : memref<128xi32, #tpu.memory_space<vmem>>, vector<16xi32>,
      %get3A_1729 = arith.constant 32 : index
      %get3A_1730 = tpu.vector_load %arg8[%get3A_1729] {strides = array<i32>} : memref<128xi32, #tpu.memory_space<vmem>>, vector<16xi32>,
      %get3A_1731 = vector.shape_cast %get3A_1730 : vector<16xi32> to vector<16xi32>
      %mul3A_1732 = arith.constant 8192 : i32
      %mul3A_1733 = vector.broadcast %mul3A_1732 : i32 to vector<16xi32>
      %mul3A_1734 = arith.muli %get3A_1731, %mul3A_1733 : vector<16xi32>
      %get3A_1735 = arith.constant 32 : index
      %get3A_1736 = tpu.vector_load %arg9[%get3A_1735] {strides = array<i32>} : memref<128xi32, #tpu.memory_space<vmem>>, vector<16xi32>,
      %get3A_1737 = vector.shape_cast %get3A_1736 : vector<16xi32> to vector<16xi32>
      %add3A_1738 = arith.addi %mul3A_1734, %get3A_1737 : vector<16xi32>
      %swap3A_1739 = arith.constant 32 : index
      %swap3A_1740 = tpu.vector_load %arg8[%swap3A_1739] {strides = array<i32>} : memref<128xi32, #tpu.memory_space<vmem>>, vector<16xi32>,
      %swap3A_1741 = vector.shape_cast %swap3A_1740 : vector<16xi32> to vector<16xi32>
      %swap3A_1742 = vector.shape_cast %add3A_1738 : vector<16xi32> to vector<16xi32>
      tpu.vector_store %arg8[%swap3A_1739], %swap3A_1742 {strides = array<i32>} : memref<128xi32, #tpu.memory_space<vmem>>, vector<16xi32>,
      %get3A_1743 = arith.constant 48 : index
      %get3A_1744 = tpu.vector_load %arg8[%get3A_1743] {strides = array<i32>} : memref<128xi32, #tpu.memory_space<vmem>>, vector<16xi32>,
      %get3A_1745 = vector.shape_cast %get3A_1744 : vector<16xi32> to vector<16xi32>
      %mul3A_1746 = arith.constant 8192 : i32
      %mul3A_1747 = vector.broadcast %mul3A_1746 : i32 to vector<16xi32>
      %mul3A_1748 = arith.muli %get3A_1745, %mul3A_1747 : vector<16xi32>
      %get3A_1749 = arith.constant 48 : index
      %get3A_1750 = tpu.vector_load %arg9[%get3A_1749] {strides = array<i32>} : memref<128xi32, #tpu.memory_space<vmem>>, vector<16xi32>,
      %get3A_1751 = vector.shape_cast %get3A_1750 : vector<16xi32> to vector<16xi32>
      %add3A_1752 = arith.addi %mul3A_1748, %get3A_1751 : vector<16xi32>
      %swap3A_1753 = arith.constant 48 : index
      %swap3A_1754 = tpu.vector_load %arg8[%swap3A_1753] {strides = array<i32>} : memref<128xi32, #tpu.memory_space<vmem>>, vector<16xi32>,
      %swap3A_1755 = vector.shape_cast %swap3A_1754 : vector<16xi32> to vector<16xi32>
      %swap3A_1756 = vector.shape_cast %add3A_1752 : vector<16xi32> to vector<16xi32>
      tpu.vector_store %arg8[%swap3A_1753], %swap3A_1756 {strides = array<i32>} : memref<128xi32, #tpu.memory_space<vmem>>, vector<16xi32>,
      %get3A_1757 = arith.constant 64 : index
      %get3A_1758 = tpu.vector_load %arg8[%get3A_1757] {strides = array<i32>} : memref<128xi32, #tpu.memory_space<vmem>>, vector<16xi32>,
      %get3A_1759 = vector.shape_cast %get3A_1758 : vector<16xi32> to vector<16xi32>
      %mul3A_1760 = arith.constant 8192 : i32
      %mul3A_1761 = vector.broadcast %mul3A_1760 : i32 to vector<16xi32>
      %mul3A_1762 = arith.muli %get3A_1759, %mul3A_1761 : vector<16xi32>
      %get3A_1763 = arith.constant 64 : index
      %get3A_1764 = tpu.vector_load %arg9[%get3A_1763] {strides = array<i32>} : memref<128xi32, #tpu.memory_space<vmem>>, vector<16xi32>,
      %get3A_1765 = vector.shape_cast %get3A_1764 : vector<16xi32> to vector<16xi32>
      %add3A_1766 = arith.addi %mul3A_1762, %get3A_1765 : vector<16xi32>
      %swap3A_1767 = arith.constant 64 : index
      %swap3A_1768 = tpu.vector_load %arg8[%swap3A_1767] {strides = array<i32>} : memref<128xi32, #tpu.memory_space<vmem>>, vector<16xi32>,
      %swap3A_1769 = vector.shape_cast %swap3A_1768 : vector<16xi32> to vector<16xi32>
      %swap3A_1770 = vector.shape_cast %add3A_1766 : vector<16xi32> to vector<16xi32>
      tpu.vector_store %arg8[%swap3A_1767], %swap3A_1770 {strides = array<i32>} : memref<128xi32, #tpu.memory_space<vmem>>, vector<16xi32>,
      %get3A_1771 = arith.constant 80 : index
      %get3A_1772 = tpu.vector_load %arg8[%get3A_1771] {strides = array<i32>} : memref<128xi32, #tpu.memory_space<vmem>>, vector<16xi32>,
      %get3A_1773 = vector.shape_cast %get3A_1772 : vector<16xi32> to vector<16xi32>
      %mul3A_1774 = arith.constant 8192 : i32
      %mul3A_1775 = vector.broadcast %mul3A_1774 : i32 to vector<16xi32>
      %mul3A_1776 = arith.muli %get3A_1773, %mul3A_1775 : vector<16xi32>
      %get3A_1777 = arith.constant 80 : index
      %get3A_1778 = tpu.vector_load %arg9[%get3A_1777] {strides = array<i32>} : memref<128xi32, #tpu.memory_space<vmem>>, vector<16xi32>,
      %get3A_1779 = vector.shape_cast %get3A_1778 : vector<16xi32> to vector<16xi32>
      %add3A_1780 = arith.addi %mul3A_1776, %get3A_1779 : vector<16xi32>
      %swap3A_1781 = arith.constant 80 : index
      %swap3A_1782 = tpu.vector_load %arg8[%swap3A_1781] {strides = array<i32>} : memref<128xi32, #tpu.memory_space<vmem>>, vector<16xi32>,
      %swap3A_1783 = vector.shape_cast %swap3A_1782 : vector<16xi32> to vector<16xi32>
      %swap3A_1784 = vector.shape_cast %add3A_1780 : vector<16xi32> to vector<16xi32>
      tpu.vector_store %arg8[%swap3A_1781], %swap3A_1784 {strides = array<i32>} : memref<128xi32, #tpu.memory_space<vmem>>, vector<16xi32>,
      %get3A_1785 = arith.constant 96 : index
      %get3A_1786 = tpu.vector_load %arg8[%get3A_1785] {strides = array<i32>} : memref<128xi32, #tpu.memory_space<vmem>>, vector<16xi32>,
      %get3A_1787 = vector.shape_cast %get3A_1786 : vector<16xi32> to vector<16xi32>
      %mul3A_1788 = arith.constant 8192 : i32
      %mul3A_1789 = vector.broadcast %mul3A_1788 : i32 to vector<16xi32>
      %mul3A_1790 = arith.muli %get3A_1787, %mul3A_1789 : vector<16xi32>
      %get3A_1791 = arith.constant 96 : index
      %get3A_1792 = tpu.vector_load %arg9[%get3A_1791] {strides = array<i32>} : memref<128xi32, #tpu.memory_space<vmem>>, vector<16xi32>,
      %get3A_1793 = vector.shape_cast %get3A_1792 : vector<16xi32> to vector<16xi32>
      %add3A_1794 = arith.addi %mul3A_1790, %get3A_1793 : vector<16xi32>
      %swap3A_1795 = arith.constant 96 : index
      %swap3A_1796 = tpu.vector_load %arg8[%swap3A_1795] {strides = array<i32>} : memref<128xi32, #tpu.memory_space<vmem>>, vector<16xi32>,
      %swap3A_1797 = vector.shape_cast %swap3A_1796 : vector<16xi32> to vector<16xi32>
      %swap3A_1798 = vector.shape_cast %add3A_1794 : vector<16xi32> to vector<16xi32>
      tpu.vector_store %arg8[%swap3A_1795], %swap3A_1798 {strides = array<i32>} : memref<128xi32, #tpu.memory_space<vmem>>, vector<16xi32>,
      %get3A_1799 = arith.constant 112 : index
      %get3A_1800 = tpu.vector_load %arg8[%get3A_1799] {strides = array<i32>} : memref<128xi32, #tpu.memory_space<vmem>>, vector<16xi32>,
      %get3A_1801 = vector.shape_cast %get3A_1800 : vector<16xi32> to vector<16xi32>
      %mul3A_1802 = arith.constant 8192 : i32
      %mul3A_1803 = vector.broadcast %mul3A_1802 : i32 to vector<16xi32>
      %mul3A_1804 = arith.muli %get3A_1801, %mul3A_1803 : vector<16xi32>
      %get3A_1805 = arith.constant 112 : index
      %get3A_1806 = tpu.vector_load %arg9[%get3A_1805] {strides = array<i32>} : memref<128xi32, #tpu.memory_space<vmem>>, vector<16xi32>,
      %get3A_1807 = vector.shape_cast %get3A_1806 : vector<16xi32> to vector<16xi32>
      %add3A_1808 = arith.addi %mul3A_1804, %get3A_1807 : vector<16xi32>
      %swap3A_1809 = arith.constant 112 : index
      %swap3A_1810 = tpu.vector_load %arg8[%swap3A_1809] {strides = array<i32>} : memref<128xi32, #tpu.memory_space<vmem>>, vector<16xi32>,
      %swap3A_1811 = vector.shape_cast %swap3A_1810 : vector<16xi32> to vector<16xi32>
      %swap3A_1812 = vector.shape_cast %add3A_1808 : vector<16xi32> to vector<16xi32>
      tpu.vector_store %arg8[%swap3A_1809], %swap3A_1812 {strides = array<i32>} : memref<128xi32, #tpu.memory_space<vmem>>, vector<16xi32>,
      %dma_start3A_1813 = arith.constant 0 : i32
      %dma_start3A_1814 = arith.constant 0 : i32
      %dma_start3A_1815 = tpu.memref_slice %arg2[%dma_start3A_1813, %dma_start3A_1814] : memref<65536x128xf32, #tpu.memory_space<hbm>> -> memref<65536x128xf32, #tpu.memory_space<hbm>>
      tpu.enqueue_indirect_dma source(%dma_start3A_1815 : memref<65536x128xf32, #tpu.memory_space<hbm>>) target(%arg11 : memref<128x128xf32, #tpu.memory_space<vmem>>) offsets(%arg8 : memref<128xi32, #tpu.memory_space<vmem>>) semaphore(%arg17 : memref<!tpu.dma_semaphore, #tpu.memory_space<semaphore_mem>>)
      %dma_wait3A_1816 = arith.constant 0 : i32
      %dma_wait3A_1817 = arith.constant 0 : i32
      %dma_wait3A_1818 = tpu.memref_slice %arg2[%dma_wait3A_1816, %dma_wait3A_1817] : memref<65536x128xf32, #tpu.memory_space<hbm>> -> memref<128x128xf32, #tpu.memory_space<hbm>>
      %dma_wait3A_1819 = arith.constant 0 : i32
      %dma_wait3A_1820 = arith.constant 0 : i32
      %dma_wait3A_1821 = tpu.memref_slice %arg2[%dma_wait3A_1819, %dma_wait3A_1820] : memref<65536x128xf32, #tpu.memory_space<hbm>> -> memref<128x128xf32, #tpu.memory_space<hbm>>
      tpu.wait_dma2 semaphore(%arg17 : memref<!tpu.dma_semaphore, #tpu.memory_space<semaphore_mem>>) src(%dma_wait3A_1821 : memref<128x128xf32, #tpu.memory_space<hbm>>) dst(%arg15 : memref<128x128xf32, #tpu.memory_space<vmem>>)
      "tpu.region"() ({
        %run_scoped3A = tpu.sem_alloc : memref<!tpu.dma_semaphore, #tpu.memory_space<semaphore_mem>>
        %dma_start3A_1942 = arith.constant 0 : i32
        %dma_start3A_1943 = arith.constant 0 : i32
        %dma_start3A_1944 = tpu.memref_slice %arg16[%dma_start3A_1942, %dma_start3A_1943] : memref<10240x128xf32, #tpu.memory_space<vmem_shared>> -> memref<10240x128xf32, #tpu.memory_space<vmem_shared>>
        tpu.enqueue_indirect_dma source(%arg15 : memref<128x128xf32, #tpu.memory_space<vmem>>) target(%dma_start3A_1944 : memref<10240x128xf32, #tpu.memory_space<vmem_shared>>) offsets(%arg14 : memref<128xi32, #tpu.memory_space<vmem>>) semaphore(%run_scoped3A : memref<!tpu.dma_semaphore, #tpu.memory_space<semaphore_mem>>) {add = true}
        %dma_wait3A_1945 = arith.constant 0 : i32
        %dma_wait3A_1946 = arith.constant 0 : i32
        %dma_wait3A_1947 = tpu.memref_slice %arg16[%dma_wait3A_1945, %dma_wait3A_1946] : memref<10240x128xf32, #tpu.memory_space<vmem_shared>> -> memref<10240x128xf32, #tpu.memory_space<vmem_shared>>
        tpu.wait_indirect_dma semaphore(%run_scoped3A : memref<!tpu.dma_semaphore, #tpu.memory_space<semaphore_mem>>) src(%arg15 : memref<128x128xf32, #tpu.memory_space<vmem>>) dst(%dma_wait3A_1947 : memref<10240x128xf32, #tpu.memory_space<vmem_shared>>)
        tpu.yield
      }) : () -> ()
      %add3A_1822 = arith.addi %mul3A_2, %mul3A_1689 : i32
      %add3A_1823 = arith.constant 1 : i32
      %add3A_1824 = arith.addi %add3A_1822, %add3A_1823 : i32
      %add3A_1825 = arith.constant 2 : i32
      %add3A_1826 = arith.addi %add3A_1824, %add3A_1825 : i32
      "tpu.region"() ({
        %run_scoped3A = tpu.sem_alloc : memref<!tpu.dma_semaphore, #tpu.memory_space<semaphore_mem>>
        %dma_start3A_1942 = arith.constant 0 : i32
        %dma_start3A_1943 = tpu.memref_slice %arg3[%add3A_1826, %dma_start3A_1942] : memref<2562x128xi32, #tpu.memory_space<hbm>> -> memref<1x128xi32, #tpu.memory_space<hbm>>
        %dma_start3A_1944 = tpu.memref_squeeze %dma_start3A_1943 : memref<1x128xi32, #tpu.memory_space<hbm>> -> memref<128xi32, #tpu.memory_space<hbm>>
        %dma_start3A_1945 = arith.constant 0 : i32
        %dma_start3A_1946 = tpu.memref_slice %arg3[%add3A_1826, %dma_start3A_1945] : memref<2562x128xi32, #tpu.memory_space<hbm>> -> memref<1x128xi32, #tpu.memory_space<hbm>>
        %dma_start3A_1947 = tpu.memref_squeeze %dma_start3A_1946 : memref<1x128xi32, #tpu.memory_space<hbm>> -> memref<128xi32, #tpu.memory_space<hbm>>
        tpu.enqueue_dma source(%dma_start3A_1947 : memref<128xi32, #tpu.memory_space<hbm>>) target(%arg12 : memref<128xi32, #tpu.memory_space<vmem>>) target_semaphore(%run_scoped3A : memref<!tpu.dma_semaphore, #tpu.memory_space<semaphore_mem>>)
        %dma_wait3A_1948 = arith.constant 0 : i32
        %dma_wait3A_1949 = tpu.memref_slice %arg3[%add3A_1826, %dma_wait3A_1948] : memref<2562x128xi32, #tpu.memory_space<hbm>> -> memref<1x128xi32, #tpu.memory_space<hbm>>
        %dma_wait3A_1950 = tpu.memref_squeeze %dma_wait3A_1949 : memref<1x128xi32, #tpu.memory_space<hbm>> -> memref<128xi32, #tpu.memory_space<hbm>>
        %dma_wait3A_1951 = arith.constant 0 : i32
        %dma_wait3A_1952 = tpu.memref_slice %arg3[%add3A_1826, %dma_wait3A_1951] : memref<2562x128xi32, #tpu.memory_space<hbm>> -> memref<1x128xi32, #tpu.memory_space<hbm>>
        %dma_wait3A_1953 = tpu.memref_squeeze %dma_wait3A_1952 : memref<1x128xi32, #tpu.memory_space<hbm>> -> memref<128xi32, #tpu.memory_space<hbm>>
        tpu.wait_dma2 semaphore(%run_scoped3A : memref<!tpu.dma_semaphore, #tpu.memory_space<semaphore_mem>>) src(%dma_wait3A_1953 : memref<128xi32, #tpu.memory_space<hbm>>) dst(%arg12 : memref<128xi32, #tpu.memory_space<vmem>>)
        tpu.yield
      }) : () -> ()
      "tpu.region"() ({
        %run_scoped3A = tpu.sem_alloc : memref<!tpu.dma_semaphore, #tpu.memory_space<semaphore_mem>>
        %dma_start3A_1942 = arith.constant 0 : i32
        %dma_start3A_1943 = tpu.memref_slice %arg4[%add3A_1826, %dma_start3A_1942] : memref<2562x128xi32, #tpu.memory_space<hbm>> -> memref<1x128xi32, #tpu.memory_space<hbm>>
        %dma_start3A_1944 = tpu.memref_squeeze %dma_start3A_1943 : memref<1x128xi32, #tpu.memory_space<hbm>> -> memref<128xi32, #tpu.memory_space<hbm>>
        %dma_start3A_1945 = arith.constant 0 : i32
        %dma_start3A_1946 = tpu.memref_slice %arg4[%add3A_1826, %dma_start3A_1945] : memref<2562x128xi32, #tpu.memory_space<hbm>> -> memref<1x128xi32, #tpu.memory_space<hbm>>
        %dma_start3A_1947 = tpu.memref_squeeze %dma_start3A_1946 : memref<1x128xi32, #tpu.memory_space<hbm>> -> memref<128xi32, #tpu.memory_space<hbm>>
        tpu.enqueue_dma source(%dma_start3A_1947 : memref<128xi32, #tpu.memory_space<hbm>>) target(%arg13 : memref<128xi32, #tpu.memory_space<vmem>>) target_semaphore(%run_scoped3A : memref<!tpu.dma_semaphore, #tpu.memory_space<semaphore_mem>>)
        %dma_wait3A_1948 = arith.constant 0 : i32
        %dma_wait3A_1949 = tpu.memref_slice %arg4[%add3A_1826, %dma_wait3A_1948] : memref<2562x128xi32, #tpu.memory_space<hbm>> -> memref<1x128xi32, #tpu.memory_space<hbm>>
        %dma_wait3A_1950 = tpu.memref_squeeze %dma_wait3A_1949 : memref<1x128xi32, #tpu.memory_space<hbm>> -> memref<128xi32, #tpu.memory_space<hbm>>
        %dma_wait3A_1951 = arith.constant 0 : i32
        %dma_wait3A_1952 = tpu.memref_slice %arg4[%add3A_1826, %dma_wait3A_1951] : memref<2562x128xi32, #tpu.memory_space<hbm>> -> memref<1x128xi32, #tpu.memory_space<hbm>>
        %dma_wait3A_1953 = tpu.memref_squeeze %dma_wait3A_1952 : memref<1x128xi32, #tpu.memory_space<hbm>> -> memref<128xi32, #tpu.memory_space<hbm>>
        tpu.wait_dma2 semaphore(%run_scoped3A : memref<!tpu.dma_semaphore, #tpu.memory_space<semaphore_mem>>) src(%dma_wait3A_1953 : memref<128xi32, #tpu.memory_space<hbm>>) dst(%arg13 : memref<128xi32, #tpu.memory_space<vmem>>)
        tpu.yield
      }) : () -> ()
      "tpu.region"() ({
        %run_scoped3A = tpu.sem_alloc : memref<!tpu.dma_semaphore, #tpu.memory_space<semaphore_mem>>
        %dma_start3A_1942 = arith.constant 0 : i32
        %dma_start3A_1943 = tpu.memref_slice %arg5[%add3A_1826, %dma_start3A_1942] : memref<2562x128xi32, #tpu.memory_space<hbm>> -> memref<1x128xi32, #tpu.memory_space<hbm>>
        %dma_start3A_1944 = tpu.memref_squeeze %dma_start3A_1943 : memref<1x128xi32, #tpu.memory_space<hbm>> -> memref<128xi32, #tpu.memory_space<hbm>>
        %dma_start3A_1945 = arith.constant 0 : i32
        %dma_start3A_1946 = tpu.memref_slice %arg5[%add3A_1826, %dma_start3A_1945] : memref<2562x128xi32, #tpu.memory_space<hbm>> -> memref<1x128xi32, #tpu.memory_space<hbm>>
        %dma_start3A_1947 = tpu.memref_squeeze %dma_start3A_1946 : memref<1x128xi32, #tpu.memory_space<hbm>> -> memref<128xi32, #tpu.memory_space<hbm>>
        tpu.enqueue_dma source(%dma_start3A_1947 : memref<128xi32, #tpu.memory_space<hbm>>) target(%arg14 : memref<128xi32, #tpu.memory_space<vmem>>) target_semaphore(%run_scoped3A : memref<!tpu.dma_semaphore, #tpu.memory_space<semaphore_mem>>)
        %dma_wait3A_1948 = arith.constant 0 : i32
        %dma_wait3A_1949 = tpu.memref_slice %arg5[%add3A_1826, %dma_wait3A_1948] : memref<2562x128xi32, #tpu.memory_space<hbm>> -> memref<1x128xi32, #tpu.memory_space<hbm>>
        %dma_wait3A_1950 = tpu.memref_squeeze %dma_wait3A_1949 : memref<1x128xi32, #tpu.memory_space<hbm>> -> memref<128xi32, #tpu.memory_space<hbm>>
        %dma_wait3A_1951 = arith.constant 0 : i32
        %dma_wait3A_1952 = tpu.memref_slice %arg5[%add3A_1826, %dma_wait3A_1951] : memref<2562x128xi32, #tpu.memory_space<hbm>> -> memref<1x128xi32, #tpu.memory_space<hbm>>
        %dma_wait3A_1953 = tpu.memref_squeeze %dma_wait3A_1952 : memref<1x128xi32, #tpu.memory_space<hbm>> -> memref<128xi32, #tpu.memory_space<hbm>>
        tpu.wait_dma2 semaphore(%run_scoped3A : memref<!tpu.dma_semaphore, #tpu.memory_space<semaphore_mem>>) src(%dma_wait3A_1953 : memref<128xi32, #tpu.memory_space<hbm>>) dst(%arg14 : memref<128xi32, #tpu.memory_space<vmem>>)
        tpu.yield
      }) : () -> ()
      %get3A_1827 = arith.constant 0 : index
      %get3A_1828 = tpu.vector_load %arg12[%get3A_1827] {strides = array<i32>} : memref<128xi32, #tpu.memory_space<vmem>>, vector<16xi32>,
      %get3A_1829 = vector.shape_cast %get3A_1828 : vector<16xi32> to vector<16xi32>
      %mul3A_1830 = arith.constant 8192 : i32
      %mul3A_1831 = vector.broadcast %mul3A_1830 : i32 to vector<16xi32>
      %mul3A_1832 = arith.muli %get3A_1829, %mul3A_1831 : vector<16xi32>
      %get3A_1833 = arith.constant 0 : index
      %get3A_1834 = tpu.vector_load %arg13[%get3A_1833] {strides = array<i32>} : memref<128xi32, #tpu.memory_space<vmem>>, vector<16xi32>,
      %get3A_1835 = vector.shape_cast %get3A_1834 : vector<16xi32> to vector<16xi32>
      %add3A_1836 = arith.addi %mul3A_1832, %get3A_1835 : vector<16xi32>
      %swap3A_1837 = arith.constant 0 : index
      %swap3A_1838 = tpu.vector_load %arg12[%swap3A_1837] {strides = array<i32>} : memref<128xi32, #tpu.memory_space<vmem>>, vector<16xi32>,
      %swap3A_1839 = vector.shape_cast %swap3A_1838 : vector<16xi32> to vector<16xi32>
      %swap3A_1840 = vector.shape_cast %add3A_1836 : vector<16xi32> to vector<16xi32>
      tpu.vector_store %arg12[%swap3A_1837], %swap3A_1840 {strides = array<i32>} : memref<128xi32, #tpu.memory_space<vmem>>, vector<16xi32>,
      %get3A_1841 = arith.constant 16 : index
      %get3A_1842 = tpu.vector_load %arg12[%get3A_1841] {strides = array<i32>} : memref<128xi32, #tpu.memory_space<vmem>>, vector<16xi32>,
      %get3A_1843 = vector.shape_cast %get3A_1842 : vector<16xi32> to vector<16xi32>
      %mul3A_1844 = arith.constant 8192 : i32
      %mul3A_1845 = vector.broadcast %mul3A_1844 : i32 to vector<16xi32>
      %mul3A_1846 = arith.muli %get3A_1843, %mul3A_1845 : vector<16xi32>
      %get3A_1847 = arith.constant 16 : index
      %get3A_1848 = tpu.vector_load %arg13[%get3A_1847] {strides = array<i32>} : memref<128xi32, #tpu.memory_space<vmem>>, vector<16xi32>,
      %get3A_1849 = vector.shape_cast %get3A_1848 : vector<16xi32> to vector<16xi32>
      %add3A_1850 = arith.addi %mul3A_1846, %get3A_1849 : vector<16xi32>
      %swap3A_1851 = arith.constant 16 : index
      %swap3A_1852 = tpu.vector_load %arg12[%swap3A_1851] {strides = array<i32>} : memref<128xi32, #tpu.memory_space<vmem>>, vector<16xi32>,
      %swap3A_1853 = vector.shape_cast %swap3A_1852 : vector<16xi32> to vector<16xi32>
      %swap3A_1854 = vector.shape_cast %add3A_1850 : vector<16xi32> to vector<16xi32>
      tpu.vector_store %arg12[%swap3A_1851], %swap3A_1854 {strides = array<i32>} : memref<128xi32, #tpu.memory_space<vmem>>, vector<16xi32>,
      %get3A_1855 = arith.constant 32 : index
      %get3A_1856 = tpu.vector_load %arg12[%get3A_1855] {strides = array<i32>} : memref<128xi32, #tpu.memory_space<vmem>>, vector<16xi32>,
      %get3A_1857 = vector.shape_cast %get3A_1856 : vector<16xi32> to vector<16xi32>
      %mul3A_1858 = arith.constant 8192 : i32
      %mul3A_1859 = vector.broadcast %mul3A_1858 : i32 to vector<16xi32>
      %mul3A_1860 = arith.muli %get3A_1857, %mul3A_1859 : vector<16xi32>
      %get3A_1861 = arith.constant 32 : index
      %get3A_1862 = tpu.vector_load %arg13[%get3A_1861] {strides = array<i32>} : memref<128xi32, #tpu.memory_space<vmem>>, vector<16xi32>,
      %get3A_1863 = vector.shape_cast %get3A_1862 : vector<16xi32> to vector<16xi32>
      %add3A_1864 = arith.addi %mul3A_1860, %get3A_1863 : vector<16xi32>
      %swap3A_1865 = arith.constant 32 : index
      %swap3A_1866 = tpu.vector_load %arg12[%swap3A_1865] {strides = array<i32>} : memref<128xi32, #tpu.memory_space<vmem>>, vector<16xi32>,
      %swap3A_1867 = vector.shape_cast %swap3A_1866 : vector<16xi32> to vector<16xi32>
      %swap3A_1868 = vector.shape_cast %add3A_1864 : vector<16xi32> to vector<16xi32>
      tpu.vector_store %arg12[%swap3A_1865], %swap3A_1868 {strides = array<i32>} : memref<128xi32, #tpu.memory_space<vmem>>, vector<16xi32>,
      %get3A_1869 = arith.constant 48 : index
      %get3A_1870 = tpu.vector_load %arg12[%get3A_1869] {strides = array<i32>} : memref<128xi32, #tpu.memory_space<vmem>>, vector<16xi32>,
      %get3A_1871 = vector.shape_cast %get3A_1870 : vector<16xi32> to vector<16xi32>
      %mul3A_1872 = arith.constant 8192 : i32
      %mul3A_1873 = vector.broadcast %mul3A_1872 : i32 to vector<16xi32>
      %mul3A_1874 = arith.muli %get3A_1871, %mul3A_1873 : vector<16xi32>
      %get3A_1875 = arith.constant 48 : index
      %get3A_1876 = tpu.vector_load %arg13[%get3A_1875] {strides = array<i32>} : memref<128xi32, #tpu.memory_space<vmem>>, vector<16xi32>,
      %get3A_1877 = vector.shape_cast %get3A_1876 : vector<16xi32> to vector<16xi32>
      %add3A_1878 = arith.addi %mul3A_1874, %get3A_1877 : vector<16xi32>
      %swap3A_1879 = arith.constant 48 : index
      %swap3A_1880 = tpu.vector_load %arg12[%swap3A_1879] {strides = array<i32>} : memref<128xi32, #tpu.memory_space<vmem>>, vector<16xi32>,
      %swap3A_1881 = vector.shape_cast %swap3A_1880 : vector<16xi32> to vector<16xi32>
      %swap3A_1882 = vector.shape_cast %add3A_1878 : vector<16xi32> to vector<16xi32>
      tpu.vector_store %arg12[%swap3A_1879], %swap3A_1882 {strides = array<i32>} : memref<128xi32, #tpu.memory_space<vmem>>, vector<16xi32>,
      %get3A_1883 = arith.constant 64 : index
      %get3A_1884 = tpu.vector_load %arg12[%get3A_1883] {strides = array<i32>} : memref<128xi32, #tpu.memory_space<vmem>>, vector<16xi32>,
      %get3A_1885 = vector.shape_cast %get3A_1884 : vector<16xi32> to vector<16xi32>
      %mul3A_1886 = arith.constant 8192 : i32
      %mul3A_1887 = vector.broadcast %mul3A_1886 : i32 to vector<16xi32>
      %mul3A_1888 = arith.muli %get3A_1885, %mul3A_1887 : vector<16xi32>
      %get3A_1889 = arith.constant 64 : index
      %get3A_1890 = tpu.vector_load %arg13[%get3A_1889] {strides = array<i32>} : memref<128xi32, #tpu.memory_space<vmem>>, vector<16xi32>,
      %get3A_1891 = vector.shape_cast %get3A_1890 : vector<16xi32> to vector<16xi32>
      %add3A_1892 = arith.addi %mul3A_1888, %get3A_1891 : vector<16xi32>
      %swap3A_1893 = arith.constant 64 : index
      %swap3A_1894 = tpu.vector_load %arg12[%swap3A_1893] {strides = array<i32>} : memref<128xi32, #tpu.memory_space<vmem>>, vector<16xi32>,
      %swap3A_1895 = vector.shape_cast %swap3A_1894 : vector<16xi32> to vector<16xi32>
      %swap3A_1896 = vector.shape_cast %add3A_1892 : vector<16xi32> to vector<16xi32>
      tpu.vector_store %arg12[%swap3A_1893], %swap3A_1896 {strides = array<i32>} : memref<128xi32, #tpu.memory_space<vmem>>, vector<16xi32>,
      %get3A_1897 = arith.constant 80 : index
      %get3A_1898 = tpu.vector_load %arg12[%get3A_1897] {strides = array<i32>} : memref<128xi32, #tpu.memory_space<vmem>>, vector<16xi32>,
      %get3A_1899 = vector.shape_cast %get3A_1898 : vector<16xi32> to vector<16xi32>
      %mul3A_1900 = arith.constant 8192 : i32
      %mul3A_1901 = vector.broadcast %mul3A_1900 : i32 to vector<16xi32>
      %mul3A_1902 = arith.muli %get3A_1899, %mul3A_1901 : vector<16xi32>
      %get3A_1903 = arith.constant 80 : index
      %get3A_1904 = tpu.vector_load %arg13[%get3A_1903] {strides = array<i32>} : memref<128xi32, #tpu.memory_space<vmem>>, vector<16xi32>,
      %get3A_1905 = vector.shape_cast %get3A_1904 : vector<16xi32> to vector<16xi32>
      %add3A_1906 = arith.addi %mul3A_1902, %get3A_1905 : vector<16xi32>
      %swap3A_1907 = arith.constant 80 : index
      %swap3A_1908 = tpu.vector_load %arg12[%swap3A_1907] {strides = array<i32>} : memref<128xi32, #tpu.memory_space<vmem>>, vector<16xi32>,
      %swap3A_1909 = vector.shape_cast %swap3A_1908 : vector<16xi32> to vector<16xi32>
      %swap3A_1910 = vector.shape_cast %add3A_1906 : vector<16xi32> to vector<16xi32>
      tpu.vector_store %arg12[%swap3A_1907], %swap3A_1910 {strides = array<i32>} : memref<128xi32, #tpu.memory_space<vmem>>, vector<16xi32>,
      %get3A_1911 = arith.constant 96 : index
      %get3A_1912 = tpu.vector_load %arg12[%get3A_1911] {strides = array<i32>} : memref<128xi32, #tpu.memory_space<vmem>>, vector<16xi32>,
      %get3A_1913 = vector.shape_cast %get3A_1912 : vector<16xi32> to vector<16xi32>
      %mul3A_1914 = arith.constant 8192 : i32
      %mul3A_1915 = vector.broadcast %mul3A_1914 : i32 to vector<16xi32>
      %mul3A_1916 = arith.muli %get3A_1913, %mul3A_1915 : vector<16xi32>
      %get3A_1917 = arith.constant 96 : index
      %get3A_1918 = tpu.vector_load %arg13[%get3A_1917] {strides = array<i32>} : memref<128xi32, #tpu.memory_space<vmem>>, vector<16xi32>,
      %get3A_1919 = vector.shape_cast %get3A_1918 : vector<16xi32> to vector<16xi32>
      %add3A_1920 = arith.addi %mul3A_1916, %get3A_1919 : vector<16xi32>
      %swap3A_1921 = arith.constant 96 : index
      %swap3A_1922 = tpu.vector_load %arg12[%swap3A_1921] {strides = array<i32>} : memref<128xi32, #tpu.memory_space<vmem>>, vector<16xi32>,
      %swap3A_1923 = vector.shape_cast %swap3A_1922 : vector<16xi32> to vector<16xi32>
      %swap3A_1924 = vector.shape_cast %add3A_1920 : vector<16xi32> to vector<16xi32>
      tpu.vector_store %arg12[%swap3A_1921], %swap3A_1924 {strides = array<i32>} : memref<128xi32, #tpu.memory_space<vmem>>, vector<16xi32>,
      %get3A_1925 = arith.constant 112 : index
      %get3A_1926 = tpu.vector_load %arg12[%get3A_1925] {strides = array<i32>} : memref<128xi32, #tpu.memory_space<vmem>>, vector<16xi32>,
      %get3A_1927 = vector.shape_cast %get3A_1926 : vector<16xi32> to vector<16xi32>
      %mul3A_1928 = arith.constant 8192 : i32
      %mul3A_1929 = vector.broadcast %mul3A_1928 : i32 to vector<16xi32>
      %mul3A_1930 = arith.muli %get3A_1927, %mul3A_1929 : vector<16xi32>
      %get3A_1931 = arith.constant 112 : index
      %get3A_1932 = tpu.vector_load %arg13[%get3A_1931] {strides = array<i32>} : memref<128xi32, #tpu.memory_space<vmem>>, vector<16xi32>,
      %get3A_1933 = vector.shape_cast %get3A_1932 : vector<16xi32> to vector<16xi32>
      %add3A_1934 = arith.addi %mul3A_1930, %get3A_1933 : vector<16xi32>
      %swap3A_1935 = arith.constant 112 : index
      %swap3A_1936 = tpu.vector_load %arg12[%swap3A_1935] {strides = array<i32>} : memref<128xi32, #tpu.memory_space<vmem>>, vector<16xi32>,
      %swap3A_1937 = vector.shape_cast %swap3A_1936 : vector<16xi32> to vector<16xi32>
      %swap3A_1938 = vector.shape_cast %add3A_1934 : vector<16xi32> to vector<16xi32>
      tpu.vector_store %arg12[%swap3A_1935], %swap3A_1938 {strides = array<i32>} : memref<128xi32, #tpu.memory_space<vmem>>, vector<16xi32>,
      %dma_start3A_1939 = arith.constant 0 : i32
      %dma_start3A_1940 = arith.constant 0 : i32
      %dma_start3A_1941 = tpu.memref_slice %arg2[%dma_start3A_1939, %dma_start3A_1940] : memref<65536x128xf32, #tpu.memory_space<hbm>> -> memref<65536x128xf32, #tpu.memory_space<hbm>>
      tpu.enqueue_indirect_dma source(%dma_start3A_1941 : memref<65536x128xf32, #tpu.memory_space<hbm>>) target(%arg15 : memref<128x128xf32, #tpu.memory_space<vmem>>) offsets(%arg12 : memref<128xi32, #tpu.memory_space<vmem>>) semaphore(%arg17 : memref<!tpu.dma_semaphore, #tpu.memory_space<semaphore_mem>>)
    }
    %scan3A_584 = arith.constant 40 : i32
    %dma_wait3A = arith.constant 0 : i32
    %dma_wait3A_585 = arith.constant 0 : i32
    %dma_wait3A_586 = tpu.memref_slice %arg2[%dma_wait3A, %dma_wait3A_585] : memref<65536x128xf32, #tpu.memory_space<hbm>> -> memref<128x128xf32, #tpu.memory_space<hbm>>
    %dma_wait3A_587 = arith.constant 0 : i32
    %dma_wait3A_588 = arith.constant 0 : i32
    %dma_wait3A_589 = tpu.memref_slice %arg2[%dma_wait3A_587, %dma_wait3A_588] : memref<65536x128xf32, #tpu.memory_space<hbm>> -> memref<128x128xf32, #tpu.memory_space<hbm>>
    tpu.wait_dma2 semaphore(%arg17 : memref<!tpu.dma_semaphore, #tpu.memory_space<semaphore_mem>>) src(%dma_wait3A_589 : memref<128x128xf32, #tpu.memory_space<hbm>>) dst(%arg11 : memref<128x128xf32, #tpu.memory_space<vmem>>)
    %dma_wait3A_590 = arith.constant 0 : i32
    %dma_wait3A_591 = arith.constant 0 : i32
    %dma_wait3A_592 = tpu.memref_slice %arg2[%dma_wait3A_590, %dma_wait3A_591] : memref<65536x128xf32, #tpu.memory_space<hbm>> -> memref<128x128xf32, #tpu.memory_space<hbm>>
    %dma_wait3A_593 = arith.constant 0 : i32
    %dma_wait3A_594 = arith.constant 0 : i32
    %dma_wait3A_595 = tpu.memref_slice %arg2[%dma_wait3A_593, %dma_wait3A_594] : memref<65536x128xf32, #tpu.memory_space<hbm>> -> memref<128x128xf32, #tpu.memory_space<hbm>>
    tpu.wait_dma2 semaphore(%arg17 : memref<!tpu.dma_semaphore, #tpu.memory_space<semaphore_mem>>) src(%dma_wait3A_595 : memref<128x128xf32, #tpu.memory_space<hbm>>) dst(%arg15 : memref<128x128xf32, #tpu.memory_space<vmem>>)
    %barrier3A_596 = arith.constant 0 : index
    tpu.barrier barrier_id(%barrier3A_596)
    %mul3A_597 = arith.constant 640 : i32
    %mul3A_598 = arith.muli %arg1, %mul3A_597 : i32
    %add3A_599 = arith.constant 0 : i32
    %add3A_600 = arith.addi %mul3A_598, %add3A_599 : i32
    %add3A_601 = arith.constant 0 : i32
    %add3A_602 = arith.addi %add3A_600, %add3A_601 : i32
    %add3A_603 = vector.broadcast %add3A_602 : i32 to vector<16xi32>
    %add3A_604 = arith.addi %iota3A, %add3A_603 : vector<16xi32>
    %swap3A_605 = arith.constant 0 : index
    %swap3A_606 = tpu.vector_load %arg8[%swap3A_605] {strides = array<i32>} : memref<128xi32, #tpu.memory_space<vmem>>, vector<16xi32>,
    %swap3A_607 = vector.shape_cast %swap3A_606 : vector<16xi32> to vector<16xi32>
    %swap3A_608 = vector.shape_cast %add3A_604 : vector<16xi32> to vector<16xi32>
    tpu.vector_store %arg8[%swap3A_605], %swap3A_608 {strides = array<i32>} : memref<128xi32, #tpu.memory_space<vmem>>, vector<16xi32>,
    %add3A_609 = arith.constant 16 : i32
    %add3A_610 = arith.addi %add3A_600, %add3A_609 : i32
    %add3A_611 = vector.broadcast %add3A_610 : i32 to vector<16xi32>
    %add3A_612 = arith.addi %iota3A, %add3A_611 : vector<16xi32>
    %swap3A_613 = arith.constant 16 : index
    %swap3A_614 = tpu.vector_load %arg8[%swap3A_613] {strides = array<i32>} : memref<128xi32, #tpu.memory_space<vmem>>, vector<16xi32>,
    %swap3A_615 = vector.shape_cast %swap3A_614 : vector<16xi32> to vector<16xi32>
    %swap3A_616 = vector.shape_cast %add3A_612 : vector<16xi32> to vector<16xi32>
    tpu.vector_store %arg8[%swap3A_613], %swap3A_616 {strides = array<i32>} : memref<128xi32, #tpu.memory_space<vmem>>, vector<16xi32>,
    %add3A_617 = arith.constant 32 : i32
    %add3A_618 = arith.addi %add3A_600, %add3A_617 : i32
    %add3A_619 = vector.broadcast %add3A_618 : i32 to vector<16xi32>
    %add3A_620 = arith.addi %iota3A, %add3A_619 : vector<16xi32>
    %swap3A_621 = arith.constant 32 : index
    %swap3A_622 = tpu.vector_load %arg8[%swap3A_621] {strides = array<i32>} : memref<128xi32, #tpu.memory_space<vmem>>, vector<16xi32>,
    %swap3A_623 = vector.shape_cast %swap3A_622 : vector<16xi32> to vector<16xi32>
    %swap3A_624 = vector.shape_cast %add3A_620 : vector<16xi32> to vector<16xi32>
    tpu.vector_store %arg8[%swap3A_621], %swap3A_624 {strides = array<i32>} : memref<128xi32, #tpu.memory_space<vmem>>, vector<16xi32>,
    %add3A_625 = arith.constant 48 : i32
    %add3A_626 = arith.addi %add3A_600, %add3A_625 : i32
    %add3A_627 = vector.broadcast %add3A_626 : i32 to vector<16xi32>
    %add3A_628 = arith.addi %iota3A, %add3A_627 : vector<16xi32>
    %swap3A_629 = arith.constant 48 : index
    %swap3A_630 = tpu.vector_load %arg8[%swap3A_629] {strides = array<i32>} : memref<128xi32, #tpu.memory_space<vmem>>, vector<16xi32>,
    %swap3A_631 = vector.shape_cast %swap3A_630 : vector<16xi32> to vector<16xi32>
    %swap3A_632 = vector.shape_cast %add3A_628 : vector<16xi32> to vector<16xi32>
    tpu.vector_store %arg8[%swap3A_629], %swap3A_632 {strides = array<i32>} : memref<128xi32, #tpu.memory_space<vmem>>, vector<16xi32>,
    %add3A_633 = arith.constant 64 : i32
    %add3A_634 = arith.addi %add3A_600, %add3A_633 : i32
    %add3A_635 = vector.broadcast %add3A_634 : i32 to vector<16xi32>
    %add3A_636 = arith.addi %iota3A, %add3A_635 : vector<16xi32>
    %swap3A_637 = arith.constant 64 : index
    %swap3A_638 = tpu.vector_load %arg8[%swap3A_637] {strides = array<i32>} : memref<128xi32, #tpu.memory_space<vmem>>, vector<16xi32>,
    %swap3A_639 = vector.shape_cast %swap3A_638 : vector<16xi32> to vector<16xi32>
    %swap3A_640 = vector.shape_cast %add3A_636 : vector<16xi32> to vector<16xi32>
    tpu.vector_store %arg8[%swap3A_637], %swap3A_640 {strides = array<i32>} : memref<128xi32, #tpu.memory_space<vmem>>, vector<16xi32>,
    %add3A_641 = arith.constant 80 : i32
    %add3A_642 = arith.addi %add3A_600, %add3A_641 : i32
    %add3A_643 = vector.broadcast %add3A_642 : i32 to vector<16xi32>
    %add3A_644 = arith.addi %iota3A, %add3A_643 : vector<16xi32>
    %swap3A_645 = arith.constant 80 : index
    %swap3A_646 = tpu.vector_load %arg8[%swap3A_645] {strides = array<i32>} : memref<128xi32, #tpu.memory_space<vmem>>, vector<16xi32>,
    %swap3A_647 = vector.shape_cast %swap3A_646 : vector<16xi32> to vector<16xi32>
    %swap3A_648 = vector.shape_cast %add3A_644 : vector<16xi32> to vector<16xi32>
    tpu.vector_store %arg8[%swap3A_645], %swap3A_648 {strides = array<i32>} : memref<128xi32, #tpu.memory_space<vmem>>, vector<16xi32>,
    %add3A_649 = arith.constant 96 : i32
    %add3A_650 = arith.addi %add3A_600, %add3A_649 : i32
    %add3A_651 = vector.broadcast %add3A_650 : i32 to vector<16xi32>
    %add3A_652 = arith.addi %iota3A, %add3A_651 : vector<16xi32>
    %swap3A_653 = arith.constant 96 : index
    %swap3A_654 = tpu.vector_load %arg8[%swap3A_653] {strides = array<i32>} : memref<128xi32, #tpu.memory_space<vmem>>, vector<16xi32>,
    %swap3A_655 = vector.shape_cast %swap3A_654 : vector<16xi32> to vector<16xi32>
    %swap3A_656 = vector.shape_cast %add3A_652 : vector<16xi32> to vector<16xi32>
    tpu.vector_store %arg8[%swap3A_653], %swap3A_656 {strides = array<i32>} : memref<128xi32, #tpu.memory_space<vmem>>, vector<16xi32>,
    %add3A_657 = arith.constant 112 : i32
    %add3A_658 = arith.addi %add3A_600, %add3A_657 : i32
    %add3A_659 = vector.broadcast %add3A_658 : i32 to vector<16xi32>
    %add3A_660 = arith.addi %iota3A, %add3A_659 : vector<16xi32>
    %swap3A_661 = arith.constant 112 : index
    %swap3A_662 = tpu.vector_load %arg8[%swap3A_661] {strides = array<i32>} : memref<128xi32, #tpu.memory_space<vmem>>, vector<16xi32>,
    %swap3A_663 = vector.shape_cast %swap3A_662 : vector<16xi32> to vector<16xi32>
    %swap3A_664 = vector.shape_cast %add3A_660 : vector<16xi32> to vector<16xi32>
    tpu.vector_store %arg8[%swap3A_661], %swap3A_664 {strides = array<i32>} : memref<128xi32, #tpu.memory_space<vmem>>, vector<16xi32>,
    %mul3A_665 = arith.constant 640 : i32
    %mul3A_666 = arith.muli %arg1, %mul3A_665 : i32
    %add3A_667 = arith.constant 0 : i32
    %add3A_668 = arith.addi %mul3A_666, %add3A_667 : i32
    "tpu.region"() ({
      %run_scoped3A = tpu.sem_alloc : memref<!tpu.dma_semaphore, #tpu.memory_space<semaphore_mem>>
      %dma_start3A_1683 = arith.constant 0 : i32
      %dma_start3A_1684 = arith.constant 0 : i32
      %dma_start3A_1685 = tpu.memref_slice %arg16[%dma_start3A_1683, %dma_start3A_1684] : memref<10240x128xf32, #tpu.memory_space<vmem_shared>> -> memref<10240x128xf32, #tpu.memory_space<vmem_shared>>
      tpu.enqueue_indirect_dma source(%dma_start3A_1685 : memref<10240x128xf32, #tpu.memory_space<vmem_shared>>) target(%arg11 : memref<128x128xf32, #tpu.memory_space<vmem>>) offsets(%arg8 : memref<128xi32, #tpu.memory_space<vmem>>) semaphore(%run_scoped3A : memref<!tpu.dma_semaphore, #tpu.memory_space<semaphore_mem>>)
      %dma_wait3A_1686 = arith.constant 0 : i32
      %dma_wait3A_1687 = arith.constant 0 : i32
      %dma_wait3A_1688 = tpu.memref_slice %arg16[%dma_wait3A_1686, %dma_wait3A_1687] : memref<10240x128xf32, #tpu.memory_space<vmem_shared>> -> memref<10240x128xf32, #tpu.memory_space<vmem_shared>>
      tpu.wait_indirect_dma semaphore(%run_scoped3A : memref<!tpu.dma_semaphore, #tpu.memory_space<semaphore_mem>>) src(%dma_wait3A_1688 : memref<10240x128xf32, #tpu.memory_space<vmem_shared>>) dst(%arg11 : memref<128x128xf32, #tpu.memory_space<vmem>>)
      tpu.yield
    }) : () -> ()
    "tpu.region"() ({
      %run_scoped3A = tpu.sem_alloc : memref<!tpu.dma_semaphore, #tpu.memory_space<semaphore_mem>>
      %dma_start3A_1683 = arith.constant 0 : i32
      %dma_start3A_1684 = tpu.memref_slice %arg6[%arg0, %add3A_668, %dma_start3A_1683] : memref<2x10240x128xf32, #tpu.memory_space<hbm>> -> memref<1x128x128xf32, #tpu.memory_space<hbm>>
      %dma_start3A_1685 = tpu.memref_squeeze %dma_start3A_1684 : memref<1x128x128xf32, #tpu.memory_space<hbm>> -> memref<128x128xf32, #tpu.memory_space<hbm>>
      %dma_start3A_1686 = arith.constant 0 : i32
      %dma_start3A_1687 = tpu.memref_slice %arg6[%arg0, %add3A_668, %dma_start3A_1686] : memref<2x10240x128xf32, #tpu.memory_space<hbm>> -> memref<1x128x128xf32, #tpu.memory_space<hbm>>
      %dma_start3A_1688 = tpu.memref_squeeze %dma_start3A_1687 : memref<1x128x128xf32, #tpu.memory_space<hbm>> -> memref<128x128xf32, #tpu.memory_space<hbm>>
      tpu.enqueue_dma source(%arg11 : memref<128x128xf32, #tpu.memory_space<vmem>>) target(%dma_start3A_1688 : memref<128x128xf32, #tpu.memory_space<hbm>>) target_semaphore(%run_scoped3A : memref<!tpu.dma_semaphore, #tpu.memory_space<semaphore_mem>>)
      %dma_wait3A_1689 = arith.constant 0 : i32
      %dma_wait3A_1690 = tpu.memref_slice %arg6[%arg0, %add3A_668, %dma_wait3A_1689] : memref<2x10240x128xf32, #tpu.memory_space<hbm>> -> memref<1x128x128xf32, #tpu.memory_space<hbm>>
      %dma_wait3A_1691 = tpu.memref_squeeze %dma_wait3A_1690 : memref<1x128x128xf32, #tpu.memory_space<hbm>> -> memref<128x128xf32, #tpu.memory_space<hbm>>
      %dma_wait3A_1692 = arith.constant 0 : i32
      %dma_wait3A_1693 = tpu.memref_slice %arg6[%arg0, %add3A_668, %dma_wait3A_1692] : memref<2x10240x128xf32, #tpu.memory_space<hbm>> -> memref<1x128x128xf32, #tpu.memory_space<hbm>>
      %dma_wait3A_1694 = tpu.memref_squeeze %dma_wait3A_1693 : memref<1x128x128xf32, #tpu.memory_space<hbm>> -> memref<128x128xf32, #tpu.memory_space<hbm>>
      tpu.wait_dma2 semaphore(%run_scoped3A : memref<!tpu.dma_semaphore, #tpu.memory_space<semaphore_mem>>) src(%arg11 : memref<128x128xf32, #tpu.memory_space<vmem>>) dst(%dma_wait3A_1694 : memref<128x128xf32, #tpu.memory_space<hbm>>)
      tpu.yield
    }) : () -> ()
    %mul3A_669 = arith.constant 640 : i32
    %mul3A_670 = arith.muli %arg1, %mul3A_669 : i32
    %add3A_671 = arith.constant 128 : i32
    %add3A_672 = arith.addi %mul3A_670, %add3A_671 : i32
    %add3A_673 = arith.constant 0 : i32
    %add3A_674 = arith.addi %add3A_672, %add3A_673 : i32
    %add3A_675 = vector.broadcast %add3A_674 : i32 to vector<16xi32>
    %add3A_676 = arith.addi %iota3A, %add3A_675 : vector<16xi32>
    %swap3A_677 = arith.constant 0 : index
    %swap3A_678 = tpu.vector_load %arg8[%swap3A_677] {strides = array<i32>} : memref<128xi32, #tpu.memory_space<vmem>>, vector<16xi32>,
    %swap3A_679 = vector.shape_cast %swap3A_678 : vector<16xi32> to vector<16xi32>
    %swap3A_680 = vector.shape_cast %add3A_676 : vector<16xi32> to vector<16xi32>
    tpu.vector_store %arg8[%swap3A_677], %swap3A_680 {strides = array<i32>} : memref<128xi32, #tpu.memory_space<vmem>>, vector<16xi32>,
    %add3A_681 = arith.constant 16 : i32
    %add3A_682 = arith.addi %add3A_672, %add3A_681 : i32
    %add3A_683 = vector.broadcast %add3A_682 : i32 to vector<16xi32>
    %add3A_684 = arith.addi %iota3A, %add3A_683 : vector<16xi32>
    %swap3A_685 = arith.constant 16 : index
    %swap3A_686 = tpu.vector_load %arg8[%swap3A_685] {strides = array<i32>} : memref<128xi32, #tpu.memory_space<vmem>>, vector<16xi32>,
    %swap3A_687 = vector.shape_cast %swap3A_686 : vector<16xi32> to vector<16xi32>
    %swap3A_688 = vector.shape_cast %add3A_684 : vector<16xi32> to vector<16xi32>
    tpu.vector_store %arg8[%swap3A_685], %swap3A_688 {strides = array<i32>} : memref<128xi32, #tpu.memory_space<vmem>>, vector<16xi32>,
    %add3A_689 = arith.constant 32 : i32
    %add3A_690 = arith.addi %add3A_672, %add3A_689 : i32
    %add3A_691 = vector.broadcast %add3A_690 : i32 to vector<16xi32>
    %add3A_692 = arith.addi %iota3A, %add3A_691 : vector<16xi32>
    %swap3A_693 = arith.constant 32 : index
    %swap3A_694 = tpu.vector_load %arg8[%swap3A_693] {strides = array<i32>} : memref<128xi32, #tpu.memory_space<vmem>>, vector<16xi32>,
    %swap3A_695 = vector.shape_cast %swap3A_694 : vector<16xi32> to vector<16xi32>
    %swap3A_696 = vector.shape_cast %add3A_692 : vector<16xi32> to vector<16xi32>
    tpu.vector_store %arg8[%swap3A_693], %swap3A_696 {strides = array<i32>} : memref<128xi32, #tpu.memory_space<vmem>>, vector<16xi32>,
    %add3A_697 = arith.constant 48 : i32
    %add3A_698 = arith.addi %add3A_672, %add3A_697 : i32
    %add3A_699 = vector.broadcast %add3A_698 : i32 to vector<16xi32>
    %add3A_700 = arith.addi %iota3A, %add3A_699 : vector<16xi32>
    %swap3A_701 = arith.constant 48 : index
    %swap3A_702 = tpu.vector_load %arg8[%swap3A_701] {strides = array<i32>} : memref<128xi32, #tpu.memory_space<vmem>>, vector<16xi32>,
    %swap3A_703 = vector.shape_cast %swap3A_702 : vector<16xi32> to vector<16xi32>
    %swap3A_704 = vector.shape_cast %add3A_700 : vector<16xi32> to vector<16xi32>
    tpu.vector_store %arg8[%swap3A_701], %swap3A_704 {strides = array<i32>} : memref<128xi32, #tpu.memory_space<vmem>>, vector<16xi32>,
    %add3A_705 = arith.constant 64 : i32
    %add3A_706 = arith.addi %add3A_672, %add3A_705 : i32
    %add3A_707 = vector.broadcast %add3A_706 : i32 to vector<16xi32>
    %add3A_708 = arith.addi %iota3A, %add3A_707 : vector<16xi32>
    %swap3A_709 = arith.constant 64 : index
    %swap3A_710 = tpu.vector_load %arg8[%swap3A_709] {strides = array<i32>} : memref<128xi32, #tpu.memory_space<vmem>>, vector<16xi32>,
    %swap3A_711 = vector.shape_cast %swap3A_710 : vector<16xi32> to vector<16xi32>
    %swap3A_712 = vector.shape_cast %add3A_708 : vector<16xi32> to vector<16xi32>
    tpu.vector_store %arg8[%swap3A_709], %swap3A_712 {strides = array<i32>} : memref<128xi32, #tpu.memory_space<vmem>>, vector<16xi32>,
    %add3A_713 = arith.constant 80 : i32
    %add3A_714 = arith.addi %add3A_672, %add3A_713 : i32
    %add3A_715 = vector.broadcast %add3A_714 : i32 to vector<16xi32>
    %add3A_716 = arith.addi %iota3A, %add3A_715 : vector<16xi32>
    %swap3A_717 = arith.constant 80 : index
    %swap3A_718 = tpu.vector_load %arg8[%swap3A_717] {strides = array<i32>} : memref<128xi32, #tpu.memory_space<vmem>>, vector<16xi32>,
    %swap3A_719 = vector.shape_cast %swap3A_718 : vector<16xi32> to vector<16xi32>
    %swap3A_720 = vector.shape_cast %add3A_716 : vector<16xi32> to vector<16xi32>
    tpu.vector_store %arg8[%swap3A_717], %swap3A_720 {strides = array<i32>} : memref<128xi32, #tpu.memory_space<vmem>>, vector<16xi32>,
    %add3A_721 = arith.constant 96 : i32
    %add3A_722 = arith.addi %add3A_672, %add3A_721 : i32
    %add3A_723 = vector.broadcast %add3A_722 : i32 to vector<16xi32>
    %add3A_724 = arith.addi %iota3A, %add3A_723 : vector<16xi32>
    %swap3A_725 = arith.constant 96 : index
    %swap3A_726 = tpu.vector_load %arg8[%swap3A_725] {strides = array<i32>} : memref<128xi32, #tpu.memory_space<vmem>>, vector<16xi32>,
    %swap3A_727 = vector.shape_cast %swap3A_726 : vector<16xi32> to vector<16xi32>
    %swap3A_728 = vector.shape_cast %add3A_724 : vector<16xi32> to vector<16xi32>
    tpu.vector_store %arg8[%swap3A_725], %swap3A_728 {strides = array<i32>} : memref<128xi32, #tpu.memory_space<vmem>>, vector<16xi32>,
    %add3A_729 = arith.constant 112 : i32
    %add3A_730 = arith.addi %add3A_672, %add3A_729 : i32
    %add3A_731 = vector.broadcast %add3A_730 : i32 to vector<16xi32>
    %add3A_732 = arith.addi %iota3A, %add3A_731 : vector<16xi32>
    %swap3A_733 = arith.constant 112 : index
    %swap3A_734 = tpu.vector_load %arg8[%swap3A_733] {strides = array<i32>} : memref<128xi32, #tpu.memory_space<vmem>>, vector<16xi32>,
    %swap3A_735 = vector.shape_cast %swap3A_734 : vector<16xi32> to vector<16xi32>
    %swap3A_736 = vector.shape_cast %add3A_732 : vector<16xi32> to vector<16xi32>
    tpu.vector_store %arg8[%swap3A_733], %swap3A_736 {strides = array<i32>} : memref<128xi32, #tpu.memory_space<vmem>>, vector<16xi32>,
    %mul3A_737 = arith.constant 640 : i32
    %mul3A_738 = arith.muli %arg1, %mul3A_737 : i32
    %add3A_739 = arith.constant 128 : i32
    %add3A_740 = arith.addi %mul3A_738, %add3A_739 : i32
    "tpu.region"() ({
      %run_scoped3A = tpu.sem_alloc : memref<!tpu.dma_semaphore, #tpu.memory_space<semaphore_mem>>
      %dma_start3A_1683 = arith.constant 0 : i32
      %dma_start3A_1684 = arith.constant 0 : i32
      %dma_start3A_1685 = tpu.memref_slice %arg16[%dma_start3A_1683, %dma_start3A_1684] : memref<10240x128xf32, #tpu.memory_space<vmem_shared>> -> memref<10240x128xf32, #tpu.memory_space<vmem_shared>>
      tpu.enqueue_indirect_dma source(%dma_start3A_1685 : memref<10240x128xf32, #tpu.memory_space<vmem_shared>>) target(%arg11 : memref<128x128xf32, #tpu.memory_space<vmem>>) offsets(%arg8 : memref<128xi32, #tpu.memory_space<vmem>>) semaphore(%run_scoped3A : memref<!tpu.dma_semaphore, #tpu.memory_space<semaphore_mem>>)
      %dma_wait3A_1686 = arith.constant 0 : i32
      %dma_wait3A_1687 = arith.constant 0 : i32
      %dma_wait3A_1688 = tpu.memref_slice %arg16[%dma_wait3A_1686, %dma_wait3A_1687] : memref<10240x128xf32, #tpu.memory_space<vmem_shared>> -> memref<10240x128xf32, #tpu.memory_space<vmem_shared>>
      tpu.wait_indirect_dma semaphore(%run_scoped3A : memref<!tpu.dma_semaphore, #tpu.memory_space<semaphore_mem>>) src(%dma_wait3A_1688 : memref<10240x128xf32, #tpu.memory_space<vmem_shared>>) dst(%arg11 : memref<128x128xf32, #tpu.memory_space<vmem>>)
      tpu.yield
    }) : () -> ()
    "tpu.region"() ({
      %run_scoped3A = tpu.sem_alloc : memref<!tpu.dma_semaphore, #tpu.memory_space<semaphore_mem>>
      %dma_start3A_1683 = arith.constant 0 : i32
      %dma_start3A_1684 = tpu.memref_slice %arg6[%arg0, %add3A_740, %dma_start3A_1683] : memref<2x10240x128xf32, #tpu.memory_space<hbm>> -> memref<1x128x128xf32, #tpu.memory_space<hbm>>
      %dma_start3A_1685 = tpu.memref_squeeze %dma_start3A_1684 : memref<1x128x128xf32, #tpu.memory_space<hbm>> -> memref<128x128xf32, #tpu.memory_space<hbm>>
      %dma_start3A_1686 = arith.constant 0 : i32
      %dma_start3A_1687 = tpu.memref_slice %arg6[%arg0, %add3A_740, %dma_start3A_1686] : memref<2x10240x128xf32, #tpu.memory_space<hbm>> -> memref<1x128x128xf32, #tpu.memory_space<hbm>>
      %dma_start3A_1688 = tpu.memref_squeeze %dma_start3A_1687 : memref<1x128x128xf32, #tpu.memory_space<hbm>> -> memref<128x128xf32, #tpu.memory_space<hbm>>
      tpu.enqueue_dma source(%arg11 : memref<128x128xf32, #tpu.memory_space<vmem>>) target(%dma_start3A_1688 : memref<128x128xf32, #tpu.memory_space<hbm>>) target_semaphore(%run_scoped3A : memref<!tpu.dma_semaphore, #tpu.memory_space<semaphore_mem>>)
      %dma_wait3A_1689 = arith.constant 0 : i32
      %dma_wait3A_1690 = tpu.memref_slice %arg6[%arg0, %add3A_740, %dma_wait3A_1689] : memref<2x10240x128xf32, #tpu.memory_space<hbm>> -> memref<1x128x128xf32, #tpu.memory_space<hbm>>
      %dma_wait3A_1691 = tpu.memref_squeeze %dma_wait3A_1690 : memref<1x128x128xf32, #tpu.memory_space<hbm>> -> memref<128x128xf32, #tpu.memory_space<hbm>>
      %dma_wait3A_1692 = arith.constant 0 : i32
      %dma_wait3A_1693 = tpu.memref_slice %arg6[%arg0, %add3A_740, %dma_wait3A_1692] : memref<2x10240x128xf32, #tpu.memory_space<hbm>> -> memref<1x128x128xf32, #tpu.memory_space<hbm>>
      %dma_wait3A_1694 = tpu.memref_squeeze %dma_wait3A_1693 : memref<1x128x128xf32, #tpu.memory_space<hbm>> -> memref<128x128xf32, #tpu.memory_space<hbm>>
      tpu.wait_dma2 semaphore(%run_scoped3A : memref<!tpu.dma_semaphore, #tpu.memory_space<semaphore_mem>>) src(%arg11 : memref<128x128xf32, #tpu.memory_space<vmem>>) dst(%dma_wait3A_1694 : memref<128x128xf32, #tpu.memory_space<hbm>>)
      tpu.yield
    }) : () -> ()
    %mul3A_741 = arith.constant 640 : i32
    %mul3A_742 = arith.muli %arg1, %mul3A_741 : i32
    %add3A_743 = arith.constant 256 : i32
    %add3A_744 = arith.addi %mul3A_742, %add3A_743 : i32
    %add3A_745 = arith.constant 0 : i32
    %add3A_746 = arith.addi %add3A_744, %add3A_745 : i32
    %add3A_747 = vector.broadcast %add3A_746 : i32 to vector<16xi32>
    %add3A_748 = arith.addi %iota3A, %add3A_747 : vector<16xi32>
    %swap3A_749 = arith.constant 0 : index
    %swap3A_750 = tpu.vector_load %arg8[%swap3A_749] {strides = array<i32>} : memref<128xi32, #tpu.memory_space<vmem>>, vector<16xi32>,
    %swap3A_751 = vector.shape_cast %swap3A_750 : vector<16xi32> to vector<16xi32>
    %swap3A_752 = vector.shape_cast %add3A_748 : vector<16xi32> to vector<16xi32>
    tpu.vector_store %arg8[%swap3A_749], %swap3A_752 {strides = array<i32>} : memref<128xi32, #tpu.memory_space<vmem>>, vector<16xi32>,
    %add3A_753 = arith.constant 16 : i32
    %add3A_754 = arith.addi %add3A_744, %add3A_753 : i32
    %add3A_755 = vector.broadcast %add3A_754 : i32 to vector<16xi32>
    %add3A_756 = arith.addi %iota3A, %add3A_755 : vector<16xi32>
    %swap3A_757 = arith.constant 16 : index
    %swap3A_758 = tpu.vector_load %arg8[%swap3A_757] {strides = array<i32>} : memref<128xi32, #tpu.memory_space<vmem>>, vector<16xi32>,
    %swap3A_759 = vector.shape_cast %swap3A_758 : vector<16xi32> to vector<16xi32>
    %swap3A_760 = vector.shape_cast %add3A_756 : vector<16xi32> to vector<16xi32>
    tpu.vector_store %arg8[%swap3A_757], %swap3A_760 {strides = array<i32>} : memref<128xi32, #tpu.memory_space<vmem>>, vector<16xi32>,
    %add3A_761 = arith.constant 32 : i32
    %add3A_762 = arith.addi %add3A_744, %add3A_761 : i32
    %add3A_763 = vector.broadcast %add3A_762 : i32 to vector<16xi32>
    %add3A_764 = arith.addi %iota3A, %add3A_763 : vector<16xi32>
    %swap3A_765 = arith.constant 32 : index
    %swap3A_766 = tpu.vector_load %arg8[%swap3A_765] {strides = array<i32>} : memref<128xi32, #tpu.memory_space<vmem>>, vector<16xi32>,
    %swap3A_767 = vector.shape_cast %swap3A_766 : vector<16xi32> to vector<16xi32>
    %swap3A_768 = vector.shape_cast %add3A_764 : vector<16xi32> to vector<16xi32>
    tpu.vector_store %arg8[%swap3A_765], %swap3A_768 {strides = array<i32>} : memref<128xi32, #tpu.memory_space<vmem>>, vector<16xi32>,
    %add3A_769 = arith.constant 48 : i32
    %add3A_770 = arith.addi %add3A_744, %add3A_769 : i32
    %add3A_771 = vector.broadcast %add3A_770 : i32 to vector<16xi32>
    %add3A_772 = arith.addi %iota3A, %add3A_771 : vector<16xi32>
    %swap3A_773 = arith.constant 48 : index
    %swap3A_774 = tpu.vector_load %arg8[%swap3A_773] {strides = array<i32>} : memref<128xi32, #tpu.memory_space<vmem>>, vector<16xi32>,
    %swap3A_775 = vector.shape_cast %swap3A_774 : vector<16xi32> to vector<16xi32>
    %swap3A_776 = vector.shape_cast %add3A_772 : vector<16xi32> to vector<16xi32>
    tpu.vector_store %arg8[%swap3A_773], %swap3A_776 {strides = array<i32>} : memref<128xi32, #tpu.memory_space<vmem>>, vector<16xi32>,
    %add3A_777 = arith.constant 64 : i32
    %add3A_778 = arith.addi %add3A_744, %add3A_777 : i32
    %add3A_779 = vector.broadcast %add3A_778 : i32 to vector<16xi32>
    %add3A_780 = arith.addi %iota3A, %add3A_779 : vector<16xi32>
    %swap3A_781 = arith.constant 64 : index
    %swap3A_782 = tpu.vector_load %arg8[%swap3A_781] {strides = array<i32>} : memref<128xi32, #tpu.memory_space<vmem>>, vector<16xi32>,
    %swap3A_783 = vector.shape_cast %swap3A_782 : vector<16xi32> to vector<16xi32>
    %swap3A_784 = vector.shape_cast %add3A_780 : vector<16xi32> to vector<16xi32>
    tpu.vector_store %arg8[%swap3A_781], %swap3A_784 {strides = array<i32>} : memref<128xi32, #tpu.memory_space<vmem>>, vector<16xi32>,
    %add3A_785 = arith.constant 80 : i32
    %add3A_786 = arith.addi %add3A_744, %add3A_785 : i32
    %add3A_787 = vector.broadcast %add3A_786 : i32 to vector<16xi32>
    %add3A_788 = arith.addi %iota3A, %add3A_787 : vector<16xi32>
    %swap3A_789 = arith.constant 80 : index
    %swap3A_790 = tpu.vector_load %arg8[%swap3A_789] {strides = array<i32>} : memref<128xi32, #tpu.memory_space<vmem>>, vector<16xi32>,
    %swap3A_791 = vector.shape_cast %swap3A_790 : vector<16xi32> to vector<16xi32>
    %swap3A_792 = vector.shape_cast %add3A_788 : vector<16xi32> to vector<16xi32>
    tpu.vector_store %arg8[%swap3A_789], %swap3A_792 {strides = array<i32>} : memref<128xi32, #tpu.memory_space<vmem>>, vector<16xi32>,
    %add3A_793 = arith.constant 96 : i32
    %add3A_794 = arith.addi %add3A_744, %add3A_793 : i32
    %add3A_795 = vector.broadcast %add3A_794 : i32 to vector<16xi32>
    %add3A_796 = arith.addi %iota3A, %add3A_795 : vector<16xi32>
    %swap3A_797 = arith.constant 96 : index
    %swap3A_798 = tpu.vector_load %arg8[%swap3A_797] {strides = array<i32>} : memref<128xi32, #tpu.memory_space<vmem>>, vector<16xi32>,
    %swap3A_799 = vector.shape_cast %swap3A_798 : vector<16xi32> to vector<16xi32>
    %swap3A_800 = vector.shape_cast %add3A_796 : vector<16xi32> to vector<16xi32>
    tpu.vector_store %arg8[%swap3A_797], %swap3A_800 {strides = array<i32>} : memref<128xi32, #tpu.memory_space<vmem>>, vector<16xi32>,
    %add3A_801 = arith.constant 112 : i32
    %add3A_802 = arith.addi %add3A_744, %add3A_801 : i32
    %add3A_803 = vector.broadcast %add3A_802 : i32 to vector<16xi32>
    %add3A_804 = arith.addi %iota3A, %add3A_803 : vector<16xi32>
    %swap3A_805 = arith.constant 112 : index
    %swap3A_806 = tpu.vector_load %arg8[%swap3A_805] {strides = array<i32>} : memref<128xi32, #tpu.memory_space<vmem>>, vector<16xi32>,
    %swap3A_807 = vector.shape_cast %swap3A_806 : vector<16xi32> to vector<16xi32>
    %swap3A_808 = vector.shape_cast %add3A_804 : vector<16xi32> to vector<16xi32>
    tpu.vector_store %arg8[%swap3A_805], %swap3A_808 {strides = array<i32>} : memref<128xi32, #tpu.memory_space<vmem>>, vector<16xi32>,
    %mul3A_809 = arith.constant 640 : i32
    %mul3A_810 = arith.muli %arg1, %mul3A_809 : i32
    %add3A_811 = arith.constant 256 : i32
    %add3A_812 = arith.addi %mul3A_810, %add3A_811 : i32
    "tpu.region"() ({
      %run_scoped3A = tpu.sem_alloc : memref<!tpu.dma_semaphore, #tpu.memory_space<semaphore_mem>>
      %dma_start3A_1683 = arith.constant 0 : i32
      %dma_start3A_1684 = arith.constant 0 : i32
      %dma_start3A_1685 = tpu.memref_slice %arg16[%dma_start3A_1683, %dma_start3A_1684] : memref<10240x128xf32, #tpu.memory_space<vmem_shared>> -> memref<10240x128xf32, #tpu.memory_space<vmem_shared>>
      tpu.enqueue_indirect_dma source(%dma_start3A_1685 : memref<10240x128xf32, #tpu.memory_space<vmem_shared>>) target(%arg11 : memref<128x128xf32, #tpu.memory_space<vmem>>) offsets(%arg8 : memref<128xi32, #tpu.memory_space<vmem>>) semaphore(%run_scoped3A : memref<!tpu.dma_semaphore, #tpu.memory_space<semaphore_mem>>)
      %dma_wait3A_1686 = arith.constant 0 : i32
      %dma_wait3A_1687 = arith.constant 0 : i32
      %dma_wait3A_1688 = tpu.memref_slice %arg16[%dma_wait3A_1686, %dma_wait3A_1687] : memref<10240x128xf32, #tpu.memory_space<vmem_shared>> -> memref<10240x128xf32, #tpu.memory_space<vmem_shared>>
      tpu.wait_indirect_dma semaphore(%run_scoped3A : memref<!tpu.dma_semaphore, #tpu.memory_space<semaphore_mem>>) src(%dma_wait3A_1688 : memref<10240x128xf32, #tpu.memory_space<vmem_shared>>) dst(%arg11 : memref<128x128xf32, #tpu.memory_space<vmem>>)
      tpu.yield
    }) : () -> ()
    "tpu.region"() ({
      %run_scoped3A = tpu.sem_alloc : memref<!tpu.dma_semaphore, #tpu.memory_space<semaphore_mem>>
      %dma_start3A_1683 = arith.constant 0 : i32
      %dma_start3A_1684 = tpu.memref_slice %arg6[%arg0, %add3A_812, %dma_start3A_1683] : memref<2x10240x128xf32, #tpu.memory_space<hbm>> -> memref<1x128x128xf32, #tpu.memory_space<hbm>>
      %dma_start3A_1685 = tpu.memref_squeeze %dma_start3A_1684 : memref<1x128x128xf32, #tpu.memory_space<hbm>> -> memref<128x128xf32, #tpu.memory_space<hbm>>
      %dma_start3A_1686 = arith.constant 0 : i32
      %dma_start3A_1687 = tpu.memref_slice %arg6[%arg0, %add3A_812, %dma_start3A_1686] : memref<2x10240x128xf32, #tpu.memory_space<hbm>> -> memref<1x128x128xf32, #tpu.memory_space<hbm>>
      %dma_start3A_1688 = tpu.memref_squeeze %dma_start3A_1687 : memref<1x128x128xf32, #tpu.memory_space<hbm>> -> memref<128x128xf32, #tpu.memory_space<hbm>>
      tpu.enqueue_dma source(%arg11 : memref<128x128xf32, #tpu.memory_space<vmem>>) target(%dma_start3A_1688 : memref<128x128xf32, #tpu.memory_space<hbm>>) target_semaphore(%run_scoped3A : memref<!tpu.dma_semaphore, #tpu.memory_space<semaphore_mem>>)
      %dma_wait3A_1689 = arith.constant 0 : i32
      %dma_wait3A_1690 = tpu.memref_slice %arg6[%arg0, %add3A_812, %dma_wait3A_1689] : memref<2x10240x128xf32, #tpu.memory_space<hbm>> -> memref<1x128x128xf32, #tpu.memory_space<hbm>>
      %dma_wait3A_1691 = tpu.memref_squeeze %dma_wait3A_1690 : memref<1x128x128xf32, #tpu.memory_space<hbm>> -> memref<128x128xf32, #tpu.memory_space<hbm>>
      %dma_wait3A_1692 = arith.constant 0 : i32
      %dma_wait3A_1693 = tpu.memref_slice %arg6[%arg0, %add3A_812, %dma_wait3A_1692] : memref<2x10240x128xf32, #tpu.memory_space<hbm>> -> memref<1x128x128xf32, #tpu.memory_space<hbm>>
      %dma_wait3A_1694 = tpu.memref_squeeze %dma_wait3A_1693 : memref<1x128x128xf32, #tpu.memory_space<hbm>> -> memref<128x128xf32, #tpu.memory_space<hbm>>
      tpu.wait_dma2 semaphore(%run_scoped3A : memref<!tpu.dma_semaphore, #tpu.memory_space<semaphore_mem>>) src(%arg11 : memref<128x128xf32, #tpu.memory_space<vmem>>) dst(%dma_wait3A_1694 : memref<128x128xf32, #tpu.memory_space<hbm>>)
      tpu.yield
    }) : () -> ()
    %mul3A_813 = arith.constant 640 : i32
    %mul3A_814 = arith.muli %arg1, %mul3A_813 : i32
    %add3A_815 = arith.constant 384 : i32
    %add3A_816 = arith.addi %mul3A_814, %add3A_815 : i32
    %add3A_817 = arith.constant 0 : i32
    %add3A_818 = arith.addi %add3A_816, %add3A_817 : i32
    %add3A_819 = vector.broadcast %add3A_818 : i32 to vector<16xi32>
    %add3A_820 = arith.addi %iota3A, %add3A_819 : vector<16xi32>
    %swap3A_821 = arith.constant 0 : index
    %swap3A_822 = tpu.vector_load %arg8[%swap3A_821] {strides = array<i32>} : memref<128xi32, #tpu.memory_space<vmem>>, vector<16xi32>,
    %swap3A_823 = vector.shape_cast %swap3A_822 : vector<16xi32> to vector<16xi32>
    %swap3A_824 = vector.shape_cast %add3A_820 : vector<16xi32> to vector<16xi32>
    tpu.vector_store %arg8[%swap3A_821], %swap3A_824 {strides = array<i32>} : memref<128xi32, #tpu.memory_space<vmem>>, vector<16xi32>,
    %add3A_825 = arith.constant 16 : i32
    %add3A_826 = arith.addi %add3A_816, %add3A_825 : i32
    %add3A_827 = vector.broadcast %add3A_826 : i32 to vector<16xi32>
    %add3A_828 = arith.addi %iota3A, %add3A_827 : vector<16xi32>
    %swap3A_829 = arith.constant 16 : index
    %swap3A_830 = tpu.vector_load %arg8[%swap3A_829] {strides = array<i32>} : memref<128xi32, #tpu.memory_space<vmem>>, vector<16xi32>,
    %swap3A_831 = vector.shape_cast %swap3A_830 : vector<16xi32> to vector<16xi32>
    %swap3A_832 = vector.shape_cast %add3A_828 : vector<16xi32> to vector<16xi32>
    tpu.vector_store %arg8[%swap3A_829], %swap3A_832 {strides = array<i32>} : memref<128xi32, #tpu.memory_space<vmem>>, vector<16xi32>,
    %add3A_833 = arith.constant 32 : i32
    %add3A_834 = arith.addi %add3A_816, %add3A_833 : i32
    %add3A_835 = vector.broadcast %add3A_834 : i32 to vector<16xi32>
    %add3A_836 = arith.addi %iota3A, %add3A_835 : vector<16xi32>
    %swap3A_837 = arith.constant 32 : index
    %swap3A_838 = tpu.vector_load %arg8[%swap3A_837] {strides = array<i32>} : memref<128xi32, #tpu.memory_space<vmem>>, vector<16xi32>,
    %swap3A_839 = vector.shape_cast %swap3A_838 : vector<16xi32> to vector<16xi32>
    %swap3A_840 = vector.shape_cast %add3A_836 : vector<16xi32> to vector<16xi32>
    tpu.vector_store %arg8[%swap3A_837], %swap3A_840 {strides = array<i32>} : memref<128xi32, #tpu.memory_space<vmem>>, vector<16xi32>,
    %add3A_841 = arith.constant 48 : i32
    %add3A_842 = arith.addi %add3A_816, %add3A_841 : i32
    %add3A_843 = vector.broadcast %add3A_842 : i32 to vector<16xi32>
    %add3A_844 = arith.addi %iota3A, %add3A_843 : vector<16xi32>
    %swap3A_845 = arith.constant 48 : index
    %swap3A_846 = tpu.vector_load %arg8[%swap3A_845] {strides = array<i32>} : memref<128xi32, #tpu.memory_space<vmem>>, vector<16xi32>,
    %swap3A_847 = vector.shape_cast %swap3A_846 : vector<16xi32> to vector<16xi32>
    %swap3A_848 = vector.shape_cast %add3A_844 : vector<16xi32> to vector<16xi32>
    tpu.vector_store %arg8[%swap3A_845], %swap3A_848 {strides = array<i32>} : memref<128xi32, #tpu.memory_space<vmem>>, vector<16xi32>,
    %add3A_849 = arith.constant 64 : i32
    %add3A_850 = arith.addi %add3A_816, %add3A_849 : i32
    %add3A_851 = vector.broadcast %add3A_850 : i32 to vector<16xi32>
    %add3A_852 = arith.addi %iota3A, %add3A_851 : vector<16xi32>
    %swap3A_853 = arith.constant 64 : index
    %swap3A_854 = tpu.vector_load %arg8[%swap3A_853] {strides = array<i32>} : memref<128xi32, #tpu.memory_space<vmem>>, vector<16xi32>,
    %swap3A_855 = vector.shape_cast %swap3A_854 : vector<16xi32> to vector<16xi32>
    %swap3A_856 = vector.shape_cast %add3A_852 : vector<16xi32> to vector<16xi32>
    tpu.vector_store %arg8[%swap3A_853], %swap3A_856 {strides = array<i32>} : memref<128xi32, #tpu.memory_space<vmem>>, vector<16xi32>,
    %add3A_857 = arith.constant 80 : i32
    %add3A_858 = arith.addi %add3A_816, %add3A_857 : i32
    %add3A_859 = vector.broadcast %add3A_858 : i32 to vector<16xi32>
    %add3A_860 = arith.addi %iota3A, %add3A_859 : vector<16xi32>
    %swap3A_861 = arith.constant 80 : index
    %swap3A_862 = tpu.vector_load %arg8[%swap3A_861] {strides = array<i32>} : memref<128xi32, #tpu.memory_space<vmem>>, vector<16xi32>,
    %swap3A_863 = vector.shape_cast %swap3A_862 : vector<16xi32> to vector<16xi32>
    %swap3A_864 = vector.shape_cast %add3A_860 : vector<16xi32> to vector<16xi32>
    tpu.vector_store %arg8[%swap3A_861], %swap3A_864 {strides = array<i32>} : memref<128xi32, #tpu.memory_space<vmem>>, vector<16xi32>,
    %add3A_865 = arith.constant 96 : i32
    %add3A_866 = arith.addi %add3A_816, %add3A_865 : i32
    %add3A_867 = vector.broadcast %add3A_866 : i32 to vector<16xi32>
    %add3A_868 = arith.addi %iota3A, %add3A_867 : vector<16xi32>
    %swap3A_869 = arith.constant 96 : index
    %swap3A_870 = tpu.vector_load %arg8[%swap3A_869] {strides = array<i32>} : memref<128xi32, #tpu.memory_space<vmem>>, vector<16xi32>,
    %swap3A_871 = vector.shape_cast %swap3A_870 : vector<16xi32> to vector<16xi32>
    %swap3A_872 = vector.shape_cast %add3A_868 : vector<16xi32> to vector<16xi32>
    tpu.vector_store %arg8[%swap3A_869], %swap3A_872 {strides = array<i32>} : memref<128xi32, #tpu.memory_space<vmem>>, vector<16xi32>,
    %add3A_873 = arith.constant 112 : i32
    %add3A_874 = arith.addi %add3A_816, %add3A_873 : i32
    %add3A_875 = vector.broadcast %add3A_874 : i32 to vector<16xi32>
    %add3A_876 = arith.addi %iota3A, %add3A_875 : vector<16xi32>
    %swap3A_877 = arith.constant 112 : index
    %swap3A_878 = tpu.vector_load %arg8[%swap3A_877] {strides = array<i32>} : memref<128xi32, #tpu.memory_space<vmem>>, vector<16xi32>,
    %swap3A_879 = vector.shape_cast %swap3A_878 : vector<16xi32> to vector<16xi32>
    %swap3A_880 = vector.shape_cast %add3A_876 : vector<16xi32> to vector<16xi32>
    tpu.vector_store %arg8[%swap3A_877], %swap3A_880 {strides = array<i32>} : memref<128xi32, #tpu.memory_space<vmem>>, vector<16xi32>,
    %mul3A_881 = arith.constant 640 : i32
    %mul3A_882 = arith.muli %arg1, %mul3A_881 : i32
    %add3A_883 = arith.constant 384 : i32
    %add3A_884 = arith.addi %mul3A_882, %add3A_883 : i32
    "tpu.region"() ({
      %run_scoped3A = tpu.sem_alloc : memref<!tpu.dma_semaphore, #tpu.memory_space<semaphore_mem>>
      %dma_start3A_1683 = arith.constant 0 : i32
      %dma_start3A_1684 = arith.constant 0 : i32
      %dma_start3A_1685 = tpu.memref_slice %arg16[%dma_start3A_1683, %dma_start3A_1684] : memref<10240x128xf32, #tpu.memory_space<vmem_shared>> -> memref<10240x128xf32, #tpu.memory_space<vmem_shared>>
      tpu.enqueue_indirect_dma source(%dma_start3A_1685 : memref<10240x128xf32, #tpu.memory_space<vmem_shared>>) target(%arg11 : memref<128x128xf32, #tpu.memory_space<vmem>>) offsets(%arg8 : memref<128xi32, #tpu.memory_space<vmem>>) semaphore(%run_scoped3A : memref<!tpu.dma_semaphore, #tpu.memory_space<semaphore_mem>>)
      %dma_wait3A_1686 = arith.constant 0 : i32
      %dma_wait3A_1687 = arith.constant 0 : i32
      %dma_wait3A_1688 = tpu.memref_slice %arg16[%dma_wait3A_1686, %dma_wait3A_1687] : memref<10240x128xf32, #tpu.memory_space<vmem_shared>> -> memref<10240x128xf32, #tpu.memory_space<vmem_shared>>
      tpu.wait_indirect_dma semaphore(%run_scoped3A : memref<!tpu.dma_semaphore, #tpu.memory_space<semaphore_mem>>) src(%dma_wait3A_1688 : memref<10240x128xf32, #tpu.memory_space<vmem_shared>>) dst(%arg11 : memref<128x128xf32, #tpu.memory_space<vmem>>)
      tpu.yield
    }) : () -> ()
    "tpu.region"() ({
      %run_scoped3A = tpu.sem_alloc : memref<!tpu.dma_semaphore, #tpu.memory_space<semaphore_mem>>
      %dma_start3A_1683 = arith.constant 0 : i32
      %dma_start3A_1684 = tpu.memref_slice %arg6[%arg0, %add3A_884, %dma_start3A_1683] : memref<2x10240x128xf32, #tpu.memory_space<hbm>> -> memref<1x128x128xf32, #tpu.memory_space<hbm>>
      %dma_start3A_1685 = tpu.memref_squeeze %dma_start3A_1684 : memref<1x128x128xf32, #tpu.memory_space<hbm>> -> memref<128x128xf32, #tpu.memory_space<hbm>>
      %dma_start3A_1686 = arith.constant 0 : i32
      %dma_start3A_1687 = tpu.memref_slice %arg6[%arg0, %add3A_884, %dma_start3A_1686] : memref<2x10240x128xf32, #tpu.memory_space<hbm>> -> memref<1x128x128xf32, #tpu.memory_space<hbm>>
      %dma_start3A_1688 = tpu.memref_squeeze %dma_start3A_1687 : memref<1x128x128xf32, #tpu.memory_space<hbm>> -> memref<128x128xf32, #tpu.memory_space<hbm>>
      tpu.enqueue_dma source(%arg11 : memref<128x128xf32, #tpu.memory_space<vmem>>) target(%dma_start3A_1688 : memref<128x128xf32, #tpu.memory_space<hbm>>) target_semaphore(%run_scoped3A : memref<!tpu.dma_semaphore, #tpu.memory_space<semaphore_mem>>)
      %dma_wait3A_1689 = arith.constant 0 : i32
      %dma_wait3A_1690 = tpu.memref_slice %arg6[%arg0, %add3A_884, %dma_wait3A_1689] : memref<2x10240x128xf32, #tpu.memory_space<hbm>> -> memref<1x128x128xf32, #tpu.memory_space<hbm>>
      %dma_wait3A_1691 = tpu.memref_squeeze %dma_wait3A_1690 : memref<1x128x128xf32, #tpu.memory_space<hbm>> -> memref<128x128xf32, #tpu.memory_space<hbm>>
      %dma_wait3A_1692 = arith.constant 0 : i32
      %dma_wait3A_1693 = tpu.memref_slice %arg6[%arg0, %add3A_884, %dma_wait3A_1692] : memref<2x10240x128xf32, #tpu.memory_space<hbm>> -> memref<1x128x128xf32, #tpu.memory_space<hbm>>
      %dma_wait3A_1694 = tpu.memref_squeeze %dma_wait3A_1693 : memref<1x128x128xf32, #tpu.memory_space<hbm>> -> memref<128x128xf32, #tpu.memory_space<hbm>>
      tpu.wait_dma2 semaphore(%run_scoped3A : memref<!tpu.dma_semaphore, #tpu.memory_space<semaphore_mem>>) src(%arg11 : memref<128x128xf32, #tpu.memory_space<vmem>>) dst(%dma_wait3A_1694 : memref<128x128xf32, #tpu.memory_space<hbm>>)
      tpu.yield
    }) : () -> ()
    %mul3A_885 = arith.constant 640 : i32
    %mul3A_886 = arith.muli %arg1, %mul3A_885 : i32
    %add3A_887 = arith.constant 512 : i32
    %add3A_888 = arith.addi %mul3A_886, %add3A_887 : i32
    %add3A_889 = arith.constant 0 : i32
    %add3A_890 = arith.addi %add3A_888, %add3A_889 : i32
    %add3A_891 = vector.broadcast %add3A_890 : i32 to vector<16xi32>
    %add3A_892 = arith.addi %iota3A, %add3A_891 : vector<16xi32>
    %swap3A_893 = arith.constant 0 : index
    %swap3A_894 = tpu.vector_load %arg8[%swap3A_893] {strides = array<i32>} : memref<128xi32, #tpu.memory_space<vmem>>, vector<16xi32>,
    %swap3A_895 = vector.shape_cast %swap3A_894 : vector<16xi32> to vector<16xi32>
    %swap3A_896 = vector.shape_cast %add3A_892 : vector<16xi32> to vector<16xi32>
    tpu.vector_store %arg8[%swap3A_893], %swap3A_896 {strides = array<i32>} : memref<128xi32, #tpu.memory_space<vmem>>, vector<16xi32>,
    %add3A_897 = arith.constant 16 : i32
    %add3A_898 = arith.addi %add3A_888, %add3A_897 : i32
    %add3A_899 = vector.broadcast %add3A_898 : i32 to vector<16xi32>
    %add3A_900 = arith.addi %iota3A, %add3A_899 : vector<16xi32>
    %swap3A_901 = arith.constant 16 : index
    %swap3A_902 = tpu.vector_load %arg8[%swap3A_901] {strides = array<i32>} : memref<128xi32, #tpu.memory_space<vmem>>, vector<16xi32>,
    %swap3A_903 = vector.shape_cast %swap3A_902 : vector<16xi32> to vector<16xi32>
    %swap3A_904 = vector.shape_cast %add3A_900 : vector<16xi32> to vector<16xi32>
    tpu.vector_store %arg8[%swap3A_901], %swap3A_904 {strides = array<i32>} : memref<128xi32, #tpu.memory_space<vmem>>, vector<16xi32>,
    %add3A_905 = arith.constant 32 : i32
    %add3A_906 = arith.addi %add3A_888, %add3A_905 : i32
    %add3A_907 = vector.broadcast %add3A_906 : i32 to vector<16xi32>
    %add3A_908 = arith.addi %iota3A, %add3A_907 : vector<16xi32>
    %swap3A_909 = arith.constant 32 : index
    %swap3A_910 = tpu.vector_load %arg8[%swap3A_909] {strides = array<i32>} : memref<128xi32, #tpu.memory_space<vmem>>, vector<16xi32>,
    %swap3A_911 = vector.shape_cast %swap3A_910 : vector<16xi32> to vector<16xi32>
    %swap3A_912 = vector.shape_cast %add3A_908 : vector<16xi32> to vector<16xi32>
    tpu.vector_store %arg8[%swap3A_909], %swap3A_912 {strides = array<i32>} : memref<128xi32, #tpu.memory_space<vmem>>, vector<16xi32>,
    %add3A_913 = arith.constant 48 : i32
    %add3A_914 = arith.addi %add3A_888, %add3A_913 : i32
    %add3A_915 = vector.broadcast %add3A_914 : i32 to vector<16xi32>
    %add3A_916 = arith.addi %iota3A, %add3A_915 : vector<16xi32>
    %swap3A_917 = arith.constant 48 : index
    %swap3A_918 = tpu.vector_load %arg8[%swap3A_917] {strides = array<i32>} : memref<128xi32, #tpu.memory_space<vmem>>, vector<16xi32>,
    %swap3A_919 = vector.shape_cast %swap3A_918 : vector<16xi32> to vector<16xi32>
    %swap3A_920 = vector.shape_cast %add3A_916 : vector<16xi32> to vector<16xi32>
    tpu.vector_store %arg8[%swap3A_917], %swap3A_920 {strides = array<i32>} : memref<128xi32, #tpu.memory_space<vmem>>, vector<16xi32>,
    %add3A_921 = arith.constant 64 : i32
    %add3A_922 = arith.addi %add3A_888, %add3A_921 : i32
    %add3A_923 = vector.broadcast %add3A_922 : i32 to vector<16xi32>
    %add3A_924 = arith.addi %iota3A, %add3A_923 : vector<16xi32>
    %swap3A_925 = arith.constant 64 : index
    %swap3A_926 = tpu.vector_load %arg8[%swap3A_925] {strides = array<i32>} : memref<128xi32, #tpu.memory_space<vmem>>, vector<16xi32>,
    %swap3A_927 = vector.shape_cast %swap3A_926 : vector<16xi32> to vector<16xi32>
    %swap3A_928 = vector.shape_cast %add3A_924 : vector<16xi32> to vector<16xi32>
    tpu.vector_store %arg8[%swap3A_925], %swap3A_928 {strides = array<i32>} : memref<128xi32, #tpu.memory_space<vmem>>, vector<16xi32>,
    %add3A_929 = arith.constant 80 : i32
    %add3A_930 = arith.addi %add3A_888, %add3A_929 : i32
    %add3A_931 = vector.broadcast %add3A_930 : i32 to vector<16xi32>
    %add3A_932 = arith.addi %iota3A, %add3A_931 : vector<16xi32>
    %swap3A_933 = arith.constant 80 : index
    %swap3A_934 = tpu.vector_load %arg8[%swap3A_933] {strides = array<i32>} : memref<128xi32, #tpu.memory_space<vmem>>, vector<16xi32>,
    %swap3A_935 = vector.shape_cast %swap3A_934 : vector<16xi32> to vector<16xi32>
    %swap3A_936 = vector.shape_cast %add3A_932 : vector<16xi32> to vector<16xi32>
    tpu.vector_store %arg8[%swap3A_933], %swap3A_936 {strides = array<i32>} : memref<128xi32, #tpu.memory_space<vmem>>, vector<16xi32>,
    %add3A_937 = arith.constant 96 : i32
    %add3A_938 = arith.addi %add3A_888, %add3A_937 : i32
    %add3A_939 = vector.broadcast %add3A_938 : i32 to vector<16xi32>
    %add3A_940 = arith.addi %iota3A, %add3A_939 : vector<16xi32>
    %swap3A_941 = arith.constant 96 : index
    %swap3A_942 = tpu.vector_load %arg8[%swap3A_941] {strides = array<i32>} : memref<128xi32, #tpu.memory_space<vmem>>, vector<16xi32>,
    %swap3A_943 = vector.shape_cast %swap3A_942 : vector<16xi32> to vector<16xi32>
    %swap3A_944 = vector.shape_cast %add3A_940 : vector<16xi32> to vector<16xi32>
    tpu.vector_store %arg8[%swap3A_941], %swap3A_944 {strides = array<i32>} : memref<128xi32, #tpu.memory_space<vmem>>, vector<16xi32>,
    %add3A_945 = arith.constant 112 : i32
    %add3A_946 = arith.addi %add3A_888, %add3A_945 : i32
    %add3A_947 = vector.broadcast %add3A_946 : i32 to vector<16xi32>
    %add3A_948 = arith.addi %iota3A, %add3A_947 : vector<16xi32>
    %swap3A_949 = arith.constant 112 : index
    %swap3A_950 = tpu.vector_load %arg8[%swap3A_949] {strides = array<i32>} : memref<128xi32, #tpu.memory_space<vmem>>, vector<16xi32>,
    %swap3A_951 = vector.shape_cast %swap3A_950 : vector<16xi32> to vector<16xi32>
    %swap3A_952 = vector.shape_cast %add3A_948 : vector<16xi32> to vector<16xi32>
    tpu.vector_store %arg8[%swap3A_949], %swap3A_952 {strides = array<i32>} : memref<128xi32, #tpu.memory_space<vmem>>, vector<16xi32>,
    %mul3A_953 = arith.constant 640 : i32
    %mul3A_954 = arith.muli %arg1, %mul3A_953 : i32
    %add3A_955 = arith.constant 512 : i32
    %add3A_956 = arith.addi %mul3A_954, %add3A_955 : i32
    "tpu.region"() ({
      %run_scoped3A = tpu.sem_alloc : memref<!tpu.dma_semaphore, #tpu.memory_space<semaphore_mem>>
      %dma_start3A_1683 = arith.constant 0 : i32
      %dma_start3A_1684 = arith.constant 0 : i32
      %dma_start3A_1685 = tpu.memref_slice %arg16[%dma_start3A_1683, %dma_start3A_1684] : memref<10240x128xf32, #tpu.memory_space<vmem_shared>> -> memref<10240x128xf32, #tpu.memory_space<vmem_shared>>
      tpu.enqueue_indirect_dma source(%dma_start3A_1685 : memref<10240x128xf32, #tpu.memory_space<vmem_shared>>) target(%arg11 : memref<128x128xf32, #tpu.memory_space<vmem>>) offsets(%arg8 : memref<128xi32, #tpu.memory_space<vmem>>) semaphore(%run_scoped3A : memref<!tpu.dma_semaphore, #tpu.memory_space<semaphore_mem>>)
      %dma_wait3A_1686 = arith.constant 0 : i32
      %dma_wait3A_1687 = arith.constant 0 : i32
      %dma_wait3A_1688 = tpu.memref_slice %arg16[%dma_wait3A_1686, %dma_wait3A_1687] : memref<10240x128xf32, #tpu.memory_space<vmem_shared>> -> memref<10240x128xf32, #tpu.memory_space<vmem_shared>>
      tpu.wait_indirect_dma semaphore(%run_scoped3A : memref<!tpu.dma_semaphore, #tpu.memory_space<semaphore_mem>>) src(%dma_wait3A_1688 : memref<10240x128xf32, #tpu.memory_space<vmem_shared>>) dst(%arg11 : memref<128x128xf32, #tpu.memory_space<vmem>>)
      tpu.yield
    }) : () -> ()
    "tpu.region"() ({
      %run_scoped3A = tpu.sem_alloc : memref<!tpu.dma_semaphore, #tpu.memory_space<semaphore_mem>>
      %dma_start3A_1683 = arith.constant 0 : i32
      %dma_start3A_1684 = tpu.memref_slice %arg6[%arg0, %add3A_956, %dma_start3A_1683] : memref<2x10240x128xf32, #tpu.memory_space<hbm>> -> memref<1x128x128xf32, #tpu.memory_space<hbm>>
      %dma_start3A_1685 = tpu.memref_squeeze %dma_start3A_1684 : memref<1x128x128xf32, #tpu.memory_space<hbm>> -> memref<128x128xf32, #tpu.memory_space<hbm>>
      %dma_start3A_1686 = arith.constant 0 : i32
      %dma_start3A_1687 = tpu.memref_slice %arg6[%arg0, %add3A_956, %dma_start3A_1686] : memref<2x10240x128xf32, #tpu.memory_space<hbm>> -> memref<1x128x128xf32, #tpu.memory_space<hbm>>
      %dma_start3A_1688 = tpu.memref_squeeze %dma_start3A_1687 : memref<1x128x128xf32, #tpu.memory_space<hbm>> -> memref<128x128xf32, #tpu.memory_space<hbm>>
      tpu.enqueue_dma source(%arg11 : memref<128x128xf32, #tpu.memory_space<vmem>>) target(%dma_start3A_1688 : memref<128x128xf32, #tpu.memory_space<hbm>>) target_semaphore(%run_scoped3A : memref<!tpu.dma_semaphore, #tpu.memory_space<semaphore_mem>>)
      %dma_wait3A_1689 = arith.constant 0 : i32
      %dma_wait3A_1690 = tpu.memref_slice %arg6[%arg0, %add3A_956, %dma_wait3A_1689] : memref<2x10240x128xf32, #tpu.memory_space<hbm>> -> memref<1x128x128xf32, #tpu.memory_space<hbm>>
      %dma_wait3A_1691 = tpu.memref_squeeze %dma_wait3A_1690 : memref<1x128x128xf32, #tpu.memory_space<hbm>> -> memref<128x128xf32, #tpu.memory_space<hbm>>
      %dma_wait3A_1692 = arith.constant 0 : i32
      %dma_wait3A_1693 = tpu.memref_slice %arg6[%arg0, %add3A_956, %dma_wait3A_1692] : memref<2x10240x128xf32, #tpu.memory_space<hbm>> -> memref<1x128x128xf32, #tpu.memory_space<hbm>>
      %dma_wait3A_1694 = tpu.memref_squeeze %dma_wait3A_1693 : memref<1x128x128xf32, #tpu.memory_space<hbm>> -> memref<128x128xf32, #tpu.memory_space<hbm>>
      tpu.wait_dma2 semaphore(%run_scoped3A : memref<!tpu.dma_semaphore, #tpu.memory_space<semaphore_mem>>) src(%arg11 : memref<128x128xf32, #tpu.memory_space<vmem>>) dst(%dma_wait3A_1694 : memref<128x128xf32, #tpu.memory_space<hbm>>)
      tpu.yield
    }) : () -> ()
    %barrier3A_957 = arith.constant 0 : index
    tpu.barrier barrier_id(%barrier3A_957)
    %broadcast_in_dim3A_958 = arith.constant 0.000000e+00 : f32
    %broadcast_in_dim3A_959 = vector.broadcast %broadcast_in_dim3A_958 : f32 to vector<16xf32>
    %scan3A_960 = arith.constant 0 : i32
    %scan3A_961 = arith.constant 0 : i32
    %scan3A_962 = arith.constant 128 : i32
    %scan3A_963 = arith.addi %scan3A_961, %scan3A_962 : i32
    %scan3A_964 = arith.constant 1 : i32
    scf.for %scan3A_1683 = %scan3A_961 to %scan3A_963 step %scan3A_964  : i32 {
      %swap3A_1684 = arith.index_cast %scan3A_1683 : i32 to index
      %swap3A_1685 = arith.constant 0 : index
      %swap3A_1686 = tpu.vector_load %arg11[%swap3A_1684, %swap3A_1685] {strides = array<i32>} : memref<128x128xf32, #tpu.memory_space<vmem>>, vector<1x16xf32>,
      %swap3A_1687 = vector.shape_cast %swap3A_1686 : vector<1x16xf32> to vector<16xf32>
      %swap3A_1688 = vector.shape_cast %broadcast_in_dim3A_959 : vector<16xf32> to vector<1x16xf32>
      tpu.vector_store %arg11[%swap3A_1684, %swap3A_1685], %swap3A_1688 {strides = array<i32>} : memref<128x128xf32, #tpu.memory_space<vmem>>, vector<1x16xf32>,
      %swap3A_1689 = arith.index_cast %scan3A_1683 : i32 to index
      %swap3A_1690 = arith.constant 16 : index
      %swap3A_1691 = tpu.vector_load %arg11[%swap3A_1689, %swap3A_1690] {strides = array<i32>} : memref<128x128xf32, #tpu.memory_space<vmem>>, vector<1x16xf32>,
      %swap3A_1692 = vector.shape_cast %swap3A_1691 : vector<1x16xf32> to vector<16xf32>
      %swap3A_1693 = vector.shape_cast %broadcast_in_dim3A_959 : vector<16xf32> to vector<1x16xf32>
      tpu.vector_store %arg11[%swap3A_1689, %swap3A_1690], %swap3A_1693 {strides = array<i32>} : memref<128x128xf32, #tpu.memory_space<vmem>>, vector<1x16xf32>,
      %swap3A_1694 = arith.index_cast %scan3A_1683 : i32 to index
      %swap3A_1695 = arith.constant 32 : index
      %swap3A_1696 = tpu.vector_load %arg11[%swap3A_1694, %swap3A_1695] {strides = array<i32>} : memref<128x128xf32, #tpu.memory_space<vmem>>, vector<1x16xf32>,
      %swap3A_1697 = vector.shape_cast %swap3A_1696 : vector<1x16xf32> to vector<16xf32>
      %swap3A_1698 = vector.shape_cast %broadcast_in_dim3A_959 : vector<16xf32> to vector<1x16xf32>
      tpu.vector_store %arg11[%swap3A_1694, %swap3A_1695], %swap3A_1698 {strides = array<i32>} : memref<128x128xf32, #tpu.memory_space<vmem>>, vector<1x16xf32>,
      %swap3A_1699 = arith.index_cast %scan3A_1683 : i32 to index
      %swap3A_1700 = arith.constant 48 : index
      %swap3A_1701 = tpu.vector_load %arg11[%swap3A_1699, %swap3A_1700] {strides = array<i32>} : memref<128x128xf32, #tpu.memory_space<vmem>>, vector<1x16xf32>,
      %swap3A_1702 = vector.shape_cast %swap3A_1701 : vector<1x16xf32> to vector<16xf32>
      %swap3A_1703 = vector.shape_cast %broadcast_in_dim3A_959 : vector<16xf32> to vector<1x16xf32>
      tpu.vector_store %arg11[%swap3A_1699, %swap3A_1700], %swap3A_1703 {strides = array<i32>} : memref<128x128xf32, #tpu.memory_space<vmem>>, vector<1x16xf32>,
      %swap3A_1704 = arith.index_cast %scan3A_1683 : i32 to index
      %swap3A_1705 = arith.constant 64 : index
      %swap3A_1706 = tpu.vector_load %arg11[%swap3A_1704, %swap3A_1705] {strides = array<i32>} : memref<128x128xf32, #tpu.memory_space<vmem>>, vector<1x16xf32>,
      %swap3A_1707 = vector.shape_cast %swap3A_1706 : vector<1x16xf32> to vector<16xf32>
      %swap3A_1708 = vector.shape_cast %broadcast_in_dim3A_959 : vector<16xf32> to vector<1x16xf32>
      tpu.vector_store %arg11[%swap3A_1704, %swap3A_1705], %swap3A_1708 {strides = array<i32>} : memref<128x128xf32, #tpu.memory_space<vmem>>, vector<1x16xf32>,
      %swap3A_1709 = arith.index_cast %scan3A_1683 : i32 to index
      %swap3A_1710 = arith.constant 80 : index
      %swap3A_1711 = tpu.vector_load %arg11[%swap3A_1709, %swap3A_1710] {strides = array<i32>} : memref<128x128xf32, #tpu.memory_space<vmem>>, vector<1x16xf32>,
      %swap3A_1712 = vector.shape_cast %swap3A_1711 : vector<1x16xf32> to vector<16xf32>
      %swap3A_1713 = vector.shape_cast %broadcast_in_dim3A_959 : vector<16xf32> to vector<1x16xf32>
      tpu.vector_store %arg11[%swap3A_1709, %swap3A_1710], %swap3A_1713 {strides = array<i32>} : memref<128x128xf32, #tpu.memory_space<vmem>>, vector<1x16xf32>,
      %swap3A_1714 = arith.index_cast %scan3A_1683 : i32 to index
      %swap3A_1715 = arith.constant 96 : index
      %swap3A_1716 = tpu.vector_load %arg11[%swap3A_1714, %swap3A_1715] {strides = array<i32>} : memref<128x128xf32, #tpu.memory_space<vmem>>, vector<1x16xf32>,
      %swap3A_1717 = vector.shape_cast %swap3A_1716 : vector<1x16xf32> to vector<16xf32>
      %swap3A_1718 = vector.shape_cast %broadcast_in_dim3A_959 : vector<16xf32> to vector<1x16xf32>
      tpu.vector_store %arg11[%swap3A_1714, %swap3A_1715], %swap3A_1718 {strides = array<i32>} : memref<128x128xf32, #tpu.memory_space<vmem>>, vector<1x16xf32>,
      %swap3A_1719 = arith.index_cast %scan3A_1683 : i32 to index
      %swap3A_1720 = arith.constant 112 : index
      %swap3A_1721 = tpu.vector_load %arg11[%swap3A_1719, %swap3A_1720] {strides = array<i32>} : memref<128x128xf32, #tpu.memory_space<vmem>>, vector<1x16xf32>,
      %swap3A_1722 = vector.shape_cast %swap3A_1721 : vector<1x16xf32> to vector<16xf32>
      %swap3A_1723 = vector.shape_cast %broadcast_in_dim3A_959 : vector<16xf32> to vector<1x16xf32>
      tpu.vector_store %arg11[%swap3A_1719, %swap3A_1720], %swap3A_1723 {strides = array<i32>} : memref<128x128xf32, #tpu.memory_space<vmem>>, vector<1x16xf32>,
    }
    %scan3A_965 = arith.constant 128 : i32
    %mul3A_966 = arith.constant 640 : i32
    %mul3A_967 = arith.muli %arg1, %mul3A_966 : i32
    %add3A_968 = arith.constant 0 : i32
    %add3A_969 = arith.addi %mul3A_967, %add3A_968 : i32
    %add3A_970 = arith.constant 0 : i32
    %add3A_971 = arith.addi %add3A_969, %add3A_970 : i32
    %add3A_972 = vector.broadcast %add3A_971 : i32 to vector<16xi32>
    %add3A_973 = arith.addi %iota3A, %add3A_972 : vector<16xi32>
    %swap3A_974 = arith.constant 0 : index
    %swap3A_975 = tpu.vector_load %arg8[%swap3A_974] {strides = array<i32>} : memref<128xi32, #tpu.memory_space<vmem>>, vector<16xi32>,
    %swap3A_976 = vector.shape_cast %swap3A_975 : vector<16xi32> to vector<16xi32>
    %swap3A_977 = vector.shape_cast %add3A_973 : vector<16xi32> to vector<16xi32>
    tpu.vector_store %arg8[%swap3A_974], %swap3A_977 {strides = array<i32>} : memref<128xi32, #tpu.memory_space<vmem>>, vector<16xi32>,
    %add3A_978 = arith.constant 16 : i32
    %add3A_979 = arith.addi %add3A_969, %add3A_978 : i32
    %add3A_980 = vector.broadcast %add3A_979 : i32 to vector<16xi32>
    %add3A_981 = arith.addi %iota3A, %add3A_980 : vector<16xi32>
    %swap3A_982 = arith.constant 16 : index
    %swap3A_983 = tpu.vector_load %arg8[%swap3A_982] {strides = array<i32>} : memref<128xi32, #tpu.memory_space<vmem>>, vector<16xi32>,
    %swap3A_984 = vector.shape_cast %swap3A_983 : vector<16xi32> to vector<16xi32>
    %swap3A_985 = vector.shape_cast %add3A_981 : vector<16xi32> to vector<16xi32>
    tpu.vector_store %arg8[%swap3A_982], %swap3A_985 {strides = array<i32>} : memref<128xi32, #tpu.memory_space<vmem>>, vector<16xi32>,
    %add3A_986 = arith.constant 32 : i32
    %add3A_987 = arith.addi %add3A_969, %add3A_986 : i32
    %add3A_988 = vector.broadcast %add3A_987 : i32 to vector<16xi32>
    %add3A_989 = arith.addi %iota3A, %add3A_988 : vector<16xi32>
    %swap3A_990 = arith.constant 32 : index
    %swap3A_991 = tpu.vector_load %arg8[%swap3A_990] {strides = array<i32>} : memref<128xi32, #tpu.memory_space<vmem>>, vector<16xi32>,
    %swap3A_992 = vector.shape_cast %swap3A_991 : vector<16xi32> to vector<16xi32>
    %swap3A_993 = vector.shape_cast %add3A_989 : vector<16xi32> to vector<16xi32>
    tpu.vector_store %arg8[%swap3A_990], %swap3A_993 {strides = array<i32>} : memref<128xi32, #tpu.memory_space<vmem>>, vector<16xi32>,
    %add3A_994 = arith.constant 48 : i32
    %add3A_995 = arith.addi %add3A_969, %add3A_994 : i32
    %add3A_996 = vector.broadcast %add3A_995 : i32 to vector<16xi32>
    %add3A_997 = arith.addi %iota3A, %add3A_996 : vector<16xi32>
    %swap3A_998 = arith.constant 48 : index
    %swap3A_999 = tpu.vector_load %arg8[%swap3A_998] {strides = array<i32>} : memref<128xi32, #tpu.memory_space<vmem>>, vector<16xi32>,
    %swap3A_1000 = vector.shape_cast %swap3A_999 : vector<16xi32> to vector<16xi32>
    %swap3A_1001 = vector.shape_cast %add3A_997 : vector<16xi32> to vector<16xi32>
    tpu.vector_store %arg8[%swap3A_998], %swap3A_1001 {strides = array<i32>} : memref<128xi32, #tpu.memory_space<vmem>>, vector<16xi32>,
    %add3A_1002 = arith.constant 64 : i32
    %add3A_1003 = arith.addi %add3A_969, %add3A_1002 : i32
    %add3A_1004 = vector.broadcast %add3A_1003 : i32 to vector<16xi32>
    %add3A_1005 = arith.addi %iota3A, %add3A_1004 : vector<16xi32>
    %swap3A_1006 = arith.constant 64 : index
    %swap3A_1007 = tpu.vector_load %arg8[%swap3A_1006] {strides = array<i32>} : memref<128xi32, #tpu.memory_space<vmem>>, vector<16xi32>,
    %swap3A_1008 = vector.shape_cast %swap3A_1007 : vector<16xi32> to vector<16xi32>
    %swap3A_1009 = vector.shape_cast %add3A_1005 : vector<16xi32> to vector<16xi32>
    tpu.vector_store %arg8[%swap3A_1006], %swap3A_1009 {strides = array<i32>} : memref<128xi32, #tpu.memory_space<vmem>>, vector<16xi32>,
    %add3A_1010 = arith.constant 80 : i32
    %add3A_1011 = arith.addi %add3A_969, %add3A_1010 : i32
    %add3A_1012 = vector.broadcast %add3A_1011 : i32 to vector<16xi32>
    %add3A_1013 = arith.addi %iota3A, %add3A_1012 : vector<16xi32>
    %swap3A_1014 = arith.constant 80 : index
    %swap3A_1015 = tpu.vector_load %arg8[%swap3A_1014] {strides = array<i32>} : memref<128xi32, #tpu.memory_space<vmem>>, vector<16xi32>,
    %swap3A_1016 = vector.shape_cast %swap3A_1015 : vector<16xi32> to vector<16xi32>
    %swap3A_1017 = vector.shape_cast %add3A_1013 : vector<16xi32> to vector<16xi32>
    tpu.vector_store %arg8[%swap3A_1014], %swap3A_1017 {strides = array<i32>} : memref<128xi32, #tpu.memory_space<vmem>>, vector<16xi32>,
    %add3A_1018 = arith.constant 96 : i32
    %add3A_1019 = arith.addi %add3A_969, %add3A_1018 : i32
    %add3A_1020 = vector.broadcast %add3A_1019 : i32 to vector<16xi32>
    %add3A_1021 = arith.addi %iota3A, %add3A_1020 : vector<16xi32>
    %swap3A_1022 = arith.constant 96 : index
    %swap3A_1023 = tpu.vector_load %arg8[%swap3A_1022] {strides = array<i32>} : memref<128xi32, #tpu.memory_space<vmem>>, vector<16xi32>,
    %swap3A_1024 = vector.shape_cast %swap3A_1023 : vector<16xi32> to vector<16xi32>
    %swap3A_1025 = vector.shape_cast %add3A_1021 : vector<16xi32> to vector<16xi32>
    tpu.vector_store %arg8[%swap3A_1022], %swap3A_1025 {strides = array<i32>} : memref<128xi32, #tpu.memory_space<vmem>>, vector<16xi32>,
    %add3A_1026 = arith.constant 112 : i32
    %add3A_1027 = arith.addi %add3A_969, %add3A_1026 : i32
    %add3A_1028 = vector.broadcast %add3A_1027 : i32 to vector<16xi32>
    %add3A_1029 = arith.addi %iota3A, %add3A_1028 : vector<16xi32>
    %swap3A_1030 = arith.constant 112 : index
    %swap3A_1031 = tpu.vector_load %arg8[%swap3A_1030] {strides = array<i32>} : memref<128xi32, #tpu.memory_space<vmem>>, vector<16xi32>,
    %swap3A_1032 = vector.shape_cast %swap3A_1031 : vector<16xi32> to vector<16xi32>
    %swap3A_1033 = vector.shape_cast %add3A_1029 : vector<16xi32> to vector<16xi32>
    tpu.vector_store %arg8[%swap3A_1030], %swap3A_1033 {strides = array<i32>} : memref<128xi32, #tpu.memory_space<vmem>>, vector<16xi32>,
    "tpu.region"() ({
      %run_scoped3A = tpu.sem_alloc : memref<!tpu.dma_semaphore, #tpu.memory_space<semaphore_mem>>
      %dma_start3A_1683 = arith.constant 0 : i32
      %dma_start3A_1684 = arith.constant 0 : i32
      %dma_start3A_1685 = tpu.memref_slice %arg16[%dma_start3A_1683, %dma_start3A_1684] : memref<10240x128xf32, #tpu.memory_space<vmem_shared>> -> memref<10240x128xf32, #tpu.memory_space<vmem_shared>>
      tpu.enqueue_indirect_dma source(%arg11 : memref<128x128xf32, #tpu.memory_space<vmem>>) target(%dma_start3A_1685 : memref<10240x128xf32, #tpu.memory_space<vmem_shared>>) offsets(%arg8 : memref<128xi32, #tpu.memory_space<vmem>>) semaphore(%run_scoped3A : memref<!tpu.dma_semaphore, #tpu.memory_space<semaphore_mem>>)
      %dma_wait3A_1686 = arith.constant 0 : i32
      %dma_wait3A_1687 = arith.constant 0 : i32
      %dma_wait3A_1688 = tpu.memref_slice %arg16[%dma_wait3A_1686, %dma_wait3A_1687] : memref<10240x128xf32, #tpu.memory_space<vmem_shared>> -> memref<10240x128xf32, #tpu.memory_space<vmem_shared>>
      tpu.wait_indirect_dma semaphore(%run_scoped3A : memref<!tpu.dma_semaphore, #tpu.memory_space<semaphore_mem>>) src(%arg11 : memref<128x128xf32, #tpu.memory_space<vmem>>) dst(%dma_wait3A_1688 : memref<10240x128xf32, #tpu.memory_space<vmem_shared>>)
      tpu.yield
    }) : () -> ()
    %mul3A_1034 = arith.constant 640 : i32
    %mul3A_1035 = arith.muli %arg1, %mul3A_1034 : i32
    %add3A_1036 = arith.constant 128 : i32
    %add3A_1037 = arith.addi %mul3A_1035, %add3A_1036 : i32
    %add3A_1038 = arith.constant 0 : i32
    %add3A_1039 = arith.addi %add3A_1037, %add3A_1038 : i32
    %add3A_1040 = vector.broadcast %add3A_1039 : i32 to vector<16xi32>
    %add3A_1041 = arith.addi %iota3A, %add3A_1040 : vector<16xi32>
    %swap3A_1042 = arith.constant 0 : index
    %swap3A_1043 = tpu.vector_load %arg8[%swap3A_1042] {strides = array<i32>} : memref<128xi32, #tpu.memory_space<vmem>>, vector<16xi32>,
    %swap3A_1044 = vector.shape_cast %swap3A_1043 : vector<16xi32> to vector<16xi32>
    %swap3A_1045 = vector.shape_cast %add3A_1041 : vector<16xi32> to vector<16xi32>
    tpu.vector_store %arg8[%swap3A_1042], %swap3A_1045 {strides = array<i32>} : memref<128xi32, #tpu.memory_space<vmem>>, vector<16xi32>,
    %add3A_1046 = arith.constant 16 : i32
    %add3A_1047 = arith.addi %add3A_1037, %add3A_1046 : i32
    %add3A_1048 = vector.broadcast %add3A_1047 : i32 to vector<16xi32>
    %add3A_1049 = arith.addi %iota3A, %add3A_1048 : vector<16xi32>
    %swap3A_1050 = arith.constant 16 : index
    %swap3A_1051 = tpu.vector_load %arg8[%swap3A_1050] {strides = array<i32>} : memref<128xi32, #tpu.memory_space<vmem>>, vector<16xi32>,
    %swap3A_1052 = vector.shape_cast %swap3A_1051 : vector<16xi32> to vector<16xi32>
    %swap3A_1053 = vector.shape_cast %add3A_1049 : vector<16xi32> to vector<16xi32>
    tpu.vector_store %arg8[%swap3A_1050], %swap3A_1053 {strides = array<i32>} : memref<128xi32, #tpu.memory_space<vmem>>, vector<16xi32>,
    %add3A_1054 = arith.constant 32 : i32
    %add3A_1055 = arith.addi %add3A_1037, %add3A_1054 : i32
    %add3A_1056 = vector.broadcast %add3A_1055 : i32 to vector<16xi32>
    %add3A_1057 = arith.addi %iota3A, %add3A_1056 : vector<16xi32>
    %swap3A_1058 = arith.constant 32 : index
    %swap3A_1059 = tpu.vector_load %arg8[%swap3A_1058] {strides = array<i32>} : memref<128xi32, #tpu.memory_space<vmem>>, vector<16xi32>,
    %swap3A_1060 = vector.shape_cast %swap3A_1059 : vector<16xi32> to vector<16xi32>
    %swap3A_1061 = vector.shape_cast %add3A_1057 : vector<16xi32> to vector<16xi32>
    tpu.vector_store %arg8[%swap3A_1058], %swap3A_1061 {strides = array<i32>} : memref<128xi32, #tpu.memory_space<vmem>>, vector<16xi32>,
    %add3A_1062 = arith.constant 48 : i32
    %add3A_1063 = arith.addi %add3A_1037, %add3A_1062 : i32
    %add3A_1064 = vector.broadcast %add3A_1063 : i32 to vector<16xi32>
    %add3A_1065 = arith.addi %iota3A, %add3A_1064 : vector<16xi32>
    %swap3A_1066 = arith.constant 48 : index
    %swap3A_1067 = tpu.vector_load %arg8[%swap3A_1066] {strides = array<i32>} : memref<128xi32, #tpu.memory_space<vmem>>, vector<16xi32>,
    %swap3A_1068 = vector.shape_cast %swap3A_1067 : vector<16xi32> to vector<16xi32>
    %swap3A_1069 = vector.shape_cast %add3A_1065 : vector<16xi32> to vector<16xi32>
    tpu.vector_store %arg8[%swap3A_1066], %swap3A_1069 {strides = array<i32>} : memref<128xi32, #tpu.memory_space<vmem>>, vector<16xi32>,
    %add3A_1070 = arith.constant 64 : i32
    %add3A_1071 = arith.addi %add3A_1037, %add3A_1070 : i32
    %add3A_1072 = vector.broadcast %add3A_1071 : i32 to vector<16xi32>
    %add3A_1073 = arith.addi %iota3A, %add3A_1072 : vector<16xi32>
    %swap3A_1074 = arith.constant 64 : index
    %swap3A_1075 = tpu.vector_load %arg8[%swap3A_1074] {strides = array<i32>} : memref<128xi32, #tpu.memory_space<vmem>>, vector<16xi32>,
    %swap3A_1076 = vector.shape_cast %swap3A_1075 : vector<16xi32> to vector<16xi32>
    %swap3A_1077 = vector.shape_cast %add3A_1073 : vector<16xi32> to vector<16xi32>
    tpu.vector_store %arg8[%swap3A_1074], %swap3A_1077 {strides = array<i32>} : memref<128xi32, #tpu.memory_space<vmem>>, vector<16xi32>,
    %add3A_1078 = arith.constant 80 : i32
    %add3A_1079 = arith.addi %add3A_1037, %add3A_1078 : i32
    %add3A_1080 = vector.broadcast %add3A_1079 : i32 to vector<16xi32>
    %add3A_1081 = arith.addi %iota3A, %add3A_1080 : vector<16xi32>
    %swap3A_1082 = arith.constant 80 : index
    %swap3A_1083 = tpu.vector_load %arg8[%swap3A_1082] {strides = array<i32>} : memref<128xi32, #tpu.memory_space<vmem>>, vector<16xi32>,
    %swap3A_1084 = vector.shape_cast %swap3A_1083 : vector<16xi32> to vector<16xi32>
    %swap3A_1085 = vector.shape_cast %add3A_1081 : vector<16xi32> to vector<16xi32>
    tpu.vector_store %arg8[%swap3A_1082], %swap3A_1085 {strides = array<i32>} : memref<128xi32, #tpu.memory_space<vmem>>, vector<16xi32>,
    %add3A_1086 = arith.constant 96 : i32
    %add3A_1087 = arith.addi %add3A_1037, %add3A_1086 : i32
    %add3A_1088 = vector.broadcast %add3A_1087 : i32 to vector<16xi32>
    %add3A_1089 = arith.addi %iota3A, %add3A_1088 : vector<16xi32>
    %swap3A_1090 = arith.constant 96 : index
    %swap3A_1091 = tpu.vector_load %arg8[%swap3A_1090] {strides = array<i32>} : memref<128xi32, #tpu.memory_space<vmem>>, vector<16xi32>,
    %swap3A_1092 = vector.shape_cast %swap3A_1091 : vector<16xi32> to vector<16xi32>
    %swap3A_1093 = vector.shape_cast %add3A_1089 : vector<16xi32> to vector<16xi32>
    tpu.vector_store %arg8[%swap3A_1090], %swap3A_1093 {strides = array<i32>} : memref<128xi32, #tpu.memory_space<vmem>>, vector<16xi32>,
    %add3A_1094 = arith.constant 112 : i32
    %add3A_1095 = arith.addi %add3A_1037, %add3A_1094 : i32
    %add3A_1096 = vector.broadcast %add3A_1095 : i32 to vector<16xi32>
    %add3A_1097 = arith.addi %iota3A, %add3A_1096 : vector<16xi32>
    %swap3A_1098 = arith.constant 112 : index
    %swap3A_1099 = tpu.vector_load %arg8[%swap3A_1098] {strides = array<i32>} : memref<128xi32, #tpu.memory_space<vmem>>, vector<16xi32>,
    %swap3A_1100 = vector.shape_cast %swap3A_1099 : vector<16xi32> to vector<16xi32>
    %swap3A_1101 = vector.shape_cast %add3A_1097 : vector<16xi32> to vector<16xi32>
    tpu.vector_store %arg8[%swap3A_1098], %swap3A_1101 {strides = array<i32>} : memref<128xi32, #tpu.memory_space<vmem>>, vector<16xi32>,
    "tpu.region"() ({
      %run_scoped3A = tpu.sem_alloc : memref<!tpu.dma_semaphore, #tpu.memory_space<semaphore_mem>>
      %dma_start3A_1683 = arith.constant 0 : i32
      %dma_start3A_1684 = arith.constant 0 : i32
      %dma_start3A_1685 = tpu.memref_slice %arg16[%dma_start3A_1683, %dma_start3A_1684] : memref<10240x128xf32, #tpu.memory_space<vmem_shared>> -> memref<10240x128xf32, #tpu.memory_space<vmem_shared>>
      tpu.enqueue_indirect_dma source(%arg11 : memref<128x128xf32, #tpu.memory_space<vmem>>) target(%dma_start3A_1685 : memref<10240x128xf32, #tpu.memory_space<vmem_shared>>) offsets(%arg8 : memref<128xi32, #tpu.memory_space<vmem>>) semaphore(%run_scoped3A : memref<!tpu.dma_semaphore, #tpu.memory_space<semaphore_mem>>)
      %dma_wait3A_1686 = arith.constant 0 : i32
      %dma_wait3A_1687 = arith.constant 0 : i32
      %dma_wait3A_1688 = tpu.memref_slice %arg16[%dma_wait3A_1686, %dma_wait3A_1687] : memref<10240x128xf32, #tpu.memory_space<vmem_shared>> -> memref<10240x128xf32, #tpu.memory_space<vmem_shared>>
      tpu.wait_indirect_dma semaphore(%run_scoped3A : memref<!tpu.dma_semaphore, #tpu.memory_space<semaphore_mem>>) src(%arg11 : memref<128x128xf32, #tpu.memory_space<vmem>>) dst(%dma_wait3A_1688 : memref<10240x128xf32, #tpu.memory_space<vmem_shared>>)
      tpu.yield
    }) : () -> ()
    %mul3A_1102 = arith.constant 640 : i32
    %mul3A_1103 = arith.muli %arg1, %mul3A_1102 : i32
    %add3A_1104 = arith.constant 256 : i32
    %add3A_1105 = arith.addi %mul3A_1103, %add3A_1104 : i32
    %add3A_1106 = arith.constant 0 : i32
    %add3A_1107 = arith.addi %add3A_1105, %add3A_1106 : i32
    %add3A_1108 = vector.broadcast %add3A_1107 : i32 to vector<16xi32>
    %add3A_1109 = arith.addi %iota3A, %add3A_1108 : vector<16xi32>
    %swap3A_1110 = arith.constant 0 : index
    %swap3A_1111 = tpu.vector_load %arg8[%swap3A_1110] {strides = array<i32>} : memref<128xi32, #tpu.memory_space<vmem>>, vector<16xi32>,
    %swap3A_1112 = vector.shape_cast %swap3A_1111 : vector<16xi32> to vector<16xi32>
    %swap3A_1113 = vector.shape_cast %add3A_1109 : vector<16xi32> to vector<16xi32>
    tpu.vector_store %arg8[%swap3A_1110], %swap3A_1113 {strides = array<i32>} : memref<128xi32, #tpu.memory_space<vmem>>, vector<16xi32>,
    %add3A_1114 = arith.constant 16 : i32
    %add3A_1115 = arith.addi %add3A_1105, %add3A_1114 : i32
    %add3A_1116 = vector.broadcast %add3A_1115 : i32 to vector<16xi32>
    %add3A_1117 = arith.addi %iota3A, %add3A_1116 : vector<16xi32>
    %swap3A_1118 = arith.constant 16 : index
    %swap3A_1119 = tpu.vector_load %arg8[%swap3A_1118] {strides = array<i32>} : memref<128xi32, #tpu.memory_space<vmem>>, vector<16xi32>,
    %swap3A_1120 = vector.shape_cast %swap3A_1119 : vector<16xi32> to vector<16xi32>
    %swap3A_1121 = vector.shape_cast %add3A_1117 : vector<16xi32> to vector<16xi32>
    tpu.vector_store %arg8[%swap3A_1118], %swap3A_1121 {strides = array<i32>} : memref<128xi32, #tpu.memory_space<vmem>>, vector<16xi32>,
    %add3A_1122 = arith.constant 32 : i32
    %add3A_1123 = arith.addi %add3A_1105, %add3A_1122 : i32
    %add3A_1124 = vector.broadcast %add3A_1123 : i32 to vector<16xi32>
    %add3A_1125 = arith.addi %iota3A, %add3A_1124 : vector<16xi32>
    %swap3A_1126 = arith.constant 32 : index
    %swap3A_1127 = tpu.vector_load %arg8[%swap3A_1126] {strides = array<i32>} : memref<128xi32, #tpu.memory_space<vmem>>, vector<16xi32>,
    %swap3A_1128 = vector.shape_cast %swap3A_1127 : vector<16xi32> to vector<16xi32>
    %swap3A_1129 = vector.shape_cast %add3A_1125 : vector<16xi32> to vector<16xi32>
    tpu.vector_store %arg8[%swap3A_1126], %swap3A_1129 {strides = array<i32>} : memref<128xi32, #tpu.memory_space<vmem>>, vector<16xi32>,
    %add3A_1130 = arith.constant 48 : i32
    %add3A_1131 = arith.addi %add3A_1105, %add3A_1130 : i32
    %add3A_1132 = vector.broadcast %add3A_1131 : i32 to vector<16xi32>
    %add3A_1133 = arith.addi %iota3A, %add3A_1132 : vector<16xi32>
    %swap3A_1134 = arith.constant 48 : index
    %swap3A_1135 = tpu.vector_load %arg8[%swap3A_1134] {strides = array<i32>} : memref<128xi32, #tpu.memory_space<vmem>>, vector<16xi32>,
    %swap3A_1136 = vector.shape_cast %swap3A_1135 : vector<16xi32> to vector<16xi32>
    %swap3A_1137 = vector.shape_cast %add3A_1133 : vector<16xi32> to vector<16xi32>
    tpu.vector_store %arg8[%swap3A_1134], %swap3A_1137 {strides = array<i32>} : memref<128xi32, #tpu.memory_space<vmem>>, vector<16xi32>,
    %add3A_1138 = arith.constant 64 : i32
    %add3A_1139 = arith.addi %add3A_1105, %add3A_1138 : i32
    %add3A_1140 = vector.broadcast %add3A_1139 : i32 to vector<16xi32>
    %add3A_1141 = arith.addi %iota3A, %add3A_1140 : vector<16xi32>
    %swap3A_1142 = arith.constant 64 : index
    %swap3A_1143 = tpu.vector_load %arg8[%swap3A_1142] {strides = array<i32>} : memref<128xi32, #tpu.memory_space<vmem>>, vector<16xi32>,
    %swap3A_1144 = vector.shape_cast %swap3A_1143 : vector<16xi32> to vector<16xi32>
    %swap3A_1145 = vector.shape_cast %add3A_1141 : vector<16xi32> to vector<16xi32>
    tpu.vector_store %arg8[%swap3A_1142], %swap3A_1145 {strides = array<i32>} : memref<128xi32, #tpu.memory_space<vmem>>, vector<16xi32>,
    %add3A_1146 = arith.constant 80 : i32
    %add3A_1147 = arith.addi %add3A_1105, %add3A_1146 : i32
    %add3A_1148 = vector.broadcast %add3A_1147 : i32 to vector<16xi32>
    %add3A_1149 = arith.addi %iota3A, %add3A_1148 : vector<16xi32>
    %swap3A_1150 = arith.constant 80 : index
    %swap3A_1151 = tpu.vector_load %arg8[%swap3A_1150] {strides = array<i32>} : memref<128xi32, #tpu.memory_space<vmem>>, vector<16xi32>,
    %swap3A_1152 = vector.shape_cast %swap3A_1151 : vector<16xi32> to vector<16xi32>
    %swap3A_1153 = vector.shape_cast %add3A_1149 : vector<16xi32> to vector<16xi32>
    tpu.vector_store %arg8[%swap3A_1150], %swap3A_1153 {strides = array<i32>} : memref<128xi32, #tpu.memory_space<vmem>>, vector<16xi32>,
    %add3A_1154 = arith.constant 96 : i32
    %add3A_1155 = arith.addi %add3A_1105, %add3A_1154 : i32
    %add3A_1156 = vector.broadcast %add3A_1155 : i32 to vector<16xi32>
    %add3A_1157 = arith.addi %iota3A, %add3A_1156 : vector<16xi32>
    %swap3A_1158 = arith.constant 96 : index
    %swap3A_1159 = tpu.vector_load %arg8[%swap3A_1158] {strides = array<i32>} : memref<128xi32, #tpu.memory_space<vmem>>, vector<16xi32>,
    %swap3A_1160 = vector.shape_cast %swap3A_1159 : vector<16xi32> to vector<16xi32>
    %swap3A_1161 = vector.shape_cast %add3A_1157 : vector<16xi32> to vector<16xi32>
    tpu.vector_store %arg8[%swap3A_1158], %swap3A_1161 {strides = array<i32>} : memref<128xi32, #tpu.memory_space<vmem>>, vector<16xi32>,
    %add3A_1162 = arith.constant 112 : i32
    %add3A_1163 = arith.addi %add3A_1105, %add3A_1162 : i32
    %add3A_1164 = vector.broadcast %add3A_1163 : i32 to vector<16xi32>
    %add3A_1165 = arith.addi %iota3A, %add3A_1164 : vector<16xi32>
    %swap3A_1166 = arith.constant 112 : index
    %swap3A_1167 = tpu.vector_load %arg8[%swap3A_1166] {strides = array<i32>} : memref<128xi32, #tpu.memory_space<vmem>>, vector<16xi32>,
    %swap3A_1168 = vector.shape_cast %swap3A_1167 : vector<16xi32> to vector<16xi32>
    %swap3A_1169 = vector.shape_cast %add3A_1165 : vector<16xi32> to vector<16xi32>
    tpu.vector_store %arg8[%swap3A_1166], %swap3A_1169 {strides = array<i32>} : memref<128xi32, #tpu.memory_space<vmem>>, vector<16xi32>,
    "tpu.region"() ({
      %run_scoped3A = tpu.sem_alloc : memref<!tpu.dma_semaphore, #tpu.memory_space<semaphore_mem>>
      %dma_start3A_1683 = arith.constant 0 : i32
      %dma_start3A_1684 = arith.constant 0 : i32
      %dma_start3A_1685 = tpu.memref_slice %arg16[%dma_start3A_1683, %dma_start3A_1684] : memref<10240x128xf32, #tpu.memory_space<vmem_shared>> -> memref<10240x128xf32, #tpu.memory_space<vmem_shared>>
      tpu.enqueue_indirect_dma source(%arg11 : memref<128x128xf32, #tpu.memory_space<vmem>>) target(%dma_start3A_1685 : memref<10240x128xf32, #tpu.memory_space<vmem_shared>>) offsets(%arg8 : memref<128xi32, #tpu.memory_space<vmem>>) semaphore(%run_scoped3A : memref<!tpu.dma_semaphore, #tpu.memory_space<semaphore_mem>>)
      %dma_wait3A_1686 = arith.constant 0 : i32
      %dma_wait3A_1687 = arith.constant 0 : i32
      %dma_wait3A_1688 = tpu.memref_slice %arg16[%dma_wait3A_1686, %dma_wait3A_1687] : memref<10240x128xf32, #tpu.memory_space<vmem_shared>> -> memref<10240x128xf32, #tpu.memory_space<vmem_shared>>
      tpu.wait_indirect_dma semaphore(%run_scoped3A : memref<!tpu.dma_semaphore, #tpu.memory_space<semaphore_mem>>) src(%arg11 : memref<128x128xf32, #tpu.memory_space<vmem>>) dst(%dma_wait3A_1688 : memref<10240x128xf32, #tpu.memory_space<vmem_shared>>)
      tpu.yield
    }) : () -> ()
    %mul3A_1170 = arith.constant 640 : i32
    %mul3A_1171 = arith.muli %arg1, %mul3A_1170 : i32
    %add3A_1172 = arith.constant 384 : i32
    %add3A_1173 = arith.addi %mul3A_1171, %add3A_1172 : i32
    %add3A_1174 = arith.constant 0 : i32
    %add3A_1175 = arith.addi %add3A_1173, %add3A_1174 : i32
    %add3A_1176 = vector.broadcast %add3A_1175 : i32 to vector<16xi32>
    %add3A_1177 = arith.addi %iota3A, %add3A_1176 : vector<16xi32>
    %swap3A_1178 = arith.constant 0 : index
    %swap3A_1179 = tpu.vector_load %arg8[%swap3A_1178] {strides = array<i32>} : memref<128xi32, #tpu.memory_space<vmem>>, vector<16xi32>,
    %swap3A_1180 = vector.shape_cast %swap3A_1179 : vector<16xi32> to vector<16xi32>
    %swap3A_1181 = vector.shape_cast %add3A_1177 : vector<16xi32> to vector<16xi32>
    tpu.vector_store %arg8[%swap3A_1178], %swap3A_1181 {strides = array<i32>} : memref<128xi32, #tpu.memory_space<vmem>>, vector<16xi32>,
    %add3A_1182 = arith.constant 16 : i32
    %add3A_1183 = arith.addi %add3A_1173, %add3A_1182 : i32
    %add3A_1184 = vector.broadcast %add3A_1183 : i32 to vector<16xi32>
    %add3A_1185 = arith.addi %iota3A, %add3A_1184 : vector<16xi32>
    %swap3A_1186 = arith.constant 16 : index
    %swap3A_1187 = tpu.vector_load %arg8[%swap3A_1186] {strides = array<i32>} : memref<128xi32, #tpu.memory_space<vmem>>, vector<16xi32>,
    %swap3A_1188 = vector.shape_cast %swap3A_1187 : vector<16xi32> to vector<16xi32>
    %swap3A_1189 = vector.shape_cast %add3A_1185 : vector<16xi32> to vector<16xi32>
    tpu.vector_store %arg8[%swap3A_1186], %swap3A_1189 {strides = array<i32>} : memref<128xi32, #tpu.memory_space<vmem>>, vector<16xi32>,
    %add3A_1190 = arith.constant 32 : i32
    %add3A_1191 = arith.addi %add3A_1173, %add3A_1190 : i32
    %add3A_1192 = vector.broadcast %add3A_1191 : i32 to vector<16xi32>
    %add3A_1193 = arith.addi %iota3A, %add3A_1192 : vector<16xi32>
    %swap3A_1194 = arith.constant 32 : index
    %swap3A_1195 = tpu.vector_load %arg8[%swap3A_1194] {strides = array<i32>} : memref<128xi32, #tpu.memory_space<vmem>>, vector<16xi32>,
    %swap3A_1196 = vector.shape_cast %swap3A_1195 : vector<16xi32> to vector<16xi32>
    %swap3A_1197 = vector.shape_cast %add3A_1193 : vector<16xi32> to vector<16xi32>
    tpu.vector_store %arg8[%swap3A_1194], %swap3A_1197 {strides = array<i32>} : memref<128xi32, #tpu.memory_space<vmem>>, vector<16xi32>,
    %add3A_1198 = arith.constant 48 : i32
    %add3A_1199 = arith.addi %add3A_1173, %add3A_1198 : i32
    %add3A_1200 = vector.broadcast %add3A_1199 : i32 to vector<16xi32>
    %add3A_1201 = arith.addi %iota3A, %add3A_1200 : vector<16xi32>
    %swap3A_1202 = arith.constant 48 : index
    %swap3A_1203 = tpu.vector_load %arg8[%swap3A_1202] {strides = array<i32>} : memref<128xi32, #tpu.memory_space<vmem>>, vector<16xi32>,
    %swap3A_1204 = vector.shape_cast %swap3A_1203 : vector<16xi32> to vector<16xi32>
    %swap3A_1205 = vector.shape_cast %add3A_1201 : vector<16xi32> to vector<16xi32>
    tpu.vector_store %arg8[%swap3A_1202], %swap3A_1205 {strides = array<i32>} : memref<128xi32, #tpu.memory_space<vmem>>, vector<16xi32>,
    %add3A_1206 = arith.constant 64 : i32
    %add3A_1207 = arith.addi %add3A_1173, %add3A_1206 : i32
    %add3A_1208 = vector.broadcast %add3A_1207 : i32 to vector<16xi32>
    %add3A_1209 = arith.addi %iota3A, %add3A_1208 : vector<16xi32>
    %swap3A_1210 = arith.constant 64 : index
    %swap3A_1211 = tpu.vector_load %arg8[%swap3A_1210] {strides = array<i32>} : memref<128xi32, #tpu.memory_space<vmem>>, vector<16xi32>,
    %swap3A_1212 = vector.shape_cast %swap3A_1211 : vector<16xi32> to vector<16xi32>
    %swap3A_1213 = vector.shape_cast %add3A_1209 : vector<16xi32> to vector<16xi32>
    tpu.vector_store %arg8[%swap3A_1210], %swap3A_1213 {strides = array<i32>} : memref<128xi32, #tpu.memory_space<vmem>>, vector<16xi32>,
    %add3A_1214 = arith.constant 80 : i32
    %add3A_1215 = arith.addi %add3A_1173, %add3A_1214 : i32
    %add3A_1216 = vector.broadcast %add3A_1215 : i32 to vector<16xi32>
    %add3A_1217 = arith.addi %iota3A, %add3A_1216 : vector<16xi32>
    %swap3A_1218 = arith.constant 80 : index
    %swap3A_1219 = tpu.vector_load %arg8[%swap3A_1218] {strides = array<i32>} : memref<128xi32, #tpu.memory_space<vmem>>, vector<16xi32>,
    %swap3A_1220 = vector.shape_cast %swap3A_1219 : vector<16xi32> to vector<16xi32>
    %swap3A_1221 = vector.shape_cast %add3A_1217 : vector<16xi32> to vector<16xi32>
    tpu.vector_store %arg8[%swap3A_1218], %swap3A_1221 {strides = array<i32>} : memref<128xi32, #tpu.memory_space<vmem>>, vector<16xi32>,
    %add3A_1222 = arith.constant 96 : i32
    %add3A_1223 = arith.addi %add3A_1173, %add3A_1222 : i32
    %add3A_1224 = vector.broadcast %add3A_1223 : i32 to vector<16xi32>
    %add3A_1225 = arith.addi %iota3A, %add3A_1224 : vector<16xi32>
    %swap3A_1226 = arith.constant 96 : index
    %swap3A_1227 = tpu.vector_load %arg8[%swap3A_1226] {strides = array<i32>} : memref<128xi32, #tpu.memory_space<vmem>>, vector<16xi32>,
    %swap3A_1228 = vector.shape_cast %swap3A_1227 : vector<16xi32> to vector<16xi32>
    %swap3A_1229 = vector.shape_cast %add3A_1225 : vector<16xi32> to vector<16xi32>
    tpu.vector_store %arg8[%swap3A_1226], %swap3A_1229 {strides = array<i32>} : memref<128xi32, #tpu.memory_space<vmem>>, vector<16xi32>,
    %add3A_1230 = arith.constant 112 : i32
    %add3A_1231 = arith.addi %add3A_1173, %add3A_1230 : i32
    %add3A_1232 = vector.broadcast %add3A_1231 : i32 to vector<16xi32>
    %add3A_1233 = arith.addi %iota3A, %add3A_1232 : vector<16xi32>
    %swap3A_1234 = arith.constant 112 : index
    %swap3A_1235 = tpu.vector_load %arg8[%swap3A_1234] {strides = array<i32>} : memref<128xi32, #tpu.memory_space<vmem>>, vector<16xi32>,
    %swap3A_1236 = vector.shape_cast %swap3A_1235 : vector<16xi32> to vector<16xi32>
    %swap3A_1237 = vector.shape_cast %add3A_1233 : vector<16xi32> to vector<16xi32>
    tpu.vector_store %arg8[%swap3A_1234], %swap3A_1237 {strides = array<i32>} : memref<128xi32, #tpu.memory_space<vmem>>, vector<16xi32>,
    "tpu.region"() ({
      %run_scoped3A = tpu.sem_alloc : memref<!tpu.dma_semaphore, #tpu.memory_space<semaphore_mem>>
      %dma_start3A_1683 = arith.constant 0 : i32
      %dma_start3A_1684 = arith.constant 0 : i32
      %dma_start3A_1685 = tpu.memref_slice %arg16[%dma_start3A_1683, %dma_start3A_1684] : memref<10240x128xf32, #tpu.memory_space<vmem_shared>> -> memref<10240x128xf32, #tpu.memory_space<vmem_shared>>
      tpu.enqueue_indirect_dma source(%arg11 : memref<128x128xf32, #tpu.memory_space<vmem>>) target(%dma_start3A_1685 : memref<10240x128xf32, #tpu.memory_space<vmem_shared>>) offsets(%arg8 : memref<128xi32, #tpu.memory_space<vmem>>) semaphore(%run_scoped3A : memref<!tpu.dma_semaphore, #tpu.memory_space<semaphore_mem>>)
      %dma_wait3A_1686 = arith.constant 0 : i32
      %dma_wait3A_1687 = arith.constant 0 : i32
      %dma_wait3A_1688 = tpu.memref_slice %arg16[%dma_wait3A_1686, %dma_wait3A_1687] : memref<10240x128xf32, #tpu.memory_space<vmem_shared>> -> memref<10240x128xf32, #tpu.memory_space<vmem_shared>>
      tpu.wait_indirect_dma semaphore(%run_scoped3A : memref<!tpu.dma_semaphore, #tpu.memory_space<semaphore_mem>>) src(%arg11 : memref<128x128xf32, #tpu.memory_space<vmem>>) dst(%dma_wait3A_1688 : memref<10240x128xf32, #tpu.memory_space<vmem_shared>>)
      tpu.yield
    }) : () -> ()
    %mul3A_1238 = arith.constant 640 : i32
    %mul3A_1239 = arith.muli %arg1, %mul3A_1238 : i32
    %add3A_1240 = arith.constant 512 : i32
    %add3A_1241 = arith.addi %mul3A_1239, %add3A_1240 : i32
    %add3A_1242 = arith.constant 0 : i32
    %add3A_1243 = arith.addi %add3A_1241, %add3A_1242 : i32
    %add3A_1244 = vector.broadcast %add3A_1243 : i32 to vector<16xi32>
    %add3A_1245 = arith.addi %iota3A, %add3A_1244 : vector<16xi32>
    %swap3A_1246 = arith.constant 0 : index
    %swap3A_1247 = tpu.vector_load %arg8[%swap3A_1246] {strides = array<i32>} : memref<128xi32, #tpu.memory_space<vmem>>, vector<16xi32>,
    %swap3A_1248 = vector.shape_cast %swap3A_1247 : vector<16xi32> to vector<16xi32>
    %swap3A_1249 = vector.shape_cast %add3A_1245 : vector<16xi32> to vector<16xi32>
    tpu.vector_store %arg8[%swap3A_1246], %swap3A_1249 {strides = array<i32>} : memref<128xi32, #tpu.memory_space<vmem>>, vector<16xi32>,
    %add3A_1250 = arith.constant 16 : i32
    %add3A_1251 = arith.addi %add3A_1241, %add3A_1250 : i32
    %add3A_1252 = vector.broadcast %add3A_1251 : i32 to vector<16xi32>
    %add3A_1253 = arith.addi %iota3A, %add3A_1252 : vector<16xi32>
    %swap3A_1254 = arith.constant 16 : index
    %swap3A_1255 = tpu.vector_load %arg8[%swap3A_1254] {strides = array<i32>} : memref<128xi32, #tpu.memory_space<vmem>>, vector<16xi32>,
    %swap3A_1256 = vector.shape_cast %swap3A_1255 : vector<16xi32> to vector<16xi32>
    %swap3A_1257 = vector.shape_cast %add3A_1253 : vector<16xi32> to vector<16xi32>
    tpu.vector_store %arg8[%swap3A_1254], %swap3A_1257 {strides = array<i32>} : memref<128xi32, #tpu.memory_space<vmem>>, vector<16xi32>,
    %add3A_1258 = arith.constant 32 : i32
    %add3A_1259 = arith.addi %add3A_1241, %add3A_1258 : i32
    %add3A_1260 = vector.broadcast %add3A_1259 : i32 to vector<16xi32>
    %add3A_1261 = arith.addi %iota3A, %add3A_1260 : vector<16xi32>
    %swap3A_1262 = arith.constant 32 : index
    %swap3A_1263 = tpu.vector_load %arg8[%swap3A_1262] {strides = array<i32>} : memref<128xi32, #tpu.memory_space<vmem>>, vector<16xi32>,
    %swap3A_1264 = vector.shape_cast %swap3A_1263 : vector<16xi32> to vector<16xi32>
    %swap3A_1265 = vector.shape_cast %add3A_1261 : vector<16xi32> to vector<16xi32>
    tpu.vector_store %arg8[%swap3A_1262], %swap3A_1265 {strides = array<i32>} : memref<128xi32, #tpu.memory_space<vmem>>, vector<16xi32>,
    %add3A_1266 = arith.constant 48 : i32
    %add3A_1267 = arith.addi %add3A_1241, %add3A_1266 : i32
    %add3A_1268 = vector.broadcast %add3A_1267 : i32 to vector<16xi32>
    %add3A_1269 = arith.addi %iota3A, %add3A_1268 : vector<16xi32>
    %swap3A_1270 = arith.constant 48 : index
    %swap3A_1271 = tpu.vector_load %arg8[%swap3A_1270] {strides = array<i32>} : memref<128xi32, #tpu.memory_space<vmem>>, vector<16xi32>,
    %swap3A_1272 = vector.shape_cast %swap3A_1271 : vector<16xi32> to vector<16xi32>
    %swap3A_1273 = vector.shape_cast %add3A_1269 : vector<16xi32> to vector<16xi32>
    tpu.vector_store %arg8[%swap3A_1270], %swap3A_1273 {strides = array<i32>} : memref<128xi32, #tpu.memory_space<vmem>>, vector<16xi32>,
    %add3A_1274 = arith.constant 64 : i32
    %add3A_1275 = arith.addi %add3A_1241, %add3A_1274 : i32
    %add3A_1276 = vector.broadcast %add3A_1275 : i32 to vector<16xi32>
    %add3A_1277 = arith.addi %iota3A, %add3A_1276 : vector<16xi32>
    %swap3A_1278 = arith.constant 64 : index
    %swap3A_1279 = tpu.vector_load %arg8[%swap3A_1278] {strides = array<i32>} : memref<128xi32, #tpu.memory_space<vmem>>, vector<16xi32>,
    %swap3A_1280 = vector.shape_cast %swap3A_1279 : vector<16xi32> to vector<16xi32>
    %swap3A_1281 = vector.shape_cast %add3A_1277 : vector<16xi32> to vector<16xi32>
    tpu.vector_store %arg8[%swap3A_1278], %swap3A_1281 {strides = array<i32>} : memref<128xi32, #tpu.memory_space<vmem>>, vector<16xi32>,
    %add3A_1282 = arith.constant 80 : i32
    %add3A_1283 = arith.addi %add3A_1241, %add3A_1282 : i32
    %add3A_1284 = vector.broadcast %add3A_1283 : i32 to vector<16xi32>
    %add3A_1285 = arith.addi %iota3A, %add3A_1284 : vector<16xi32>
    %swap3A_1286 = arith.constant 80 : index
    %swap3A_1287 = tpu.vector_load %arg8[%swap3A_1286] {strides = array<i32>} : memref<128xi32, #tpu.memory_space<vmem>>, vector<16xi32>,
    %swap3A_1288 = vector.shape_cast %swap3A_1287 : vector<16xi32> to vector<16xi32>
    %swap3A_1289 = vector.shape_cast %add3A_1285 : vector<16xi32> to vector<16xi32>
    tpu.vector_store %arg8[%swap3A_1286], %swap3A_1289 {strides = array<i32>} : memref<128xi32, #tpu.memory_space<vmem>>, vector<16xi32>,
    %add3A_1290 = arith.constant 96 : i32
    %add3A_1291 = arith.addi %add3A_1241, %add3A_1290 : i32
    %add3A_1292 = vector.broadcast %add3A_1291 : i32 to vector<16xi32>
    %add3A_1293 = arith.addi %iota3A, %add3A_1292 : vector<16xi32>
    %swap3A_1294 = arith.constant 96 : index
    %swap3A_1295 = tpu.vector_load %arg8[%swap3A_1294] {strides = array<i32>} : memref<128xi32, #tpu.memory_space<vmem>>, vector<16xi32>,
    %swap3A_1296 = vector.shape_cast %swap3A_1295 : vector<16xi32> to vector<16xi32>
    %swap3A_1297 = vector.shape_cast %add3A_1293 : vector<16xi32> to vector<16xi32>
    tpu.vector_store %arg8[%swap3A_1294], %swap3A_1297 {strides = array<i32>} : memref<128xi32, #tpu.memory_space<vmem>>, vector<16xi32>,
    %add3A_1298 = arith.constant 112 : i32
    %add3A_1299 = arith.addi %add3A_1241, %add3A_1298 : i32
    %add3A_1300 = vector.broadcast %add3A_1299 : i32 to vector<16xi32>
    %add3A_1301 = arith.addi %iota3A, %add3A_1300 : vector<16xi32>
    %swap3A_1302 = arith.constant 112 : index
    %swap3A_1303 = tpu.vector_load %arg8[%swap3A_1302] {strides = array<i32>} : memref<128xi32, #tpu.memory_space<vmem>>, vector<16xi32>,
    %swap3A_1304 = vector.shape_cast %swap3A_1303 : vector<16xi32> to vector<16xi32>
    %swap3A_1305 = vector.shape_cast %add3A_1301 : vector<16xi32> to vector<16xi32>
    tpu.vector_store %arg8[%swap3A_1302], %swap3A_1305 {strides = array<i32>} : memref<128xi32, #tpu.memory_space<vmem>>, vector<16xi32>,
    "tpu.region"() ({
      %run_scoped3A = tpu.sem_alloc : memref<!tpu.dma_semaphore, #tpu.memory_space<semaphore_mem>>
      %dma_start3A_1683 = arith.constant 0 : i32
      %dma_start3A_1684 = arith.constant 0 : i32
      %dma_start3A_1685 = tpu.memref_slice %arg16[%dma_start3A_1683, %dma_start3A_1684] : memref<10240x128xf32, #tpu.memory_space<vmem_shared>> -> memref<10240x128xf32, #tpu.memory_space<vmem_shared>>
      tpu.enqueue_indirect_dma source(%arg11 : memref<128x128xf32, #tpu.memory_space<vmem>>) target(%dma_start3A_1685 : memref<10240x128xf32, #tpu.memory_space<vmem_shared>>) offsets(%arg8 : memref<128xi32, #tpu.memory_space<vmem>>) semaphore(%run_scoped3A : memref<!tpu.dma_semaphore, #tpu.memory_space<semaphore_mem>>)
      %dma_wait3A_1686 = arith.constant 0 : i32
      %dma_wait3A_1687 = arith.constant 0 : i32
      %dma_wait3A_1688 = tpu.memref_slice %arg16[%dma_wait3A_1686, %dma_wait3A_1687] : memref<10240x128xf32, #tpu.memory_space<vmem_shared>> -> memref<10240x128xf32, #tpu.memory_space<vmem_shared>>
      tpu.wait_indirect_dma semaphore(%run_scoped3A : memref<!tpu.dma_semaphore, #tpu.memory_space<semaphore_mem>>) src(%arg11 : memref<128x128xf32, #tpu.memory_space<vmem>>) dst(%dma_wait3A_1688 : memref<10240x128xf32, #tpu.memory_space<vmem_shared>>)
      tpu.yield
    }) : () -> ()
    %barrier3A_1306 = arith.constant 0 : index
    tpu.barrier barrier_id(%barrier3A_1306)
    %broadcast_in_dim3A_1307 = arith.constant 1.000000e+00 : f32
    %broadcast_in_dim3A_1308 = vector.broadcast %broadcast_in_dim3A_1307 : f32 to vector<16xf32>
    %scan3A_1309 = arith.constant 0 : i32
    %scan3A_1310 = arith.constant 0 : i32
    %scan3A_1311 = arith.constant 128 : i32
    %scan3A_1312 = arith.addi %scan3A_1310, %scan3A_1311 : i32
    %scan3A_1313 = arith.constant 1 : i32
    scf.for %scan3A_1683 = %scan3A_1310 to %scan3A_1312 step %scan3A_1313  : i32 {
      %swap3A_1684 = arith.index_cast %scan3A_1683 : i32 to index
      %swap3A_1685 = arith.constant 0 : index
      %swap3A_1686 = tpu.vector_load %arg11[%swap3A_1684, %swap3A_1685] {strides = array<i32>} : memref<128x128xf32, #tpu.memory_space<vmem>>, vector<1x16xf32>,
      %swap3A_1687 = vector.shape_cast %swap3A_1686 : vector<1x16xf32> to vector<16xf32>
      %swap3A_1688 = vector.shape_cast %broadcast_in_dim3A_1308 : vector<16xf32> to vector<1x16xf32>
      tpu.vector_store %arg11[%swap3A_1684, %swap3A_1685], %swap3A_1688 {strides = array<i32>} : memref<128x128xf32, #tpu.memory_space<vmem>>, vector<1x16xf32>,
      %swap3A_1689 = arith.index_cast %scan3A_1683 : i32 to index
      %swap3A_1690 = arith.constant 16 : index
      %swap3A_1691 = tpu.vector_load %arg11[%swap3A_1689, %swap3A_1690] {strides = array<i32>} : memref<128x128xf32, #tpu.memory_space<vmem>>, vector<1x16xf32>,
      %swap3A_1692 = vector.shape_cast %swap3A_1691 : vector<1x16xf32> to vector<16xf32>
      %swap3A_1693 = vector.shape_cast %broadcast_in_dim3A_1308 : vector<16xf32> to vector<1x16xf32>
      tpu.vector_store %arg11[%swap3A_1689, %swap3A_1690], %swap3A_1693 {strides = array<i32>} : memref<128x128xf32, #tpu.memory_space<vmem>>, vector<1x16xf32>,
      %swap3A_1694 = arith.index_cast %scan3A_1683 : i32 to index
      %swap3A_1695 = arith.constant 32 : index
      %swap3A_1696 = tpu.vector_load %arg11[%swap3A_1694, %swap3A_1695] {strides = array<i32>} : memref<128x128xf32, #tpu.memory_space<vmem>>, vector<1x16xf32>,
      %swap3A_1697 = vector.shape_cast %swap3A_1696 : vector<1x16xf32> to vector<16xf32>
      %swap3A_1698 = vector.shape_cast %broadcast_in_dim3A_1308 : vector<16xf32> to vector<1x16xf32>
      tpu.vector_store %arg11[%swap3A_1694, %swap3A_1695], %swap3A_1698 {strides = array<i32>} : memref<128x128xf32, #tpu.memory_space<vmem>>, vector<1x16xf32>,
      %swap3A_1699 = arith.index_cast %scan3A_1683 : i32 to index
      %swap3A_1700 = arith.constant 48 : index
      %swap3A_1701 = tpu.vector_load %arg11[%swap3A_1699, %swap3A_1700] {strides = array<i32>} : memref<128x128xf32, #tpu.memory_space<vmem>>, vector<1x16xf32>,
      %swap3A_1702 = vector.shape_cast %swap3A_1701 : vector<1x16xf32> to vector<16xf32>
      %swap3A_1703 = vector.shape_cast %broadcast_in_dim3A_1308 : vector<16xf32> to vector<1x16xf32>
      tpu.vector_store %arg11[%swap3A_1699, %swap3A_1700], %swap3A_1703 {strides = array<i32>} : memref<128x128xf32, #tpu.memory_space<vmem>>, vector<1x16xf32>,
      %swap3A_1704 = arith.index_cast %scan3A_1683 : i32 to index
      %swap3A_1705 = arith.constant 64 : index
      %swap3A_1706 = tpu.vector_load %arg11[%swap3A_1704, %swap3A_1705] {strides = array<i32>} : memref<128x128xf32, #tpu.memory_space<vmem>>, vector<1x16xf32>,
      %swap3A_1707 = vector.shape_cast %swap3A_1706 : vector<1x16xf32> to vector<16xf32>
      %swap3A_1708 = vector.shape_cast %broadcast_in_dim3A_1308 : vector<16xf32> to vector<1x16xf32>
      tpu.vector_store %arg11[%swap3A_1704, %swap3A_1705], %swap3A_1708 {strides = array<i32>} : memref<128x128xf32, #tpu.memory_space<vmem>>, vector<1x16xf32>,
      %swap3A_1709 = arith.index_cast %scan3A_1683 : i32 to index
      %swap3A_1710 = arith.constant 80 : index
      %swap3A_1711 = tpu.vector_load %arg11[%swap3A_1709, %swap3A_1710] {strides = array<i32>} : memref<128x128xf32, #tpu.memory_space<vmem>>, vector<1x16xf32>,
      %swap3A_1712 = vector.shape_cast %swap3A_1711 : vector<1x16xf32> to vector<16xf32>
      %swap3A_1713 = vector.shape_cast %broadcast_in_dim3A_1308 : vector<16xf32> to vector<1x16xf32>
      tpu.vector_store %arg11[%swap3A_1709, %swap3A_1710], %swap3A_1713 {strides = array<i32>} : memref<128x128xf32, #tpu.memory_space<vmem>>, vector<1x16xf32>,
      %swap3A_1714 = arith.index_cast %scan3A_1683 : i32 to index
      %swap3A_1715 = arith.constant 96 : index
      %swap3A_1716 = tpu.vector_load %arg11[%swap3A_1714, %swap3A_1715] {strides = array<i32>} : memref<128x128xf32, #tpu.memory_space<vmem>>, vector<1x16xf32>,
      %swap3A_1717 = vector.shape_cast %swap3A_1716 : vector<1x16xf32> to vector<16xf32>
      %swap3A_1718 = vector.shape_cast %broadcast_in_dim3A_1308 : vector<16xf32> to vector<1x16xf32>
      tpu.vector_store %arg11[%swap3A_1714, %swap3A_1715], %swap3A_1718 {strides = array<i32>} : memref<128x128xf32, #tpu.memory_space<vmem>>, vector<1x16xf32>,
      %swap3A_1719 = arith.index_cast %scan3A_1683 : i32 to index
      %swap3A_1720 = arith.constant 112 : index
      %swap3A_1721 = tpu.vector_load %arg11[%swap3A_1719, %swap3A_1720] {strides = array<i32>} : memref<128x128xf32, #tpu.memory_space<vmem>>, vector<1x16xf32>,
      %swap3A_1722 = vector.shape_cast %swap3A_1721 : vector<1x16xf32> to vector<16xf32>
      %swap3A_1723 = vector.shape_cast %broadcast_in_dim3A_1308 : vector<16xf32> to vector<1x16xf32>
      tpu.vector_store %arg11[%swap3A_1719, %swap3A_1720], %swap3A_1723 {strides = array<i32>} : memref<128x128xf32, #tpu.memory_space<vmem>>, vector<1x16xf32>,
    }
    %scan3A_1314 = arith.constant 128 : i32
    "tpu.region"() ({
      %run_scoped3A = tpu.sem_alloc : memref<!tpu.dma_semaphore, #tpu.memory_space<semaphore_mem>>
      %dma_start3A_1683 = arith.constant 0 : i32
      %dma_start3A_1684 = tpu.memref_slice %arg5[%mul3A_2, %dma_start3A_1683] : memref<2562x128xi32, #tpu.memory_space<hbm>> -> memref<1x128xi32, #tpu.memory_space<hbm>>
      %dma_start3A_1685 = tpu.memref_squeeze %dma_start3A_1684 : memref<1x128xi32, #tpu.memory_space<hbm>> -> memref<128xi32, #tpu.memory_space<hbm>>
      %dma_start3A_1686 = arith.constant 0 : i32
      %dma_start3A_1687 = tpu.memref_slice %arg5[%mul3A_2, %dma_start3A_1686] : memref<2562x128xi32, #tpu.memory_space<hbm>> -> memref<1x128xi32, #tpu.memory_space<hbm>>
      %dma_start3A_1688 = tpu.memref_squeeze %dma_start3A_1687 : memref<1x128xi32, #tpu.memory_space<hbm>> -> memref<128xi32, #tpu.memory_space<hbm>>
      tpu.enqueue_dma source(%dma_start3A_1688 : memref<128xi32, #tpu.memory_space<hbm>>) target(%arg10 : memref<128xi32, #tpu.memory_space<vmem>>) target_semaphore(%run_scoped3A : memref<!tpu.dma_semaphore, #tpu.memory_space<semaphore_mem>>)
      %dma_wait3A_1689 = arith.constant 0 : i32
      %dma_wait3A_1690 = tpu.memref_slice %arg5[%mul3A_2, %dma_wait3A_1689] : memref<2562x128xi32, #tpu.memory_space<hbm>> -> memref<1x128xi32, #tpu.memory_space<hbm>>
      %dma_wait3A_1691 = tpu.memref_squeeze %dma_wait3A_1690 : memref<1x128xi32, #tpu.memory_space<hbm>> -> memref<128xi32, #tpu.memory_space<hbm>>
      %dma_wait3A_1692 = arith.constant 0 : i32
      %dma_wait3A_1693 = tpu.memref_slice %arg5[%mul3A_2, %dma_wait3A_1692] : memref<2562x128xi32, #tpu.memory_space<hbm>> -> memref<1x128xi32, #tpu.memory_space<hbm>>
      %dma_wait3A_1694 = tpu.memref_squeeze %dma_wait3A_1693 : memref<1x128xi32, #tpu.memory_space<hbm>> -> memref<128xi32, #tpu.memory_space<hbm>>
      tpu.wait_dma2 semaphore(%run_scoped3A : memref<!tpu.dma_semaphore, #tpu.memory_space<semaphore_mem>>) src(%dma_wait3A_1694 : memref<128xi32, #tpu.memory_space<hbm>>) dst(%arg10 : memref<128xi32, #tpu.memory_space<vmem>>)
      tpu.yield
    }) : () -> ()
    %add3A_1315 = arith.constant 1 : i32
    %add3A_1316 = arith.addi %mul3A_2, %add3A_1315 : i32
    "tpu.region"() ({
      %run_scoped3A = tpu.sem_alloc : memref<!tpu.dma_semaphore, #tpu.memory_space<semaphore_mem>>
      %dma_start3A_1683 = arith.constant 0 : i32
      %dma_start3A_1684 = tpu.memref_slice %arg5[%add3A_1316, %dma_start3A_1683] : memref<2562x128xi32, #tpu.memory_space<hbm>> -> memref<1x128xi32, #tpu.memory_space<hbm>>
      %dma_start3A_1685 = tpu.memref_squeeze %dma_start3A_1684 : memref<1x128xi32, #tpu.memory_space<hbm>> -> memref<128xi32, #tpu.memory_space<hbm>>
      %dma_start3A_1686 = arith.constant 0 : i32
      %dma_start3A_1687 = tpu.memref_slice %arg5[%add3A_1316, %dma_start3A_1686] : memref<2562x128xi32, #tpu.memory_space<hbm>> -> memref<1x128xi32, #tpu.memory_space<hbm>>
      %dma_start3A_1688 = tpu.memref_squeeze %dma_start3A_1687 : memref<1x128xi32, #tpu.memory_space<hbm>> -> memref<128xi32, #tpu.memory_space<hbm>>
      tpu.enqueue_dma source(%dma_start3A_1688 : memref<128xi32, #tpu.memory_space<hbm>>) target(%arg14 : memref<128xi32, #tpu.memory_space<vmem>>) target_semaphore(%run_scoped3A : memref<!tpu.dma_semaphore, #tpu.memory_space<semaphore_mem>>)
      %dma_wait3A_1689 = arith.constant 0 : i32
      %dma_wait3A_1690 = tpu.memref_slice %arg5[%add3A_1316, %dma_wait3A_1689] : memref<2562x128xi32, #tpu.memory_space<hbm>> -> memref<1x128xi32, #tpu.memory_space<hbm>>
      %dma_wait3A_1691 = tpu.memref_squeeze %dma_wait3A_1690 : memref<1x128xi32, #tpu.memory_space<hbm>> -> memref<128xi32, #tpu.memory_space<hbm>>
      %dma_wait3A_1692 = arith.constant 0 : i32
      %dma_wait3A_1693 = tpu.memref_slice %arg5[%add3A_1316, %dma_wait3A_1692] : memref<2562x128xi32, #tpu.memory_space<hbm>> -> memref<1x128xi32, #tpu.memory_space<hbm>>
      %dma_wait3A_1694 = tpu.memref_squeeze %dma_wait3A_1693 : memref<1x128xi32, #tpu.memory_space<hbm>> -> memref<128xi32, #tpu.memory_space<hbm>>
      tpu.wait_dma2 semaphore(%run_scoped3A : memref<!tpu.dma_semaphore, #tpu.memory_space<semaphore_mem>>) src(%dma_wait3A_1694 : memref<128xi32, #tpu.memory_space<hbm>>) dst(%arg14 : memref<128xi32, #tpu.memory_space<vmem>>)
      tpu.yield
    }) : () -> ()
    %scan3A_1317 = arith.constant 0 : i32
    %scan3A_1318 = arith.constant 40 : i32
    %scan3A_1319 = arith.addi %scan3A_1317, %scan3A_1318 : i32
    %scan3A_1320 = arith.constant 1 : i32
    scf.for %scan3A_1683 = %scan3A_1317 to %scan3A_1319 step %scan3A_1320  : i32 {
      %mul3A_1684 = arith.constant 1 : i32
      %mul3A_1685 = arith.muli %scan3A_1683, %mul3A_1684 : i32
      %add3A_1686 = arith.constant 0 : i32
      %add3A_1687 = arith.addi %add3A_1686, %mul3A_1685 : i32
      %mul3A_1688 = arith.constant 2 : i32
      %mul3A_1689 = arith.muli %mul3A_1688, %add3A_1687 : i32
      %dma_start3A_1690 = arith.constant 0 : i32
      %dma_start3A_1691 = arith.constant 0 : i32
      %dma_start3A_1692 = tpu.memref_slice %arg16[%dma_start3A_1690, %dma_start3A_1691] : memref<10240x128xf32, #tpu.memory_space<vmem_shared>> -> memref<10240x128xf32, #tpu.memory_space<vmem_shared>>
      tpu.enqueue_indirect_dma source(%arg11 : memref<128x128xf32, #tpu.memory_space<vmem>>) target(%dma_start3A_1692 : memref<10240x128xf32, #tpu.memory_space<vmem_shared>>) offsets(%arg10 : memref<128xi32, #tpu.memory_space<vmem>>) semaphore(%arg17 : memref<!tpu.dma_semaphore, #tpu.memory_space<semaphore_mem>>) {add = true}
      %dma_start3A_1693 = arith.constant 0 : i32
      %dma_start3A_1694 = arith.constant 0 : i32
      %dma_start3A_1695 = tpu.memref_slice %arg16[%dma_start3A_1693, %dma_start3A_1694] : memref<10240x128xf32, #tpu.memory_space<vmem_shared>> -> memref<10240x128xf32, #tpu.memory_space<vmem_shared>>
      tpu.enqueue_indirect_dma source(%arg11 : memref<128x128xf32, #tpu.memory_space<vmem>>) target(%dma_start3A_1695 : memref<10240x128xf32, #tpu.memory_space<vmem_shared>>) offsets(%arg14 : memref<128xi32, #tpu.memory_space<vmem>>) semaphore(%arg17 : memref<!tpu.dma_semaphore, #tpu.memory_space<semaphore_mem>>) {add = true}
      %dma_wait3A_1696 = arith.constant 0 : i32
      %dma_wait3A_1697 = arith.constant 0 : i32
      %dma_wait3A_1698 = tpu.memref_slice %arg2[%dma_wait3A_1696, %dma_wait3A_1697] : memref<65536x128xf32, #tpu.memory_space<hbm>> -> memref<128x128xf32, #tpu.memory_space<hbm>>
      %dma_wait3A_1699 = arith.constant 0 : i32
      %dma_wait3A_1700 = arith.constant 0 : i32
      %dma_wait3A_1701 = tpu.memref_slice %arg2[%dma_wait3A_1699, %dma_wait3A_1700] : memref<65536x128xf32, #tpu.memory_space<hbm>> -> memref<128x128xf32, #tpu.memory_space<hbm>>
      tpu.wait_dma2 semaphore(%arg17 : memref<!tpu.dma_semaphore, #tpu.memory_space<semaphore_mem>>) src(%dma_wait3A_1701 : memref<128x128xf32, #tpu.memory_space<hbm>>) dst(%arg15 : memref<128x128xf32, #tpu.memory_space<vmem>>)
      %dma_wait3A_1702 = arith.constant 0 : i32
      %dma_wait3A_1703 = arith.constant 0 : i32
      %dma_wait3A_1704 = tpu.memref_slice %arg2[%dma_wait3A_1702, %dma_wait3A_1703] : memref<65536x128xf32, #tpu.memory_space<hbm>> -> memref<128x128xf32, #tpu.memory_space<hbm>>
      %dma_wait3A_1705 = arith.constant 0 : i32
      %dma_wait3A_1706 = arith.constant 0 : i32
      %dma_wait3A_1707 = tpu.memref_slice %arg2[%dma_wait3A_1705, %dma_wait3A_1706] : memref<65536x128xf32, #tpu.memory_space<hbm>> -> memref<128x128xf32, #tpu.memory_space<hbm>>
      tpu.wait_dma2 semaphore(%arg17 : memref<!tpu.dma_semaphore, #tpu.memory_space<semaphore_mem>>) src(%dma_wait3A_1707 : memref<128x128xf32, #tpu.memory_space<hbm>>) dst(%arg15 : memref<128x128xf32, #tpu.memory_space<vmem>>)
      %add3A_1708 = arith.addi %mul3A_2, %mul3A_1689 : i32
      %add3A_1709 = arith.constant 2 : i32
      %add3A_1710 = arith.addi %add3A_1708, %add3A_1709 : i32
      "tpu.region"() ({
        %run_scoped3A = tpu.sem_alloc : memref<!tpu.dma_semaphore, #tpu.memory_space<semaphore_mem>>
        %dma_start3A_1714 = arith.constant 0 : i32
        %dma_start3A_1715 = tpu.memref_slice %arg5[%add3A_1710, %dma_start3A_1714] : memref<2562x128xi32, #tpu.memory_space<hbm>> -> memref<1x128xi32, #tpu.memory_space<hbm>>
        %dma_start3A_1716 = tpu.memref_squeeze %dma_start3A_1715 : memref<1x128xi32, #tpu.memory_space<hbm>> -> memref<128xi32, #tpu.memory_space<hbm>>
        %dma_start3A_1717 = arith.constant 0 : i32
        %dma_start3A_1718 = tpu.memref_slice %arg5[%add3A_1710, %dma_start3A_1717] : memref<2562x128xi32, #tpu.memory_space<hbm>> -> memref<1x128xi32, #tpu.memory_space<hbm>>
        %dma_start3A_1719 = tpu.memref_squeeze %dma_start3A_1718 : memref<1x128xi32, #tpu.memory_space<hbm>> -> memref<128xi32, #tpu.memory_space<hbm>>
        tpu.enqueue_dma source(%dma_start3A_1719 : memref<128xi32, #tpu.memory_space<hbm>>) target(%arg10 : memref<128xi32, #tpu.memory_space<vmem>>) target_semaphore(%run_scoped3A : memref<!tpu.dma_semaphore, #tpu.memory_space<semaphore_mem>>)
        %dma_wait3A_1720 = arith.constant 0 : i32
        %dma_wait3A_1721 = tpu.memref_slice %arg5[%add3A_1710, %dma_wait3A_1720] : memref<2562x128xi32, #tpu.memory_space<hbm>> -> memref<1x128xi32, #tpu.memory_space<hbm>>
        %dma_wait3A_1722 = tpu.memref_squeeze %dma_wait3A_1721 : memref<1x128xi32, #tpu.memory_space<hbm>> -> memref<128xi32, #tpu.memory_space<hbm>>
        %dma_wait3A_1723 = arith.constant 0 : i32
        %dma_wait3A_1724 = tpu.memref_slice %arg5[%add3A_1710, %dma_wait3A_1723] : memref<2562x128xi32, #tpu.memory_space<hbm>> -> memref<1x128xi32, #tpu.memory_space<hbm>>
        %dma_wait3A_1725 = tpu.memref_squeeze %dma_wait3A_1724 : memref<1x128xi32, #tpu.memory_space<hbm>> -> memref<128xi32, #tpu.memory_space<hbm>>
        tpu.wait_dma2 semaphore(%run_scoped3A : memref<!tpu.dma_semaphore, #tpu.memory_space<semaphore_mem>>) src(%dma_wait3A_1725 : memref<128xi32, #tpu.memory_space<hbm>>) dst(%arg10 : memref<128xi32, #tpu.memory_space<vmem>>)
        tpu.yield
      }) : () -> ()
      %add3A_1711 = arith.addi %mul3A_2, %mul3A_1689 : i32
      %add3A_1712 = arith.constant 3 : i32
      %add3A_1713 = arith.addi %add3A_1711, %add3A_1712 : i32
      "tpu.region"() ({
        %run_scoped3A = tpu.sem_alloc : memref<!tpu.dma_semaphore, #tpu.memory_space<semaphore_mem>>
        %dma_start3A_1714 = arith.constant 0 : i32
        %dma_start3A_1715 = tpu.memref_slice %arg5[%add3A_1713, %dma_start3A_1714] : memref<2562x128xi32, #tpu.memory_space<hbm>> -> memref<1x128xi32, #tpu.memory_space<hbm>>
        %dma_start3A_1716 = tpu.memref_squeeze %dma_start3A_1715 : memref<1x128xi32, #tpu.memory_space<hbm>> -> memref<128xi32, #tpu.memory_space<hbm>>
        %dma_start3A_1717 = arith.constant 0 : i32
        %dma_start3A_1718 = tpu.memref_slice %arg5[%add3A_1713, %dma_start3A_1717] : memref<2562x128xi32, #tpu.memory_space<hbm>> -> memref<1x128xi32, #tpu.memory_space<hbm>>
        %dma_start3A_1719 = tpu.memref_squeeze %dma_start3A_1718 : memref<1x128xi32, #tpu.memory_space<hbm>> -> memref<128xi32, #tpu.memory_space<hbm>>
        tpu.enqueue_dma source(%dma_start3A_1719 : memref<128xi32, #tpu.memory_space<hbm>>) target(%arg14 : memref<128xi32, #tpu.memory_space<vmem>>) target_semaphore(%run_scoped3A : memref<!tpu.dma_semaphore, #tpu.memory_space<semaphore_mem>>)
        %dma_wait3A_1720 = arith.constant 0 : i32
        %dma_wait3A_1721 = tpu.memref_slice %arg5[%add3A_1713, %dma_wait3A_1720] : memref<2562x128xi32, #tpu.memory_space<hbm>> -> memref<1x128xi32, #tpu.memory_space<hbm>>
        %dma_wait3A_1722 = tpu.memref_squeeze %dma_wait3A_1721 : memref<1x128xi32, #tpu.memory_space<hbm>> -> memref<128xi32, #tpu.memory_space<hbm>>
        %dma_wait3A_1723 = arith.constant 0 : i32
        %dma_wait3A_1724 = tpu.memref_slice %arg5[%add3A_1713, %dma_wait3A_1723] : memref<2562x128xi32, #tpu.memory_space<hbm>> -> memref<1x128xi32, #tpu.memory_space<hbm>>
        %dma_wait3A_1725 = tpu.memref_squeeze %dma_wait3A_1724 : memref<1x128xi32, #tpu.memory_space<hbm>> -> memref<128xi32, #tpu.memory_space<hbm>>
        tpu.wait_dma2 semaphore(%run_scoped3A : memref<!tpu.dma_semaphore, #tpu.memory_space<semaphore_mem>>) src(%dma_wait3A_1725 : memref<128xi32, #tpu.memory_space<hbm>>) dst(%arg14 : memref<128xi32, #tpu.memory_space<vmem>>)
        tpu.yield
      }) : () -> ()
    }
    %scan3A_1321 = arith.constant 40 : i32
    %barrier3A_1322 = arith.constant 0 : index
    tpu.barrier barrier_id(%barrier3A_1322)
    %mul3A_1323 = arith.constant 640 : i32
    %mul3A_1324 = arith.muli %arg1, %mul3A_1323 : i32
    %add3A_1325 = arith.constant 0 : i32
    %add3A_1326 = arith.addi %mul3A_1324, %add3A_1325 : i32
    %add3A_1327 = arith.constant 0 : i32
    %add3A_1328 = arith.addi %add3A_1326, %add3A_1327 : i32
    %add3A_1329 = vector.broadcast %add3A_1328 : i32 to vector<16xi32>
    %add3A_1330 = arith.addi %iota3A, %add3A_1329 : vector<16xi32>
    %swap3A_1331 = arith.constant 0 : index
    %swap3A_1332 = tpu.vector_load %arg8[%swap3A_1331] {strides = array<i32>} : memref<128xi32, #tpu.memory_space<vmem>>, vector<16xi32>,
    %swap3A_1333 = vector.shape_cast %swap3A_1332 : vector<16xi32> to vector<16xi32>
    %swap3A_1334 = vector.shape_cast %add3A_1330 : vector<16xi32> to vector<16xi32>
    tpu.vector_store %arg8[%swap3A_1331], %swap3A_1334 {strides = array<i32>} : memref<128xi32, #tpu.memory_space<vmem>>, vector<16xi32>,
    %add3A_1335 = arith.constant 16 : i32
    %add3A_1336 = arith.addi %add3A_1326, %add3A_1335 : i32
    %add3A_1337 = vector.broadcast %add3A_1336 : i32 to vector<16xi32>
    %add3A_1338 = arith.addi %iota3A, %add3A_1337 : vector<16xi32>
    %swap3A_1339 = arith.constant 16 : index
    %swap3A_1340 = tpu.vector_load %arg8[%swap3A_1339] {strides = array<i32>} : memref<128xi32, #tpu.memory_space<vmem>>, vector<16xi32>,
    %swap3A_1341 = vector.shape_cast %swap3A_1340 : vector<16xi32> to vector<16xi32>
    %swap3A_1342 = vector.shape_cast %add3A_1338 : vector<16xi32> to vector<16xi32>
    tpu.vector_store %arg8[%swap3A_1339], %swap3A_1342 {strides = array<i32>} : memref<128xi32, #tpu.memory_space<vmem>>, vector<16xi32>,
    %add3A_1343 = arith.constant 32 : i32
    %add3A_1344 = arith.addi %add3A_1326, %add3A_1343 : i32
    %add3A_1345 = vector.broadcast %add3A_1344 : i32 to vector<16xi32>
    %add3A_1346 = arith.addi %iota3A, %add3A_1345 : vector<16xi32>
    %swap3A_1347 = arith.constant 32 : index
    %swap3A_1348 = tpu.vector_load %arg8[%swap3A_1347] {strides = array<i32>} : memref<128xi32, #tpu.memory_space<vmem>>, vector<16xi32>,
    %swap3A_1349 = vector.shape_cast %swap3A_1348 : vector<16xi32> to vector<16xi32>
    %swap3A_1350 = vector.shape_cast %add3A_1346 : vector<16xi32> to vector<16xi32>
    tpu.vector_store %arg8[%swap3A_1347], %swap3A_1350 {strides = array<i32>} : memref<128xi32, #tpu.memory_space<vmem>>, vector<16xi32>,
    %add3A_1351 = arith.constant 48 : i32
    %add3A_1352 = arith.addi %add3A_1326, %add3A_1351 : i32
    %add3A_1353 = vector.broadcast %add3A_1352 : i32 to vector<16xi32>
    %add3A_1354 = arith.addi %iota3A, %add3A_1353 : vector<16xi32>
    %swap3A_1355 = arith.constant 48 : index
    %swap3A_1356 = tpu.vector_load %arg8[%swap3A_1355] {strides = array<i32>} : memref<128xi32, #tpu.memory_space<vmem>>, vector<16xi32>,
    %swap3A_1357 = vector.shape_cast %swap3A_1356 : vector<16xi32> to vector<16xi32>
    %swap3A_1358 = vector.shape_cast %add3A_1354 : vector<16xi32> to vector<16xi32>
    tpu.vector_store %arg8[%swap3A_1355], %swap3A_1358 {strides = array<i32>} : memref<128xi32, #tpu.memory_space<vmem>>, vector<16xi32>,
    %add3A_1359 = arith.constant 64 : i32
    %add3A_1360 = arith.addi %add3A_1326, %add3A_1359 : i32
    %add3A_1361 = vector.broadcast %add3A_1360 : i32 to vector<16xi32>
    %add3A_1362 = arith.addi %iota3A, %add3A_1361 : vector<16xi32>
    %swap3A_1363 = arith.constant 64 : index
    %swap3A_1364 = tpu.vector_load %arg8[%swap3A_1363] {strides = array<i32>} : memref<128xi32, #tpu.memory_space<vmem>>, vector<16xi32>,
    %swap3A_1365 = vector.shape_cast %swap3A_1364 : vector<16xi32> to vector<16xi32>
    %swap3A_1366 = vector.shape_cast %add3A_1362 : vector<16xi32> to vector<16xi32>
    tpu.vector_store %arg8[%swap3A_1363], %swap3A_1366 {strides = array<i32>} : memref<128xi32, #tpu.memory_space<vmem>>, vector<16xi32>,
    %add3A_1367 = arith.constant 80 : i32
    %add3A_1368 = arith.addi %add3A_1326, %add3A_1367 : i32
    %add3A_1369 = vector.broadcast %add3A_1368 : i32 to vector<16xi32>
    %add3A_1370 = arith.addi %iota3A, %add3A_1369 : vector<16xi32>
    %swap3A_1371 = arith.constant 80 : index
    %swap3A_1372 = tpu.vector_load %arg8[%swap3A_1371] {strides = array<i32>} : memref<128xi32, #tpu.memory_space<vmem>>, vector<16xi32>,
    %swap3A_1373 = vector.shape_cast %swap3A_1372 : vector<16xi32> to vector<16xi32>
    %swap3A_1374 = vector.shape_cast %add3A_1370 : vector<16xi32> to vector<16xi32>
    tpu.vector_store %arg8[%swap3A_1371], %swap3A_1374 {strides = array<i32>} : memref<128xi32, #tpu.memory_space<vmem>>, vector<16xi32>,
    %add3A_1375 = arith.constant 96 : i32
    %add3A_1376 = arith.addi %add3A_1326, %add3A_1375 : i32
    %add3A_1377 = vector.broadcast %add3A_1376 : i32 to vector<16xi32>
    %add3A_1378 = arith.addi %iota3A, %add3A_1377 : vector<16xi32>
    %swap3A_1379 = arith.constant 96 : index
    %swap3A_1380 = tpu.vector_load %arg8[%swap3A_1379] {strides = array<i32>} : memref<128xi32, #tpu.memory_space<vmem>>, vector<16xi32>,
    %swap3A_1381 = vector.shape_cast %swap3A_1380 : vector<16xi32> to vector<16xi32>
    %swap3A_1382 = vector.shape_cast %add3A_1378 : vector<16xi32> to vector<16xi32>
    tpu.vector_store %arg8[%swap3A_1379], %swap3A_1382 {strides = array<i32>} : memref<128xi32, #tpu.memory_space<vmem>>, vector<16xi32>,
    %add3A_1383 = arith.constant 112 : i32
    %add3A_1384 = arith.addi %add3A_1326, %add3A_1383 : i32
    %add3A_1385 = vector.broadcast %add3A_1384 : i32 to vector<16xi32>
    %add3A_1386 = arith.addi %iota3A, %add3A_1385 : vector<16xi32>
    %swap3A_1387 = arith.constant 112 : index
    %swap3A_1388 = tpu.vector_load %arg8[%swap3A_1387] {strides = array<i32>} : memref<128xi32, #tpu.memory_space<vmem>>, vector<16xi32>,
    %swap3A_1389 = vector.shape_cast %swap3A_1388 : vector<16xi32> to vector<16xi32>
    %swap3A_1390 = vector.shape_cast %add3A_1386 : vector<16xi32> to vector<16xi32>
    tpu.vector_store %arg8[%swap3A_1387], %swap3A_1390 {strides = array<i32>} : memref<128xi32, #tpu.memory_space<vmem>>, vector<16xi32>,
    %mul3A_1391 = arith.constant 640 : i32
    %mul3A_1392 = arith.muli %arg1, %mul3A_1391 : i32
    %add3A_1393 = arith.constant 0 : i32
    %add3A_1394 = arith.addi %mul3A_1392, %add3A_1393 : i32
    "tpu.region"() ({
      %run_scoped3A = tpu.sem_alloc : memref<!tpu.dma_semaphore, #tpu.memory_space<semaphore_mem>>
      %dma_start3A_1683 = arith.constant 0 : i32
      %dma_start3A_1684 = arith.constant 0 : i32
      %dma_start3A_1685 = tpu.memref_slice %arg16[%dma_start3A_1683, %dma_start3A_1684] : memref<10240x128xf32, #tpu.memory_space<vmem_shared>> -> memref<10240x128xf32, #tpu.memory_space<vmem_shared>>
      tpu.enqueue_indirect_dma source(%dma_start3A_1685 : memref<10240x128xf32, #tpu.memory_space<vmem_shared>>) target(%arg11 : memref<128x128xf32, #tpu.memory_space<vmem>>) offsets(%arg8 : memref<128xi32, #tpu.memory_space<vmem>>) semaphore(%run_scoped3A : memref<!tpu.dma_semaphore, #tpu.memory_space<semaphore_mem>>)
      %dma_wait3A_1686 = arith.constant 0 : i32
      %dma_wait3A_1687 = arith.constant 0 : i32
      %dma_wait3A_1688 = tpu.memref_slice %arg16[%dma_wait3A_1686, %dma_wait3A_1687] : memref<10240x128xf32, #tpu.memory_space<vmem_shared>> -> memref<10240x128xf32, #tpu.memory_space<vmem_shared>>
      tpu.wait_indirect_dma semaphore(%run_scoped3A : memref<!tpu.dma_semaphore, #tpu.memory_space<semaphore_mem>>) src(%dma_wait3A_1688 : memref<10240x128xf32, #tpu.memory_space<vmem_shared>>) dst(%arg11 : memref<128x128xf32, #tpu.memory_space<vmem>>)
      tpu.yield
    }) : () -> ()
    "tpu.region"() ({
      %run_scoped3A = tpu.sem_alloc : memref<!tpu.dma_semaphore, #tpu.memory_space<semaphore_mem>>
      %dma_start3A_1683 = arith.constant 0 : i32
      %dma_start3A_1684 = tpu.memref_slice %arg7[%arg0, %add3A_1394, %dma_start3A_1683] : memref<2x10240x128xf32, #tpu.memory_space<hbm>> -> memref<1x128x128xf32, #tpu.memory_space<hbm>>
      %dma_start3A_1685 = tpu.memref_squeeze %dma_start3A_1684 : memref<1x128x128xf32, #tpu.memory_space<hbm>> -> memref<128x128xf32, #tpu.memory_space<hbm>>
      %dma_start3A_1686 = arith.constant 0 : i32
      %dma_start3A_1687 = tpu.memref_slice %arg7[%arg0, %add3A_1394, %dma_start3A_1686] : memref<2x10240x128xf32, #tpu.memory_space<hbm>> -> memref<1x128x128xf32, #tpu.memory_space<hbm>>
      %dma_start3A_1688 = tpu.memref_squeeze %dma_start3A_1687 : memref<1x128x128xf32, #tpu.memory_space<hbm>> -> memref<128x128xf32, #tpu.memory_space<hbm>>
      tpu.enqueue_dma source(%arg11 : memref<128x128xf32, #tpu.memory_space<vmem>>) target(%dma_start3A_1688 : memref<128x128xf32, #tpu.memory_space<hbm>>) target_semaphore(%run_scoped3A : memref<!tpu.dma_semaphore, #tpu.memory_space<semaphore_mem>>)
      %dma_wait3A_1689 = arith.constant 0 : i32
      %dma_wait3A_1690 = tpu.memref_slice %arg7[%arg0, %add3A_1394, %dma_wait3A_1689] : memref<2x10240x128xf32, #tpu.memory_space<hbm>> -> memref<1x128x128xf32, #tpu.memory_space<hbm>>
      %dma_wait3A_1691 = tpu.memref_squeeze %dma_wait3A_1690 : memref<1x128x128xf32, #tpu.memory_space<hbm>> -> memref<128x128xf32, #tpu.memory_space<hbm>>
      %dma_wait3A_1692 = arith.constant 0 : i32
      %dma_wait3A_1693 = tpu.memref_slice %arg7[%arg0, %add3A_1394, %dma_wait3A_1692] : memref<2x10240x128xf32, #tpu.memory_space<hbm>> -> memref<1x128x128xf32, #tpu.memory_space<hbm>>
      %dma_wait3A_1694 = tpu.memref_squeeze %dma_wait3A_1693 : memref<1x128x128xf32, #tpu.memory_space<hbm>> -> memref<128x128xf32, #tpu.memory_space<hbm>>
      tpu.wait_dma2 semaphore(%run_scoped3A : memref<!tpu.dma_semaphore, #tpu.memory_space<semaphore_mem>>) src(%arg11 : memref<128x128xf32, #tpu.memory_space<vmem>>) dst(%dma_wait3A_1694 : memref<128x128xf32, #tpu.memory_space<hbm>>)
      tpu.yield
    }) : () -> ()
    %mul3A_1395 = arith.constant 640 : i32
    %mul3A_1396 = arith.muli %arg1, %mul3A_1395 : i32
    %add3A_1397 = arith.constant 128 : i32
    %add3A_1398 = arith.addi %mul3A_1396, %add3A_1397 : i32
    %add3A_1399 = arith.constant 0 : i32
    %add3A_1400 = arith.addi %add3A_1398, %add3A_1399 : i32
    %add3A_1401 = vector.broadcast %add3A_1400 : i32 to vector<16xi32>
    %add3A_1402 = arith.addi %iota3A, %add3A_1401 : vector<16xi32>
    %swap3A_1403 = arith.constant 0 : index
    %swap3A_1404 = tpu.vector_load %arg8[%swap3A_1403] {strides = array<i32>} : memref<128xi32, #tpu.memory_space<vmem>>, vector<16xi32>,
    %swap3A_1405 = vector.shape_cast %swap3A_1404 : vector<16xi32> to vector<16xi32>
    %swap3A_1406 = vector.shape_cast %add3A_1402 : vector<16xi32> to vector<16xi32>
    tpu.vector_store %arg8[%swap3A_1403], %swap3A_1406 {strides = array<i32>} : memref<128xi32, #tpu.memory_space<vmem>>, vector<16xi32>,
    %add3A_1407 = arith.constant 16 : i32
    %add3A_1408 = arith.addi %add3A_1398, %add3A_1407 : i32
    %add3A_1409 = vector.broadcast %add3A_1408 : i32 to vector<16xi32>
    %add3A_1410 = arith.addi %iota3A, %add3A_1409 : vector<16xi32>
    %swap3A_1411 = arith.constant 16 : index
    %swap3A_1412 = tpu.vector_load %arg8[%swap3A_1411] {strides = array<i32>} : memref<128xi32, #tpu.memory_space<vmem>>, vector<16xi32>,
    %swap3A_1413 = vector.shape_cast %swap3A_1412 : vector<16xi32> to vector<16xi32>
    %swap3A_1414 = vector.shape_cast %add3A_1410 : vector<16xi32> to vector<16xi32>
    tpu.vector_store %arg8[%swap3A_1411], %swap3A_1414 {strides = array<i32>} : memref<128xi32, #tpu.memory_space<vmem>>, vector<16xi32>,
    %add3A_1415 = arith.constant 32 : i32
    %add3A_1416 = arith.addi %add3A_1398, %add3A_1415 : i32
    %add3A_1417 = vector.broadcast %add3A_1416 : i32 to vector<16xi32>
    %add3A_1418 = arith.addi %iota3A, %add3A_1417 : vector<16xi32>
    %swap3A_1419 = arith.constant 32 : index
    %swap3A_1420 = tpu.vector_load %arg8[%swap3A_1419] {strides = array<i32>} : memref<128xi32, #tpu.memory_space<vmem>>, vector<16xi32>,
    %swap3A_1421 = vector.shape_cast %swap3A_1420 : vector<16xi32> to vector<16xi32>
    %swap3A_1422 = vector.shape_cast %add3A_1418 : vector<16xi32> to vector<16xi32>
    tpu.vector_store %arg8[%swap3A_1419], %swap3A_1422 {strides = array<i32>} : memref<128xi32, #tpu.memory_space<vmem>>, vector<16xi32>,
    %add3A_1423 = arith.constant 48 : i32
    %add3A_1424 = arith.addi %add3A_1398, %add3A_1423 : i32
    %add3A_1425 = vector.broadcast %add3A_1424 : i32 to vector<16xi32>
    %add3A_1426 = arith.addi %iota3A, %add3A_1425 : vector<16xi32>
    %swap3A_1427 = arith.constant 48 : index
    %swap3A_1428 = tpu.vector_load %arg8[%swap3A_1427] {strides = array<i32>} : memref<128xi32, #tpu.memory_space<vmem>>, vector<16xi32>,
    %swap3A_1429 = vector.shape_cast %swap3A_1428 : vector<16xi32> to vector<16xi32>
    %swap3A_1430 = vector.shape_cast %add3A_1426 : vector<16xi32> to vector<16xi32>
    tpu.vector_store %arg8[%swap3A_1427], %swap3A_1430 {strides = array<i32>} : memref<128xi32, #tpu.memory_space<vmem>>, vector<16xi32>,
    %add3A_1431 = arith.constant 64 : i32
    %add3A_1432 = arith.addi %add3A_1398, %add3A_1431 : i32
    %add3A_1433 = vector.broadcast %add3A_1432 : i32 to vector<16xi32>
    %add3A_1434 = arith.addi %iota3A, %add3A_1433 : vector<16xi32>
    %swap3A_1435 = arith.constant 64 : index
    %swap3A_1436 = tpu.vector_load %arg8[%swap3A_1435] {strides = array<i32>} : memref<128xi32, #tpu.memory_space<vmem>>, vector<16xi32>,
    %swap3A_1437 = vector.shape_cast %swap3A_1436 : vector<16xi32> to vector<16xi32>
    %swap3A_1438 = vector.shape_cast %add3A_1434 : vector<16xi32> to vector<16xi32>
    tpu.vector_store %arg8[%swap3A_1435], %swap3A_1438 {strides = array<i32>} : memref<128xi32, #tpu.memory_space<vmem>>, vector<16xi32>,
    %add3A_1439 = arith.constant 80 : i32
    %add3A_1440 = arith.addi %add3A_1398, %add3A_1439 : i32
    %add3A_1441 = vector.broadcast %add3A_1440 : i32 to vector<16xi32>
    %add3A_1442 = arith.addi %iota3A, %add3A_1441 : vector<16xi32>
    %swap3A_1443 = arith.constant 80 : index
    %swap3A_1444 = tpu.vector_load %arg8[%swap3A_1443] {strides = array<i32>} : memref<128xi32, #tpu.memory_space<vmem>>, vector<16xi32>,
    %swap3A_1445 = vector.shape_cast %swap3A_1444 : vector<16xi32> to vector<16xi32>
    %swap3A_1446 = vector.shape_cast %add3A_1442 : vector<16xi32> to vector<16xi32>
    tpu.vector_store %arg8[%swap3A_1443], %swap3A_1446 {strides = array<i32>} : memref<128xi32, #tpu.memory_space<vmem>>, vector<16xi32>,
    %add3A_1447 = arith.constant 96 : i32
    %add3A_1448 = arith.addi %add3A_1398, %add3A_1447 : i32
    %add3A_1449 = vector.broadcast %add3A_1448 : i32 to vector<16xi32>
    %add3A_1450 = arith.addi %iota3A, %add3A_1449 : vector<16xi32>
    %swap3A_1451 = arith.constant 96 : index
    %swap3A_1452 = tpu.vector_load %arg8[%swap3A_1451] {strides = array<i32>} : memref<128xi32, #tpu.memory_space<vmem>>, vector<16xi32>,
    %swap3A_1453 = vector.shape_cast %swap3A_1452 : vector<16xi32> to vector<16xi32>
    %swap3A_1454 = vector.shape_cast %add3A_1450 : vector<16xi32> to vector<16xi32>
    tpu.vector_store %arg8[%swap3A_1451], %swap3A_1454 {strides = array<i32>} : memref<128xi32, #tpu.memory_space<vmem>>, vector<16xi32>,
    %add3A_1455 = arith.constant 112 : i32
    %add3A_1456 = arith.addi %add3A_1398, %add3A_1455 : i32
    %add3A_1457 = vector.broadcast %add3A_1456 : i32 to vector<16xi32>
    %add3A_1458 = arith.addi %iota3A, %add3A_1457 : vector<16xi32>
    %swap3A_1459 = arith.constant 112 : index
    %swap3A_1460 = tpu.vector_load %arg8[%swap3A_1459] {strides = array<i32>} : memref<128xi32, #tpu.memory_space<vmem>>, vector<16xi32>,
    %swap3A_1461 = vector.shape_cast %swap3A_1460 : vector<16xi32> to vector<16xi32>
    %swap3A_1462 = vector.shape_cast %add3A_1458 : vector<16xi32> to vector<16xi32>
    tpu.vector_store %arg8[%swap3A_1459], %swap3A_1462 {strides = array<i32>} : memref<128xi32, #tpu.memory_space<vmem>>, vector<16xi32>,
    %mul3A_1463 = arith.constant 640 : i32
    %mul3A_1464 = arith.muli %arg1, %mul3A_1463 : i32
    %add3A_1465 = arith.constant 128 : i32
    %add3A_1466 = arith.addi %mul3A_1464, %add3A_1465 : i32
    "tpu.region"() ({
      %run_scoped3A = tpu.sem_alloc : memref<!tpu.dma_semaphore, #tpu.memory_space<semaphore_mem>>
      %dma_start3A_1683 = arith.constant 0 : i32
      %dma_start3A_1684 = arith.constant 0 : i32
      %dma_start3A_1685 = tpu.memref_slice %arg16[%dma_start3A_1683, %dma_start3A_1684] : memref<10240x128xf32, #tpu.memory_space<vmem_shared>> -> memref<10240x128xf32, #tpu.memory_space<vmem_shared>>
      tpu.enqueue_indirect_dma source(%dma_start3A_1685 : memref<10240x128xf32, #tpu.memory_space<vmem_shared>>) target(%arg11 : memref<128x128xf32, #tpu.memory_space<vmem>>) offsets(%arg8 : memref<128xi32, #tpu.memory_space<vmem>>) semaphore(%run_scoped3A : memref<!tpu.dma_semaphore, #tpu.memory_space<semaphore_mem>>)
      %dma_wait3A_1686 = arith.constant 0 : i32
      %dma_wait3A_1687 = arith.constant 0 : i32
      %dma_wait3A_1688 = tpu.memref_slice %arg16[%dma_wait3A_1686, %dma_wait3A_1687] : memref<10240x128xf32, #tpu.memory_space<vmem_shared>> -> memref<10240x128xf32, #tpu.memory_space<vmem_shared>>
      tpu.wait_indirect_dma semaphore(%run_scoped3A : memref<!tpu.dma_semaphore, #tpu.memory_space<semaphore_mem>>) src(%dma_wait3A_1688 : memref<10240x128xf32, #tpu.memory_space<vmem_shared>>) dst(%arg11 : memref<128x128xf32, #tpu.memory_space<vmem>>)
      tpu.yield
    }) : () -> ()
    "tpu.region"() ({
      %run_scoped3A = tpu.sem_alloc : memref<!tpu.dma_semaphore, #tpu.memory_space<semaphore_mem>>
      %dma_start3A_1683 = arith.constant 0 : i32
      %dma_start3A_1684 = tpu.memref_slice %arg7[%arg0, %add3A_1466, %dma_start3A_1683] : memref<2x10240x128xf32, #tpu.memory_space<hbm>> -> memref<1x128x128xf32, #tpu.memory_space<hbm>>
      %dma_start3A_1685 = tpu.memref_squeeze %dma_start3A_1684 : memref<1x128x128xf32, #tpu.memory_space<hbm>> -> memref<128x128xf32, #tpu.memory_space<hbm>>
      %dma_start3A_1686 = arith.constant 0 : i32
      %dma_start3A_1687 = tpu.memref_slice %arg7[%arg0, %add3A_1466, %dma_start3A_1686] : memref<2x10240x128xf32, #tpu.memory_space<hbm>> -> memref<1x128x128xf32, #tpu.memory_space<hbm>>
      %dma_start3A_1688 = tpu.memref_squeeze %dma_start3A_1687 : memref<1x128x128xf32, #tpu.memory_space<hbm>> -> memref<128x128xf32, #tpu.memory_space<hbm>>
      tpu.enqueue_dma source(%arg11 : memref<128x128xf32, #tpu.memory_space<vmem>>) target(%dma_start3A_1688 : memref<128x128xf32, #tpu.memory_space<hbm>>) target_semaphore(%run_scoped3A : memref<!tpu.dma_semaphore, #tpu.memory_space<semaphore_mem>>)
      %dma_wait3A_1689 = arith.constant 0 : i32
      %dma_wait3A_1690 = tpu.memref_slice %arg7[%arg0, %add3A_1466, %dma_wait3A_1689] : memref<2x10240x128xf32, #tpu.memory_space<hbm>> -> memref<1x128x128xf32, #tpu.memory_space<hbm>>
      %dma_wait3A_1691 = tpu.memref_squeeze %dma_wait3A_1690 : memref<1x128x128xf32, #tpu.memory_space<hbm>> -> memref<128x128xf32, #tpu.memory_space<hbm>>
      %dma_wait3A_1692 = arith.constant 0 : i32
      %dma_wait3A_1693 = tpu.memref_slice %arg7[%arg0, %add3A_1466, %dma_wait3A_1692] : memref<2x10240x128xf32, #tpu.memory_space<hbm>> -> memref<1x128x128xf32, #tpu.memory_space<hbm>>
      %dma_wait3A_1694 = tpu.memref_squeeze %dma_wait3A_1693 : memref<1x128x128xf32, #tpu.memory_space<hbm>> -> memref<128x128xf32, #tpu.memory_space<hbm>>
      tpu.wait_dma2 semaphore(%run_scoped3A : memref<!tpu.dma_semaphore, #tpu.memory_space<semaphore_mem>>) src(%arg11 : memref<128x128xf32, #tpu.memory_space<vmem>>) dst(%dma_wait3A_1694 : memref<128x128xf32, #tpu.memory_space<hbm>>)
      tpu.yield
    }) : () -> ()
    %mul3A_1467 = arith.constant 640 : i32
    %mul3A_1468 = arith.muli %arg1, %mul3A_1467 : i32
    %add3A_1469 = arith.constant 256 : i32
    %add3A_1470 = arith.addi %mul3A_1468, %add3A_1469 : i32
    %add3A_1471 = arith.constant 0 : i32
    %add3A_1472 = arith.addi %add3A_1470, %add3A_1471 : i32
    %add3A_1473 = vector.broadcast %add3A_1472 : i32 to vector<16xi32>
    %add3A_1474 = arith.addi %iota3A, %add3A_1473 : vector<16xi32>
    %swap3A_1475 = arith.constant 0 : index
    %swap3A_1476 = tpu.vector_load %arg8[%swap3A_1475] {strides = array<i32>} : memref<128xi32, #tpu.memory_space<vmem>>, vector<16xi32>,
    %swap3A_1477 = vector.shape_cast %swap3A_1476 : vector<16xi32> to vector<16xi32>
    %swap3A_1478 = vector.shape_cast %add3A_1474 : vector<16xi32> to vector<16xi32>
    tpu.vector_store %arg8[%swap3A_1475], %swap3A_1478 {strides = array<i32>} : memref<128xi32, #tpu.memory_space<vmem>>, vector<16xi32>,
    %add3A_1479 = arith.constant 16 : i32
    %add3A_1480 = arith.addi %add3A_1470, %add3A_1479 : i32
    %add3A_1481 = vector.broadcast %add3A_1480 : i32 to vector<16xi32>
    %add3A_1482 = arith.addi %iota3A, %add3A_1481 : vector<16xi32>
    %swap3A_1483 = arith.constant 16 : index
    %swap3A_1484 = tpu.vector_load %arg8[%swap3A_1483] {strides = array<i32>} : memref<128xi32, #tpu.memory_space<vmem>>, vector<16xi32>,
    %swap3A_1485 = vector.shape_cast %swap3A_1484 : vector<16xi32> to vector<16xi32>
    %swap3A_1486 = vector.shape_cast %add3A_1482 : vector<16xi32> to vector<16xi32>
    tpu.vector_store %arg8[%swap3A_1483], %swap3A_1486 {strides = array<i32>} : memref<128xi32, #tpu.memory_space<vmem>>, vector<16xi32>,
    %add3A_1487 = arith.constant 32 : i32
    %add3A_1488 = arith.addi %add3A_1470, %add3A_1487 : i32
    %add3A_1489 = vector.broadcast %add3A_1488 : i32 to vector<16xi32>
    %add3A_1490 = arith.addi %iota3A, %add3A_1489 : vector<16xi32>
    %swap3A_1491 = arith.constant 32 : index
    %swap3A_1492 = tpu.vector_load %arg8[%swap3A_1491] {strides = array<i32>} : memref<128xi32, #tpu.memory_space<vmem>>, vector<16xi32>,
    %swap3A_1493 = vector.shape_cast %swap3A_1492 : vector<16xi32> to vector<16xi32>
    %swap3A_1494 = vector.shape_cast %add3A_1490 : vector<16xi32> to vector<16xi32>
    tpu.vector_store %arg8[%swap3A_1491], %swap3A_1494 {strides = array<i32>} : memref<128xi32, #tpu.memory_space<vmem>>, vector<16xi32>,
    %add3A_1495 = arith.constant 48 : i32
    %add3A_1496 = arith.addi %add3A_1470, %add3A_1495 : i32
    %add3A_1497 = vector.broadcast %add3A_1496 : i32 to vector<16xi32>
    %add3A_1498 = arith.addi %iota3A, %add3A_1497 : vector<16xi32>
    %swap3A_1499 = arith.constant 48 : index
    %swap3A_1500 = tpu.vector_load %arg8[%swap3A_1499] {strides = array<i32>} : memref<128xi32, #tpu.memory_space<vmem>>, vector<16xi32>,
    %swap3A_1501 = vector.shape_cast %swap3A_1500 : vector<16xi32> to vector<16xi32>
    %swap3A_1502 = vector.shape_cast %add3A_1498 : vector<16xi32> to vector<16xi32>
    tpu.vector_store %arg8[%swap3A_1499], %swap3A_1502 {strides = array<i32>} : memref<128xi32, #tpu.memory_space<vmem>>, vector<16xi32>,
    %add3A_1503 = arith.constant 64 : i32
    %add3A_1504 = arith.addi %add3A_1470, %add3A_1503 : i32
    %add3A_1505 = vector.broadcast %add3A_1504 : i32 to vector<16xi32>
    %add3A_1506 = arith.addi %iota3A, %add3A_1505 : vector<16xi32>
    %swap3A_1507 = arith.constant 64 : index
    %swap3A_1508 = tpu.vector_load %arg8[%swap3A_1507] {strides = array<i32>} : memref<128xi32, #tpu.memory_space<vmem>>, vector<16xi32>,
    %swap3A_1509 = vector.shape_cast %swap3A_1508 : vector<16xi32> to vector<16xi32>
    %swap3A_1510 = vector.shape_cast %add3A_1506 : vector<16xi32> to vector<16xi32>
    tpu.vector_store %arg8[%swap3A_1507], %swap3A_1510 {strides = array<i32>} : memref<128xi32, #tpu.memory_space<vmem>>, vector<16xi32>,
    %add3A_1511 = arith.constant 80 : i32
    %add3A_1512 = arith.addi %add3A_1470, %add3A_1511 : i32
    %add3A_1513 = vector.broadcast %add3A_1512 : i32 to vector<16xi32>
    %add3A_1514 = arith.addi %iota3A, %add3A_1513 : vector<16xi32>
    %swap3A_1515 = arith.constant 80 : index
    %swap3A_1516 = tpu.vector_load %arg8[%swap3A_1515] {strides = array<i32>} : memref<128xi32, #tpu.memory_space<vmem>>, vector<16xi32>,
    %swap3A_1517 = vector.shape_cast %swap3A_1516 : vector<16xi32> to vector<16xi32>
    %swap3A_1518 = vector.shape_cast %add3A_1514 : vector<16xi32> to vector<16xi32>
    tpu.vector_store %arg8[%swap3A_1515], %swap3A_1518 {strides = array<i32>} : memref<128xi32, #tpu.memory_space<vmem>>, vector<16xi32>,
    %add3A_1519 = arith.constant 96 : i32
    %add3A_1520 = arith.addi %add3A_1470, %add3A_1519 : i32
    %add3A_1521 = vector.broadcast %add3A_1520 : i32 to vector<16xi32>
    %add3A_1522 = arith.addi %iota3A, %add3A_1521 : vector<16xi32>
    %swap3A_1523 = arith.constant 96 : index
    %swap3A_1524 = tpu.vector_load %arg8[%swap3A_1523] {strides = array<i32>} : memref<128xi32, #tpu.memory_space<vmem>>, vector<16xi32>,
    %swap3A_1525 = vector.shape_cast %swap3A_1524 : vector<16xi32> to vector<16xi32>
    %swap3A_1526 = vector.shape_cast %add3A_1522 : vector<16xi32> to vector<16xi32>
    tpu.vector_store %arg8[%swap3A_1523], %swap3A_1526 {strides = array<i32>} : memref<128xi32, #tpu.memory_space<vmem>>, vector<16xi32>,
    %add3A_1527 = arith.constant 112 : i32
    %add3A_1528 = arith.addi %add3A_1470, %add3A_1527 : i32
    %add3A_1529 = vector.broadcast %add3A_1528 : i32 to vector<16xi32>
    %add3A_1530 = arith.addi %iota3A, %add3A_1529 : vector<16xi32>
    %swap3A_1531 = arith.constant 112 : index
    %swap3A_1532 = tpu.vector_load %arg8[%swap3A_1531] {strides = array<i32>} : memref<128xi32, #tpu.memory_space<vmem>>, vector<16xi32>,
    %swap3A_1533 = vector.shape_cast %swap3A_1532 : vector<16xi32> to vector<16xi32>
    %swap3A_1534 = vector.shape_cast %add3A_1530 : vector<16xi32> to vector<16xi32>
    tpu.vector_store %arg8[%swap3A_1531], %swap3A_1534 {strides = array<i32>} : memref<128xi32, #tpu.memory_space<vmem>>, vector<16xi32>,
    %mul3A_1535 = arith.constant 640 : i32
    %mul3A_1536 = arith.muli %arg1, %mul3A_1535 : i32
    %add3A_1537 = arith.constant 256 : i32
    %add3A_1538 = arith.addi %mul3A_1536, %add3A_1537 : i32
    "tpu.region"() ({
      %run_scoped3A = tpu.sem_alloc : memref<!tpu.dma_semaphore, #tpu.memory_space<semaphore_mem>>
      %dma_start3A_1683 = arith.constant 0 : i32
      %dma_start3A_1684 = arith.constant 0 : i32
      %dma_start3A_1685 = tpu.memref_slice %arg16[%dma_start3A_1683, %dma_start3A_1684] : memref<10240x128xf32, #tpu.memory_space<vmem_shared>> -> memref<10240x128xf32, #tpu.memory_space<vmem_shared>>
      tpu.enqueue_indirect_dma source(%dma_start3A_1685 : memref<10240x128xf32, #tpu.memory_space<vmem_shared>>) target(%arg11 : memref<128x128xf32, #tpu.memory_space<vmem>>) offsets(%arg8 : memref<128xi32, #tpu.memory_space<vmem>>) semaphore(%run_scoped3A : memref<!tpu.dma_semaphore, #tpu.memory_space<semaphore_mem>>)
      %dma_wait3A_1686 = arith.constant 0 : i32
      %dma_wait3A_1687 = arith.constant 0 : i32
      %dma_wait3A_1688 = tpu.memref_slice %arg16[%dma_wait3A_1686, %dma_wait3A_1687] : memref<10240x128xf32, #tpu.memory_space<vmem_shared>> -> memref<10240x128xf32, #tpu.memory_space<vmem_shared>>
      tpu.wait_indirect_dma semaphore(%run_scoped3A : memref<!tpu.dma_semaphore, #tpu.memory_space<semaphore_mem>>) src(%dma_wait3A_1688 : memref<10240x128xf32, #tpu.memory_space<vmem_shared>>) dst(%arg11 : memref<128x128xf32, #tpu.memory_space<vmem>>)
      tpu.yield
    }) : () -> ()
    "tpu.region"() ({
      %run_scoped3A = tpu.sem_alloc : memref<!tpu.dma_semaphore, #tpu.memory_space<semaphore_mem>>
      %dma_start3A_1683 = arith.constant 0 : i32
      %dma_start3A_1684 = tpu.memref_slice %arg7[%arg0, %add3A_1538, %dma_start3A_1683] : memref<2x10240x128xf32, #tpu.memory_space<hbm>> -> memref<1x128x128xf32, #tpu.memory_space<hbm>>
      %dma_start3A_1685 = tpu.memref_squeeze %dma_start3A_1684 : memref<1x128x128xf32, #tpu.memory_space<hbm>> -> memref<128x128xf32, #tpu.memory_space<hbm>>
      %dma_start3A_1686 = arith.constant 0 : i32
      %dma_start3A_1687 = tpu.memref_slice %arg7[%arg0, %add3A_1538, %dma_start3A_1686] : memref<2x10240x128xf32, #tpu.memory_space<hbm>> -> memref<1x128x128xf32, #tpu.memory_space<hbm>>
      %dma_start3A_1688 = tpu.memref_squeeze %dma_start3A_1687 : memref<1x128x128xf32, #tpu.memory_space<hbm>> -> memref<128x128xf32, #tpu.memory_space<hbm>>
      tpu.enqueue_dma source(%arg11 : memref<128x128xf32, #tpu.memory_space<vmem>>) target(%dma_start3A_1688 : memref<128x128xf32, #tpu.memory_space<hbm>>) target_semaphore(%run_scoped3A : memref<!tpu.dma_semaphore, #tpu.memory_space<semaphore_mem>>)
      %dma_wait3A_1689 = arith.constant 0 : i32
      %dma_wait3A_1690 = tpu.memref_slice %arg7[%arg0, %add3A_1538, %dma_wait3A_1689] : memref<2x10240x128xf32, #tpu.memory_space<hbm>> -> memref<1x128x128xf32, #tpu.memory_space<hbm>>
      %dma_wait3A_1691 = tpu.memref_squeeze %dma_wait3A_1690 : memref<1x128x128xf32, #tpu.memory_space<hbm>> -> memref<128x128xf32, #tpu.memory_space<hbm>>
      %dma_wait3A_1692 = arith.constant 0 : i32
      %dma_wait3A_1693 = tpu.memref_slice %arg7[%arg0, %add3A_1538, %dma_wait3A_1692] : memref<2x10240x128xf32, #tpu.memory_space<hbm>> -> memref<1x128x128xf32, #tpu.memory_space<hbm>>
      %dma_wait3A_1694 = tpu.memref_squeeze %dma_wait3A_1693 : memref<1x128x128xf32, #tpu.memory_space<hbm>> -> memref<128x128xf32, #tpu.memory_space<hbm>>
      tpu.wait_dma2 semaphore(%run_scoped3A : memref<!tpu.dma_semaphore, #tpu.memory_space<semaphore_mem>>) src(%arg11 : memref<128x128xf32, #tpu.memory_space<vmem>>) dst(%dma_wait3A_1694 : memref<128x128xf32, #tpu.memory_space<hbm>>)
      tpu.yield
    }) : () -> ()
    %mul3A_1539 = arith.constant 640 : i32
    %mul3A_1540 = arith.muli %arg1, %mul3A_1539 : i32
    %add3A_1541 = arith.constant 384 : i32
    %add3A_1542 = arith.addi %mul3A_1540, %add3A_1541 : i32
    %add3A_1543 = arith.constant 0 : i32
    %add3A_1544 = arith.addi %add3A_1542, %add3A_1543 : i32
    %add3A_1545 = vector.broadcast %add3A_1544 : i32 to vector<16xi32>
    %add3A_1546 = arith.addi %iota3A, %add3A_1545 : vector<16xi32>
    %swap3A_1547 = arith.constant 0 : index
    %swap3A_1548 = tpu.vector_load %arg8[%swap3A_1547] {strides = array<i32>} : memref<128xi32, #tpu.memory_space<vmem>>, vector<16xi32>,
    %swap3A_1549 = vector.shape_cast %swap3A_1548 : vector<16xi32> to vector<16xi32>
    %swap3A_1550 = vector.shape_cast %add3A_1546 : vector<16xi32> to vector<16xi32>
    tpu.vector_store %arg8[%swap3A_1547], %swap3A_1550 {strides = array<i32>} : memref<128xi32, #tpu.memory_space<vmem>>, vector<16xi32>,
    %add3A_1551 = arith.constant 16 : i32
    %add3A_1552 = arith.addi %add3A_1542, %add3A_1551 : i32
    %add3A_1553 = vector.broadcast %add3A_1552 : i32 to vector<16xi32>
    %add3A_1554 = arith.addi %iota3A, %add3A_1553 : vector<16xi32>
    %swap3A_1555 = arith.constant 16 : index
    %swap3A_1556 = tpu.vector_load %arg8[%swap3A_1555] {strides = array<i32>} : memref<128xi32, #tpu.memory_space<vmem>>, vector<16xi32>,
    %swap3A_1557 = vector.shape_cast %swap3A_1556 : vector<16xi32> to vector<16xi32>
    %swap3A_1558 = vector.shape_cast %add3A_1554 : vector<16xi32> to vector<16xi32>
    tpu.vector_store %arg8[%swap3A_1555], %swap3A_1558 {strides = array<i32>} : memref<128xi32, #tpu.memory_space<vmem>>, vector<16xi32>,
    %add3A_1559 = arith.constant 32 : i32
    %add3A_1560 = arith.addi %add3A_1542, %add3A_1559 : i32
    %add3A_1561 = vector.broadcast %add3A_1560 : i32 to vector<16xi32>
    %add3A_1562 = arith.addi %iota3A, %add3A_1561 : vector<16xi32>
    %swap3A_1563 = arith.constant 32 : index
    %swap3A_1564 = tpu.vector_load %arg8[%swap3A_1563] {strides = array<i32>} : memref<128xi32, #tpu.memory_space<vmem>>, vector<16xi32>,
    %swap3A_1565 = vector.shape_cast %swap3A_1564 : vector<16xi32> to vector<16xi32>
    %swap3A_1566 = vector.shape_cast %add3A_1562 : vector<16xi32> to vector<16xi32>
    tpu.vector_store %arg8[%swap3A_1563], %swap3A_1566 {strides = array<i32>} : memref<128xi32, #tpu.memory_space<vmem>>, vector<16xi32>,
    %add3A_1567 = arith.constant 48 : i32
    %add3A_1568 = arith.addi %add3A_1542, %add3A_1567 : i32
    %add3A_1569 = vector.broadcast %add3A_1568 : i32 to vector<16xi32>
    %add3A_1570 = arith.addi %iota3A, %add3A_1569 : vector<16xi32>
    %swap3A_1571 = arith.constant 48 : index
    %swap3A_1572 = tpu.vector_load %arg8[%swap3A_1571] {strides = array<i32>} : memref<128xi32, #tpu.memory_space<vmem>>, vector<16xi32>,
    %swap3A_1573 = vector.shape_cast %swap3A_1572 : vector<16xi32> to vector<16xi32>
    %swap3A_1574 = vector.shape_cast %add3A_1570 : vector<16xi32> to vector<16xi32>
    tpu.vector_store %arg8[%swap3A_1571], %swap3A_1574 {strides = array<i32>} : memref<128xi32, #tpu.memory_space<vmem>>, vector<16xi32>,
    %add3A_1575 = arith.constant 64 : i32
    %add3A_1576 = arith.addi %add3A_1542, %add3A_1575 : i32
    %add3A_1577 = vector.broadcast %add3A_1576 : i32 to vector<16xi32>
    %add3A_1578 = arith.addi %iota3A, %add3A_1577 : vector<16xi32>
    %swap3A_1579 = arith.constant 64 : index
    %swap3A_1580 = tpu.vector_load %arg8[%swap3A_1579] {strides = array<i32>} : memref<128xi32, #tpu.memory_space<vmem>>, vector<16xi32>,
    %swap3A_1581 = vector.shape_cast %swap3A_1580 : vector<16xi32> to vector<16xi32>
    %swap3A_1582 = vector.shape_cast %add3A_1578 : vector<16xi32> to vector<16xi32>
    tpu.vector_store %arg8[%swap3A_1579], %swap3A_1582 {strides = array<i32>} : memref<128xi32, #tpu.memory_space<vmem>>, vector<16xi32>,
    %add3A_1583 = arith.constant 80 : i32
    %add3A_1584 = arith.addi %add3A_1542, %add3A_1583 : i32
    %add3A_1585 = vector.broadcast %add3A_1584 : i32 to vector<16xi32>
    %add3A_1586 = arith.addi %iota3A, %add3A_1585 : vector<16xi32>
    %swap3A_1587 = arith.constant 80 : index
    %swap3A_1588 = tpu.vector_load %arg8[%swap3A_1587] {strides = array<i32>} : memref<128xi32, #tpu.memory_space<vmem>>, vector<16xi32>,
    %swap3A_1589 = vector.shape_cast %swap3A_1588 : vector<16xi32> to vector<16xi32>
    %swap3A_1590 = vector.shape_cast %add3A_1586 : vector<16xi32> to vector<16xi32>
    tpu.vector_store %arg8[%swap3A_1587], %swap3A_1590 {strides = array<i32>} : memref<128xi32, #tpu.memory_space<vmem>>, vector<16xi32>,
    %add3A_1591 = arith.constant 96 : i32
    %add3A_1592 = arith.addi %add3A_1542, %add3A_1591 : i32
    %add3A_1593 = vector.broadcast %add3A_1592 : i32 to vector<16xi32>
    %add3A_1594 = arith.addi %iota3A, %add3A_1593 : vector<16xi32>
    %swap3A_1595 = arith.constant 96 : index
    %swap3A_1596 = tpu.vector_load %arg8[%swap3A_1595] {strides = array<i32>} : memref<128xi32, #tpu.memory_space<vmem>>, vector<16xi32>,
    %swap3A_1597 = vector.shape_cast %swap3A_1596 : vector<16xi32> to vector<16xi32>
    %swap3A_1598 = vector.shape_cast %add3A_1594 : vector<16xi32> to vector<16xi32>
    tpu.vector_store %arg8[%swap3A_1595], %swap3A_1598 {strides = array<i32>} : memref<128xi32, #tpu.memory_space<vmem>>, vector<16xi32>,
    %add3A_1599 = arith.constant 112 : i32
    %add3A_1600 = arith.addi %add3A_1542, %add3A_1599 : i32
    %add3A_1601 = vector.broadcast %add3A_1600 : i32 to vector<16xi32>
    %add3A_1602 = arith.addi %iota3A, %add3A_1601 : vector<16xi32>
    %swap3A_1603 = arith.constant 112 : index
    %swap3A_1604 = tpu.vector_load %arg8[%swap3A_1603] {strides = array<i32>} : memref<128xi32, #tpu.memory_space<vmem>>, vector<16xi32>,
    %swap3A_1605 = vector.shape_cast %swap3A_1604 : vector<16xi32> to vector<16xi32>
    %swap3A_1606 = vector.shape_cast %add3A_1602 : vector<16xi32> to vector<16xi32>
    tpu.vector_store %arg8[%swap3A_1603], %swap3A_1606 {strides = array<i32>} : memref<128xi32, #tpu.memory_space<vmem>>, vector<16xi32>,
    %mul3A_1607 = arith.constant 640 : i32
    %mul3A_1608 = arith.muli %arg1, %mul3A_1607 : i32
    %add3A_1609 = arith.constant 384 : i32
    %add3A_1610 = arith.addi %mul3A_1608, %add3A_1609 : i32
    "tpu.region"() ({
      %run_scoped3A = tpu.sem_alloc : memref<!tpu.dma_semaphore, #tpu.memory_space<semaphore_mem>>
      %dma_start3A_1683 = arith.constant 0 : i32
      %dma_start3A_1684 = arith.constant 0 : i32
      %dma_start3A_1685 = tpu.memref_slice %arg16[%dma_start3A_1683, %dma_start3A_1684] : memref<10240x128xf32, #tpu.memory_space<vmem_shared>> -> memref<10240x128xf32, #tpu.memory_space<vmem_shared>>
      tpu.enqueue_indirect_dma source(%dma_start3A_1685 : memref<10240x128xf32, #tpu.memory_space<vmem_shared>>) target(%arg11 : memref<128x128xf32, #tpu.memory_space<vmem>>) offsets(%arg8 : memref<128xi32, #tpu.memory_space<vmem>>) semaphore(%run_scoped3A : memref<!tpu.dma_semaphore, #tpu.memory_space<semaphore_mem>>)
      %dma_wait3A_1686 = arith.constant 0 : i32
      %dma_wait3A_1687 = arith.constant 0 : i32
      %dma_wait3A_1688 = tpu.memref_slice %arg16[%dma_wait3A_1686, %dma_wait3A_1687] : memref<10240x128xf32, #tpu.memory_space<vmem_shared>> -> memref<10240x128xf32, #tpu.memory_space<vmem_shared>>
      tpu.wait_indirect_dma semaphore(%run_scoped3A : memref<!tpu.dma_semaphore, #tpu.memory_space<semaphore_mem>>) src(%dma_wait3A_1688 : memref<10240x128xf32, #tpu.memory_space<vmem_shared>>) dst(%arg11 : memref<128x128xf32, #tpu.memory_space<vmem>>)
      tpu.yield
    }) : () -> ()
    "tpu.region"() ({
      %run_scoped3A = tpu.sem_alloc : memref<!tpu.dma_semaphore, #tpu.memory_space<semaphore_mem>>
      %dma_start3A_1683 = arith.constant 0 : i32
      %dma_start3A_1684 = tpu.memref_slice %arg7[%arg0, %add3A_1610, %dma_start3A_1683] : memref<2x10240x128xf32, #tpu.memory_space<hbm>> -> memref<1x128x128xf32, #tpu.memory_space<hbm>>
      %dma_start3A_1685 = tpu.memref_squeeze %dma_start3A_1684 : memref<1x128x128xf32, #tpu.memory_space<hbm>> -> memref<128x128xf32, #tpu.memory_space<hbm>>
      %dma_start3A_1686 = arith.constant 0 : i32
      %dma_start3A_1687 = tpu.memref_slice %arg7[%arg0, %add3A_1610, %dma_start3A_1686] : memref<2x10240x128xf32, #tpu.memory_space<hbm>> -> memref<1x128x128xf32, #tpu.memory_space<hbm>>
      %dma_start3A_1688 = tpu.memref_squeeze %dma_start3A_1687 : memref<1x128x128xf32, #tpu.memory_space<hbm>> -> memref<128x128xf32, #tpu.memory_space<hbm>>
      tpu.enqueue_dma source(%arg11 : memref<128x128xf32, #tpu.memory_space<vmem>>) target(%dma_start3A_1688 : memref<128x128xf32, #tpu.memory_space<hbm>>) target_semaphore(%run_scoped3A : memref<!tpu.dma_semaphore, #tpu.memory_space<semaphore_mem>>)
      %dma_wait3A_1689 = arith.constant 0 : i32
      %dma_wait3A_1690 = tpu.memref_slice %arg7[%arg0, %add3A_1610, %dma_wait3A_1689] : memref<2x10240x128xf32, #tpu.memory_space<hbm>> -> memref<1x128x128xf32, #tpu.memory_space<hbm>>
      %dma_wait3A_1691 = tpu.memref_squeeze %dma_wait3A_1690 : memref<1x128x128xf32, #tpu.memory_space<hbm>> -> memref<128x128xf32, #tpu.memory_space<hbm>>
      %dma_wait3A_1692 = arith.constant 0 : i32
      %dma_wait3A_1693 = tpu.memref_slice %arg7[%arg0, %add3A_1610, %dma_wait3A_1692] : memref<2x10240x128xf32, #tpu.memory_space<hbm>> -> memref<1x128x128xf32, #tpu.memory_space<hbm>>
      %dma_wait3A_1694 = tpu.memref_squeeze %dma_wait3A_1693 : memref<1x128x128xf32, #tpu.memory_space<hbm>> -> memref<128x128xf32, #tpu.memory_space<hbm>>
      tpu.wait_dma2 semaphore(%run_scoped3A : memref<!tpu.dma_semaphore, #tpu.memory_space<semaphore_mem>>) src(%arg11 : memref<128x128xf32, #tpu.memory_space<vmem>>) dst(%dma_wait3A_1694 : memref<128x128xf32, #tpu.memory_space<hbm>>)
      tpu.yield
    }) : () -> ()
    %mul3A_1611 = arith.constant 640 : i32
    %mul3A_1612 = arith.muli %arg1, %mul3A_1611 : i32
    %add3A_1613 = arith.constant 512 : i32
    %add3A_1614 = arith.addi %mul3A_1612, %add3A_1613 : i32
    %add3A_1615 = arith.constant 0 : i32
    %add3A_1616 = arith.addi %add3A_1614, %add3A_1615 : i32
    %add3A_1617 = vector.broadcast %add3A_1616 : i32 to vector<16xi32>
    %add3A_1618 = arith.addi %iota3A, %add3A_1617 : vector<16xi32>
    %swap3A_1619 = arith.constant 0 : index
    %swap3A_1620 = tpu.vector_load %arg8[%swap3A_1619] {strides = array<i32>} : memref<128xi32, #tpu.memory_space<vmem>>, vector<16xi32>,
    %swap3A_1621 = vector.shape_cast %swap3A_1620 : vector<16xi32> to vector<16xi32>
    %swap3A_1622 = vector.shape_cast %add3A_1618 : vector<16xi32> to vector<16xi32>
    tpu.vector_store %arg8[%swap3A_1619], %swap3A_1622 {strides = array<i32>} : memref<128xi32, #tpu.memory_space<vmem>>, vector<16xi32>,
    %add3A_1623 = arith.constant 16 : i32
    %add3A_1624 = arith.addi %add3A_1614, %add3A_1623 : i32
    %add3A_1625 = vector.broadcast %add3A_1624 : i32 to vector<16xi32>
    %add3A_1626 = arith.addi %iota3A, %add3A_1625 : vector<16xi32>
    %swap3A_1627 = arith.constant 16 : index
    %swap3A_1628 = tpu.vector_load %arg8[%swap3A_1627] {strides = array<i32>} : memref<128xi32, #tpu.memory_space<vmem>>, vector<16xi32>,
    %swap3A_1629 = vector.shape_cast %swap3A_1628 : vector<16xi32> to vector<16xi32>
    %swap3A_1630 = vector.shape_cast %add3A_1626 : vector<16xi32> to vector<16xi32>
    tpu.vector_store %arg8[%swap3A_1627], %swap3A_1630 {strides = array<i32>} : memref<128xi32, #tpu.memory_space<vmem>>, vector<16xi32>,
    %add3A_1631 = arith.constant 32 : i32
    %add3A_1632 = arith.addi %add3A_1614, %add3A_1631 : i32
    %add3A_1633 = vector.broadcast %add3A_1632 : i32 to vector<16xi32>
    %add3A_1634 = arith.addi %iota3A, %add3A_1633 : vector<16xi32>
    %swap3A_1635 = arith.constant 32 : index
    %swap3A_1636 = tpu.vector_load %arg8[%swap3A_1635] {strides = array<i32>} : memref<128xi32, #tpu.memory_space<vmem>>, vector<16xi32>,
    %swap3A_1637 = vector.shape_cast %swap3A_1636 : vector<16xi32> to vector<16xi32>
    %swap3A_1638 = vector.shape_cast %add3A_1634 : vector<16xi32> to vector<16xi32>
    tpu.vector_store %arg8[%swap3A_1635], %swap3A_1638 {strides = array<i32>} : memref<128xi32, #tpu.memory_space<vmem>>, vector<16xi32>,
    %add3A_1639 = arith.constant 48 : i32
    %add3A_1640 = arith.addi %add3A_1614, %add3A_1639 : i32
    %add3A_1641 = vector.broadcast %add3A_1640 : i32 to vector<16xi32>
    %add3A_1642 = arith.addi %iota3A, %add3A_1641 : vector<16xi32>
    %swap3A_1643 = arith.constant 48 : index
    %swap3A_1644 = tpu.vector_load %arg8[%swap3A_1643] {strides = array<i32>} : memref<128xi32, #tpu.memory_space<vmem>>, vector<16xi32>,
    %swap3A_1645 = vector.shape_cast %swap3A_1644 : vector<16xi32> to vector<16xi32>
    %swap3A_1646 = vector.shape_cast %add3A_1642 : vector<16xi32> to vector<16xi32>
    tpu.vector_store %arg8[%swap3A_1643], %swap3A_1646 {strides = array<i32>} : memref<128xi32, #tpu.memory_space<vmem>>, vector<16xi32>,
    %add3A_1647 = arith.constant 64 : i32
    %add3A_1648 = arith.addi %add3A_1614, %add3A_1647 : i32
    %add3A_1649 = vector.broadcast %add3A_1648 : i32 to vector<16xi32>
    %add3A_1650 = arith.addi %iota3A, %add3A_1649 : vector<16xi32>
    %swap3A_1651 = arith.constant 64 : index
    %swap3A_1652 = tpu.vector_load %arg8[%swap3A_1651] {strides = array<i32>} : memref<128xi32, #tpu.memory_space<vmem>>, vector<16xi32>,
    %swap3A_1653 = vector.shape_cast %swap3A_1652 : vector<16xi32> to vector<16xi32>
    %swap3A_1654 = vector.shape_cast %add3A_1650 : vector<16xi32> to vector<16xi32>
    tpu.vector_store %arg8[%swap3A_1651], %swap3A_1654 {strides = array<i32>} : memref<128xi32, #tpu.memory_space<vmem>>, vector<16xi32>,
    %add3A_1655 = arith.constant 80 : i32
    %add3A_1656 = arith.addi %add3A_1614, %add3A_1655 : i32
    %add3A_1657 = vector.broadcast %add3A_1656 : i32 to vector<16xi32>
    %add3A_1658 = arith.addi %iota3A, %add3A_1657 : vector<16xi32>
    %swap3A_1659 = arith.constant 80 : index
    %swap3A_1660 = tpu.vector_load %arg8[%swap3A_1659] {strides = array<i32>} : memref<128xi32, #tpu.memory_space<vmem>>, vector<16xi32>,
    %swap3A_1661 = vector.shape_cast %swap3A_1660 : vector<16xi32> to vector<16xi32>
    %swap3A_1662 = vector.shape_cast %add3A_1658 : vector<16xi32> to vector<16xi32>
    tpu.vector_store %arg8[%swap3A_1659], %swap3A_1662 {strides = array<i32>} : memref<128xi32, #tpu.memory_space<vmem>>, vector<16xi32>,
    %add3A_1663 = arith.constant 96 : i32
    %add3A_1664 = arith.addi %add3A_1614, %add3A_1663 : i32
    %add3A_1665 = vector.broadcast %add3A_1664 : i32 to vector<16xi32>
    %add3A_1666 = arith.addi %iota3A, %add3A_1665 : vector<16xi32>
    %swap3A_1667 = arith.constant 96 : index
    %swap3A_1668 = tpu.vector_load %arg8[%swap3A_1667] {strides = array<i32>} : memref<128xi32, #tpu.memory_space<vmem>>, vector<16xi32>,
    %swap3A_1669 = vector.shape_cast %swap3A_1668 : vector<16xi32> to vector<16xi32>
    %swap3A_1670 = vector.shape_cast %add3A_1666 : vector<16xi32> to vector<16xi32>
    tpu.vector_store %arg8[%swap3A_1667], %swap3A_1670 {strides = array<i32>} : memref<128xi32, #tpu.memory_space<vmem>>, vector<16xi32>,
    %add3A_1671 = arith.constant 112 : i32
    %add3A_1672 = arith.addi %add3A_1614, %add3A_1671 : i32
    %add3A_1673 = vector.broadcast %add3A_1672 : i32 to vector<16xi32>
    %add3A_1674 = arith.addi %iota3A, %add3A_1673 : vector<16xi32>
    %swap3A_1675 = arith.constant 112 : index
    %swap3A_1676 = tpu.vector_load %arg8[%swap3A_1675] {strides = array<i32>} : memref<128xi32, #tpu.memory_space<vmem>>, vector<16xi32>,
    %swap3A_1677 = vector.shape_cast %swap3A_1676 : vector<16xi32> to vector<16xi32>
    %swap3A_1678 = vector.shape_cast %add3A_1674 : vector<16xi32> to vector<16xi32>
    tpu.vector_store %arg8[%swap3A_1675], %swap3A_1678 {strides = array<i32>} : memref<128xi32, #tpu.memory_space<vmem>>, vector<16xi32>,
    %mul3A_1679 = arith.constant 640 : i32
    %mul3A_1680 = arith.muli %arg1, %mul3A_1679 : i32
    %add3A_1681 = arith.constant 512 : i32
    %add3A_1682 = arith.addi %mul3A_1680, %add3A_1681 : i32
    "tpu.region"() ({
      %run_scoped3A = tpu.sem_alloc : memref<!tpu.dma_semaphore, #tpu.memory_space<semaphore_mem>>
      %dma_start3A_1683 = arith.constant 0 : i32
      %dma_start3A_1684 = arith.constant 0 : i32
      %dma_start3A_1685 = tpu.memref_slice %arg16[%dma_start3A_1683, %dma_start3A_1684] : memref<10240x128xf32, #tpu.memory_space<vmem_shared>> -> memref<10240x128xf32, #tpu.memory_space<vmem_shared>>
      tpu.enqueue_indirect_dma source(%dma_start3A_1685 : memref<10240x128xf32, #tpu.memory_space<vmem_shared>>) target(%arg11 : memref<128x128xf32, #tpu.memory_space<vmem>>) offsets(%arg8 : memref<128xi32, #tpu.memory_space<vmem>>) semaphore(%run_scoped3A : memref<!tpu.dma_semaphore, #tpu.memory_space<semaphore_mem>>)
      %dma_wait3A_1686 = arith.constant 0 : i32
      %dma_wait3A_1687 = arith.constant 0 : i32
      %dma_wait3A_1688 = tpu.memref_slice %arg16[%dma_wait3A_1686, %dma_wait3A_1687] : memref<10240x128xf32, #tpu.memory_space<vmem_shared>> -> memref<10240x128xf32, #tpu.memory_space<vmem_shared>>
      tpu.wait_indirect_dma semaphore(%run_scoped3A : memref<!tpu.dma_semaphore, #tpu.memory_space<semaphore_mem>>) src(%dma_wait3A_1688 : memref<10240x128xf32, #tpu.memory_space<vmem_shared>>) dst(%arg11 : memref<128x128xf32, #tpu.memory_space<vmem>>)
      tpu.yield
    }) : () -> ()
    "tpu.region"() ({
      %run_scoped3A = tpu.sem_alloc : memref<!tpu.dma_semaphore, #tpu.memory_space<semaphore_mem>>
      %dma_start3A_1683 = arith.constant 0 : i32
      %dma_start3A_1684 = tpu.memref_slice %arg7[%arg0, %add3A_1682, %dma_start3A_1683] : memref<2x10240x128xf32, #tpu.memory_space<hbm>> -> memref<1x128x128xf32, #tpu.memory_space<hbm>>
      %dma_start3A_1685 = tpu.memref_squeeze %dma_start3A_1684 : memref<1x128x128xf32, #tpu.memory_space<hbm>> -> memref<128x128xf32, #tpu.memory_space<hbm>>
      %dma_start3A_1686 = arith.constant 0 : i32
      %dma_start3A_1687 = tpu.memref_slice %arg7[%arg0, %add3A_1682, %dma_start3A_1686] : memref<2x10240x128xf32, #tpu.memory_space<hbm>> -> memref<1x128x128xf32, #tpu.memory_space<hbm>>
      %dma_start3A_1688 = tpu.memref_squeeze %dma_start3A_1687 : memref<1x128x128xf32, #tpu.memory_space<hbm>> -> memref<128x128xf32, #tpu.memory_space<hbm>>
      tpu.enqueue_dma source(%arg11 : memref<128x128xf32, #tpu.memory_space<vmem>>) target(%dma_start3A_1688 : memref<128x128xf32, #tpu.memory_space<hbm>>) target_semaphore(%run_scoped3A : memref<!tpu.dma_semaphore, #tpu.memory_space<semaphore_mem>>)
      %dma_wait3A_1689 = arith.constant 0 : i32
      %dma_wait3A_1690 = tpu.memref_slice %arg7[%arg0, %add3A_1682, %dma_wait3A_1689] : memref<2x10240x128xf32, #tpu.memory_space<hbm>> -> memref<1x128x128xf32, #tpu.memory_space<hbm>>
      %dma_wait3A_1691 = tpu.memref_squeeze %dma_wait3A_1690 : memref<1x128x128xf32, #tpu.memory_space<hbm>> -> memref<128x128xf32, #tpu.memory_space<hbm>>
      %dma_wait3A_1692 = arith.constant 0 : i32
      %dma_wait3A_1693 = tpu.memref_slice %arg7[%arg0, %add3A_1682, %dma_wait3A_1692] : memref<2x10240x128xf32, #tpu.memory_space<hbm>> -> memref<1x128x128xf32, #tpu.memory_space<hbm>>
      %dma_wait3A_1694 = tpu.memref_squeeze %dma_wait3A_1693 : memref<1x128x128xf32, #tpu.memory_space<hbm>> -> memref<128x128xf32, #tpu.memory_space<hbm>>
      tpu.wait_dma2 semaphore(%run_scoped3A : memref<!tpu.dma_semaphore, #tpu.memory_space<semaphore_mem>>) src(%arg11 : memref<128x128xf32, #tpu.memory_space<vmem>>) dst(%dma_wait3A_1694 : memref<128x128xf32, #tpu.memory_space<hbm>>)
      tpu.yield
    }) : () -> ()
    return
  }
}

module attributes {stable_mosaic.version = 14 : i64} {
  func.func @body(%arg0: i32, %arg1: memref<2x640x128xf32, #tpu.memory_space<vmem>>, %arg2: memref<2x640x128xf32, #tpu.memory_space<vmem>>, %arg3: memref<640x128xf32, #tpu.memory_space<vmem>>) attributes {dimension_semantics = [#tpu.dimension_semantics<arbitrary>], iteration_bounds = array<i64: 16>, scalar_prefetch = 0 : i64, scratch_operands = 0 : i64, tpu.core_type = #tpu.core_type<tc>, window_params = [{transform_indices = @transform_0, window_bounds = array<i64: 2, 640, 128>}, {transform_indices = @transform_1, window_bounds = array<i64: 2, 640, 128>}, {transform_indices = @transform_2, window_bounds = array<i64: 640, 128>}]} {
    %get3A = arith.constant 0 : index
    %get3A_0 = arith.constant 0 : index
    %get3A_1 = arith.constant 0 : index
    %get3A_2 = vector.load %arg1[%get3A, %get3A_0, %get3A_1] : memref<2x640x128xf32, #tpu.memory_space<vmem>>, vector<1x640x128xf32>
    %get3A_3 = vector.shape_cast %get3A_2 : vector<1x640x128xf32> to vector<640x128xf32>
    %get3A_4 = arith.constant 1 : index
    %get3A_5 = arith.constant 0 : index
    %get3A_6 = arith.constant 0 : index
    %get3A_7 = vector.load %arg1[%get3A_4, %get3A_5, %get3A_6] : memref<2x640x128xf32, #tpu.memory_space<vmem>>, vector<1x640x128xf32>
    %get3A_8 = vector.shape_cast %get3A_7 : vector<1x640x128xf32> to vector<640x128xf32>
    %add3A = arith.addf %get3A_3, %get3A_8 : vector<640x128xf32>
    %get3A_9 = arith.constant 0 : index
    %get3A_10 = arith.constant 0 : index
    %get3A_11 = arith.constant 0 : index
    %get3A_12 = vector.load %arg2[%get3A_9, %get3A_10, %get3A_11] : memref<2x640x128xf32, #tpu.memory_space<vmem>>, vector<1x640x128xf32>
    %get3A_13 = vector.shape_cast %get3A_12 : vector<1x640x128xf32> to vector<640x128xf32>
    %get3A_14 = arith.constant 1 : index
    %get3A_15 = arith.constant 0 : index
    %get3A_16 = arith.constant 0 : index
    %get3A_17 = vector.load %arg2[%get3A_14, %get3A_15, %get3A_16] : memref<2x640x128xf32, #tpu.memory_space<vmem>>, vector<1x640x128xf32>
    %get3A_18 = vector.shape_cast %get3A_17 : vector<1x640x128xf32> to vector<640x128xf32>
    %add3A_19 = arith.addf %get3A_13, %get3A_18 : vector<640x128xf32>
    %max3A = arith.constant 1.000000e+00 : f32
    %max3A_20 = vector.broadcast %max3A : f32 to vector<640x128xf32>
    %max3A_21 = arith.maximumf %add3A_19, %max3A_20 : vector<640x128xf32>
    %div3A = arith.divf %add3A, %max3A_21 : vector<640x128xf32>
    %swap3A = arith.constant 0 : index
    %swap3A_22 = arith.constant 0 : index
    %swap3A_23 = vector.load %arg3[%swap3A, %swap3A_22] : memref<640x128xf32, #tpu.memory_space<vmem>>, vector<640x128xf32>
    tpu.vector_store %arg3[%swap3A, %swap3A_22], %div3A {strides = array<i32>} : memref<640x128xf32, #tpu.memory_space<vmem>>, vector<640x128xf32>,
    return
  }
  func.func @transform_0(%arg0: i32) -> (i32, i32, i32) {
    %c0_i32 = arith.constant 0 : i32
    %c0_i32_0 = arith.constant 0 : i32
    %c0_i32_1 = arith.constant 0 : i32
    return %c0_i32, %arg0, %c0_i32_0 : i32, i32, i32
  }
  func.func @transform_1(%arg0: i32) -> (i32, i32, i32) {
    %c0_i32 = arith.constant 0 : i32
    %c0_i32_0 = arith.constant 0 : i32
    %c0_i32_1 = arith.constant 0 : i32
    return %c0_i32, %arg0, %c0_i32_0 : i32, i32, i32
  }
  func.func @transform_2(%arg0: i32) -> (i32, i32) {
    %c0_i32 = arith.constant 0 : i32
    %c0_i32_0 = arith.constant 0 : i32
    return %arg0, %c0_i32 : i32, i32
  }
}

</mosaic_0001>

<sc_bundles>
// kernel: kernel.4.cloned.1.call-start
scs
__scs_entry_jumppad:
0x0: {  	(pc) =	sbr.rel $0x88, $3  }
0x1: {  	(tag) =	ssettag $0x0;
	lr =	simm.s32 $0x1  }
0x2: {  	[smem:$0x3F9D] =	sst lr;
	_ =	strace $0xD0000000  }
0x3: {  	_ = 	snop  }
0x4: {  	_ = 	snop  }
0x5: {  	_ = 	snop  }
0x6: {  	_ = 	snop  }
0x7: {  	_ = 	snop  }
__scs_overlays_trampoline_lowered:
0x8: {  	[smem:$0x3FAC] =	sst s0  }
0x9: {  	[smem:$0x3FAD] =	sst s1  }
0xa: {  	[smem:$0x3FAE] =	sst s2  }
0xb: {  	[smem:$0x3FAF] =	sst s3  }
0xc: {  	[smem:$0x3FB0] =	sst s4  }
0xd: {  	[smem:$0x3FB1] =	sst s5  }
0xe: {  	[smem:$0x3FB2] =	sst s6  }
0xf: {  	[smem:$0x3FB3] =	sst s7  }
0x10: {  	[smem:$0x3FB4] =	sst s8  }
0x11: {  	[smem:$0x3FB5] =	sst s9;
	s0 =	simm.s32 @!p0 $0x0  }
0x12: {  	s1 =	sld [smem:$0x3F9B];
	s0 =	simm.s32 @p0 $0x1  }
0x13: {  	[smem:$0x3FB6] =	sst s0;
	s0 =	simm.s32 @!p1 $0x0  }
0x14: {  	s2 =	sld [smem:$0x3F9A];
	s0 =	simm.s32 @p1 $0x1  }
0x15: {  	[smem:$0x3FB7] =	sst s0;
	s0 =	simm.s32 @!p2 $0x0  }
0x16: {  	s3 =	sld [smem:$0x3FDB];
	s0 =	simm.s32 @p2 $0x1  }
0x17: {  	s4 =	simm.s32 $0x1BF5;
	[smem:$0x3FB9] =	sst s0  }
0x18: {  	s0 =	sld [smem:$0x3F9C];
	_ =	swait.ge [sflag:s4], $0x0  }
0x19: {  	s7 =	sld [smem:$0x3F9D]  }
0x1a: {  	s8 =	sadd.s32 $0xFFFFE003, lr  }
0x1b: {  	s9 =	sadd.s32 $0xFFFFFEF7, lr;
	s5 =	simm.s32 $0xFFFFFFFF;
	p2 =	slt.u32 s8, $0xFFFFF086  }
0x1c: {  	p1 =	slt.u32 s9, $0xF7A;
	s5 =	simm.s32 @!p2 $0x0  }
0x1d: {  	s5 =	simm.s32 @p1 $0x1;
	p0 =	seq.s32 s7, s2  }
0x1e: {  	s7 =	smul.u32 @!p0 $0xF7A, s2;
	p2 =	seq.s32 @!p0 s5, $0x0  }
0x1f: {  	s9 =	smul.u32 $0xF7A, s1;
	s8 =	simm.s32 @!p0 $0x1BF5;
	p2 =	por !p2, p0  }
0x20: {  	[sflag:s8] =	ssyncset.s32 @!p0 $0xFFFFF086;
	s6 =	sadd.s32 @!p0 s3, s7;
	s7 =	simm.s32 @!p0 $0x108  }
0x21: {  	s3 =	sadd.s32 s3, s9;
	s6 =	sadd.s32 @!p0 $0x88, s6;
	s7 =	simm.s32 @p2 $0x1082  }
0x22: {  	[simem:s7], [sflag:s8] =	dma.local @!p0 [hbm:s6], $0xF7A  }
0x23: {  	s9 =	sor.u32 $0xD0000000, s2;
	s6 =	simm.s32 $0x108;
	_ =	swait.ge @!p0 [sflag:s8], $0x0  }
0x24: {  	s3 =	sadd.s32 $0x88, s3;
	s6 =	simm.s32 @!p1 $0x1082;
	[sflag:s4] =	ssyncset.s32 $0xFFFFF086  }
0x25: {  	[simem:s6], [sflag:s4] =	dma.local [hbm:s3], $0xF7A  }
0x26: {  	[smem:$0x3F9D] =	sst s1;
	(tag) =	ssettag s2;
	_ =	strace s9  }
0x27: {  	s1 =	sld [smem:$0x3FAD]  }
0x28: {  	s2 =	sld [smem:$0x3FAE]  }
0x29: {  	s4 =	sld [smem:$0x3FB0]  }
0x2a: {  	p0 =	seq.s32 s5, $0x0;
	s5 =	sld [smem:$0x3FB1]  }
0x2b: {  	s6 =	sld [smem:$0x3FB2]  }
0x2c: {  	s7 =	sld [smem:$0x3FB3]  }
0x2d: {  	s3 =	simm.s32 $0x108;
	s8 =	sld [smem:$0x3FB4]  }
0x2e: {  	s3 =	simm.s32 @!p0 $0x1082;
	s9 =	sld [smem:$0x3FB5]  }
0x2f: {  	lr =	sadd.s32 s0, s3;
	s0 =	sld [smem:$0x3FAC]  }
0x30: {  	s3 =	sld [smem:$0x3FAF]  }
0x31: {  	[smem:$0x3FB8] =	sst s10  }
0x32: {  	s10 =	sld [smem:$0x3FB6];
	_ =	sdelay $0x3  }
0x33: {  	p0 =	seq.s32 s10, $0x1;
	s10 =	sld [smem:$0x3FB8];
	_ =	sdelay $0x3  }
0x34: {  	[smem:$0x3FB8] =	sst s10  }
0x35: {  	s10 =	sld [smem:$0x3FB7];
	_ =	sdelay $0x3  }
0x36: {  	p1 =	seq.s32 s10, $0x1;
	s10 =	sld [smem:$0x3FB8];
	_ =	sdelay $0x3  }
0x37: {  	[smem:$0x3FB8] =	sst s10  }
0x38: {  	s10 =	sld [smem:$0x3FB9]  }
0x39: {  	_ = 	snop;
	(pc) =	sbr.ind lr, $3  }
0x3a: {  	_ = 	snop  }
0x3b: {  	_ = 	snop  }
0x3c: {  	p2 =	seq.s32 s10, $0x1;
	s10 =	sld [smem:$0x3FB8]  }
0x3d: {  	_ =	shalt  }
0x3e: {  	_ =	shalt  }
0x3f: {  	_ =	shalt  }
0x40: {  	_ =	shalt  }
0x41: {  	_ =	shalt  }
0x42: {  	_ =	shalt  }
0x43: {  	_ =	shalt  }
0x44: {  	_ =	shalt  }
0x45: {  	_ =	shalt  }
0x46: {  	_ =	shalt  }
0x47: {  	_ =	shalt  }
0x48: {  	_ =	shalt  }
0x49: {  	_ =	shalt  }
0x4a: {  	_ =	shalt  }
0x4b: {  	_ =	shalt  }
0x4c: {  	_ =	shalt  }
0x4d: {  	_ =	shalt  }
0x4e: {  	_ =	shalt  }
0x4f: {  	_ =	shalt  }
0x50: {  	_ =	shalt  }
0x51: {  	_ =	shalt  }
0x52: {  	_ =	shalt  }
0x53: {  	_ =	shalt  }
0x54: {  	_ =	shalt  }
0x55: {  	_ =	shalt  }
0x56: {  	_ =	shalt  }
0x57: {  	_ =	shalt  }
0x58: {  	_ =	shalt  }
0x59: {  	_ =	shalt  }
0x5a: {  	_ =	shalt  }
0x5b: {  	_ =	shalt  }
0x5c: {  	_ =	shalt  }
0x5d: {  	_ =	shalt  }
0x5e: {  	_ =	shalt  }
0x5f: {  	_ =	shalt  }
0x60: {  	_ =	shalt  }
0x61: {  	_ =	shalt  }
0x62: {  	_ =	shalt  }
0x63: {  	_ =	shalt  }
0x64: {  	_ =	shalt  }
0x65: {  	_ =	shalt  }
0x66: {  	_ =	shalt  }
0x67: {  	_ =	shalt  }
0x68: {  	_ =	shalt  }
0x69: {  	_ =	shalt  }
0x6a: {  	_ =	shalt  }
0x6b: {  	_ =	shalt  }
0x6c: {  	_ =	shalt  }
0x6d: {  	_ =	shalt  }
0x6e: {  	_ =	shalt  }
0x6f: {  	_ =	shalt  }
0x70: {  	_ =	shalt  }
0x71: {  	_ =	shalt  }
0x72: {  	_ =	shalt  }
0x73: {  	_ =	shalt  }
0x74: {  	_ =	shalt  }
0x75: {  	_ =	shalt  }
0x76: {  	_ =	shalt  }
0x77: {  	_ =	shalt  }
0x78: {  	_ =	shalt  }
0x79: {  	_ =	shalt  }
0x7a: {  	_ =	shalt  }
0x7b: {  	_ =	shalt  }
0x7c: {  	_ =	shalt  }
0x7d: {  	_ =	shalt  }
0x7e: {  	_ =	shalt  }
0x7f: {  	_ =	shalt  }
0x80: {  	_ =	shalt  }
0x81: {  	_ =	shalt  }
0x82: {  	_ =	shalt  }
0x83: {  	_ =	shalt  }
0x84: {  	_ =	shalt  }
0x85: {  	_ =	shalt  }
0x86: {  	_ =	shalt  }
0x87: {  	_ =	shalt  }
.Lfunc_end0:
.L_simem_size_0:
called_computation_lowered:
.L_overlay_start_0:
0x88: {  	s2 =	sld [smem:$0x3FD9]  }
0x89: {  	s3 =	sld [smem:$0x3FFE];
	_ =	sdelay $0x1  }
0x8a: {  	s1 =	srdreg.scid  }
0x8b: {  	s0 =	sand.u32 $0x1, s1  }
0x8c: {  	s17 =	sshll.u32 s0, $0xA;
	s2 =	sadd.s32 s3, s2  }
0x8d: {  	s2 =	sadd.s32 s2, s17  }
0x8e: {  	[smem:$0x3FC4] =	sst s2  }
0x8f: {  	_ = 	snop  }
0x90: {  	s2 =	sld [smem:$0x3FC9]  }
0x91: {  	s18 =	sld [smem:$0x3FD0];
	(tm) =	ssettm $0x1  }
0x92: {  	s4 =	sld [smem:$0x3FFB];
	_ =	sdelay $0x3  }
0x93: {  	_ =	strace s4  }
0x94: {  	s4 =	sld [smem:$0x3FFC];
	_ =	sdelay $0x3  }
0x95: {  	_ =	strace s4  }
0x96: {  	s4 =	sld [smem:$0x3FFD];
	_ =	sdelay $0x3  }
0x97: {  	_ =	strace s4  }
0x98: {  	_ =	strace $0x8FFFFFFF  }
0x99: {  	s19 =	sld [smem:$0x3FDB];
	_ =	sdelay $0x1  }
0x9a: {  	s5 =	simm.s32 $_scs_section_size  }
0x9b: {  	s6 =	simm.s32 $_size__tile_overlayer_lowered;
	s7 =	simm.s32 $_tile_overlayer_lowered  }
0x9c: {  	s22 =	simm.s32 $0x1BFF;
	s21 =	sshll.u32 s7, $0x1;
	s4 =	sadd.s32 s5, s19  }
0x9d: {  	s8 =	simm.s32 $0x0;
	s20 =	sshll.u32 s6, $0x1;
	s6 =	sadd.s32 s21, s4  }
0x9e: {  	[timem:s8], [sflag:s22] =	dma.local [hbm:s6], s20  }
0x9f: {  	_ =	swait.ge [sflag:s22], s20  }
0xa0: {  	s5 =	ssub.s32 $0x0, s20;
	[sflag:s22] =	ssyncset.done $0x0  }
0xa1: {  	[sflag:s22] =	ssyncadd.s32 s5;
	_ =	sdelay $0x1  }
0xa2: {  	s23 =	simm.s32 $0x1B8B  }
0xa3: {  	_ =	swait.ge [sflag:s23], $0x1  }
0xa4: {  	[sflag:s23] =	ssyncset.done $0x0  }
0xa5: {  	s25 =	simm.s32 $0x1B8E;
	s24 =	sld [smem:$0x3FFE];
	[sflag:s23] =	ssyncadd.s32 $0xFFFFFFFF  }
0xa6: {  	s26 =	simm.s32 $execute0_lowered;
	[smem:$0x3FD2] =	sst s25  }
0xa7: {  	s6 =	sshll.u32 s26, $0x1;
	_ =	strace $0x80000046;
	[dreg:$0x1] =	wrdreg $0xFFFFFFFF  }
0xa8: {  	s28 =	simm.s32 $_size_execute0_lowered;
	s4 =	sadd.s32 s4, s6;
	[dreg:$0x0] =	wrdreg $0x0  }
0xa9: {  	s6 =	sshll.u32 s28, $0x1;
	[dreg:$0x2] =	wrdreg s4  }
0xaa: {  	[dreg:$0x3] =	wrdreg s6  }
0xab: {  	[dreg:$0x4] =	wrdreg $0xC0  }
0xac: {  	_ =	task [dreg:s8], $0x5FFFF  }
0xad: {  	[dreg:$0x1] =	wrdreg $0xFFFFFFFF  }
0xae: {  	[dreg:$0x0] =	wrdreg $0x60  }
0xaf: {  	[dreg:$0x2] =	wrdreg s2  }
0xb0: {  	[dreg:$0x3] =	wrdreg s18  }
0xb1: {  	[dreg:$0x4] =	wrdreg s24  }
0xb2: {  	[dreg:$0x5] =	wrdreg $0x83000  }
0xb3: {  	[dreg:$0x6] =	wrdreg $0x9  }
0xb4: {  	_ =	task.clear_ibuf [dreg:s8], $0x7FFFF;
	_ =	strace $0x90000046  }
0xb5: {  	s29 =	simm.s32 $0x9;
	_ =	strace $0x80000048  }
0xb6: {  	_ =	swait.ge [sflag:s29], $0x1  }
0xb7: {  	[sflag:s29] =	ssyncadd.s32 $0xFFFFFFFF  }
0xb8: {  	_ =	strace $0x90000048  }
0xb9: {  	_ =	sfence  }
0xba: {  	s30 =	sld [smem:$0x0];
	_ =	sdelay $0x2  }
0xbb: {  	s31 =	sshll.u32 s1, $0xD;
	s1 =	sshrl.u32 s1, $0x2  }
0xbc: {  	s3 =	sand.u32 $0x4000, s31;
	s1 =	sadd.s32 s1, s30  }
0xbd: {  	s0 =	sor.u32 s3, s0;
	s1 =	sshll.u32 s1, $0x11  }
0xbe: {  	s0 =	sor.u32 s1, s0  }
0xbf: {  	s0 =	sadd.s32 $0x8F2B, s0  }
0xc0: {  	[sflag:s0] =	ssyncadd.remote.s32 $0x1  }
0xc1: {  	_ =	sfence.sel $0xFFFF  }
0xc2: {  	[dreg:$0x0] =	wrdreg $0xFFFFFFFF;
	(pc) =	sbr.abs _section_cstart, $3  }
0xc3: {  	[dreg:$0x1] =	wrdreg $0xFFFFFFFF  }
0xc4: {  	_ =	task.clear_ibuf [dreg:s8], $0x2FFFF;
	_ =	strace $0x9FFFFFFF  }
0xc5: {  	(tm) =	ssettm $0x7FFFFFFF  }
tec
execute0_lowered:
.L_overlay_start_1:
0x0: {  	(tag) =	ssettag $0x1  }
0x1: {  	s7 =	rddreg [dreg:$0x1]  }
0x2: {  	s1 =	rddreg [dreg:$0x2]  }
0x3: {  	s0 =	simm.s32 $0x0;
	s2 =	srdreg.scid;
	s21 =	stileid.u32  }
0x4: {  	s28 =	simm.s32 $0x2;
	s29 =	simm.s32 $0x100;
	s30 =	simm.s32 $0x4180  }
0x5: {  	s31 =	simm.s32 $0x4200;
	[smem:$0x7FF] =	sst s0;
	s8 =	sadd.s32 $0xB200, s1  }
0x6: {  	s19 =	sadd.s32 $0x1000, s1;
	s15 =	sand.u32 $0x1, s2;
	s2 =	smul.u32 $0x280, s21  }
0x7: {  	s9 =	sadd.s32 $0x15400, s1;
	s13 =	sadd.s32 $0x65400, s1;
	s11 =	smul.u32 $0x14000, s21  }
0x8: {  	s3 =	ssub.s32 $0x2, s15;
	s17 =	sshll.u32 s15, $0x4;
	s10 =	smul.u32 $0x140000, s15  }
0x9: {  	s16 =	sshrl.u32 s3, $0x1;
	s6 =	sadd.s32 $0x80, s2;
	s5 =	sadd.s32 $0x100, s2  }
0xa: {  	s4 =	sadd.s32 $0x180, s2;
	s1 =	ssub.s32 s3, s16;
	s3 =	sor.u32 s21, s17  }
0xb: {  	v39 =	vlaneseq.u32;
	s11 =	sadd.s32 s11, s10;
	s12 =	sshll.u32 s6, $0x7;
	s23 =	sshll.u32 s5, $0x7  }
0xc: {  	s17 =	sshll.u32 s4, $0x7;
	v7 =	vor.u32 s6, v39;
	v15 =	vor.u32 s5, v39;
	s5 =	sadd.s32 $0x1D0, s2;
	s6 =	sadd.s32 $0x210, s2  }
0xd: {  	v23 =	vor.u32 s4, v39;
	s4 =	sadd.s32 $0x240, s2;
	s16 =	smul.u32 $0x500, s3;
	s3 =	sadd.s32 $0x200, s2  }
0xe: {  	s11 =	sshrl.u32 s11, $0x3;
	s12 =	sadd.s32 s10, s12;
	s17 =	sadd.s32 s10, s17  }
0xf: {  	v28 =	vor.u32 s5, v39;
	s5 =	sadd.s32 $0x250, s2;
	s20 =	sadd.s32 s9, s11;
	s12 =	sshrl.u32 s12, $0x3  }
0x10: {  	s17 =	sshrl.u32 s17, $0x3;
	s14 =	sadd.s32 s7, s16;
	[dreg:$0x7] =	wrdreg s20  }
0x11: {  	s18 =	sadd.s32 s8, s16;
	s22 =	sadd.s32 s9, s12;
	[dreg:$0x5] =	wrdreg s14  }
0x12: {  	s25 =	sadd.s32 s9, s17;
	s20 =	smul.u32 $0x5000, s15;
	[dreg:$0x6] =	wrdreg s18  }
0x13: {  	[dreg:$0x8] =	wrdreg s22;
	s14 =	sadd.s32 s10, s23;
	s18 =	sshll.u32 s3, $0x7  }
0x14: {  	[dreg:$0xa] =	wrdreg s25;
	s23 =	smul.u32 $0x500, s21;
	s25 =	sor.u32 $0x20, s2  }
0x15: {  	v31 =	vor.u32 s3, v39;
	s3 =	simm.s32 $0x0;
	s14 =	sshrl.u32 s14, $0x3;
	s10 =	sadd.s32 s10, s18  }
0x16: {  	s18 =	sor.u32 $0x10, s16;
	v1 =	vor.u32 s25, v39;
	s25 =	sor.u32 $0x60, s2;
	s24 =	sadd.s32 s9, s14  }
0x17: {  	s26 =	sshrl.u32 s10, $0x3;
	s10 =	sadd.s32 s13, s12;
	s12 =	sadd.s32 s13, s17  }
0x18: {  	s15 =	sadd.s32 s7, s18;
	s17 =	sadd.s32 s19, s18;
	s7 =	sadd.s32 s20, s7  }
0x19: {  	v5 =	vor.u32 s25, v39;
	s25 =	sadd.s32 $0xB0, s2;
	[dreg:$0x9] =	wrdreg s24;
	s9 =	sadd.s32 s9, s26  }
0x1a: {  	s21 =	sadd.s32 s23, s7;
	s24 =	sor.u32 $0x40, s2;
	s7 =	sadd.s32 $0xC0, s2  }
0x1b: {  	v10 =	vor.u32 s25, v39;
	s25 =	sadd.s32 $0x120, s2;
	[dreg:$0xb] =	wrdreg s9;
	s9 =	sadd.s32 s13, s11  }
0x1c: {  	s11 =	sadd.s32 s13, s14;
	s13 =	sadd.s32 s13, s26;
	s14 =	sadd.s32 s19, s16  }
0x1d: {  	s16 =	sadd.s32 s8, s18;
	s18 =	rddreg [dreg:$0x0];
	s8 =	sadd.s32 s20, s8  }
0x1e: {  	v40 =	vimm.f32 $0.0e+00;
	s19 =	sadd.s32 s20, s19;
	s20 =	rddreg [dreg:$0x3];
	s26 =	sor.u32 $0x30, s2  }
0x1f: {  	v3 =	vor.u32 s24, v39;
	s24 =	sadd.s32 $0xA0, s2;
	v11 =	vor.u32 s7, v39;
	s7 =	sadd.s32 $0x130, s2;
	v17 =	vor.u32 s25, v39;
	s25 =	sadd.s32 $0x170, s2  }
0x20: {  	v41 =	vimm.f32 $1.000000000e+00;
	v32 =	vor.u32 s2, v39;
	v33 =	vor.u32 s6, v39;
	s22 =	sadd.s32 s23, s8;
	s23 =	sadd.s32 s23, s19;
	_ =	strace $0x80000047  }
0x21: {  	v36 =	vor.u32 s4, v39;
	v37 =	vor.u32 s5, v39;
	s19 =	sor.u32 $0x10, s2;
	v2 =	vor.u32 s26, v39;
	s26 =	sor.u32 $0x70, s2;
	s8 =	sadd.s32 $0x90, s2  }
0x22: {  	v9 =	vor.u32 s24, v39;
	s24 =	sadd.s32 $0x110, s2;
	v18 =	vor.u32 s7, v39;
	s7 =	sadd.s32 $0x1A0, s2;
	v22 =	vor.u32 s25, v39;
	s25 =	sadd.s32 $0x1F0, s2  }
0x23: {  	v0 =	vor.u32 s19, v39;
	s19 =	sor.u32 $0x50, s2;
	v6 =	vor.u32 s26, v39;
	v8 =	vor.u32 s8, v39;
	s26 =	sadd.s32 $0xE0, s2;
	s8 =	sadd.s32 $0xF0, s2  }
0x24: {  	v16 =	vor.u32 s24, v39;
	s24 =	sadd.s32 $0x190, s2;
	v25 =	vor.u32 s7, v39;
	s7 =	sadd.s32 $0x220, s2;
	v30 =	vor.u32 s25, v39;
	s25 =	simm.s32 $0x80  }
0x25: {  	v4 =	vor.u32 s19, v39;
	s19 =	sadd.s32 $0xD0, s2;
	v13 =	vor.u32 s26, v39;
	v14 =	vor.u32 s8, v39;
	s26 =	sadd.s32 $0x150, s2;
	s8 =	sadd.s32 $0x160, s2  }
0x26: {  	v24 =	vor.u32 s24, v39;
	s24 =	smax.u32 s1, $0x1;
	v34 =	vor.u32 s7, v39;
	s1 =	simm.s32 $0x4300;
	v12 =	vor.u32 s19, v39;
	s19 =	sadd.s32 $0x140, s2  }
0x27: {  	v20 =	vor.u32 s26, v39;
	s26 =	sadd.s32 $0x1B0, s2;
	v21 =	vor.u32 s8, v39;
	s8 =	sadd.s32 $0x1E0, s2;
	v19 =	vor.u32 s19, v39;
	s19 =	sadd.s32 $0x1C0, s2  }
0x28: {  	v26 =	vor.u32 s26, v39;
	s26 =	sadd.s32 $0x230, s2;
	v29 =	vor.u32 s8, v39;
	v27 =	vor.u32 s19, v39;
	s19 =	sadd.s32 $0x260, s2;
	s2 =	sadd.s32 $0x270, s2  }
0x29: {  	v35 =	vor.u32 s26, v39;
	s26 =	simm.s32 $0x180;
	v38 =	vor.u32 s19, v39;
	s19 =	simm.s32 $0x4280;
	v39 =	vor.u32 s2, v39;
	s2 =	simm.s32 $0x1  }
.LBB2_1:
0x2a: {  	s4 =	simm.s32 $0x0;
	s5 =	simm.s32 $0x200  }
.LBB2_2:
0x2b: {  	p0 =	sne.s32 s5, $0xFE00;
	[tilespmem:s4+$0x1F0] =	vst v40  }
0x2c: {  	[tilespmem:s4+$0x180] =	vst v40  }
0x2d: {  	[tilespmem:s4+$0x190] =	vst v40  }
.Ltmp0:
0x2e: {  	[tilespmem:s4+$0x1A0] =	vst v40;
	(pc) =	sbr.rel @p0 .LBB2_2-.Ltmp0, $4  }
0x2f: {  	[tilespmem:s4+$0x1B0] =	vst v40  }
0x30: {  	[tilespmem:s4+$0x1C0] =	vst v40  }
0x31: {  	[tilespmem:s4+$0x1D0] =	vst v40  }
0x32: {  	[tilespmem:s4+$0x1E0] =	vst v40;
	s4 =	sshra.s32 s5, $0x2;
	s5 =	sadd.s32 $0x200, s5  }
0x33: {  	[tilespmem:s4+$0x1F0] =	vst v40  }
0x34: {  	[tilespmem:s4+$0x180] =	vst v40  }
0x35: {  	[tilespmem:s4+$0x190] =	vst v40  }
0x36: {  	[tilespmem:s4+$0x1A0] =	vst v40  }
0x37: {  	[tilespmem:s4+$0x1B0] =	vst v40  }
0x38: {  	[tilespmem:s4+$0x1C0] =	vst v40  }
0x39: {  	[tilespmem:s4+$0x1D0] =	vst v40  }
0x3a: {  	[tilespmem:s4+$0x1E0] =	vst v40  }
0x3b: {  	[tilespmem:$0x0] =	vst v32  }
0x3c: {  	[tilespmem:$0x10] =	vst v0  }
0x3d: {  	[tilespmem:$0x20] =	vst v1  }
0x3e: {  	[tilespmem:$0x30] =	vst v2  }
0x3f: {  	[tilespmem:$0x40] =	vst v3  }
0x40: {  	[tilespmem:$0x50] =	vst v4  }
0x41: {  	[tilespmem:$0x60] =	vst v5  }
0x42: {  	s8 =	simm.s32 $0x0;
	[tilespmem:$0x70] =	vst v6  }
0x43: {  	[spmem:s20] =	stream.indirect.scatter [tilespmem:s26], [sflag:$0x2], $0x80, s8, s25, $0xb8;
	[tilespmem:$0x1C300] =	vst v63  }
0x44: {  	_ =	swait.ge [sflag:s28], $0x4000  }
0x45: {  	[sflag:s28] =	ssyncset.done $0x0  }
0x46: {  	[sflag:s28] =	ssyncadd.s32 $0xFFFFC000  }
0x47: {  	[tilespmem:$0x0] =	vst v7  }
0x48: {  	[tilespmem:$0x10] =	vst v8  }
0x49: {  	[tilespmem:$0x20] =	vst v9  }
0x4a: {  	[tilespmem:$0x30] =	vst v10  }
0x4b: {  	[tilespmem:$0x40] =	vst v11  }
0x4c: {  	[tilespmem:$0x50] =	vst v12  }
0x4d: {  	[tilespmem:$0x60] =	vst v13  }
0x4e: {  	[tilespmem:$0x70] =	vst v14  }
0x4f: {  	[spmem:s20] =	stream.indirect.scatter [tilespmem:s26], [sflag:$0x2], $0x80, s8, s25, $0xb8;
	[tilespmem:$0x1C300] =	vst v63  }
0x50: {  	_ =	swait.ge [sflag:s28], $0x4000  }
0x51: {  	[sflag:s28] =	ssyncset.done $0x0  }
0x52: {  	[sflag:s28] =	ssyncadd.s32 $0xFFFFC000  }
0x53: {  	[tilespmem:$0x0] =	vst v15  }
0x54: {  	[tilespmem:$0x10] =	vst v16  }
0x55: {  	[tilespmem:$0x20] =	vst v17  }
0x56: {  	[tilespmem:$0x30] =	vst v18  }
0x57: {  	[tilespmem:$0x40] =	vst v19  }
0x58: {  	[tilespmem:$0x50] =	vst v20  }
0x59: {  	[tilespmem:$0x60] =	vst v21  }
0x5a: {  	[tilespmem:$0x70] =	vst v22  }
0x5b: {  	[spmem:s20] =	stream.indirect.scatter [tilespmem:s26], [sflag:$0x2], $0x80, s8, s25, $0xb8;
	[tilespmem:$0x1C300] =	vst v63  }
0x5c: {  	_ =	swait.ge [sflag:s28], $0x4000  }
0x5d: {  	[sflag:s28] =	ssyncset.done $0x0  }
0x5e: {  	[sflag:s28] =	ssyncadd.s32 $0xFFFFC000  }
0x5f: {  	[tilespmem:$0x0] =	vst v23  }
0x60: {  	[tilespmem:$0x10] =	vst v24  }
0x61: {  	[tilespmem:$0x20] =	vst v25  }
0x62: {  	[tilespmem:$0x30] =	vst v26  }
0x63: {  	[tilespmem:$0x40] =	vst v27  }
0x64: {  	[tilespmem:$0x50] =	vst v28  }
0x65: {  	[tilespmem:$0x60] =	vst v29  }
0x66: {  	[tilespmem:$0x70] =	vst v30  }
0x67: {  	[spmem:s20] =	stream.indirect.scatter [tilespmem:s26], [sflag:$0x2], $0x80, s8, s25, $0xb8;
	[tilespmem:$0x1C300] =	vst v63  }
0x68: {  	_ =	swait.ge [sflag:s28], $0x4000  }
0x69: {  	[sflag:s28] =	ssyncset.done $0x0  }
0x6a: {  	[sflag:s28] =	ssyncadd.s32 $0xFFFFC000  }
0x6b: {  	[tilespmem:$0x0] =	vst v31  }
0x6c: {  	[tilespmem:$0x10] =	vst v33  }
0x6d: {  	[tilespmem:$0x20] =	vst v34  }
0x6e: {  	[tilespmem:$0x30] =	vst v35  }
0x6f: {  	[tilespmem:$0x40] =	vst v36  }
0x70: {  	[tilespmem:$0x50] =	vst v37  }
0x71: {  	[tilespmem:$0x60] =	vst v38  }
0x72: {  	[tilespmem:$0x70] =	vst v39  }
0x73: {  	[spmem:s20] =	stream.indirect.scatter [tilespmem:s26], [sflag:$0x2], $0x80, s8, s25, $0xb8;
	[tilespmem:$0x1C300] =	vst v63  }
0x74: {  	_ =	swait.ge [sflag:s28], $0x4000  }
0x75: {  	[sflag:s28] =	ssyncset.done $0x0  }
0x76: {  	[sflag:s28] =	ssyncadd.s32 $0xFFFFC000  }
0x77: {  	[bflag:$0x0] =	sbarrier.arrive $0xFFFF  }
0x78: {  	s5 =	rddreg [dreg:$0x5]  }
0x79: {  	[tilespmem:s8], [sflag:$0x2] =	stream.linear.gather [hbm4b:s5+s8], $0x80, $0x38;
	[tilespmem:$0x1C300] =	vst v63  }
0x7a: {  	_ =	swait.ge [sflag:s28], $0x80  }
0x7b: {  	[sflag:s28] =	ssyncset.done $0x0  }
0x7c: {  	s6 =	rddreg [dreg:$0x6];
	[sflag:s28] =	ssyncadd.s32 $0xFFFFFF80  }
0x7d: {  	[tilespmem:s25], [sflag:$0x2] =	stream.linear.gather [hbm4b:s6+s8], $0x80, $0x38;
	[tilespmem:$0x1C300] =	vst v63  }
0x7e: {  	_ =	swait.ge [sflag:s28], $0x80  }
0x7f: {  	[sflag:s28] =	ssyncset.done $0x0  }
0x80: {  	[sflag:s28] =	ssyncadd.s32 $0xFFFFFF80  }
0x81: {  	[tilespmem:s29], [sflag:$0x2] =	stream.linear.gather [hbm4b:s14+s8], $0x80, $0x38;
	[tilespmem:$0x1C300] =	vst v63  }
0x82: {  	_ =	swait.ge [sflag:s28], $0x80  }
0x83: {  	[sflag:s28] =	ssyncset.done $0x0  }
0x84: {  	[sflag:s28] =	ssyncadd.s32 $0xFFFFFF80  }
0x85: {  	v42 =	vld [tilespmem:$0x0]  }
0x86: {  	v43 =	vld [tilespmem:$0x80]  }
0x87: {  	v44 =	vld [tilespmem:$0x10]  }
0x88: {  	v45 =	vld [tilespmem:$0x90]  }
0x89: {  	v46 =	vld [tilespmem:$0x20]  }
0x8a: {  	v47 =	vld [tilespmem:$0xA0]  }
0x8b: {  	v48 =	vld [tilespmem:$0x30]  }
0x8c: {  	v49 =	vld [tilespmem:$0xB0]  }
0x8d: {  	v50 =	vld [tilespmem:$0x40]  }
0x8e: {  	v51 =	vld [tilespmem:$0xC0]  }
0x8f: {  	v52 =	vld [tilespmem:$0x50]  }
0x90: {  	v53 =	vld [tilespmem:$0xD0]  }
0x91: {  	v54 =	vld [tilespmem:$0x60];
	v42 =	vshll.u32 v42, $0xD  }
0x92: {  	v57 =	vld [tilespmem:$0xE0];
	v56 =	vshll.u32 v44, $0xD;
	v42 =	vadd.s32 v43, v42  }
0x93: {  	v60 =	vld [tilespmem:$0x70];
	v59 =	vshll.u32 v46, $0xD;
	v58 =	vadd.s32 v45, v56;
	[tilespmem:$0x0] =	vst v42  }
0x94: {  	v63 =	vld [tilespmem:$0xF0];
	v62 =	vshll.u32 v48, $0xD;
	v61 =	vadd.s32 v47, v59;
	[tilespmem:$0x10] =	vst v58  }
0x95: {  	v48 =	vshll.u32 v50, $0xD;
	v47 =	vadd.s32 v49, v62;
	[tilespmem:$0x20] =	vst v61  }
0x96: {  	v50 =	vshll.u32 v52, $0xD;
	v49 =	vadd.s32 v51, v48;
	[tilespmem:$0x30] =	vst v47  }
0x97: {  	v52 =	vshll.u32 v54, $0xD;
	v51 =	vadd.s32 v53, v50;
	[tilespmem:$0x40] =	vst v49  }
0x98: {  	v54 =	vshll.u32 v60, $0xD;
	v53 =	vadd.s32 v57, v52;
	[tilespmem:$0x50] =	vst v51  }
0x99: {  	v55 =	vadd.s32 v63, v54;
	[tilespmem:$0x60] =	vst v53  }
0x9a: {  	[tilespmem:$0x70] =	vst v55  }
0x9b: {  	[tilespmem:s26], [sflag:$0x1] =	stream.indirect.gather [hbm4b:s18+s25], $0x80, s8, s25, $0xb8;
	[tilespmem:$0x1C300] =	vst v63  }
0x9c: {  	_ = 	snop  }
0x9d: {  	[tilespmem:s30], [sflag:$0x2] =	stream.linear.gather [hbm4b:s15+s8], $0x80, $0x38;
	[tilespmem:$0x1C300] =	vst v63  }
0x9e: {  	_ =	swait.ge [sflag:s28], $0x80  }
0x9f: {  	[sflag:s28] =	ssyncset.done $0x0  }
0xa0: {  	[sflag:s28] =	ssyncadd.s32 $0xFFFFFF80  }
0xa1: {  	[tilespmem:s31], [sflag:$0x2] =	stream.linear.gather [hbm4b:s16+s8], $0x80, $0x38;
	[tilespmem:$0x1C300] =	vst v63  }
0xa2: {  	_ =	swait.ge [sflag:s28], $0x80  }
0xa3: {  	[sflag:s28] =	ssyncset.done $0x0  }
0xa4: {  	[sflag:s28] =	ssyncadd.s32 $0xFFFFFF80  }
0xa5: {  	[tilespmem:s19], [sflag:$0x2] =	stream.linear.gather [hbm4b:s17+s8], $0x80, $0x38;
	[tilespmem:$0x1C300] =	vst v63  }
0xa6: {  	_ =	swait.ge [sflag:s28], $0x80  }
0xa7: {  	[sflag:s28] =	ssyncset.done $0x0  }
0xa8: {  	[sflag:s28] =	ssyncadd.s32 $0xFFFFFF80  }
0xa9: {  	v56 =	vld [tilespmem:$0x4180]  }
0xaa: {  	v43 =	vld [tilespmem:$0x4200]  }
0xab: {  	v59 =	vld [tilespmem:$0x4190]  }
0xac: {  	v60 =	vld [tilespmem:$0x4210]  }
0xad: {  	v61 =	vld [tilespmem:$0x41A0]  }
0xae: {  	v62 =	vld [tilespmem:$0x4220]  }
0xaf: {  	v63 =	vld [tilespmem:$0x41B0]  }
0xb0: {  	v49 =	vld [tilespmem:$0x4230]  }
0xb1: {  	v50 =	vld [tilespmem:$0x41C0]  }
0xb2: {  	v57 =	vld [tilespmem:$0x4240]  }
0xb3: {  	v58 =	vld [tilespmem:$0x41D0]  }
0xb4: {  	v53 =	vld [tilespmem:$0x4250]  }
0xb5: {  	v54 =	vld [tilespmem:$0x41E0];
	v42 =	vshll.u32 v56, $0xD  }
0xb6: {  	v44 =	vld [tilespmem:$0x4260];
	v59 =	vshll.u32 v59, $0xD;
	v42 =	vadd.s32 v43, v42  }
0xb7: {  	v45 =	vld [tilespmem:$0x41F0];
	v61 =	vshll.u32 v61, $0xD;
	v60 =	vadd.s32 v60, v59;
	[tilespmem:$0x4180] =	vst v42  }
0xb8: {  	v48 =	vld [tilespmem:$0x4270];
	v63 =	vshll.u32 v63, $0xD;
	v62 =	vadd.s32 v62, v61;
	[tilespmem:$0x4190] =	vst v60  }
0xb9: {  	v56 =	vshll.u32 v50, $0xD;
	v55 =	vadd.s32 v49, v63;
	[tilespmem:$0x41A0] =	vst v62  }
0xba: {  	v58 =	vshll.u32 v58, $0xD;
	v57 =	vadd.s32 v57, v56;
	[tilespmem:$0x41B0] =	vst v55  }
0xbb: {  	v59 =	vadd.s32 v53, v58;
	[tilespmem:$0x41C0] =	vst v57;
	v60 =	vshll.u32 v54, $0xD  }
0xbc: {  	[tilespmem:$0x41D0] =	vst v59;
	v62 =	vshll.u32 v45, $0xD;
	v61 =	vadd.s32 v44, v60  }
0xbd: {  	v63 =	vadd.s32 v48, v62;
	[tilespmem:$0x41E0] =	vst v61  }
0xbe: {  	[tilespmem:$0x41F0] =	vst v63  }
0xbf: {  	[tilespmem:s1], [sflag:$0x1] =	stream.indirect.gather [hbm4b:s18+s25], $0x80, s30, s25, $0xb8;
	[tilespmem:$0x1C300] =	vst v63  }
0xc0: {  	_ =	swait.ge [sflag:s2], $0x4000  }
0xc1: {  	[sflag:s2] =	ssyncset.done $0x0  }
0xc2: {  	[sflag:s2] =	ssyncadd.s32 $0xFFFFC000  }
0xc3: {  	[spmem:s20] =	stream.indirect.scatter.add.f32 [tilespmem:s26], [sflag:$0x2], $0x80, s29, s25, $0xb8;
	[tilespmem:$0x1C300] =	vst v63  }
0xc4: {  	_ =	swait.ge [sflag:s28], $0x4000  }
0xc5: {  	s5 =	sadd.s32 $0x0, s21;
	[sflag:s28] =	ssyncset.done $0x0  }
0xc6: {  	s7 =	sadd.s32 $0x20, s5;
	[sflag:s28] =	ssyncadd.s32 $0xFFFFC000  }
0xc7: {  	[tilespmem:s0], [sflag:$0x2] =	stream.linear.gather [hbm4b:s7+s0], $0x80, $0x38;
	[tilespmem:$0x1C300] =	vst v63  }
0xc8: {  	_ =	swait.ge [sflag:s28], $0x80  }
0xc9: {  	s6 =	sadd.s32 $0x0, s22;
	[sflag:s28] =	ssyncset.done $0x0  }
0xca: {  	s8 =	sadd.s32 $0x20, s6;
	[sflag:s28] =	ssyncadd.s32 $0xFFFFFF80  }
0xcb: {  	[tilespmem:s25], [sflag:$0x2] =	stream.linear.gather [hbm4b:s8+s0], $0x80, $0x38;
	[tilespmem:$0x1C300] =	vst v63  }
0xcc: {  	_ =	swait.ge [sflag:s28], $0x80  }
0xcd: {  	s8 =	sadd.s32 $0x0, s23;
	[sflag:s28] =	ssyncset.done $0x0  }
0xce: {  	s7 =	sadd.s32 $0x20, s8;
	[sflag:s28] =	ssyncadd.s32 $0xFFFFFF80  }
0xcf: {  	[tilespmem:s29], [sflag:$0x2] =	stream.linear.gather [hbm4b:s7+s0], $0x80, $0x38;
	[tilespmem:$0x1C300] =	vst v63  }
0xd0: {  	_ =	swait.ge [sflag:s28], $0x80  }
0xd1: {  	[sflag:s28] =	ssyncset.done $0x0  }
0xd2: {  	[sflag:s28] =	ssyncadd.s32 $0xFFFFFF80  }
0xd3: {  	v42 =	vld [tilespmem:$0xB0]  }
0xd4: {  	v49 =	vld [tilespmem:$0xE0]  }
0xd5: {  	v47 =	vld [tilespmem:$0xA0]  }
0xd6: {  	v46 =	vld [tilespmem:$0x30]  }
0xd7: {  	v43 =	vld [tilespmem:$0xF0]  }
0xd8: {  	v44 =	vld [tilespmem:$0x70]  }
0xd9: {  	v45 =	vld [tilespmem:$0xC0]  }
0xda: {  	v51 =	vld [tilespmem:$0x60]  }
0xdb: {  	v48 =	vld [tilespmem:$0x90]  }
0xdc: {  	s4 =	simm.s32 $0x20;
	v50 =	vld [tilespmem:$0xD0]  }
.LBB2_4:
0xdd: {  	p0 =	sne.s32 s4, $0x4E0;
	v52 =	vld [tilespmem:$0x50];
	s7 =	smov.u32 s4;
	s4 =	sadd.s32 $0x20, s4  }
0xde: {  	v53 =	vld [tilespmem:$0x20]  }
0xdf: {  	v54 =	vld [tilespmem:$0x10];
	v51 =	vshll.u32 v51, $0xD  }
0xe0: {  	v55 =	vld [tilespmem:$0x40];
	v49 =	vadd.s32 v49, v51  }
0xe1: {  	v51 =	vld [tilespmem:$0x0];
	[tilespmem:$0x60] =	vst v49  }
0xe2: {  	v49 =	vld [tilespmem:$0x80];
	v52 =	vshll.u32 v52, $0xD  }
0xe3: {  	v46 =	vshll.u32 v46, $0xD;
	v53 =	vshll.u32 v53, $0xD;
	v50 =	vadd.s32 v50, v52  }
0xe4: {  	v42 =	vadd.s32 v42, v46;
	v52 =	vshll.u32 v54, $0xD;
	v47 =	vadd.s32 v47, v53;
	[tilespmem:$0x50] =	vst v50  }
0xe5: {  	v46 =	vadd.s32 v48, v52;
	[tilespmem:$0x20] =	vst v47;
	v47 =	vshll.u32 v55, $0xD  }
0xe6: {  	v44 =	vshll.u32 v44, $0xD;
	v48 =	vshll.u32 v51, $0xD;
	[tilespmem:$0x10] =	vst v46;
	v45 =	vadd.s32 v45, v47  }
0xe7: {  	v43 =	vadd.s32 v43, v44;
	v46 =	vadd.s32 v49, v48;
	[tilespmem:$0x40] =	vst v45  }
0xe8: {  	[tilespmem:$0x0] =	vst v46  }
0xe9: {  	[tilespmem:$0x70] =	vst v43  }
0xea: {  	[tilespmem:$0x30] =	vst v42  }
0xeb: {  	[tilespmem:s26], [sflag:$0x1] =	stream.indirect.gather [hbm4b:s18+s25], $0x80, s0, s25, $0xb8;
	[tilespmem:$0x1C300] =	vst v63  }
0xec: {  	_ =	swait.ge [sflag:s2], $0x4000  }
0xed: {  	[sflag:s2] =	ssyncset.done $0x0  }
0xee: {  	[sflag:s2] =	ssyncadd.s32 $0xFFFFC000  }
0xef: {  	[spmem:s20] =	stream.indirect.scatter.add.f32 [tilespmem:s1], [sflag:$0x2], $0x80, s19, s25, $0xb8;
	[tilespmem:$0x1C300] =	vst v63  }
0xf0: {  	_ =	swait.ge [sflag:s28], $0x4000  }
0xf1: {  	[sflag:s28] =	ssyncset.done $0x0  }
0xf2: {  	s5 =	sadd.s32 $0x30, s5;
	[sflag:s28] =	ssyncadd.s32 $0xFFFFC000  }
0xf3: {  	[tilespmem:s30], [sflag:$0x2] =	stream.linear.gather [hbm4b:s5+s0], $0x80, $0x38;
	[tilespmem:$0x1C300] =	vst v63  }
0xf4: {  	_ =	swait.ge [sflag:s28], $0x80  }
0xf5: {  	[sflag:s28] =	ssyncset.done $0x0  }
0xf6: {  	s5 =	sadd.s32 $0x30, s6;
	[sflag:s28] =	ssyncadd.s32 $0xFFFFFF80  }
0xf7: {  	[tilespmem:s31], [sflag:$0x2] =	stream.linear.gather [hbm4b:s5+s0], $0x80, $0x38;
	[tilespmem:$0x1C300] =	vst v63  }
0xf8: {  	_ =	swait.ge [sflag:s28], $0x80  }
0xf9: {  	[sflag:s28] =	ssyncset.done $0x0  }
0xfa: {  	s5 =	sadd.s32 $0x30, s8;
	[sflag:s28] =	ssyncadd.s32 $0xFFFFFF80  }
0xfb: {  	[tilespmem:s19], [sflag:$0x2] =	stream.linear.gather [hbm4b:s5+s0], $0x80, $0x38;
	[tilespmem:$0x1C300] =	vst v63  }
0xfc: {  	_ =	swait.ge [sflag:s28], $0x80  }
0xfd: {  	[sflag:s28] =	ssyncset.done $0x0  }
0xfe: {  	[sflag:s28] =	ssyncadd.s32 $0xFFFFFF80  }
0xff: {  	v42 =	vld [tilespmem:$0x4260]  }
0x100: {  	v43 =	vld [tilespmem:$0x4240]  }
0x101: {  	v44 =	vld [tilespmem:$0x4230]  }
0x102: {  	v45 =	vld [tilespmem:$0x4200]  }
0x103: {  	v46 =	vld [tilespmem:$0x4180]  }
0x104: {  	v47 =	vld [tilespmem:$0x41C0]  }
0x105: {  	v48 =	vld [tilespmem:$0x41D0]  }
0x106: {  	v49 =	vld [tilespmem:$0x4250]  }
0x107: {  	v50 =	vld [tilespmem:$0x4220]  }
0x108: {  	v46 =	vshll.u32 v46, $0xD;
	v51 =	vld [tilespmem:$0x41E0]  }
0x109: {  	v45 =	vadd.s32 v45, v46;
	v46 =	vshll.u32 v47, $0xD;
	v47 =	vld [tilespmem:$0x41F0]  }
0x10a: {  	[tilespmem:$0x4180] =	vst v45;
	v43 =	vadd.s32 v43, v46;
	v45 =	vshll.u32 v48, $0xD;
	v46 =	vld [tilespmem:$0x4270]  }
0x10b: {  	v48 =	vld [tilespmem:$0x41B0];
	[tilespmem:$0x41C0] =	vst v43;
	v43 =	vadd.s32 v49, v45  }
0x10c: {  	v45 =	vld [tilespmem:$0x41A0];
	[tilespmem:$0x41D0] =	vst v43  }
0x10d: {  	v43 =	vld [tilespmem:$0x4210];
	v49 =	vshll.u32 v51, $0xD  }
0x10e: {  	v51 =	vld [tilespmem:$0x4190];
	v42 =	vadd.s32 v42, v49;
	v47 =	vshll.u32 v47, $0xD  }
0x10f: {  	[tilespmem:$0x41E0] =	vst v42;
	v42 =	vadd.s32 v46, v47  }
0x110: {  	v46 =	vshll.u32 v48, $0xD;
	[tilespmem:$0x41F0] =	vst v42  }
0x111: {  	v42 =	vshll.u32 v45, $0xD;
	v44 =	vadd.s32 v44, v46  }
0x112: {  	v42 =	vadd.s32 v50, v42;
	[tilespmem:$0x41B0] =	vst v44  }
0x113: {  	v44 =	vshll.u32 v51, $0xD;
	[tilespmem:$0x41A0] =	vst v42  }
0x114: {  	v42 =	vadd.s32 v43, v44  }
0x115: {  	[tilespmem:$0x4190] =	vst v42  }
0x116: {  	[tilespmem:s1], [sflag:$0x1] =	stream.indirect.gather [hbm4b:s18+s25], $0x80, s30, s25, $0xb8;
	[tilespmem:$0x1C300] =	vst v63  }
0x117: {  	_ =	swait.ge [sflag:s2], $0x4000  }
0x118: {  	[sflag:s2] =	ssyncset.done $0x0  }
0x119: {  	[sflag:s2] =	ssyncadd.s32 $0xFFFFC000  }
0x11a: {  	[spmem:s20] =	stream.indirect.scatter.add.f32 [tilespmem:s26], [sflag:$0x2], $0x80, s29, s25, $0xb8;
	[tilespmem:$0x1C300] =	vst v63  }
0x11b: {  	_ =	swait.ge [sflag:s28], $0x4000  }
0x11c: {  	s5 =	sadd.s32 s7, s21;
	[sflag:s28] =	ssyncset.done $0x0  }
0x11d: {  	s6 =	sadd.s32 $0x20, s5;
	[sflag:s28] =	ssyncadd.s32 $0xFFFFC000  }
0x11e: {  	[tilespmem:s0], [sflag:$0x2] =	stream.linear.gather [hbm4b:s6+s0], $0x80, $0x38;
	[tilespmem:$0x1C300] =	vst v63  }
0x11f: {  	_ =	swait.ge [sflag:s28], $0x80  }
0x120: {  	s6 =	sadd.s32 s7, s22;
	[sflag:s28] =	ssyncset.done $0x0  }
0x121: {  	s8 =	sadd.s32 $0x20, s6;
	[sflag:s28] =	ssyncadd.s32 $0xFFFFFF80  }
0x122: {  	[tilespmem:s25], [sflag:$0x2] =	stream.linear.gather [hbm4b:s8+s0], $0x80, $0x38;
	[tilespmem:$0x1C300] =	vst v63  }
0x123: {  	_ =	swait.ge [sflag:s28], $0x80  }
0x124: {  	s8 =	sadd.s32 s7, s23;
	[sflag:s28] =	ssyncset.done $0x0  }
0x125: {  	s7 =	sadd.s32 $0x20, s8;
	[sflag:s28] =	ssyncadd.s32 $0xFFFFFF80  }
0x126: {  	[tilespmem:s29], [sflag:$0x2] =	stream.linear.gather [hbm4b:s7+s0], $0x80, $0x38;
	[tilespmem:$0x1C300] =	vst v63  }
0x127: {  	_ =	swait.ge [sflag:s28], $0x80  }
0x128: {  	[sflag:s28] =	ssyncset.done $0x0  }
0x129: {  	[sflag:s28] =	ssyncadd.s32 $0xFFFFFF80  }
0x12a: {  	v42 =	vld [tilespmem:$0xB0]  }
0x12b: {  	v49 =	vld [tilespmem:$0xE0]  }
0x12c: {  	v47 =	vld [tilespmem:$0xA0]  }
0x12d: {  	v46 =	vld [tilespmem:$0x30]  }
0x12e: {  	v43 =	vld [tilespmem:$0xF0]  }
.Ltmp1:
0x12f: {  	v44 =	vld [tilespmem:$0x70];
	(pc) =	sbr.rel @p0 .LBB2_4-.Ltmp1, $4  }
0x130: {  	v45 =	vld [tilespmem:$0xC0]  }
0x131: {  	v51 =	vld [tilespmem:$0x60]  }
0x132: {  	v48 =	vld [tilespmem:$0x90]  }
0x133: {  	v50 =	vld [tilespmem:$0xD0]  }
0x134: {  	v52 =	vld [tilespmem:$0x50]  }
0x135: {  	v53 =	vld [tilespmem:$0x20]  }
0x136: {  	v54 =	vld [tilespmem:$0x10];
	v44 =	vshll.u32 v44, $0xD  }
0x137: {  	v55 =	vld [tilespmem:$0x40];
	v59 =	vshll.u32 v46, $0xD;
	v43 =	vadd.s32 v43, v44  }
0x138: {  	v56 =	vld [tilespmem:$0x0];
	v42 =	vadd.s32 v42, v59;
	v51 =	vshll.u32 v51, $0xD;
	[tilespmem:$0x70] =	vst v43  }
0x139: {  	v61 =	vld [tilespmem:$0x80];
	[tilespmem:$0x30] =	vst v42;
	v49 =	vadd.s32 v49, v51;
	v52 =	vshll.u32 v52, $0xD  }
0x13a: {  	[tilespmem:$0x60] =	vst v49;
	v62 =	vshll.u32 v53, $0xD;
	v50 =	vadd.s32 v50, v52  }
0x13b: {  	v63 =	vshll.u32 v54, $0xD;
	v47 =	vadd.s32 v47, v62;
	[tilespmem:$0x50] =	vst v50  }
0x13c: {  	v55 =	vshll.u32 v55, $0xD;
	v48 =	vadd.s32 v48, v63;
	[tilespmem:$0x20] =	vst v47  }
0x13d: {  	v57 =	vshll.u32 v56, $0xD;
	v45 =	vadd.s32 v45, v55;
	[tilespmem:$0x10] =	vst v48  }
0x13e: {  	v58 =	vadd.s32 v61, v57;
	[tilespmem:$0x40] =	vst v45  }
0x13f: {  	[tilespmem:$0x0] =	vst v58  }
0x140: {  	[tilespmem:s26], [sflag:$0x1] =	stream.indirect.gather [hbm4b:s18+s25], $0x80, s0, s25, $0xb8;
	[tilespmem:$0x1C300] =	vst v63  }
0x141: {  	_ =	swait.ge [sflag:s2], $0x4000  }
0x142: {  	[sflag:s2] =	ssyncset.done $0x0  }
0x143: {  	[sflag:s2] =	ssyncadd.s32 $0xFFFFC000  }
0x144: {  	[spmem:s20] =	stream.indirect.scatter.add.f32 [tilespmem:s1], [sflag:$0x2], $0x80, s19, s25, $0xb8;
	[tilespmem:$0x1C300] =	vst v63  }
0x145: {  	_ =	swait.ge [sflag:s28], $0x4000  }
0x146: {  	[sflag:s28] =	ssyncset.done $0x0  }
0x147: {  	s4 =	sadd.s32 $0x30, s5;
	[sflag:s28] =	ssyncadd.s32 $0xFFFFC000  }
0x148: {  	[tilespmem:s30], [sflag:$0x2] =	stream.linear.gather [hbm4b:s4+s0], $0x80, $0x38;
	[tilespmem:$0x1C300] =	vst v63  }
0x149: {  	_ =	swait.ge [sflag:s28], $0x80  }
0x14a: {  	[sflag:s28] =	ssyncset.done $0x0  }
0x14b: {  	s5 =	sadd.s32 $0x30, s6;
	[sflag:s28] =	ssyncadd.s32 $0xFFFFFF80  }
0x14c: {  	[tilespmem:s31], [sflag:$0x2] =	stream.linear.gather [hbm4b:s5+s0], $0x80, $0x38;
	[tilespmem:$0x1C300] =	vst v63  }
0x14d: {  	_ =	swait.ge [sflag:s28], $0x80  }
0x14e: {  	[sflag:s28] =	ssyncset.done $0x0  }
0x14f: {  	s6 =	sadd.s32 $0x30, s8;
	[sflag:s28] =	ssyncadd.s32 $0xFFFFFF80  }
0x150: {  	[tilespmem:s19], [sflag:$0x2] =	stream.linear.gather [hbm4b:s6+s0], $0x80, $0x38;
	[tilespmem:$0x1C300] =	vst v63  }
0x151: {  	_ =	swait.ge [sflag:s28], $0x80  }
0x152: {  	[sflag:s28] =	ssyncset.done $0x0  }
0x153: {  	[sflag:s28] =	ssyncadd.s32 $0xFFFFFF80  }
0x154: {  	v42 =	vld [tilespmem:$0x4260]  }
0x155: {  	v43 =	vld [tilespmem:$0x4240]  }
0x156: {  	v44 =	vld [tilespmem:$0x4230]  }
0x157: {  	v60 =	vld [tilespmem:$0x4200]  }
0x158: {  	v61 =	vld [tilespmem:$0x4180]  }
0x159: {  	v62 =	vld [tilespmem:$0x41C0]  }
0x15a: {  	v63 =	vld [tilespmem:$0x41D0]  }
0x15b: {  	v57 =	vld [tilespmem:$0x41E0]  }
0x15c: {  	v58 =	vld [tilespmem:$0x41F0]  }
0x15d: {  	v49 =	vld [tilespmem:$0x4250]  }
0x15e: {  	v59 =	vld [tilespmem:$0x4270]  }
0x15f: {  	v50 =	vld [tilespmem:$0x4220]  }
0x160: {  	v54 =	vld [tilespmem:$0x41B0];
	v46 =	vshll.u32 v61, $0xD  }
0x161: {  	v61 =	vld [tilespmem:$0x41A0];
	v57 =	vshll.u32 v57, $0xD;
	v58 =	vshll.u32 v58, $0xD;
	v45 =	vadd.s32 v60, v46  }
0x162: {  	v60 =	vshll.u32 v62, $0xD;
	v62 =	vshll.u32 v63, $0xD;
	v63 =	vld [tilespmem:$0x4190];
	v42 =	vadd.s32 v42, v57;
	[tilespmem:$0x4180] =	vst v45  }
0x163: {  	v56 =	vld [tilespmem:$0x4210];
	v59 =	vadd.s32 v59, v58;
	[tilespmem:$0x41E0] =	vst v42  }
0x164: {  	v43 =	vadd.s32 v43, v60;
	[tilespmem:$0x41F0] =	vst v59  }
0x165: {  	v55 =	vadd.s32 v49, v62;
	v60 =	vshll.u32 v54, $0xD;
	[tilespmem:$0x41C0] =	vst v43  }
0x166: {  	[tilespmem:$0x41D0] =	vst v55;
	v43 =	vadd.s32 v44, v60;
	v61 =	vshll.u32 v61, $0xD  }
0x167: {  	[tilespmem:$0x41B0] =	vst v43;
	v42 =	vadd.s32 v50, v61;
	v62 =	vshll.u32 v63, $0xD  }
0x168: {  	[tilespmem:$0x41A0] =	vst v42;
	v63 =	vadd.s32 v56, v62  }
0x169: {  	[tilespmem:$0x4190] =	vst v63  }
0x16a: {  	[tilespmem:s1], [sflag:$0x1] =	stream.indirect.gather [hbm4b:s18+s25], $0x80, s30, s25, $0xb8;
	[tilespmem:$0x1C300] =	vst v63  }
0x16b: {  	_ =	swait.ge [sflag:s2], $0x4000  }
0x16c: {  	[sflag:s2] =	ssyncset.done $0x0  }
0x16d: {  	[sflag:s2] =	ssyncadd.s32 $0xFFFFC000  }
0x16e: {  	_ =	swait.ge [sflag:s2], $0x4000  }
0x16f: {  	[sflag:s2] =	ssyncset.done $0x0  }
0x170: {  	[sflag:s2] =	ssyncadd.s32 $0xFFFFC000  }
0x171: {  	[bflag:$0x0] =	sbarrier.arrive $0xFFFF  }
0x172: {  	[tilespmem:$0x0] =	vst v32  }
0x173: {  	[tilespmem:$0x10] =	vst v0  }
0x174: {  	[tilespmem:$0x20] =	vst v1  }
0x175: {  	[tilespmem:$0x30] =	vst v2  }
0x176: {  	[tilespmem:$0x40] =	vst v3  }
0x177: {  	[tilespmem:$0x50] =	vst v4  }
0x178: {  	[tilespmem:$0x60] =	vst v5  }
0x179: {  	s4 =	simm.s32 $0x0;
	[tilespmem:$0x70] =	vst v6  }
0x17a: {  	[tilespmem:s26], [sflag:$0x2] =	stream.indirect.gather [spmem:s20], $0x80, s4, s25, $0xb8;
	[tilespmem:$0x1C300] =	vst v63  }
0x17b: {  	_ =	swait.ge [sflag:s28], $0x4000  }
0x17c: {  	[sflag:s28] =	ssyncset.done $0x0  }
0x17d: {  	s7 =	rddreg [dreg:$0x7];
	[sflag:s28] =	ssyncadd.s32 $0xFFFFC000  }
0x17e: {  	[hbm4b:s7+s4] =	stream.linear.scatter [tilespmem:s26], [sflag:$0x2], $0x4000, $0x38;
	[tilespmem:$0x1C300] =	vst v63  }
0x17f: {  	_ =	swait.ge [sflag:s28], $0x4000  }
0x180: {  	[sflag:s28] =	ssyncset.done $0x0  }
0x181: {  	[sflag:s28] =	ssyncadd.s32 $0xFFFFC000  }
0x182: {  	[tilespmem:$0x0] =	vst v7  }
0x183: {  	[tilespmem:$0x10] =	vst v8  }
0x184: {  	[tilespmem:$0x20] =	vst v9  }
0x185: {  	[tilespmem:$0x30] =	vst v10  }
0x186: {  	[tilespmem:$0x40] =	vst v11  }
0x187: {  	[tilespmem:$0x50] =	vst v12  }
0x188: {  	[tilespmem:$0x60] =	vst v13  }
0x189: {  	[tilespmem:$0x70] =	vst v14  }
0x18a: {  	[tilespmem:s26], [sflag:$0x2] =	stream.indirect.gather [spmem:s20], $0x80, s4, s25, $0xb8;
	[tilespmem:$0x1C300] =	vst v63  }
0x18b: {  	_ =	swait.ge [sflag:s28], $0x4000  }
0x18c: {  	[sflag:s28] =	ssyncset.done $0x0  }
0x18d: {  	s8 =	rddreg [dreg:$0x8];
	[sflag:s28] =	ssyncadd.s32 $0xFFFFC000  }
0x18e: {  	[hbm4b:s8+s4] =	stream.linear.scatter [tilespmem:s26], [sflag:$0x2], $0x4000, $0x38;
	[tilespmem:$0x1C300] =	vst v63  }
0x18f: {  	_ =	swait.ge [sflag:s28], $0x4000  }
0x190: {  	[sflag:s28] =	ssyncset.done $0x0  }
0x191: {  	[sflag:s28] =	ssyncadd.s32 $0xFFFFC000  }
0x192: {  	[tilespmem:$0x0] =	vst v15  }
0x193: {  	[tilespmem:$0x10] =	vst v16  }
0x194: {  	[tilespmem:$0x20] =	vst v17  }
0x195: {  	[tilespmem:$0x30] =	vst v18  }
0x196: {  	[tilespmem:$0x40] =	vst v19  }
0x197: {  	[tilespmem:$0x50] =	vst v20  }
0x198: {  	[tilespmem:$0x60] =	vst v21  }
0x199: {  	[tilespmem:$0x70] =	vst v22  }
0x19a: {  	[tilespmem:s26], [sflag:$0x2] =	stream.indirect.gather [spmem:s20], $0x80, s4, s25, $0xb8;
	[tilespmem:$0x1C300] =	vst v63  }
0x19b: {  	_ =	swait.ge [sflag:s28], $0x4000  }
0x19c: {  	[sflag:s28] =	ssyncset.done $0x0  }
0x19d: {  	s6 =	rddreg [dreg:$0x9];
	[sflag:s28] =	ssyncadd.s32 $0xFFFFC000  }
0x19e: {  	[hbm4b:s6+s4] =	stream.linear.scatter [tilespmem:s26], [sflag:$0x2], $0x4000, $0x38;
	[tilespmem:$0x1C300] =	vst v63  }
0x19f: {  	_ =	swait.ge [sflag:s28], $0x4000  }
0x1a0: {  	[sflag:s28] =	ssyncset.done $0x0  }
0x1a1: {  	[sflag:s28] =	ssyncadd.s32 $0xFFFFC000  }
0x1a2: {  	[tilespmem:$0x0] =	vst v23  }
0x1a3: {  	[tilespmem:$0x10] =	vst v24  }
0x1a4: {  	[tilespmem:$0x20] =	vst v25  }
0x1a5: {  	[tilespmem:$0x30] =	vst v26  }
0x1a6: {  	[tilespmem:$0x40] =	vst v27  }
0x1a7: {  	[tilespmem:$0x50] =	vst v28  }
0x1a8: {  	[tilespmem:$0x60] =	vst v29  }
0x1a9: {  	[tilespmem:$0x70] =	vst v30  }
0x1aa: {  	[tilespmem:s26], [sflag:$0x2] =	stream.indirect.gather [spmem:s20], $0x80, s4, s25, $0xb8;
	[tilespmem:$0x1C300] =	vst v63  }
0x1ab: {  	_ =	swait.ge [sflag:s28], $0x4000  }
0x1ac: {  	[sflag:s28] =	ssyncset.done $0x0  }
0x1ad: {  	s7 =	rddreg [dreg:$0xa];
	[sflag:s28] =	ssyncadd.s32 $0xFFFFC000  }
0x1ae: {  	[hbm4b:s7+s4] =	stream.linear.scatter [tilespmem:s26], [sflag:$0x2], $0x4000, $0x38;
	[tilespmem:$0x1C300] =	vst v63  }
0x1af: {  	_ =	swait.ge [sflag:s28], $0x4000  }
0x1b0: {  	[sflag:s28] =	ssyncset.done $0x0  }
0x1b1: {  	[sflag:s28] =	ssyncadd.s32 $0xFFFFC000  }
0x1b2: {  	[tilespmem:$0x0] =	vst v31  }
0x1b3: {  	[tilespmem:$0x10] =	vst v33  }
0x1b4: {  	[tilespmem:$0x20] =	vst v34  }
0x1b5: {  	[tilespmem:$0x30] =	vst v35  }
0x1b6: {  	[tilespmem:$0x40] =	vst v36  }
0x1b7: {  	[tilespmem:$0x50] =	vst v37  }
0x1b8: {  	[tilespmem:$0x60] =	vst v38  }
0x1b9: {  	[tilespmem:$0x70] =	vst v39  }
0x1ba: {  	[tilespmem:s26], [sflag:$0x2] =	stream.indirect.gather [spmem:s20], $0x80, s4, s25, $0xb8;
	[tilespmem:$0x1C300] =	vst v63  }
0x1bb: {  	_ =	swait.ge [sflag:s28], $0x4000  }
0x1bc: {  	[sflag:s28] =	ssyncset.done $0x0  }
0x1bd: {  	s8 =	rddreg [dreg:$0xb];
	[sflag:s28] =	ssyncadd.s32 $0xFFFFC000  }
0x1be: {  	[hbm4b:s8+s4] =	stream.linear.scatter [tilespmem:s26], [sflag:$0x2], $0x4000, $0x38;
	[tilespmem:$0x1C300] =	vst v63  }
0x1bf: {  	_ =	swait.ge [sflag:s28], $0x4000  }
0x1c0: {  	[sflag:s28] =	ssyncset.done $0x0  }
0x1c1: {  	[sflag:s28] =	ssyncadd.s32 $0xFFFFC000  }
0x1c2: {  	s5 =	simm.s32 $0x200;
	s4 =	simm.s32 $0x0;
	[bflag:$0x0] =	sbarrier.arrive $0xFFFF  }
.LBB2_6:
0x1c3: {  	p0 =	sne.s32 s5, $0xFE00;
	[tilespmem:s4+$0x1F0] =	vst v40  }
0x1c4: {  	[tilespmem:s4+$0x180] =	vst v40  }
0x1c5: {  	[tilespmem:s4+$0x190] =	vst v40  }
.Ltmp2:
0x1c6: {  	[tilespmem:s4+$0x1A0] =	vst v40;
	(pc) =	sbr.rel @p0 .LBB2_6-.Ltmp2, $4  }
0x1c7: {  	[tilespmem:s4+$0x1B0] =	vst v40  }
0x1c8: {  	[tilespmem:s4+$0x1C0] =	vst v40  }
0x1c9: {  	[tilespmem:s4+$0x1D0] =	vst v40  }
0x1ca: {  	[tilespmem:s4+$0x1E0] =	vst v40;
	s4 =	sshra.s32 s5, $0x2;
	s5 =	sadd.s32 $0x200, s5  }
0x1cb: {  	[tilespmem:s4+$0x1F0] =	vst v40  }
0x1cc: {  	[tilespmem:s4+$0x180] =	vst v40  }
0x1cd: {  	[tilespmem:s4+$0x190] =	vst v40  }
0x1ce: {  	[tilespmem:s4+$0x1A0] =	vst v40  }
0x1cf: {  	[tilespmem:s4+$0x1B0] =	vst v40  }
0x1d0: {  	[tilespmem:s4+$0x1C0] =	vst v40  }
0x1d1: {  	[tilespmem:s4+$0x1D0] =	vst v40  }
0x1d2: {  	[tilespmem:s4+$0x1E0] =	vst v40  }
0x1d3: {  	[tilespmem:$0x0] =	vst v32  }
0x1d4: {  	[tilespmem:$0x10] =	vst v0  }
0x1d5: {  	[tilespmem:$0x20] =	vst v1  }
0x1d6: {  	[tilespmem:$0x30] =	vst v2  }
0x1d7: {  	[tilespmem:$0x40] =	vst v3  }
0x1d8: {  	[tilespmem:$0x50] =	vst v4  }
0x1d9: {  	[tilespmem:$0x60] =	vst v5  }
0x1da: {  	s8 =	simm.s32 $0x0;
	[tilespmem:$0x70] =	vst v6  }
0x1db: {  	[spmem:s20] =	stream.indirect.scatter [tilespmem:s26], [sflag:$0x2], $0x80, s8, s25, $0xb8;
	[tilespmem:$0x1C300] =	vst v63  }
0x1dc: {  	_ =	swait.ge [sflag:s28], $0x4000  }
0x1dd: {  	[sflag:s28] =	ssyncset.done $0x0  }
0x1de: {  	[sflag:s28] =	ssyncadd.s32 $0xFFFFC000  }
0x1df: {  	[tilespmem:$0x0] =	vst v7  }
0x1e0: {  	[tilespmem:$0x10] =	vst v8  }
0x1e1: {  	[tilespmem:$0x20] =	vst v9  }
0x1e2: {  	[tilespmem:$0x30] =	vst v10  }
0x1e3: {  	[tilespmem:$0x40] =	vst v11  }
0x1e4: {  	[tilespmem:$0x50] =	vst v12  }
0x1e5: {  	[tilespmem:$0x60] =	vst v13  }
0x1e6: {  	[tilespmem:$0x70] =	vst v14  }
0x1e7: {  	[spmem:s20] =	stream.indirect.scatter [tilespmem:s26], [sflag:$0x2], $0x80, s8, s25, $0xb8;
	[tilespmem:$0x1C300] =	vst v63  }
0x1e8: {  	_ =	swait.ge [sflag:s28], $0x4000  }
0x1e9: {  	[sflag:s28] =	ssyncset.done $0x0  }
0x1ea: {  	[sflag:s28] =	ssyncadd.s32 $0xFFFFC000  }
0x1eb: {  	[tilespmem:$0x0] =	vst v15  }
0x1ec: {  	[tilespmem:$0x10] =	vst v16  }
0x1ed: {  	[tilespmem:$0x20] =	vst v17  }
0x1ee: {  	[tilespmem:$0x30] =	vst v18  }
0x1ef: {  	[tilespmem:$0x40] =	vst v19  }
0x1f0: {  	[tilespmem:$0x50] =	vst v20  }
0x1f1: {  	[tilespmem:$0x60] =	vst v21  }
0x1f2: {  	[tilespmem:$0x70] =	vst v22  }
0x1f3: {  	[spmem:s20] =	stream.indirect.scatter [tilespmem:s26], [sflag:$0x2], $0x80, s8, s25, $0xb8;
	[tilespmem:$0x1C300] =	vst v63  }
0x1f4: {  	_ =	swait.ge [sflag:s28], $0x4000  }
0x1f5: {  	[sflag:s28] =	ssyncset.done $0x0  }
0x1f6: {  	[sflag:s28] =	ssyncadd.s32 $0xFFFFC000  }
0x1f7: {  	[tilespmem:$0x0] =	vst v23  }
0x1f8: {  	[tilespmem:$0x10] =	vst v24  }
0x1f9: {  	[tilespmem:$0x20] =	vst v25  }
0x1fa: {  	[tilespmem:$0x30] =	vst v26  }
0x1fb: {  	[tilespmem:$0x40] =	vst v27  }
0x1fc: {  	[tilespmem:$0x50] =	vst v28  }
0x1fd: {  	[tilespmem:$0x60] =	vst v29  }
0x1fe: {  	[tilespmem:$0x70] =	vst v30  }
0x1ff: {  	[spmem:s20] =	stream.indirect.scatter [tilespmem:s26], [sflag:$0x2], $0x80, s8, s25, $0xb8;
	[tilespmem:$0x1C300] =	vst v63  }
0x200: {  	_ =	swait.ge [sflag:s28], $0x4000  }
0x201: {  	[sflag:s28] =	ssyncset.done $0x0  }
0x202: {  	[sflag:s28] =	ssyncadd.s32 $0xFFFFC000  }
0x203: {  	[tilespmem:$0x0] =	vst v31  }
0x204: {  	[tilespmem:$0x10] =	vst v33  }
0x205: {  	[tilespmem:$0x20] =	vst v34  }
0x206: {  	[tilespmem:$0x30] =	vst v35  }
0x207: {  	[tilespmem:$0x40] =	vst v36  }
0x208: {  	[tilespmem:$0x50] =	vst v37  }
0x209: {  	[tilespmem:$0x60] =	vst v38  }
0x20a: {  	[tilespmem:$0x70] =	vst v39  }
0x20b: {  	[spmem:s20] =	stream.indirect.scatter [tilespmem:s26], [sflag:$0x2], $0x80, s8, s25, $0xb8;
	[tilespmem:$0x1C300] =	vst v63  }
0x20c: {  	_ =	swait.ge [sflag:s28], $0x4000  }
0x20d: {  	[sflag:s28] =	ssyncset.done $0x0  }
0x20e: {  	[sflag:s28] =	ssyncadd.s32 $0xFFFFC000  }
0x20f: {  	s4 =	simm.s32 $0x0;
	s5 =	simm.s32 $0x200;
	[bflag:$0x0] =	sbarrier.arrive $0xFFFF  }
.LBB2_8:
0x210: {  	p0 =	sne.s32 s5, $0xFE00;
	[tilespmem:s4+$0x1F0] =	vst v41  }
0x211: {  	[tilespmem:s4+$0x180] =	vst v41  }
0x212: {  	[tilespmem:s4+$0x190] =	vst v41  }
.Ltmp3:
0x213: {  	[tilespmem:s4+$0x1A0] =	vst v41;
	(pc) =	sbr.rel @p0 .LBB2_8-.Ltmp3, $4  }
0x214: {  	[tilespmem:s4+$0x1B0] =	vst v41  }
0x215: {  	[tilespmem:s4+$0x1C0] =	vst v41  }
0x216: {  	[tilespmem:s4+$0x1D0] =	vst v41  }
0x217: {  	[tilespmem:s4+$0x1E0] =	vst v41;
	s4 =	sshra.s32 s5, $0x2;
	s5 =	sadd.s32 $0x200, s5  }
0x218: {  	[tilespmem:s4+$0x1F0] =	vst v41  }
0x219: {  	[tilespmem:s4+$0x180] =	vst v41  }
0x21a: {  	[tilespmem:s4+$0x190] =	vst v41  }
0x21b: {  	[tilespmem:s4+$0x1A0] =	vst v41  }
0x21c: {  	[tilespmem:s4+$0x1B0] =	vst v41  }
0x21d: {  	[tilespmem:s4+$0x1C0] =	vst v41  }
0x21e: {  	[tilespmem:s4+$0x1D0] =	vst v41  }
0x21f: {  	[tilespmem:s4+$0x1E0] =	vst v41  }
0x220: {  	[tilespmem:s29], [sflag:$0x2] =	stream.linear.gather [hbm4b:s14+s0], $0x80, $0x38;
	[tilespmem:$0x1C300] =	vst v63  }
0x221: {  	_ =	swait.ge [sflag:s28], $0x80  }
0x222: {  	[sflag:s28] =	ssyncset.done $0x0  }
0x223: {  	[sflag:s28] =	ssyncadd.s32 $0xFFFFFF80  }
0x224: {  	[tilespmem:s19], [sflag:$0x2] =	stream.linear.gather [hbm4b:s17+s0], $0x80, $0x38;
	[tilespmem:$0x1C300] =	vst v63  }
0x225: {  	_ =	swait.ge [sflag:s28], $0x80  }
0x226: {  	[sflag:s28] =	ssyncset.done $0x0  }
0x227: {  	[sflag:s28] =	ssyncadd.s32 $0xFFFFFF80  }
0x228: {  	[spmem:s20] =	stream.indirect.scatter.add.f32 [tilespmem:s26], [sflag:$0x1], $0x80, s29, s25, $0xb8;
	[tilespmem:$0x1C300] =	vst v63  }
0x229: {  	_ = 	snop  }
0x22a: {  	[spmem:s20] =	stream.indirect.scatter.add.f32 [tilespmem:s26], [sflag:$0x1], $0x80, s19, s25, $0xb8;
	[tilespmem:$0x1C300] =	vst v63  }
0x22b: {  	_ =	swait.ge [sflag:s2], $0x4000  }
0x22c: {  	[sflag:s2] =	ssyncset.done $0x0  }
0x22d: {  	[sflag:s2] =	ssyncadd.s32 $0xFFFFC000  }
0x22e: {  	_ =	swait.ge [sflag:s2], $0x4000  }
0x22f: {  	s8 =	sadd.s32 $0xFFFFFB00, s23;
	[sflag:s2] =	ssyncset.done $0x0  }
0x230: {  	s5 =	sadd.s32 $0x520, s8;
	[sflag:s2] =	ssyncadd.s32 $0xFFFFC000  }
0x231: {  	[tilespmem:s29], [sflag:$0x2] =	stream.linear.gather [hbm4b:s5+s0], $0x80, $0x38;
	[tilespmem:$0x1C300] =	vst v63  }
0x232: {  	_ =	swait.ge [sflag:s28], $0x80  }
0x233: {  	[sflag:s28] =	ssyncset.done $0x0  }
0x234: {  	s4 =	sadd.s32 $0x530, s8;
	[sflag:s28] =	ssyncadd.s32 $0xFFFFFF80  }
0x235: {  	[tilespmem:s19], [sflag:$0x2] =	stream.linear.gather [hbm4b:s4+s0], $0x80, $0x38;
	[tilespmem:$0x1C300] =	vst v63  }
0x236: {  	_ =	swait.ge [sflag:s28], $0x80  }
0x237: {  	s4 =	simm.s32 $0xFFFFFB20;
	[sflag:s28] =	ssyncset.done $0x0  }
.LBB2_10:
0x238: {  	p0 =	sne.s32 s4, $0xFFFFFFE0  }
0x239: {  	[sflag:s28] =	ssyncadd.s32 $0xFFFFFF80;
	s5 =	smov.u32 s4;
	s4 =	sadd.s32 $0x20, s4  }
0x23a: {  	[spmem:s20] =	stream.indirect.scatter.add.f32 [tilespmem:s26], [sflag:$0x1], $0x80, s29, s25, $0xb8;
	[tilespmem:$0x1C300] =	vst v63  }
0x23b: {  	_ = 	snop  }
0x23c: {  	[spmem:s20] =	stream.indirect.scatter.add.f32 [tilespmem:s26], [sflag:$0x1], $0x80, s19, s25, $0xb8;
	[tilespmem:$0x1C300] =	vst v63  }
0x23d: {  	_ =	swait.ge [sflag:s2], $0x4000  }
0x23e: {  	[sflag:s2] =	ssyncset.done $0x0  }
0x23f: {  	[sflag:s2] =	ssyncadd.s32 $0xFFFFC000  }
0x240: {  	_ =	swait.ge [sflag:s2], $0x4000  }
0x241: {  	s5 =	sadd.s32 s5, s23;
	[sflag:s2] =	ssyncset.done $0x0  }
0x242: {  	s6 =	sadd.s32 $0x520, s5;
	[sflag:s2] =	ssyncadd.s32 $0xFFFFC000  }
0x243: {  	[tilespmem:s29], [sflag:$0x2] =	stream.linear.gather [hbm4b:s6+s0], $0x80, $0x38;
	[tilespmem:$0x1C300] =	vst v63  }
0x244: {  	_ =	swait.ge [sflag:s28], $0x80  }
.Ltmp4:
0x245: {  	[sflag:s28] =	ssyncset.done $0x0;
	(pc) =	sbr.rel @p0 .LBB2_10-.Ltmp4, $4  }
0x246: {  	s5 =	sadd.s32 $0x530, s5;
	[sflag:s28] =	ssyncadd.s32 $0xFFFFFF80  }
0x247: {  	[tilespmem:s19], [sflag:$0x2] =	stream.linear.gather [hbm4b:s5+s0], $0x80, $0x38;
	[tilespmem:$0x1C300] =	vst v63  }
0x248: {  	_ =	swait.ge [sflag:s28], $0x80  }
0x249: {  	[sflag:s28] =	ssyncset.done $0x0  }
0x24a: {  	[sflag:s28] =	ssyncadd.s32 $0xFFFFFF80  }
0x24b: {  	[bflag:$0x0] =	sbarrier.arrive $0xFFFF  }
0x24c: {  	[tilespmem:$0x0] =	vst v32  }
0x24d: {  	[tilespmem:$0x10] =	vst v0  }
0x24e: {  	[tilespmem:$0x20] =	vst v1  }
0x24f: {  	[tilespmem:$0x30] =	vst v2  }
0x250: {  	[tilespmem:$0x40] =	vst v3  }
0x251: {  	[tilespmem:$0x50] =	vst v4  }
0x252: {  	[tilespmem:$0x60] =	vst v5  }
0x253: {  	[tilespmem:$0x70] =	vst v6  }
0x254: {  	[tilespmem:s26], [sflag:$0x2] =	stream.indirect.gather [spmem:s20], $0x80, s0, s25, $0xb8;
	[tilespmem:$0x1C300] =	vst v63  }
0x255: {  	_ =	swait.ge [sflag:s28], $0x4000  }
0x256: {  	[sflag:s28] =	ssyncset.done $0x0  }
0x257: {  	[sflag:s28] =	ssyncadd.s32 $0xFFFFC000  }
0x258: {  	[hbm4b:s9+s0] =	stream.linear.scatter [tilespmem:s26], [sflag:$0x2], $0x4000, $0x38;
	[tilespmem:$0x1C300] =	vst v63  }
0x259: {  	_ =	swait.ge [sflag:s28], $0x4000  }
0x25a: {  	[sflag:s28] =	ssyncset.done $0x0  }
0x25b: {  	[sflag:s28] =	ssyncadd.s32 $0xFFFFC000  }
0x25c: {  	[tilespmem:$0x0] =	vst v7  }
0x25d: {  	[tilespmem:$0x10] =	vst v8  }
0x25e: {  	[tilespmem:$0x20] =	vst v9  }
0x25f: {  	[tilespmem:$0x30] =	vst v10  }
0x260: {  	[tilespmem:$0x40] =	vst v11  }
0x261: {  	[tilespmem:$0x50] =	vst v12  }
0x262: {  	[tilespmem:$0x60] =	vst v13  }
0x263: {  	[tilespmem:$0x70] =	vst v14  }
0x264: {  	[tilespmem:s26], [sflag:$0x2] =	stream.indirect.gather [spmem:s20], $0x80, s0, s25, $0xb8;
	[tilespmem:$0x1C300] =	vst v63  }
0x265: {  	_ =	swait.ge [sflag:s28], $0x4000  }
0x266: {  	[sflag:s28] =	ssyncset.done $0x0  }
0x267: {  	[sflag:s28] =	ssyncadd.s32 $0xFFFFC000  }
0x268: {  	[hbm4b:s10+s0] =	stream.linear.scatter [tilespmem:s26], [sflag:$0x2], $0x4000, $0x38;
	[tilespmem:$0x1C300] =	vst v63  }
0x269: {  	_ =	swait.ge [sflag:s28], $0x4000  }
0x26a: {  	[sflag:s28] =	ssyncset.done $0x0  }
0x26b: {  	[sflag:s28] =	ssyncadd.s32 $0xFFFFC000  }
0x26c: {  	[tilespmem:$0x0] =	vst v15  }
0x26d: {  	[tilespmem:$0x10] =	vst v16  }
0x26e: {  	[tilespmem:$0x20] =	vst v17  }
0x26f: {  	[tilespmem:$0x30] =	vst v18  }
0x270: {  	[tilespmem:$0x40] =	vst v19  }
0x271: {  	[tilespmem:$0x50] =	vst v20  }
0x272: {  	[tilespmem:$0x60] =	vst v21  }
0x273: {  	[tilespmem:$0x70] =	vst v22  }
0x274: {  	[tilespmem:s26], [sflag:$0x2] =	stream.indirect.gather [spmem:s20], $0x80, s0, s25, $0xb8;
	[tilespmem:$0x1C300] =	vst v63  }
0x275: {  	_ =	swait.ge [sflag:s28], $0x4000  }
0x276: {  	[sflag:s28] =	ssyncset.done $0x0  }
0x277: {  	[sflag:s28] =	ssyncadd.s32 $0xFFFFC000  }
0x278: {  	[hbm4b:s11+s0] =	stream.linear.scatter [tilespmem:s26], [sflag:$0x2], $0x4000, $0x38;
	[tilespmem:$0x1C300] =	vst v63  }
0x279: {  	_ =	swait.ge [sflag:s28], $0x4000  }
0x27a: {  	[sflag:s28] =	ssyncset.done $0x0  }
0x27b: {  	[sflag:s28] =	ssyncadd.s32 $0xFFFFC000  }
0x27c: {  	[tilespmem:$0x0] =	vst v23  }
0x27d: {  	[tilespmem:$0x10] =	vst v24  }
0x27e: {  	[tilespmem:$0x20] =	vst v25  }
0x27f: {  	[tilespmem:$0x30] =	vst v26  }
0x280: {  	[tilespmem:$0x40] =	vst v27  }
0x281: {  	[tilespmem:$0x50] =	vst v28  }
0x282: {  	[tilespmem:$0x60] =	vst v29  }
0x283: {  	[tilespmem:$0x70] =	vst v30  }
0x284: {  	[tilespmem:s26], [sflag:$0x2] =	stream.indirect.gather [spmem:s20], $0x80, s0, s25, $0xb8;
	[tilespmem:$0x1C300] =	vst v63  }
0x285: {  	_ =	swait.ge [sflag:s28], $0x4000  }
0x286: {  	[sflag:s28] =	ssyncset.done $0x0  }
0x287: {  	[sflag:s28] =	ssyncadd.s32 $0xFFFFC000  }
0x288: {  	[hbm4b:s12+s0] =	stream.linear.scatter [tilespmem:s26], [sflag:$0x2], $0x4000, $0x38;
	[tilespmem:$0x1C300] =	vst v63  }
0x289: {  	_ =	swait.ge [sflag:s28], $0x4000  }
0x28a: {  	[sflag:s28] =	ssyncset.done $0x0  }
0x28b: {  	[sflag:s28] =	ssyncadd.s32 $0xFFFFC000  }
0x28c: {  	[tilespmem:$0x0] =	vst v31  }
0x28d: {  	[tilespmem:$0x10] =	vst v33  }
0x28e: {  	[tilespmem:$0x20] =	vst v34  }
0x28f: {  	[tilespmem:$0x30] =	vst v35  }
0x290: {  	[tilespmem:$0x40] =	vst v36  }
0x291: {  	[tilespmem:$0x50] =	vst v37  }
0x292: {  	[tilespmem:$0x60] =	vst v38  }
0x293: {  	[tilespmem:$0x70] =	vst v39  }
0x294: {  	[tilespmem:s26], [sflag:$0x2] =	stream.indirect.gather [spmem:s20], $0x80, s0, s25, $0xb8;
	[tilespmem:$0x1C300] =	vst v63  }
0x295: {  	s3 =	sadd.s32 $0x1, s3;
	_ =	swait.ge [sflag:s28], $0x4000  }
0x296: {  	p0 =	sne.s32 s3, s24;
	[sflag:s28] =	ssyncset.done $0x0  }
.Ltmp5:
0x297: {  	[sflag:s28] =	ssyncadd.s32 $0xFFFFC000;
	(pc) =	sbr.rel @p0 .LBB2_1-.Ltmp5, $4  }
0x298: {  	[hbm4b:s13+s0] =	stream.linear.scatter [tilespmem:s26], [sflag:$0x2], $0x4000, $0x38;
	[tilespmem:$0x1C300] =	vst v63  }
0x299: {  	_ =	swait.ge [sflag:s28], $0x4000  }
0x29a: {  	[sflag:s28] =	ssyncset.done $0x0  }
0x29b: {  	[sflag:s28] =	ssyncadd.s32 $0xFFFFC000  }
0x29c: {  	_ =	sfence.sel $0x180000  }
0x29d: {  	[bflag:$0x0] =	sbarrier.arrive $0xFFFF  }
0x29e: {  	_ =	strace $0x90000047  }
0x29f: {  	s0 =	stileid.u32;
	[bflag:$0x2] =	sbarrier.arrive $0xFFFF  }
0x2a0: {  	p0 =	sne.s32 s0, $0x0;
	s0 =	rddreg [dreg:$0x4]  }
0x2a1: {  	s0 =	sadd.s32 @!p0 $0x100000, s0  }
0x2a2: {  	[sflag:s0] =	ssyncadd.tile.s32 @!p0 $0x1;
	_ =	shalt  }
.Lfunc_end2:
_tile_overlayer_lowered:
.L_overlay_start_2:
0x2a3: {  	(tag) =	ssettag $0x2  }
0x2a4: {  	s0 =	rddreg [dreg:$0x0];
	s2 =	stileid.u32  }
0x2a5: {  	s1 =	rddreg [dreg:$0x1];
	p0 =	sne.s32 s2, $0x0  }
0x2a6: {  	s3 =	rddreg [dreg:$0x2];
	[bflag:$0x3] =	sbarrier.arrive $0xFFFF;
	s2 =	simm.s32 @!p0 $0x1C02  }
0x2a7: {  	[timem:s3], [sflag:s2] =	dma.local @!p0 [hbm:s0], s1  }
0x2a8: {  	s0 =	simm.s32 @!p0 $0x2  }
0x2a9: {  	_ =	swait.ge @!p0 [sflag:s0], s1  }
0x2aa: {  	s1 =	ssub.s32 @!p0 $0x0, s1;
	[sflag:s0] =	ssyncset.done @!p0 $0x0  }
0x2ab: {  	[sflag:s0] =	ssyncadd.s32 @!p0 s1  }
0x2ac: {  	[bflag:$0x3] =	sbarrier.arrive $0xFFFF  }
0x2ad: {  	_ =	shalt  }

</sc_bundles>
